<compile_context>
chip_gen: v7x
topology: tpu7x:2x2x1
jax: 0.10.2.dev20260603
libtpu: 0.0.44.dev20260713+nightly
codegen_flags: <defaults>
</compile_context>

<pallas_src>
import functools

import jax
import jax.numpy as jnp
from jax import lax
from jax.experimental import pallas as pl
from jax.experimental.pallas import tpu as pltpu
from jax.experimental.pallas import tpu_sc as plsc

BS, NX, K, H, P, D = 2, 5000, 32, 128, 5, 2
DT = 0.1
NP = 5120
T = BS * NP
E = T * K
QB = 256
NQ = NP // QB
NCHUNK = 256
ECHUNK = NCHUNK * K
NW = 32
EH = E // 2
EPW = EH // NW
GCH = EPW // 128


def _swish(x):
    return x * (1.0 / (1.0 + jnp.exp(-x)))



def _posnorm_body(gx_ref, gy_ref, ox_ref, oy_ref):
    cols = lax.broadcasted_iota(jnp.int32, (BS, NP), 1)
    valid = cols < NX
    for g_ref, o_ref in ((gx_ref, ox_ref), (gy_ref, oy_ref)):
        g = g_ref[...]
        mn = jnp.min(jnp.where(valid, g, 1e30), axis=1, keepdims=True)
        mx = jnp.max(jnp.where(valid, g, -1e30), axis=1, keepdims=True)
        o_ref[...] = (g - mn) / (mx - mn)


def _posnorm(gx, gy):
    return pl.pallas_call(
        _posnorm_body,
        out_shape=[jax.ShapeDtypeStruct((BS, NP), jnp.float32)] * 2,
    )(gx, gy)



def _knn_body(qx_ref, qy_ref, px_ref, py_ref, out_ref):
    b = pl.program_id(0)
    q = pl.program_id(1)
    qx = qx_ref[...]
    qy = qy_ref[...]
    px = px_ref[...].reshape(1, NP)
    py = py_ref[...].reshape(1, NP)
    sqq = qx * qx + qy * qy
    sqp = px * px + py * py
    cross = qx * px + qy * py
    d2 = sqq + sqp - 2.0 * cross
    j_iota = lax.broadcasted_iota(jnp.int32, (QB, NP), 1)
    row_g = q * QB + lax.broadcasted_iota(jnp.int32, (QB, NP), 0)
    d2 = d2 + jnp.where(j_iota == row_g, 1e10, 0.0)
    d2 = jnp.where(j_iota >= NX, 1e30, d2)
    bits = lax.bitcast_convert_type(jnp.maximum(d2, 0.0), jnp.int32)
    packed = jnp.bitwise_or(jnp.bitwise_and(bits, jnp.int32(-8192)), j_iota)
    k_iota = lax.broadcasted_iota(jnp.int32, (QB, K), 1)
    boff = b * NP
    nbrs = jnp.zeros((QB, K), jnp.int32)
    maxi = jnp.int32(0x7FFFFFFF)
    lastv = jnp.full((QB, 1), jnp.int32(-1))
    for k in range(K):
        cand = jnp.where(packed > lastv, packed, maxi)
        gmin = jnp.min(cand, axis=1, keepdims=True)
        idxv = jnp.bitwise_and(gmin, jnp.int32(8191))
        nbrs = jnp.where(k_iota == k, idxv + boff, nbrs)
        lastv = gmin
    out_ref[...] = nbrs


def _knn(qx, qy, px, py):
    return pl.pallas_call(
        _knn_body,
        grid=(BS, NQ),
        in_specs=[
            pl.BlockSpec((QB, 1), lambda b, q: (b * NQ + q, 0)),
            pl.BlockSpec((QB, 1), lambda b, q: (b * NQ + q, 0)),
            pl.BlockSpec((1, 1, NP), lambda b, q: (b, 0, 0)),
            pl.BlockSpec((1, 1, NP), lambda b, q: (b, 0, 0)),
        ],
        out_specs=pl.BlockSpec((QB, K), lambda b, q: (b * NQ + q, 0)),
        out_shape=jax.ShapeDtypeStruct((T, K), jnp.int32),
    )(qx, qy, px, py)



def _embed_body(nf_ref, w1_ref, b1_ref, w2_ref, b2_ref, out_ref):
    f1 = _swish(jnp.dot(nf_ref[...], w1_ref[...],
                        preferred_element_type=jnp.float32) + b1_ref[...])
    out_ref[...] = _swish(jnp.dot(f1, w2_ref[...],
                                  preferred_element_type=jnp.float32)
                          + b2_ref[...])


def _embed(nf, w1, b1, w2, b2):
    return pl.pallas_call(
        _embed_body,
        out_shape=jax.ShapeDtypeStruct((T, H), jnp.float32),
    )(nf, w1, b1, w2, b2)



def _pre_body(f_ref, nf_ref, a_ref, b_ref, wd_ref, ws_ref, b1_ref,
              pd_ref, ps_ref):
    f = f_ref[...]
    nf = nf_ref[...]
    pd_ref[...] = (jnp.dot(f, a_ref[...], preferred_element_type=jnp.float32)
                   + jnp.dot(nf, wd_ref[...],
                             preferred_element_type=jnp.float32)
                   + b1_ref[...])
    ps_ref[...] = (jnp.dot(f, b_ref[...], preferred_element_type=jnp.float32)
                   - jnp.dot(nf, ws_ref[...],
                             preferred_element_type=jnp.float32))


def _pre(f, nf, a, b, wd, ws, b1):
    nblk = 8
    rows = T // nblk
    return pl.pallas_call(
        _pre_body,
        grid=(nblk,),
        in_specs=[
            pl.BlockSpec((rows, H), lambda i: (i, 0)),
            pl.BlockSpec((rows, 8), lambda i: (i, 0)),
            pl.BlockSpec((H, H), lambda i: (0, 0)),
            pl.BlockSpec((H, H), lambda i: (0, 0)),
            pl.BlockSpec((8, H), lambda i: (0, 0)),
            pl.BlockSpec((8, H), lambda i: (0, 0)),
            pl.BlockSpec((1, H), lambda i: (0, 0)),
        ],
        out_specs=[
            pl.BlockSpec((rows, H), lambda i: (i, 0)),
            pl.BlockSpec((rows, H), lambda i: (i, 0)),
        ],
        out_shape=[jax.ShapeDtypeStruct((T, H), jnp.float32)] * 2,
    )(f, nf, a, b, wd, ws, b1)



def _make_sc_gather():
    mesh = plsc.VectorSubcoreMesh(core_axis_name="c", subcore_axis_name="s")

    @functools.partial(
        pl.kernel,
        mesh=mesh,
        out_type=jax.ShapeDtypeStruct((EH, H), jnp.float32),
        scratch_types=[
            pltpu.VMEM((GCH, 128), jnp.int32),
            pltpu.VMEM((128, H), jnp.float32),
            pltpu.VMEM((128, H), jnp.float32),
            pltpu.SemaphoreType.DMA,
            pltpu.SemaphoreType.DMA,
            pltpu.SemaphoreType.DMA,
            pltpu.SemaphoreType.DMA,
        ],
    )
    def gather_k(table_hbm, idx_hbm, out_hbm, idxb, rows0, rows1,
                 gs0, gs1, ws0, ws1):
        wid = lax.axis_index("s") * 2 + lax.axis_index("c")
        pltpu.sync_copy(idx_hbm.at[wid], idxb)
        base = wid * EPW

        def body(g, carry):
            c0 = 2 * g
            c1 = c0 + 1

            @pl.when(g > 0)
            def _():
                pltpu.make_async_copy(
                    rows0, out_hbm.at[pl.ds(base, 128)], ws0).wait()
                pltpu.make_async_copy(
                    rows1, out_hbm.at[pl.ds(base, 128)], ws1).wait()

            h0 = pltpu.async_copy(table_hbm.at[idxb.at[c0]], rows0, gs0)
            h1 = pltpu.async_copy(table_hbm.at[idxb.at[c1]], rows1, gs1)
            h0.wait()
            pltpu.async_copy(rows0,
                             out_hbm.at[pl.ds(base + c0 * 128, 128)], ws0)
            h1.wait()
            pltpu.async_copy(rows1,
                             out_hbm.at[pl.ds(base + c1 * 128, 128)], ws1)
            return carry

        lax.fori_loop(0, GCH // 2, body, 0)
        pltpu.make_async_copy(rows0, out_hbm.at[pl.ds(base, 128)], ws0).wait()
        pltpu.make_async_copy(rows1, out_hbm.at[pl.ds(base, 128)], ws1).wait()

    return gather_k


_sc_gather_cache = []


def _sc_gather(table, idx3):
    if not _sc_gather_cache:
        _sc_gather_cache.append(_make_sc_gather())
    return _sc_gather_cache[0](table, idx3)



def _msg_body(g_ref, pd_ref, w2_ref, b2_ref, agg_ref):
    g = g_ref[...].reshape(NCHUNK, K, H)
    pd = pd_ref[...]
    m1 = g + pd[:, None, :]
    m = _swish(m1).reshape(ECHUNK, H)
    m2 = jnp.dot(m, w2_ref[...], preferred_element_type=jnp.float32) \
        + b2_ref[...]
    mm = _swish(m2).reshape(NCHUNK, K, H)
    agg_ref[...] = jnp.sum(mm, axis=1) * (1.0 / K)


def _msg(g, pd, w2, b2, batch):
    nblk = NP // NCHUNK
    return pl.pallas_call(
        _msg_body,
        grid=(nblk,),
        in_specs=[
            pl.BlockSpec((ECHUNK, H), lambda i: (i, 0)),
            pl.BlockSpec((NCHUNK, H), lambda i, b=batch: (b * nblk + i, 0)),
            pl.BlockSpec((H, H), lambda i: (0, 0)),
            pl.BlockSpec((1, H), lambda i: (0, 0)),
        ],
        out_specs=pl.BlockSpec((NCHUNK, H), lambda i: (i, 0)),
        out_shape=jax.ShapeDtypeStruct((NP, H), jnp.float32),
    )(g, pd, w2, b2)



def _upd_body(f_ref, agg_ref, nf_ref, u1a_ref, u1b_ref, u1c_ref, b1_ref,
              u2_ref, b2_ref, out_ref):
    f = f_ref[...]
    h1 = (jnp.dot(f, u1a_ref[...], preferred_element_type=jnp.float32)
          + jnp.dot(agg_ref[...], u1b_ref[...],
                    preferred_element_type=jnp.float32)
          + jnp.dot(nf_ref[...], u1c_ref[...],
                    preferred_element_type=jnp.float32)
          + b1_ref[...])
    h2 = jnp.dot(_swish(h1), u2_ref[...],
                 preferred_element_type=jnp.float32) + b2_ref[...]
    fn = f + _swish(h2)
    vmask = lax.broadcasted_iota(jnp.int32, (NP, H), 0) < NX
    fz = jnp.where(vmask, fn, 0.0)
    mean = jnp.sum(fz, axis=0, keepdims=True) * (1.0 / NX)
    dv = jnp.where(vmask, fn - mean, 0.0)
    var = jnp.sum(dv * dv, axis=0, keepdims=True) * (1.0 / NX)
    out_ref[...] = jnp.where(vmask, (fn - mean) / jnp.sqrt(var + 1e-5), 0.0)


def _upd(f, agg, nf, u1a, u1b, u1c, b1, u2, b2):
    return pl.pallas_call(
        _upd_body,
        grid=(BS,),
        in_specs=[
            pl.BlockSpec((NP, H), lambda b: (b, 0)),
            pl.BlockSpec((NP, H), lambda b: (b, 0)),
            pl.BlockSpec((NP, 8), lambda b: (b, 0)),
            pl.BlockSpec((H, H), lambda b: (0, 0)),
            pl.BlockSpec((H, H), lambda b: (0, 0)),
            pl.BlockSpec((8, H), lambda b: (0, 0)),
            pl.BlockSpec((1, H), lambda b: (0, 0)),
            pl.BlockSpec((H, H), lambda b: (0, 0)),
            pl.BlockSpec((1, H), lambda b: (0, 0)),
        ],
        out_specs=pl.BlockSpec((NP, H), lambda b: (b, 0)),
        out_shape=jax.ShapeDtypeStruct((T, H), jnp.float32),
    )(f, agg, nf, u1a, u1b, u1c, b1, u2, b2)



def _head_body(f_ref, u_ref, w1_ref, b1_ref, w2_ref, b2_ref, out_ref):
    o = _swish(jnp.dot(f_ref[...], w1_ref[...],
                       preferred_element_type=jnp.float32) + b1_ref[...])
    diff = jnp.dot(o, w2_ref[...], preferred_element_type=jnp.float32) \
        + b2_ref[...]
    out_ref[...] = u_ref[...] + DT * diff


def _head(f, u, w1, b1, w2, b2):
    return pl.pallas_call(
        _head_body,
        out_shape=jax.ShapeDtypeStruct((T, 1), jnp.float32),
    )(f, u, w1, b1, w2, b2)



def kernel(inputs, case_params, mask, grid, weights):
    del mask
    pad = ((0, 0), (0, NP - NX), (0, 0))
    u_p = jnp.pad(inputs, pad).reshape(T, 1)
    params_p = jnp.pad(case_params, pad).reshape(T, P)
    gx = jnp.pad(grid[..., 0], ((0, 0), (0, NP - NX)))
    gy = jnp.pad(grid[..., 1], ((0, 0), (0, NP - NX)))

    posx, posy = _posnorm(gx, gy)
    qx = posx.reshape(T, 1)
    qy = posy.reshape(T, 1)
    nbr = _knn(qx, qy, posx.reshape(BS, 1, NP),
               posy.reshape(BS, 1, NP))
    idxh = nbr.reshape(BS, NW, GCH, 128)

    nf = jnp.concatenate([u_p, qx, qy, params_p], axis=1)

    w = weights
    f = _embed(nf, w['emb_W1'], w['emb_b1'].reshape(1, H),
               w['emb_W2'], w['emb_b2'].reshape(1, H))

    zeros3 = jnp.zeros((3, H), jnp.float32)
    zeros5 = jnp.zeros((P, H), jnp.float32)
    for lw in w['layers']:
        mw1 = lw['msg_W1']
        a_m = mw1[0:H]
        b_m = mw1[H:2 * H]
        wd = mw1[2 * H:2 * H + 8]
        ws = jnp.concatenate([mw1[2 * H:2 * H + 3], zeros5], axis=0)
        pd, ps = _pre(f, nf, a_m, b_m, wd, ws, lw['msg_b1'].reshape(1, H))
        g0 = _sc_gather(ps, idxh[0])
        g1 = _sc_gather(ps, idxh[1])
        agg0 = _msg(g0, pd, lw['msg_W2'], lw['msg_b2'].reshape(1, H), 0)
        agg1 = _msg(g1, pd, lw['msg_W2'], lw['msg_b2'].reshape(1, H), 1)
        agg = jnp.concatenate([agg0, agg1], axis=0)
        uw1 = lw['upd_W1']
        u1c = jnp.concatenate([zeros3, uw1[2 * H:2 * H + P]], axis=0)
        f = _upd(f, agg, nf, uw1[0:H], uw1[H:2 * H], u1c,
                 lw['upd_b1'].reshape(1, H), lw['upd_W2'],
                 lw['upd_b2'].reshape(1, H))

    out_p = _head(f, u_p, w['out_W1'], w['out_b1'].reshape(1, H // 2),
                  w['out_W2'], w['out_b2'].reshape(1, 1))
    return out_p.reshape(BS, NP, 1)[:, :NX, :]

# --- scband reference (transcript-rebuilt; emitter-appended) ---
"""Pipeline reference for scband-mpnnirregular-13726715478161 (READ-ONLY COPY).

The authoritative reference and input builder live on the scoring server;
editing this copy changes nothing except your own understanding.
"""

import jax, jax.numpy as jnp
import numpy as np

BS, NX, K, H, P, D, L = 2, 5000, 32, 128, 5, 2, 6
DT = 0.1

def swish(x):
    return x * jax.nn.sigmoid(x)

def _linear_init(key, fin, fout):
    kw, kb = jax.random.split(key)
    s = 1.0 / np.sqrt(fin)
    W = jax.random.uniform(kw, (fin, fout), jnp.float32, -s, s)
    b = jax.random.uniform(kb, (fout,), jnp.float32, -s, s)
    return W, b

def setup_inputs(seed: int = 0):
    key = jax.random.key(seed)
    ks = jax.random.split(key, 40)
    inputs = jax.random.normal(ks[0], (BS, NX, 1), jnp.float32)
    case_params = jax.random.normal(ks[1], (BS, NX, P), jnp.float32)
    mask = jnp.ones((BS, NX, 1), jnp.float32)
    grid = jax.random.uniform(ks[2], (BS, NX, D), jnp.float32)
    weights = {}
    weights['emb_W1'], weights['emb_b1'] = _linear_init(ks[3], 1 + D + P, H)
    weights['emb_W2'], weights['emb_b2'] = _linear_init(ks[4], H, H)
    layers = []
    for i in range(L):
        lw = {}
        lw['msg_W1'], lw['msg_b1'] = _linear_init(ks[5 + 4 * i], 2 * H + 1 + D + P, H)
        lw['msg_W2'], lw['msg_b2'] = _linear_init(ks[6 + 4 * i], H, H)
        lw['upd_W1'], lw['upd_b1'] = _linear_init(ks[7 + 4 * i], H + H + P, H)
        lw['upd_W2'], lw['upd_b2'] = _linear_init(ks[8 + 4 * i], H, H)
        layers.append(lw)
    weights['layers'] = layers
    weights['out_W1'], weights['out_b1'] = _linear_init(ks[30], H, H // 2)
    weights['out_W2'], weights['out_b2'] = _linear_init(ks[31], H // 2, 1)
    return {'inputs': inputs, 'case_params': case_params, 'mask': mask, 'grid': grid, 'weights': weights}

def _forward(inputs, case_params, mask, grid, weights):
    bs, nx, c = inputs.shape
    u = inputs.reshape(-1, 1)
    gmax = jnp.max(grid, axis=1, keepdims=True)
    gmin = jnp.min(grid, axis=1, keepdims=True)
    posb = (grid - gmin) / (gmax - gmin)
    pos = posb.reshape(-1, D)
    params = case_params.reshape(-1, P)
    # knn_graph (k nearest neighbors per node within each graph, no self loops)
    p = jax.lax.stop_gradient(posb)
    sq = jnp.sum(p * p, axis=-1)
    d2 = sq[:, :, None] + sq[:, None, :] - 2.0 * jnp.einsum('bnd,bmd->bnm', p, p)
    d2 = d2 + jnp.eye(nx, dtype=d2.dtype)[None] * 1e10
    _, nbr = jax.lax.top_k(-d2, K)
    offs = (jnp.arange(bs) * nx)[:, None, None]
    src = (nbr + offs).reshape(-1)
    dst = jnp.broadcast_to(jnp.arange(nx)[None, :, None] + offs, (bs, nx, K)).reshape(-1)
    N = bs * nx
    node_in = jnp.concatenate([u, pos, params], axis=-1)
    f = swish(node_in @ weights['emb_W1'] + weights['emb_b1'])
    f = swish(f @ weights['emb_W2'] + weights['emb_b2'])
    cnt = jax.ops.segment_sum(jnp.ones(src.shape, f.dtype), dst, num_segments=N)
    cnt = jnp.maximum(cnt, 1.0)[:, None]
    for lw in weights['layers']:
        m_in = jnp.concatenate([f[dst], f[src], u[dst] - u[src], pos[dst] - pos[src], params[dst]], axis=-1)
        m = swish(m_in @ lw['msg_W1'] + lw['msg_b1'])
        m = swish(m @ lw['msg_W2'] + lw['msg_b2'])
        agg = jax.ops.segment_sum(m, dst, num_segments=N) / cnt
        upd_in = jnp.concatenate([f, agg, params], axis=-1)
        h = swish(upd_in @ lw['upd_W1'] + lw['upd_b1'])
        h = swish(h @ lw['upd_W2'] + lw['upd_b2'])
        f = f + h
        fb = f.reshape(bs, nx, H)
        mean = jnp.mean(fb, axis=1, keepdims=True)
        var = jnp.var(fb, axis=1, keepdims=True)
        f = ((fb - mean) / jnp.sqrt(var + 1e-5)).reshape(N, H)
    o = swish(f @ weights['out_W1'] + weights['out_b1'])
    diff = o @ weights['out_W2'] + weights['out_b2']
    out = u + DT * diff
    return out.reshape(bs, nx, 1)

def reference(inputs, case_params, mask, grid, weights):
    return _forward(inputs, case_params, mask, grid, weights)

if __name__ == "__main__":
    import jax
    _d = setup_inputs()
    print(jax.jit(kernel)(*tuple(_d.values())))

</pallas_src>

<mosaic_0001>
#map = affine_map<(d0, d1) -> (0, 0)>
#map1 = affine_map<(d0, d1) -> (0, 0, 0)>
module attributes {stable_mosaic.version = 14 : i64} {
  func.func @gather_k(%arg0: i32, %arg1: i32, %arg2: memref<10240x128xf32, #tpu.memory_space<hbm>>, %arg3: memref<32x40x128xi32, #tpu.memory_space<hbm>>, %arg4: memref<163840x128xf32, #tpu.memory_space<hbm>>, %arg5: memref<40x128xi32, #tpu.memory_space<vmem>>, %arg6: memref<128x128xf32, #tpu.memory_space<vmem>>, %arg7: memref<128x128xf32, #tpu.memory_space<vmem>>, %arg8: memref<!tpu.dma_semaphore, #tpu.memory_space<semaphore_mem>>, %arg9: memref<!tpu.dma_semaphore, #tpu.memory_space<semaphore_mem>>, %arg10: memref<!tpu.dma_semaphore, #tpu.memory_space<semaphore_mem>>, %arg11: memref<!tpu.dma_semaphore, #tpu.memory_space<semaphore_mem>>) attributes {dimension_semantics = [#tpu.dimension_semantics<core_parallel>, #tpu.dimension_semantics<subcore_parallel>], iteration_bounds = array<i64: 2, 16>, scalar_prefetch = 0 : i64, scratch_operands = 7 : i64, tpu.core_type = #tpu.core_type<sc_vector_subcore>, window_params = [{transform_indices = #map}, {transform_indices = #map1}, {transform_indices = #map}]} {
    %mul3A = arith.constant 2 : i32
    %mul3A_0 = arith.muli %arg1, %mul3A : i32
    %add3A = arith.addi %mul3A_0, %arg0 : i32
    "tpu.region"() ({
      %run_scoped3A = tpu.sem_alloc : memref<!tpu.dma_semaphore, #tpu.memory_space<semaphore_mem>>
      %dma_start3A = arith.constant 0 : i32
      %dma_start3A_15 = arith.constant 0 : i32
      %dma_start3A_16 = tpu.memref_slice %arg3[%add3A, %dma_start3A, %dma_start3A_15] : memref<32x40x128xi32, #tpu.memory_space<hbm>> -> memref<1x40x128xi32, #tpu.memory_space<hbm>>
      %dma_start3A_17 = tpu.memref_squeeze %dma_start3A_16 : memref<1x40x128xi32, #tpu.memory_space<hbm>> -> memref<40x128xi32, #tpu.memory_space<hbm>>
      %dma_start3A_18 = arith.constant 0 : i32
      %dma_start3A_19 = arith.constant 0 : i32
      %dma_start3A_20 = tpu.memref_slice %arg3[%add3A, %dma_start3A_18, %dma_start3A_19] : memref<32x40x128xi32, #tpu.memory_space<hbm>> -> memref<1x40x128xi32, #tpu.memory_space<hbm>>
      %dma_start3A_21 = tpu.memref_squeeze %dma_start3A_20 : memref<1x40x128xi32, #tpu.memory_space<hbm>> -> memref<40x128xi32, #tpu.memory_space<hbm>>
      tpu.enqueue_dma source(%dma_start3A_21 : memref<40x128xi32, #tpu.memory_space<hbm>>) target(%arg5 : memref<40x128xi32, #tpu.memory_space<vmem>>) target_semaphore(%run_scoped3A : memref<!tpu.dma_semaphore, #tpu.memory_space<semaphore_mem>>)
      %dma_wait3A_22 = arith.constant 0 : i32
      %dma_wait3A_23 = arith.constant 0 : i32
      %dma_wait3A_24 = tpu.memref_slice %arg3[%add3A, %dma_wait3A_22, %dma_wait3A_23] : memref<32x40x128xi32, #tpu.memory_space<hbm>> -> memref<1x40x128xi32, #tpu.memory_space<hbm>>
      %dma_wait3A_25 = tpu.memref_squeeze %dma_wait3A_24 : memref<1x40x128xi32, #tpu.memory_space<hbm>> -> memref<40x128xi32, #tpu.memory_space<hbm>>
      %dma_wait3A_26 = arith.constant 0 : i32
      %dma_wait3A_27 = arith.constant 0 : i32
      %dma_wait3A_28 = tpu.memref_slice %arg3[%add3A, %dma_wait3A_26, %dma_wait3A_27] : memref<32x40x128xi32, #tpu.memory_space<hbm>> -> memref<1x40x128xi32, #tpu.memory_space<hbm>>
      %dma_wait3A_29 = tpu.memref_squeeze %dma_wait3A_28 : memref<1x40x128xi32, #tpu.memory_space<hbm>> -> memref<40x128xi32, #tpu.memory_space<hbm>>
      tpu.wait_dma2 semaphore(%run_scoped3A : memref<!tpu.dma_semaphore, #tpu.memory_space<semaphore_mem>>) src(%dma_wait3A_29 : memref<40x128xi32, #tpu.memory_space<hbm>>) dst(%arg5 : memref<40x128xi32, #tpu.memory_space<vmem>>)
      tpu.yield
    }) : () -> ()
    %mul3A_1 = arith.constant 5120 : i32
    %mul3A_2 = arith.muli %add3A, %mul3A_1 : i32
    %scan3A = arith.constant 0 : i32
    %scan3A_3 = arith.constant 0 : i32
    %scan3A_4 = arith.constant 20 : i32
    %scan3A_5 = arith.addi %scan3A_3, %scan3A_4 : i32
    %scan3A_6 = arith.constant 1 : i32
    scf.for %scan3A_15 = %scan3A_3 to %scan3A_5 step %scan3A_6  : i32 {
      %mul3A_16 = arith.constant 2 : i32
      %mul3A_17 = arith.muli %mul3A_16, %scan3A_15 : i32
      %add3A_18 = arith.constant 1 : i32
      %add3A_19 = arith.addi %mul3A_17, %add3A_18 : i32
      %gt3A = arith.constant 0 : i32
      %gt3A_20 = arith.cmpi sgt, %scan3A_15, %gt3A : i32
      %convert_element_type3A = arith.extui %gt3A_20 : i1 to i32
      %cond3A = arith.constant 0 : i32
      %cond3A_21 = arith.cmpi ne, %convert_element_type3A, %cond3A : i32
      scf.if %cond3A_21 {
        %dma_wait3A_59 = arith.constant 0 : i32
        %dma_wait3A_60 = tpu.memref_slice %arg4[%mul3A_2, %dma_wait3A_59] : memref<163840x128xf32, #tpu.memory_space<hbm>> -> memref<128x128xf32, #tpu.memory_space<hbm>>
        %dma_wait3A_61 = arith.constant 0 : i32
        %dma_wait3A_62 = tpu.memref_slice %arg4[%mul3A_2, %dma_wait3A_61] : memref<163840x128xf32, #tpu.memory_space<hbm>> -> memref<128x128xf32, #tpu.memory_space<hbm>>
        tpu.wait_dma2 semaphore(%arg10 : memref<!tpu.dma_semaphore, #tpu.memory_space<semaphore_mem>>) src(%arg6 : memref<128x128xf32, #tpu.memory_space<vmem>>) dst(%dma_wait3A_62 : memref<128x128xf32, #tpu.memory_space<hbm>>)
        %dma_wait3A_63 = arith.constant 0 : i32
        %dma_wait3A_64 = tpu.memref_slice %arg4[%mul3A_2, %dma_wait3A_63] : memref<163840x128xf32, #tpu.memory_space<hbm>> -> memref<128x128xf32, #tpu.memory_space<hbm>>
        %dma_wait3A_65 = arith.constant 0 : i32
        %dma_wait3A_66 = tpu.memref_slice %arg4[%mul3A_2, %dma_wait3A_65] : memref<163840x128xf32, #tpu.memory_space<hbm>> -> memref<128x128xf32, #tpu.memory_space<hbm>>
        tpu.wait_dma2 semaphore(%arg11 : memref<!tpu.dma_semaphore, #tpu.memory_space<semaphore_mem>>) src(%arg7 : memref<128x128xf32, #tpu.memory_space<vmem>>) dst(%dma_wait3A_66 : memref<128x128xf32, #tpu.memory_space<hbm>>)
      } else {
      }
      %dma_start3A = arith.constant 0 : i32
      %dma_start3A_22 = tpu.memref_slice %arg5[%mul3A_17, %dma_start3A] : memref<40x128xi32, #tpu.memory_space<vmem>> -> memref<1x128xi32, #tpu.memory_space<vmem>>
      %dma_start3A_23 = tpu.memref_squeeze %dma_start3A_22 : memref<1x128xi32, #tpu.memory_space<vmem>> -> memref<128xi32, #tpu.memory_space<vmem>>
      %dma_start3A_24 = arith.constant 0 : i32
      %dma_start3A_25 = arith.constant 0 : i32
      %dma_start3A_26 = tpu.memref_slice %arg2[%dma_start3A_24, %dma_start3A_25] : memref<10240x128xf32, #tpu.memory_space<hbm>> -> memref<10240x128xf32, #tpu.memory_space<hbm>>
      tpu.enqueue_indirect_dma source(%dma_start3A_26 : memref<10240x128xf32, #tpu.memory_space<hbm>>) target(%arg6 : memref<128x128xf32, #tpu.memory_space<vmem>>) offsets(%dma_start3A_23 : memref<128xi32, #tpu.memory_space<vmem>>) semaphore(%arg8 : memref<!tpu.dma_semaphore, #tpu.memory_space<semaphore_mem>>)
      %dma_start3A_27 = arith.constant 0 : i32
      %dma_start3A_28 = tpu.memref_slice %arg5[%add3A_19, %dma_start3A_27] : memref<40x128xi32, #tpu.memory_space<vmem>> -> memref<1x128xi32, #tpu.memory_space<vmem>>
      %dma_start3A_29 = tpu.memref_squeeze %dma_start3A_28 : memref<1x128xi32, #tpu.memory_space<vmem>> -> memref<128xi32, #tpu.memory_space<vmem>>
      %dma_start3A_30 = arith.constant 0 : i32
      %dma_start3A_31 = arith.constant 0 : i32
      %dma_start3A_32 = tpu.memref_slice %arg2[%dma_start3A_30, %dma_start3A_31] : memref<10240x128xf32, #tpu.memory_space<hbm>> -> memref<10240x128xf32, #tpu.memory_space<hbm>>
      tpu.enqueue_indirect_dma source(%dma_start3A_32 : memref<10240x128xf32, #tpu.memory_space<hbm>>) target(%arg7 : memref<128x128xf32, #tpu.memory_space<vmem>>) offsets(%dma_start3A_29 : memref<128xi32, #tpu.memory_space<vmem>>) semaphore(%arg9 : memref<!tpu.dma_semaphore, #tpu.memory_space<semaphore_mem>>)
      %dma_wait3A_33 = arith.constant 0 : i32
      %dma_wait3A_34 = tpu.memref_slice %arg5[%mul3A_17, %dma_wait3A_33] : memref<40x128xi32, #tpu.memory_space<vmem>> -> memref<1x128xi32, #tpu.memory_space<vmem>>
      %dma_wait3A_35 = tpu.memref_squeeze %dma_wait3A_34 : memref<1x128xi32, #tpu.memory_space<vmem>> -> memref<128xi32, #tpu.memory_space<vmem>>
      %dma_wait3A_36 = arith.constant 0 : i32
      %dma_wait3A_37 = arith.constant 0 : i32
      %dma_wait3A_38 = tpu.memref_slice %arg2[%dma_wait3A_36, %dma_wait3A_37] : memref<10240x128xf32, #tpu.memory_space<hbm>> -> memref<10240x128xf32, #tpu.memory_space<hbm>>
      tpu.wait_indirect_dma semaphore(%arg8 : memref<!tpu.dma_semaphore, #tpu.memory_space<semaphore_mem>>) src(%dma_wait3A_38 : memref<10240x128xf32, #tpu.memory_space<hbm>>) dst(%arg6 : memref<128x128xf32, #tpu.memory_space<vmem>>)
      %mul3A_39 = arith.constant 128 : i32
      %mul3A_40 = arith.muli %mul3A_17, %mul3A_39 : i32
      %add3A_41 = arith.addi %mul3A_2, %mul3A_40 : i32
      %dma_start3A_42 = arith.constant 0 : i32
      %dma_start3A_43 = tpu.memref_slice %arg4[%add3A_41, %dma_start3A_42] : memref<163840x128xf32, #tpu.memory_space<hbm>> -> memref<128x128xf32, #tpu.memory_space<hbm>>
      %dma_start3A_44 = arith.constant 0 : i32
      %dma_start3A_45 = tpu.memref_slice %arg4[%add3A_41, %dma_start3A_44] : memref<163840x128xf32, #tpu.memory_space<hbm>> -> memref<128x128xf32, #tpu.memory_space<hbm>>
      tpu.enqueue_dma source(%arg6 : memref<128x128xf32, #tpu.memory_space<vmem>>) target(%dma_start3A_45 : memref<128x128xf32, #tpu.memory_space<hbm>>) target_semaphore(%arg10 : memref<!tpu.dma_semaphore, #tpu.memory_space<semaphore_mem>>)
      %dma_wait3A_46 = arith.constant 0 : i32
      %dma_wait3A_47 = tpu.memref_slice %arg5[%add3A_19, %dma_wait3A_46] : memref<40x128xi32, #tpu.memory_space<vmem>> -> memref<1x128xi32, #tpu.memory_space<vmem>>
      %dma_wait3A_48 = tpu.memref_squeeze %dma_wait3A_47 : memref<1x128xi32, #tpu.memory_space<vmem>> -> memref<128xi32, #tpu.memory_space<vmem>>
      %dma_wait3A_49 = arith.constant 0 : i32
      %dma_wait3A_50 = arith.constant 0 : i32
      %dma_wait3A_51 = tpu.memref_slice %arg2[%dma_wait3A_49, %dma_wait3A_50] : memref<10240x128xf32, #tpu.memory_space<hbm>> -> memref<10240x128xf32, #tpu.memory_space<hbm>>
      tpu.wait_indirect_dma semaphore(%arg9 : memref<!tpu.dma_semaphore, #tpu.memory_space<semaphore_mem>>) src(%dma_wait3A_51 : memref<10240x128xf32, #tpu.memory_space<hbm>>) dst(%arg7 : memref<128x128xf32, #tpu.memory_space<vmem>>)
      %mul3A_52 = arith.constant 128 : i32
      %mul3A_53 = arith.muli %add3A_19, %mul3A_52 : i32
      %add3A_54 = arith.addi %mul3A_2, %mul3A_53 : i32
      %dma_start3A_55 = arith.constant 0 : i32
      %dma_start3A_56 = tpu.memref_slice %arg4[%add3A_54, %dma_start3A_55] : memref<163840x128xf32, #tpu.memory_space<hbm>> -> memref<128x128xf32, #tpu.memory_space<hbm>>
      %dma_start3A_57 = arith.constant 0 : i32
      %dma_start3A_58 = tpu.memref_slice %arg4[%add3A_54, %dma_start3A_57] : memref<163840x128xf32, #tpu.memory_space<hbm>> -> memref<128x128xf32, #tpu.memory_space<hbm>>
      tpu.enqueue_dma source(%arg7 : memref<128x128xf32, #tpu.memory_space<vmem>>) target(%dma_start3A_58 : memref<128x128xf32, #tpu.memory_space<hbm>>) target_semaphore(%arg11 : memref<!tpu.dma_semaphore, #tpu.memory_space<semaphore_mem>>)
    }
    %scan3A_7 = arith.constant 20 : i32
    %dma_wait3A = arith.constant 0 : i32
    %dma_wait3A_8 = tpu.memref_slice %arg4[%mul3A_2, %dma_wait3A] : memref<163840x128xf32, #tpu.memory_space<hbm>> -> memref<128x128xf32, #tpu.memory_space<hbm>>
    %dma_wait3A_9 = arith.constant 0 : i32
    %dma_wait3A_10 = tpu.memref_slice %arg4[%mul3A_2, %dma_wait3A_9] : memref<163840x128xf32, #tpu.memory_space<hbm>> -> memref<128x128xf32, #tpu.memory_space<hbm>>
    tpu.wait_dma2 semaphore(%arg10 : memref<!tpu.dma_semaphore, #tpu.memory_space<semaphore_mem>>) src(%arg6 : memref<128x128xf32, #tpu.memory_space<vmem>>) dst(%dma_wait3A_10 : memref<128x128xf32, #tpu.memory_space<hbm>>)
    %dma_wait3A_11 = arith.constant 0 : i32
    %dma_wait3A_12 = tpu.memref_slice %arg4[%mul3A_2, %dma_wait3A_11] : memref<163840x128xf32, #tpu.memory_space<hbm>> -> memref<128x128xf32, #tpu.memory_space<hbm>>
    %dma_wait3A_13 = arith.constant 0 : i32
    %dma_wait3A_14 = tpu.memref_slice %arg4[%mul3A_2, %dma_wait3A_13] : memref<163840x128xf32, #tpu.memory_space<hbm>> -> memref<128x128xf32, #tpu.memory_space<hbm>>
    tpu.wait_dma2 semaphore(%arg11 : memref<!tpu.dma_semaphore, #tpu.memory_space<semaphore_mem>>) src(%arg7 : memref<128x128xf32, #tpu.memory_space<vmem>>) dst(%dma_wait3A_14 : memref<128x128xf32, #tpu.memory_space<hbm>>)
    return
  }
}

#map = affine_map<(d0, d1) -> (0, 0)>
#map1 = affine_map<(d0, d1) -> (0, 0, 0)>
module attributes {stable_mosaic.version = 14 : i64} {
  func.func @gather_k(%arg0: i32, %arg1: i32, %arg2: memref<10240x128xf32, #tpu.memory_space<hbm>>, %arg3: memref<32x40x128xi32, #tpu.memory_space<hbm>>, %arg4: memref<163840x128xf32, #tpu.memory_space<hbm>>, %arg5: memref<40x128xi32, #tpu.memory_space<vmem>>, %arg6: memref<128x128xf32, #tpu.memory_space<vmem>>, %arg7: memref<128x128xf32, #tpu.memory_space<vmem>>, %arg8: memref<!tpu.dma_semaphore, #tpu.memory_space<semaphore_mem>>, %arg9: memref<!tpu.dma_semaphore, #tpu.memory_space<semaphore_mem>>, %arg10: memref<!tpu.dma_semaphore, #tpu.memory_space<semaphore_mem>>, %arg11: memref<!tpu.dma_semaphore, #tpu.memory_space<semaphore_mem>>) attributes {dimension_semantics = [#tpu.dimension_semantics<core_parallel>, #tpu.dimension_semantics<subcore_parallel>], iteration_bounds = array<i64: 2, 16>, scalar_prefetch = 0 : i64, scratch_operands = 7 : i64, tpu.core_type = #tpu.core_type<sc_vector_subcore>, window_params = [{transform_indices = #map}, {transform_indices = #map1}, {transform_indices = #map}]} {
    %mul3A = arith.constant 2 : i32
    %mul3A_0 = arith.muli %arg1, %mul3A : i32
    %add3A = arith.addi %mul3A_0, %arg0 : i32
    "tpu.region"() ({
      %run_scoped3A = tpu.sem_alloc : memref<!tpu.dma_semaphore, #tpu.memory_space<semaphore_mem>>
      %dma_start3A = arith.constant 0 : i32
      %dma_start3A_15 = arith.constant 0 : i32
      %dma_start3A_16 = tpu.memref_slice %arg3[%add3A, %dma_start3A, %dma_start3A_15] : memref<32x40x128xi32, #tpu.memory_space<hbm>> -> memref<1x40x128xi32, #tpu.memory_space<hbm>>
      %dma_start3A_17 = tpu.memref_squeeze %dma_start3A_16 : memref<1x40x128xi32, #tpu.memory_space<hbm>> -> memref<40x128xi32, #tpu.memory_space<hbm>>
      %dma_start3A_18 = arith.constant 0 : i32
      %dma_start3A_19 = arith.constant 0 : i32
      %dma_start3A_20 = tpu.memref_slice %arg3[%add3A, %dma_start3A_18, %dma_start3A_19] : memref<32x40x128xi32, #tpu.memory_space<hbm>> -> memref<1x40x128xi32, #tpu.memory_space<hbm>>
      %dma_start3A_21 = tpu.memref_squeeze %dma_start3A_20 : memref<1x40x128xi32, #tpu.memory_space<hbm>> -> memref<40x128xi32, #tpu.memory_space<hbm>>
      tpu.enqueue_dma source(%dma_start3A_21 : memref<40x128xi32, #tpu.memory_space<hbm>>) target(%arg5 : memref<40x128xi32, #tpu.memory_space<vmem>>) target_semaphore(%run_scoped3A : memref<!tpu.dma_semaphore, #tpu.memory_space<semaphore_mem>>)
      %dma_wait3A_22 = arith.constant 0 : i32
      %dma_wait3A_23 = arith.constant 0 : i32
      %dma_wait3A_24 = tpu.memref_slice %arg3[%add3A, %dma_wait3A_22, %dma_wait3A_23] : memref<32x40x128xi32, #tpu.memory_space<hbm>> -> memref<1x40x128xi32, #tpu.memory_space<hbm>>
      %dma_wait3A_25 = tpu.memref_squeeze %dma_wait3A_24 : memref<1x40x128xi32, #tpu.memory_space<hbm>> -> memref<40x128xi32, #tpu.memory_space<hbm>>
      %dma_wait3A_26 = arith.constant 0 : i32
      %dma_wait3A_27 = arith.constant 0 : i32
      %dma_wait3A_28 = tpu.memref_slice %arg3[%add3A, %dma_wait3A_26, %dma_wait3A_27] : memref<32x40x128xi32, #tpu.memory_space<hbm>> -> memref<1x40x128xi32, #tpu.memory_space<hbm>>
      %dma_wait3A_29 = tpu.memref_squeeze %dma_wait3A_28 : memref<1x40x128xi32, #tpu.memory_space<hbm>> -> memref<40x128xi32, #tpu.memory_space<hbm>>
      tpu.wait_dma2 semaphore(%run_scoped3A : memref<!tpu.dma_semaphore, #tpu.memory_space<semaphore_mem>>) src(%dma_wait3A_29 : memref<40x128xi32, #tpu.memory_space<hbm>>) dst(%arg5 : memref<40x128xi32, #tpu.memory_space<vmem>>)
      tpu.yield
    }) : () -> ()
    %mul3A_1 = arith.constant 5120 : i32
    %mul3A_2 = arith.muli %add3A, %mul3A_1 : i32
    %scan3A = arith.constant 0 : i32
    %scan3A_3 = arith.constant 0 : i32
    %scan3A_4 = arith.constant 20 : i32
    %scan3A_5 = arith.addi %scan3A_3, %scan3A_4 : i32
    %scan3A_6 = arith.constant 1 : i32
    scf.for %scan3A_15 = %scan3A_3 to %scan3A_5 step %scan3A_6  : i32 {
      %mul3A_16 = arith.constant 2 : i32
      %mul3A_17 = arith.muli %mul3A_16, %scan3A_15 : i32
      %add3A_18 = arith.constant 1 : i32
      %add3A_19 = arith.addi %mul3A_17, %add3A_18 : i32
      %gt3A = arith.constant 0 : i32
      %gt3A_20 = arith.cmpi sgt, %scan3A_15, %gt3A : i32
      %convert_element_type3A = arith.extui %gt3A_20 : i1 to i32
      %cond3A = arith.constant 0 : i32
      %cond3A_21 = arith.cmpi ne, %convert_element_type3A, %cond3A : i32
      scf.if %cond3A_21 {
        %dma_wait3A_59 = arith.constant 0 : i32
        %dma_wait3A_60 = tpu.memref_slice %arg4[%mul3A_2, %dma_wait3A_59] : memref<163840x128xf32, #tpu.memory_space<hbm>> -> memref<128x128xf32, #tpu.memory_space<hbm>>
        %dma_wait3A_61 = arith.constant 0 : i32
        %dma_wait3A_62 = tpu.memref_slice %arg4[%mul3A_2, %dma_wait3A_61] : memref<163840x128xf32, #tpu.memory_space<hbm>> -> memref<128x128xf32, #tpu.memory_space<hbm>>
        tpu.wait_dma2 semaphore(%arg10 : memref<!tpu.dma_semaphore, #tpu.memory_space<semaphore_mem>>) src(%arg6 : memref<128x128xf32, #tpu.memory_space<vmem>>) dst(%dma_wait3A_62 : memref<128x128xf32, #tpu.memory_space<hbm>>)
        %dma_wait3A_63 = arith.constant 0 : i32
        %dma_wait3A_64 = tpu.memref_slice %arg4[%mul3A_2, %dma_wait3A_63] : memref<163840x128xf32, #tpu.memory_space<hbm>> -> memref<128x128xf32, #tpu.memory_space<hbm>>
        %dma_wait3A_65 = arith.constant 0 : i32
        %dma_wait3A_66 = tpu.memref_slice %arg4[%mul3A_2, %dma_wait3A_65] : memref<163840x128xf32, #tpu.memory_space<hbm>> -> memref<128x128xf32, #tpu.memory_space<hbm>>
        tpu.wait_dma2 semaphore(%arg11 : memref<!tpu.dma_semaphore, #tpu.memory_space<semaphore_mem>>) src(%arg7 : memref<128x128xf32, #tpu.memory_space<vmem>>) dst(%dma_wait3A_66 : memref<128x128xf32, #tpu.memory_space<hbm>>)
      } else {
      }
      %dma_start3A = arith.constant 0 : i32
      %dma_start3A_22 = tpu.memref_slice %arg5[%mul3A_17, %dma_start3A] : memref<40x128xi32, #tpu.memory_space<vmem>> -> memref<1x128xi32, #tpu.memory_space<vmem>>
      %dma_start3A_23 = tpu.memref_squeeze %dma_start3A_22 : memref<1x128xi32, #tpu.memory_space<vmem>> -> memref<128xi32, #tpu.memory_space<vmem>>
      %dma_start3A_24 = arith.constant 0 : i32
      %dma_start3A_25 = arith.constant 0 : i32
      %dma_start3A_26 = tpu.memref_slice %arg2[%dma_start3A_24, %dma_start3A_25] : memref<10240x128xf32, #tpu.memory_space<hbm>> -> memref<10240x128xf32, #tpu.memory_space<hbm>>
      tpu.enqueue_indirect_dma source(%dma_start3A_26 : memref<10240x128xf32, #tpu.memory_space<hbm>>) target(%arg6 : memref<128x128xf32, #tpu.memory_space<vmem>>) offsets(%dma_start3A_23 : memref<128xi32, #tpu.memory_space<vmem>>) semaphore(%arg8 : memref<!tpu.dma_semaphore, #tpu.memory_space<semaphore_mem>>)
      %dma_start3A_27 = arith.constant 0 : i32
      %dma_start3A_28 = tpu.memref_slice %arg5[%add3A_19, %dma_start3A_27] : memref<40x128xi32, #tpu.memory_space<vmem>> -> memref<1x128xi32, #tpu.memory_space<vmem>>
      %dma_start3A_29 = tpu.memref_squeeze %dma_start3A_28 : memref<1x128xi32, #tpu.memory_space<vmem>> -> memref<128xi32, #tpu.memory_space<vmem>>
      %dma_start3A_30 = arith.constant 0 : i32
      %dma_start3A_31 = arith.constant 0 : i32
      %dma_start3A_32 = tpu.memref_slice %arg2[%dma_start3A_30, %dma_start3A_31] : memref<10240x128xf32, #tpu.memory_space<hbm>> -> memref<10240x128xf32, #tpu.memory_space<hbm>>
      tpu.enqueue_indirect_dma source(%dma_start3A_32 : memref<10240x128xf32, #tpu.memory_space<hbm>>) target(%arg7 : memref<128x128xf32, #tpu.memory_space<vmem>>) offsets(%dma_start3A_29 : memref<128xi32, #tpu.memory_space<vmem>>) semaphore(%arg9 : memref<!tpu.dma_semaphore, #tpu.memory_space<semaphore_mem>>)
      %dma_wait3A_33 = arith.constant 0 : i32
      %dma_wait3A_34 = tpu.memref_slice %arg5[%mul3A_17, %dma_wait3A_33] : memref<40x128xi32, #tpu.memory_space<vmem>> -> memref<1x128xi32, #tpu.memory_space<vmem>>
      %dma_wait3A_35 = tpu.memref_squeeze %dma_wait3A_34 : memref<1x128xi32, #tpu.memory_space<vmem>> -> memref<128xi32, #tpu.memory_space<vmem>>
      %dma_wait3A_36 = arith.constant 0 : i32
      %dma_wait3A_37 = arith.constant 0 : i32
      %dma_wait3A_38 = tpu.memref_slice %arg2[%dma_wait3A_36, %dma_wait3A_37] : memref<10240x128xf32, #tpu.memory_space<hbm>> -> memref<10240x128xf32, #tpu.memory_space<hbm>>
      tpu.wait_indirect_dma semaphore(%arg8 : memref<!tpu.dma_semaphore, #tpu.memory_space<semaphore_mem>>) src(%dma_wait3A_38 : memref<10240x128xf32, #tpu.memory_space<hbm>>) dst(%arg6 : memref<128x128xf32, #tpu.memory_space<vmem>>)
      %mul3A_39 = arith.constant 128 : i32
      %mul3A_40 = arith.muli %mul3A_17, %mul3A_39 : i32
      %add3A_41 = arith.addi %mul3A_2, %mul3A_40 : i32
      %dma_start3A_42 = arith.constant 0 : i32
      %dma_start3A_43 = tpu.memref_slice %arg4[%add3A_41, %dma_start3A_42] : memref<163840x128xf32, #tpu.memory_space<hbm>> -> memref<128x128xf32, #tpu.memory_space<hbm>>
      %dma_start3A_44 = arith.constant 0 : i32
      %dma_start3A_45 = tpu.memref_slice %arg4[%add3A_41, %dma_start3A_44] : memref<163840x128xf32, #tpu.memory_space<hbm>> -> memref<128x128xf32, #tpu.memory_space<hbm>>
      tpu.enqueue_dma source(%arg6 : memref<128x128xf32, #tpu.memory_space<vmem>>) target(%dma_start3A_45 : memref<128x128xf32, #tpu.memory_space<hbm>>) target_semaphore(%arg10 : memref<!tpu.dma_semaphore, #tpu.memory_space<semaphore_mem>>)
      %dma_wait3A_46 = arith.constant 0 : i32
      %dma_wait3A_47 = tpu.memref_slice %arg5[%add3A_19, %dma_wait3A_46] : memref<40x128xi32, #tpu.memory_space<vmem>> -> memref<1x128xi32, #tpu.memory_space<vmem>>
      %dma_wait3A_48 = tpu.memref_squeeze %dma_wait3A_47 : memref<1x128xi32, #tpu.memory_space<vmem>> -> memref<128xi32, #tpu.memory_space<vmem>>
      %dma_wait3A_49 = arith.constant 0 : i32
      %dma_wait3A_50 = arith.constant 0 : i32
      %dma_wait3A_51 = tpu.memref_slice %arg2[%dma_wait3A_49, %dma_wait3A_50] : memref<10240x128xf32, #tpu.memory_space<hbm>> -> memref<10240x128xf32, #tpu.memory_space<hbm>>
      tpu.wait_indirect_dma semaphore(%arg9 : memref<!tpu.dma_semaphore, #tpu.memory_space<semaphore_mem>>) src(%dma_wait3A_51 : memref<10240x128xf32, #tpu.memory_space<hbm>>) dst(%arg7 : memref<128x128xf32, #tpu.memory_space<vmem>>)
      %mul3A_52 = arith.constant 128 : i32
      %mul3A_53 = arith.muli %add3A_19, %mul3A_52 : i32
      %add3A_54 = arith.addi %mul3A_2, %mul3A_53 : i32
      %dma_start3A_55 = arith.constant 0 : i32
      %dma_start3A_56 = tpu.memref_slice %arg4[%add3A_54, %dma_start3A_55] : memref<163840x128xf32, #tpu.memory_space<hbm>> -> memref<128x128xf32, #tpu.memory_space<hbm>>
      %dma_start3A_57 = arith.constant 0 : i32
      %dma_start3A_58 = tpu.memref_slice %arg4[%add3A_54, %dma_start3A_57] : memref<163840x128xf32, #tpu.memory_space<hbm>> -> memref<128x128xf32, #tpu.memory_space<hbm>>
      tpu.enqueue_dma source(%arg7 : memref<128x128xf32, #tpu.memory_space<vmem>>) target(%dma_start3A_58 : memref<128x128xf32, #tpu.memory_space<hbm>>) target_semaphore(%arg11 : memref<!tpu.dma_semaphore, #tpu.memory_space<semaphore_mem>>)
    }
    %scan3A_7 = arith.constant 20 : i32
    %dma_wait3A = arith.constant 0 : i32
    %dma_wait3A_8 = tpu.memref_slice %arg4[%mul3A_2, %dma_wait3A] : memref<163840x128xf32, #tpu.memory_space<hbm>> -> memref<128x128xf32, #tpu.memory_space<hbm>>
    %dma_wait3A_9 = arith.constant 0 : i32
    %dma_wait3A_10 = tpu.memref_slice %arg4[%mul3A_2, %dma_wait3A_9] : memref<163840x128xf32, #tpu.memory_space<hbm>> -> memref<128x128xf32, #tpu.memory_space<hbm>>
    tpu.wait_dma2 semaphore(%arg10 : memref<!tpu.dma_semaphore, #tpu.memory_space<semaphore_mem>>) src(%arg6 : memref<128x128xf32, #tpu.memory_space<vmem>>) dst(%dma_wait3A_10 : memref<128x128xf32, #tpu.memory_space<hbm>>)
    %dma_wait3A_11 = arith.constant 0 : i32
    %dma_wait3A_12 = tpu.memref_slice %arg4[%mul3A_2, %dma_wait3A_11] : memref<163840x128xf32, #tpu.memory_space<hbm>> -> memref<128x128xf32, #tpu.memory_space<hbm>>
    %dma_wait3A_13 = arith.constant 0 : i32
    %dma_wait3A_14 = tpu.memref_slice %arg4[%mul3A_2, %dma_wait3A_13] : memref<163840x128xf32, #tpu.memory_space<hbm>> -> memref<128x128xf32, #tpu.memory_space<hbm>>
    tpu.wait_dma2 semaphore(%arg11 : memref<!tpu.dma_semaphore, #tpu.memory_space<semaphore_mem>>) src(%arg7 : memref<128x128xf32, #tpu.memory_space<vmem>>) dst(%dma_wait3A_14 : memref<128x128xf32, #tpu.memory_space<hbm>>)
    return
  }
}

#map = affine_map<(d0, d1) -> (0, 0)>
#map1 = affine_map<(d0, d1) -> (0, 0, 0)>
module attributes {stable_mosaic.version = 14 : i64} {
  func.func @gather_k(%arg0: i32, %arg1: i32, %arg2: memref<10240x128xf32, #tpu.memory_space<hbm>>, %arg3: memref<32x40x128xi32, #tpu.memory_space<hbm>>, %arg4: memref<163840x128xf32, #tpu.memory_space<hbm>>, %arg5: memref<40x128xi32, #tpu.memory_space<vmem>>, %arg6: memref<128x128xf32, #tpu.memory_space<vmem>>, %arg7: memref<128x128xf32, #tpu.memory_space<vmem>>, %arg8: memref<!tpu.dma_semaphore, #tpu.memory_space<semaphore_mem>>, %arg9: memref<!tpu.dma_semaphore, #tpu.memory_space<semaphore_mem>>, %arg10: memref<!tpu.dma_semaphore, #tpu.memory_space<semaphore_mem>>, %arg11: memref<!tpu.dma_semaphore, #tpu.memory_space<semaphore_mem>>) attributes {dimension_semantics = [#tpu.dimension_semantics<core_parallel>, #tpu.dimension_semantics<subcore_parallel>], iteration_bounds = array<i64: 2, 16>, scalar_prefetch = 0 : i64, scratch_operands = 7 : i64, tpu.core_type = #tpu.core_type<sc_vector_subcore>, window_params = [{transform_indices = #map}, {transform_indices = #map1}, {transform_indices = #map}]} {
    %mul3A = arith.constant 2 : i32
    %mul3A_0 = arith.muli %arg1, %mul3A : i32
    %add3A = arith.addi %mul3A_0, %arg0 : i32
    "tpu.region"() ({
      %run_scoped3A = tpu.sem_alloc : memref<!tpu.dma_semaphore, #tpu.memory_space<semaphore_mem>>
      %dma_start3A = arith.constant 0 : i32
      %dma_start3A_15 = arith.constant 0 : i32
      %dma_start3A_16 = tpu.memref_slice %arg3[%add3A, %dma_start3A, %dma_start3A_15] : memref<32x40x128xi32, #tpu.memory_space<hbm>> -> memref<1x40x128xi32, #tpu.memory_space<hbm>>
      %dma_start3A_17 = tpu.memref_squeeze %dma_start3A_16 : memref<1x40x128xi32, #tpu.memory_space<hbm>> -> memref<40x128xi32, #tpu.memory_space<hbm>>
      %dma_start3A_18 = arith.constant 0 : i32
      %dma_start3A_19 = arith.constant 0 : i32
      %dma_start3A_20 = tpu.memref_slice %arg3[%add3A, %dma_start3A_18, %dma_start3A_19] : memref<32x40x128xi32, #tpu.memory_space<hbm>> -> memref<1x40x128xi32, #tpu.memory_space<hbm>>
      %dma_start3A_21 = tpu.memref_squeeze %dma_start3A_20 : memref<1x40x128xi32, #tpu.memory_space<hbm>> -> memref<40x128xi32, #tpu.memory_space<hbm>>
      tpu.enqueue_dma source(%dma_start3A_21 : memref<40x128xi32, #tpu.memory_space<hbm>>) target(%arg5 : memref<40x128xi32, #tpu.memory_space<vmem>>) target_semaphore(%run_scoped3A : memref<!tpu.dma_semaphore, #tpu.memory_space<semaphore_mem>>)
      %dma_wait3A_22 = arith.constant 0 : i32
      %dma_wait3A_23 = arith.constant 0 : i32
      %dma_wait3A_24 = tpu.memref_slice %arg3[%add3A, %dma_wait3A_22, %dma_wait3A_23] : memref<32x40x128xi32, #tpu.memory_space<hbm>> -> memref<1x40x128xi32, #tpu.memory_space<hbm>>
      %dma_wait3A_25 = tpu.memref_squeeze %dma_wait3A_24 : memref<1x40x128xi32, #tpu.memory_space<hbm>> -> memref<40x128xi32, #tpu.memory_space<hbm>>
      %dma_wait3A_26 = arith.constant 0 : i32
      %dma_wait3A_27 = arith.constant 0 : i32
      %dma_wait3A_28 = tpu.memref_slice %arg3[%add3A, %dma_wait3A_26, %dma_wait3A_27] : memref<32x40x128xi32, #tpu.memory_space<hbm>> -> memref<1x40x128xi32, #tpu.memory_space<hbm>>
      %dma_wait3A_29 = tpu.memref_squeeze %dma_wait3A_28 : memref<1x40x128xi32, #tpu.memory_space<hbm>> -> memref<40x128xi32, #tpu.memory_space<hbm>>
      tpu.wait_dma2 semaphore(%run_scoped3A : memref<!tpu.dma_semaphore, #tpu.memory_space<semaphore_mem>>) src(%dma_wait3A_29 : memref<40x128xi32, #tpu.memory_space<hbm>>) dst(%arg5 : memref<40x128xi32, #tpu.memory_space<vmem>>)
      tpu.yield
    }) : () -> ()
    %mul3A_1 = arith.constant 5120 : i32
    %mul3A_2 = arith.muli %add3A, %mul3A_1 : i32
    %scan3A = arith.constant 0 : i32
    %scan3A_3 = arith.constant 0 : i32
    %scan3A_4 = arith.constant 20 : i32
    %scan3A_5 = arith.addi %scan3A_3, %scan3A_4 : i32
    %scan3A_6 = arith.constant 1 : i32
    scf.for %scan3A_15 = %scan3A_3 to %scan3A_5 step %scan3A_6  : i32 {
      %mul3A_16 = arith.constant 2 : i32
      %mul3A_17 = arith.muli %mul3A_16, %scan3A_15 : i32
      %add3A_18 = arith.constant 1 : i32
      %add3A_19 = arith.addi %mul3A_17, %add3A_18 : i32
      %gt3A = arith.constant 0 : i32
      %gt3A_20 = arith.cmpi sgt, %scan3A_15, %gt3A : i32
      %convert_element_type3A = arith.extui %gt3A_20 : i1 to i32
      %cond3A = arith.constant 0 : i32
      %cond3A_21 = arith.cmpi ne, %convert_element_type3A, %cond3A : i32
      scf.if %cond3A_21 {
        %dma_wait3A_59 = arith.constant 0 : i32
        %dma_wait3A_60 = tpu.memref_slice %arg4[%mul3A_2, %dma_wait3A_59] : memref<163840x128xf32, #tpu.memory_space<hbm>> -> memref<128x128xf32, #tpu.memory_space<hbm>>
        %dma_wait3A_61 = arith.constant 0 : i32
        %dma_wait3A_62 = tpu.memref_slice %arg4[%mul3A_2, %dma_wait3A_61] : memref<163840x128xf32, #tpu.memory_space<hbm>> -> memref<128x128xf32, #tpu.memory_space<hbm>>
        tpu.wait_dma2 semaphore(%arg10 : memref<!tpu.dma_semaphore, #tpu.memory_space<semaphore_mem>>) src(%arg6 : memref<128x128xf32, #tpu.memory_space<vmem>>) dst(%dma_wait3A_62 : memref<128x128xf32, #tpu.memory_space<hbm>>)
        %dma_wait3A_63 = arith.constant 0 : i32
        %dma_wait3A_64 = tpu.memref_slice %arg4[%mul3A_2, %dma_wait3A_63] : memref<163840x128xf32, #tpu.memory_space<hbm>> -> memref<128x128xf32, #tpu.memory_space<hbm>>
        %dma_wait3A_65 = arith.constant 0 : i32
        %dma_wait3A_66 = tpu.memref_slice %arg4[%mul3A_2, %dma_wait3A_65] : memref<163840x128xf32, #tpu.memory_space<hbm>> -> memref<128x128xf32, #tpu.memory_space<hbm>>
        tpu.wait_dma2 semaphore(%arg11 : memref<!tpu.dma_semaphore, #tpu.memory_space<semaphore_mem>>) src(%arg7 : memref<128x128xf32, #tpu.memory_space<vmem>>) dst(%dma_wait3A_66 : memref<128x128xf32, #tpu.memory_space<hbm>>)
      } else {
      }
      %dma_start3A = arith.constant 0 : i32
      %dma_start3A_22 = tpu.memref_slice %arg5[%mul3A_17, %dma_start3A] : memref<40x128xi32, #tpu.memory_space<vmem>> -> memref<1x128xi32, #tpu.memory_space<vmem>>
      %dma_start3A_23 = tpu.memref_squeeze %dma_start3A_22 : memref<1x128xi32, #tpu.memory_space<vmem>> -> memref<128xi32, #tpu.memory_space<vmem>>
      %dma_start3A_24 = arith.constant 0 : i32
      %dma_start3A_25 = arith.constant 0 : i32
      %dma_start3A_26 = tpu.memref_slice %arg2[%dma_start3A_24, %dma_start3A_25] : memref<10240x128xf32, #tpu.memory_space<hbm>> -> memref<10240x128xf32, #tpu.memory_space<hbm>>
      tpu.enqueue_indirect_dma source(%dma_start3A_26 : memref<10240x128xf32, #tpu.memory_space<hbm>>) target(%arg6 : memref<128x128xf32, #tpu.memory_space<vmem>>) offsets(%dma_start3A_23 : memref<128xi32, #tpu.memory_space<vmem>>) semaphore(%arg8 : memref<!tpu.dma_semaphore, #tpu.memory_space<semaphore_mem>>)
      %dma_start3A_27 = arith.constant 0 : i32
      %dma_start3A_28 = tpu.memref_slice %arg5[%add3A_19, %dma_start3A_27] : memref<40x128xi32, #tpu.memory_space<vmem>> -> memref<1x128xi32, #tpu.memory_space<vmem>>
      %dma_start3A_29 = tpu.memref_squeeze %dma_start3A_28 : memref<1x128xi32, #tpu.memory_space<vmem>> -> memref<128xi32, #tpu.memory_space<vmem>>
      %dma_start3A_30 = arith.constant 0 : i32
      %dma_start3A_31 = arith.constant 0 : i32
      %dma_start3A_32 = tpu.memref_slice %arg2[%dma_start3A_30, %dma_start3A_31] : memref<10240x128xf32, #tpu.memory_space<hbm>> -> memref<10240x128xf32, #tpu.memory_space<hbm>>
      tpu.enqueue_indirect_dma source(%dma_start3A_32 : memref<10240x128xf32, #tpu.memory_space<hbm>>) target(%arg7 : memref<128x128xf32, #tpu.memory_space<vmem>>) offsets(%dma_start3A_29 : memref<128xi32, #tpu.memory_space<vmem>>) semaphore(%arg9 : memref<!tpu.dma_semaphore, #tpu.memory_space<semaphore_mem>>)
      %dma_wait3A_33 = arith.constant 0 : i32
      %dma_wait3A_34 = tpu.memref_slice %arg5[%mul3A_17, %dma_wait3A_33] : memref<40x128xi32, #tpu.memory_space<vmem>> -> memref<1x128xi32, #tpu.memory_space<vmem>>
      %dma_wait3A_35 = tpu.memref_squeeze %dma_wait3A_34 : memref<1x128xi32, #tpu.memory_space<vmem>> -> memref<128xi32, #tpu.memory_space<vmem>>
      %dma_wait3A_36 = arith.constant 0 : i32
      %dma_wait3A_37 = arith.constant 0 : i32
      %dma_wait3A_38 = tpu.memref_slice %arg2[%dma_wait3A_36, %dma_wait3A_37] : memref<10240x128xf32, #tpu.memory_space<hbm>> -> memref<10240x128xf32, #tpu.memory_space<hbm>>
      tpu.wait_indirect_dma semaphore(%arg8 : memref<!tpu.dma_semaphore, #tpu.memory_space<semaphore_mem>>) src(%dma_wait3A_38 : memref<10240x128xf32, #tpu.memory_space<hbm>>) dst(%arg6 : memref<128x128xf32, #tpu.memory_space<vmem>>)
      %mul3A_39 = arith.constant 128 : i32
      %mul3A_40 = arith.muli %mul3A_17, %mul3A_39 : i32
      %add3A_41 = arith.addi %mul3A_2, %mul3A_40 : i32
      %dma_start3A_42 = arith.constant 0 : i32
      %dma_start3A_43 = tpu.memref_slice %arg4[%add3A_41, %dma_start3A_42] : memref<163840x128xf32, #tpu.memory_space<hbm>> -> memref<128x128xf32, #tpu.memory_space<hbm>>
      %dma_start3A_44 = arith.constant 0 : i32
      %dma_start3A_45 = tpu.memref_slice %arg4[%add3A_41, %dma_start3A_44] : memref<163840x128xf32, #tpu.memory_space<hbm>> -> memref<128x128xf32, #tpu.memory_space<hbm>>
      tpu.enqueue_dma source(%arg6 : memref<128x128xf32, #tpu.memory_space<vmem>>) target(%dma_start3A_45 : memref<128x128xf32, #tpu.memory_space<hbm>>) target_semaphore(%arg10 : memref<!tpu.dma_semaphore, #tpu.memory_space<semaphore_mem>>)
      %dma_wait3A_46 = arith.constant 0 : i32
      %dma_wait3A_47 = tpu.memref_slice %arg5[%add3A_19, %dma_wait3A_46] : memref<40x128xi32, #tpu.memory_space<vmem>> -> memref<1x128xi32, #tpu.memory_space<vmem>>
      %dma_wait3A_48 = tpu.memref_squeeze %dma_wait3A_47 : memref<1x128xi32, #tpu.memory_space<vmem>> -> memref<128xi32, #tpu.memory_space<vmem>>
      %dma_wait3A_49 = arith.constant 0 : i32
      %dma_wait3A_50 = arith.constant 0 : i32
      %dma_wait3A_51 = tpu.memref_slice %arg2[%dma_wait3A_49, %dma_wait3A_50] : memref<10240x128xf32, #tpu.memory_space<hbm>> -> memref<10240x128xf32, #tpu.memory_space<hbm>>
      tpu.wait_indirect_dma semaphore(%arg9 : memref<!tpu.dma_semaphore, #tpu.memory_space<semaphore_mem>>) src(%dma_wait3A_51 : memref<10240x128xf32, #tpu.memory_space<hbm>>) dst(%arg7 : memref<128x128xf32, #tpu.memory_space<vmem>>)
      %mul3A_52 = arith.constant 128 : i32
      %mul3A_53 = arith.muli %add3A_19, %mul3A_52 : i32
      %add3A_54 = arith.addi %mul3A_2, %mul3A_53 : i32
      %dma_start3A_55 = arith.constant 0 : i32
      %dma_start3A_56 = tpu.memref_slice %arg4[%add3A_54, %dma_start3A_55] : memref<163840x128xf32, #tpu.memory_space<hbm>> -> memref<128x128xf32, #tpu.memory_space<hbm>>
      %dma_start3A_57 = arith.constant 0 : i32
      %dma_start3A_58 = tpu.memref_slice %arg4[%add3A_54, %dma_start3A_57] : memref<163840x128xf32, #tpu.memory_space<hbm>> -> memref<128x128xf32, #tpu.memory_space<hbm>>
      tpu.enqueue_dma source(%arg7 : memref<128x128xf32, #tpu.memory_space<vmem>>) target(%dma_start3A_58 : memref<128x128xf32, #tpu.memory_space<hbm>>) target_semaphore(%arg11 : memref<!tpu.dma_semaphore, #tpu.memory_space<semaphore_mem>>)
    }
    %scan3A_7 = arith.constant 20 : i32
    %dma_wait3A = arith.constant 0 : i32
    %dma_wait3A_8 = tpu.memref_slice %arg4[%mul3A_2, %dma_wait3A] : memref<163840x128xf32, #tpu.memory_space<hbm>> -> memref<128x128xf32, #tpu.memory_space<hbm>>
    %dma_wait3A_9 = arith.constant 0 : i32
    %dma_wait3A_10 = tpu.memref_slice %arg4[%mul3A_2, %dma_wait3A_9] : memref<163840x128xf32, #tpu.memory_space<hbm>> -> memref<128x128xf32, #tpu.memory_space<hbm>>
    tpu.wait_dma2 semaphore(%arg10 : memref<!tpu.dma_semaphore, #tpu.memory_space<semaphore_mem>>) src(%arg6 : memref<128x128xf32, #tpu.memory_space<vmem>>) dst(%dma_wait3A_10 : memref<128x128xf32, #tpu.memory_space<hbm>>)
    %dma_wait3A_11 = arith.constant 0 : i32
    %dma_wait3A_12 = tpu.memref_slice %arg4[%mul3A_2, %dma_wait3A_11] : memref<163840x128xf32, #tpu.memory_space<hbm>> -> memref<128x128xf32, #tpu.memory_space<hbm>>
    %dma_wait3A_13 = arith.constant 0 : i32
    %dma_wait3A_14 = tpu.memref_slice %arg4[%mul3A_2, %dma_wait3A_13] : memref<163840x128xf32, #tpu.memory_space<hbm>> -> memref<128x128xf32, #tpu.memory_space<hbm>>
    tpu.wait_dma2 semaphore(%arg11 : memref<!tpu.dma_semaphore, #tpu.memory_space<semaphore_mem>>) src(%arg7 : memref<128x128xf32, #tpu.memory_space<vmem>>) dst(%dma_wait3A_14 : memref<128x128xf32, #tpu.memory_space<hbm>>)
    return
  }
}

#map = affine_map<(d0, d1) -> (0, 0)>
#map1 = affine_map<(d0, d1) -> (0, 0, 0)>
module attributes {stable_mosaic.version = 14 : i64} {
  func.func @gather_k(%arg0: i32, %arg1: i32, %arg2: memref<10240x128xf32, #tpu.memory_space<hbm>>, %arg3: memref<32x40x128xi32, #tpu.memory_space<hbm>>, %arg4: memref<163840x128xf32, #tpu.memory_space<hbm>>, %arg5: memref<40x128xi32, #tpu.memory_space<vmem>>, %arg6: memref<128x128xf32, #tpu.memory_space<vmem>>, %arg7: memref<128x128xf32, #tpu.memory_space<vmem>>, %arg8: memref<!tpu.dma_semaphore, #tpu.memory_space<semaphore_mem>>, %arg9: memref<!tpu.dma_semaphore, #tpu.memory_space<semaphore_mem>>, %arg10: memref<!tpu.dma_semaphore, #tpu.memory_space<semaphore_mem>>, %arg11: memref<!tpu.dma_semaphore, #tpu.memory_space<semaphore_mem>>) attributes {dimension_semantics = [#tpu.dimension_semantics<core_parallel>, #tpu.dimension_semantics<subcore_parallel>], iteration_bounds = array<i64: 2, 16>, scalar_prefetch = 0 : i64, scratch_operands = 7 : i64, tpu.core_type = #tpu.core_type<sc_vector_subcore>, window_params = [{transform_indices = #map}, {transform_indices = #map1}, {transform_indices = #map}]} {
    %mul3A = arith.constant 2 : i32
    %mul3A_0 = arith.muli %arg1, %mul3A : i32
    %add3A = arith.addi %mul3A_0, %arg0 : i32
    "tpu.region"() ({
      %run_scoped3A = tpu.sem_alloc : memref<!tpu.dma_semaphore, #tpu.memory_space<semaphore_mem>>
      %dma_start3A = arith.constant 0 : i32
      %dma_start3A_15 = arith.constant 0 : i32
      %dma_start3A_16 = tpu.memref_slice %arg3[%add3A, %dma_start3A, %dma_start3A_15] : memref<32x40x128xi32, #tpu.memory_space<hbm>> -> memref<1x40x128xi32, #tpu.memory_space<hbm>>
      %dma_start3A_17 = tpu.memref_squeeze %dma_start3A_16 : memref<1x40x128xi32, #tpu.memory_space<hbm>> -> memref<40x128xi32, #tpu.memory_space<hbm>>
      %dma_start3A_18 = arith.constant 0 : i32
      %dma_start3A_19 = arith.constant 0 : i32
      %dma_start3A_20 = tpu.memref_slice %arg3[%add3A, %dma_start3A_18, %dma_start3A_19] : memref<32x40x128xi32, #tpu.memory_space<hbm>> -> memref<1x40x128xi32, #tpu.memory_space<hbm>>
      %dma_start3A_21 = tpu.memref_squeeze %dma_start3A_20 : memref<1x40x128xi32, #tpu.memory_space<hbm>> -> memref<40x128xi32, #tpu.memory_space<hbm>>
      tpu.enqueue_dma source(%dma_start3A_21 : memref<40x128xi32, #tpu.memory_space<hbm>>) target(%arg5 : memref<40x128xi32, #tpu.memory_space<vmem>>) target_semaphore(%run_scoped3A : memref<!tpu.dma_semaphore, #tpu.memory_space<semaphore_mem>>)
      %dma_wait3A_22 = arith.constant 0 : i32
      %dma_wait3A_23 = arith.constant 0 : i32
      %dma_wait3A_24 = tpu.memref_slice %arg3[%add3A, %dma_wait3A_22, %dma_wait3A_23] : memref<32x40x128xi32, #tpu.memory_space<hbm>> -> memref<1x40x128xi32, #tpu.memory_space<hbm>>
      %dma_wait3A_25 = tpu.memref_squeeze %dma_wait3A_24 : memref<1x40x128xi32, #tpu.memory_space<hbm>> -> memref<40x128xi32, #tpu.memory_space<hbm>>
      %dma_wait3A_26 = arith.constant 0 : i32
      %dma_wait3A_27 = arith.constant 0 : i32
      %dma_wait3A_28 = tpu.memref_slice %arg3[%add3A, %dma_wait3A_26, %dma_wait3A_27] : memref<32x40x128xi32, #tpu.memory_space<hbm>> -> memref<1x40x128xi32, #tpu.memory_space<hbm>>
      %dma_wait3A_29 = tpu.memref_squeeze %dma_wait3A_28 : memref<1x40x128xi32, #tpu.memory_space<hbm>> -> memref<40x128xi32, #tpu.memory_space<hbm>>
      tpu.wait_dma2 semaphore(%run_scoped3A : memref<!tpu.dma_semaphore, #tpu.memory_space<semaphore_mem>>) src(%dma_wait3A_29 : memref<40x128xi32, #tpu.memory_space<hbm>>) dst(%arg5 : memref<40x128xi32, #tpu.memory_space<vmem>>)
      tpu.yield
    }) : () -> ()
    %mul3A_1 = arith.constant 5120 : i32
    %mul3A_2 = arith.muli %add3A, %mul3A_1 : i32
    %scan3A = arith.constant 0 : i32
    %scan3A_3 = arith.constant 0 : i32
    %scan3A_4 = arith.constant 20 : i32
    %scan3A_5 = arith.addi %scan3A_3, %scan3A_4 : i32
    %scan3A_6 = arith.constant 1 : i32
    scf.for %scan3A_15 = %scan3A_3 to %scan3A_5 step %scan3A_6  : i32 {
      %mul3A_16 = arith.constant 2 : i32
      %mul3A_17 = arith.muli %mul3A_16, %scan3A_15 : i32
      %add3A_18 = arith.constant 1 : i32
      %add3A_19 = arith.addi %mul3A_17, %add3A_18 : i32
      %gt3A = arith.constant 0 : i32
      %gt3A_20 = arith.cmpi sgt, %scan3A_15, %gt3A : i32
      %convert_element_type3A = arith.extui %gt3A_20 : i1 to i32
      %cond3A = arith.constant 0 : i32
      %cond3A_21 = arith.cmpi ne, %convert_element_type3A, %cond3A : i32
      scf.if %cond3A_21 {
        %dma_wait3A_59 = arith.constant 0 : i32
        %dma_wait3A_60 = tpu.memref_slice %arg4[%mul3A_2, %dma_wait3A_59] : memref<163840x128xf32, #tpu.memory_space<hbm>> -> memref<128x128xf32, #tpu.memory_space<hbm>>
        %dma_wait3A_61 = arith.constant 0 : i32
        %dma_wait3A_62 = tpu.memref_slice %arg4[%mul3A_2, %dma_wait3A_61] : memref<163840x128xf32, #tpu.memory_space<hbm>> -> memref<128x128xf32, #tpu.memory_space<hbm>>
        tpu.wait_dma2 semaphore(%arg10 : memref<!tpu.dma_semaphore, #tpu.memory_space<semaphore_mem>>) src(%arg6 : memref<128x128xf32, #tpu.memory_space<vmem>>) dst(%dma_wait3A_62 : memref<128x128xf32, #tpu.memory_space<hbm>>)
        %dma_wait3A_63 = arith.constant 0 : i32
        %dma_wait3A_64 = tpu.memref_slice %arg4[%mul3A_2, %dma_wait3A_63] : memref<163840x128xf32, #tpu.memory_space<hbm>> -> memref<128x128xf32, #tpu.memory_space<hbm>>
        %dma_wait3A_65 = arith.constant 0 : i32
        %dma_wait3A_66 = tpu.memref_slice %arg4[%mul3A_2, %dma_wait3A_65] : memref<163840x128xf32, #tpu.memory_space<hbm>> -> memref<128x128xf32, #tpu.memory_space<hbm>>
        tpu.wait_dma2 semaphore(%arg11 : memref<!tpu.dma_semaphore, #tpu.memory_space<semaphore_mem>>) src(%arg7 : memref<128x128xf32, #tpu.memory_space<vmem>>) dst(%dma_wait3A_66 : memref<128x128xf32, #tpu.memory_space<hbm>>)
      } else {
      }
      %dma_start3A = arith.constant 0 : i32
      %dma_start3A_22 = tpu.memref_slice %arg5[%mul3A_17, %dma_start3A] : memref<40x128xi32, #tpu.memory_space<vmem>> -> memref<1x128xi32, #tpu.memory_space<vmem>>
      %dma_start3A_23 = tpu.memref_squeeze %dma_start3A_22 : memref<1x128xi32, #tpu.memory_space<vmem>> -> memref<128xi32, #tpu.memory_space<vmem>>
      %dma_start3A_24 = arith.constant 0 : i32
      %dma_start3A_25 = arith.constant 0 : i32
      %dma_start3A_26 = tpu.memref_slice %arg2[%dma_start3A_24, %dma_start3A_25] : memref<10240x128xf32, #tpu.memory_space<hbm>> -> memref<10240x128xf32, #tpu.memory_space<hbm>>
      tpu.enqueue_indirect_dma source(%dma_start3A_26 : memref<10240x128xf32, #tpu.memory_space<hbm>>) target(%arg6 : memref<128x128xf32, #tpu.memory_space<vmem>>) offsets(%dma_start3A_23 : memref<128xi32, #tpu.memory_space<vmem>>) semaphore(%arg8 : memref<!tpu.dma_semaphore, #tpu.memory_space<semaphore_mem>>)
      %dma_start3A_27 = arith.constant 0 : i32
      %dma_start3A_28 = tpu.memref_slice %arg5[%add3A_19, %dma_start3A_27] : memref<40x128xi32, #tpu.memory_space<vmem>> -> memref<1x128xi32, #tpu.memory_space<vmem>>
      %dma_start3A_29 = tpu.memref_squeeze %dma_start3A_28 : memref<1x128xi32, #tpu.memory_space<vmem>> -> memref<128xi32, #tpu.memory_space<vmem>>
      %dma_start3A_30 = arith.constant 0 : i32
      %dma_start3A_31 = arith.constant 0 : i32
      %dma_start3A_32 = tpu.memref_slice %arg2[%dma_start3A_30, %dma_start3A_31] : memref<10240x128xf32, #tpu.memory_space<hbm>> -> memref<10240x128xf32, #tpu.memory_space<hbm>>
      tpu.enqueue_indirect_dma source(%dma_start3A_32 : memref<10240x128xf32, #tpu.memory_space<hbm>>) target(%arg7 : memref<128x128xf32, #tpu.memory_space<vmem>>) offsets(%dma_start3A_29 : memref<128xi32, #tpu.memory_space<vmem>>) semaphore(%arg9 : memref<!tpu.dma_semaphore, #tpu.memory_space<semaphore_mem>>)
      %dma_wait3A_33 = arith.constant 0 : i32
      %dma_wait3A_34 = tpu.memref_slice %arg5[%mul3A_17, %dma_wait3A_33] : memref<40x128xi32, #tpu.memory_space<vmem>> -> memref<1x128xi32, #tpu.memory_space<vmem>>
      %dma_wait3A_35 = tpu.memref_squeeze %dma_wait3A_34 : memref<1x128xi32, #tpu.memory_space<vmem>> -> memref<128xi32, #tpu.memory_space<vmem>>
      %dma_wait3A_36 = arith.constant 0 : i32
      %dma_wait3A_37 = arith.constant 0 : i32
      %dma_wait3A_38 = tpu.memref_slice %arg2[%dma_wait3A_36, %dma_wait3A_37] : memref<10240x128xf32, #tpu.memory_space<hbm>> -> memref<10240x128xf32, #tpu.memory_space<hbm>>
      tpu.wait_indirect_dma semaphore(%arg8 : memref<!tpu.dma_semaphore, #tpu.memory_space<semaphore_mem>>) src(%dma_wait3A_38 : memref<10240x128xf32, #tpu.memory_space<hbm>>) dst(%arg6 : memref<128x128xf32, #tpu.memory_space<vmem>>)
      %mul3A_39 = arith.constant 128 : i32
      %mul3A_40 = arith.muli %mul3A_17, %mul3A_39 : i32
      %add3A_41 = arith.addi %mul3A_2, %mul3A_40 : i32
      %dma_start3A_42 = arith.constant 0 : i32
      %dma_start3A_43 = tpu.memref_slice %arg4[%add3A_41, %dma_start3A_42] : memref<163840x128xf32, #tpu.memory_space<hbm>> -> memref<128x128xf32, #tpu.memory_space<hbm>>
      %dma_start3A_44 = arith.constant 0 : i32
      %dma_start3A_45 = tpu.memref_slice %arg4[%add3A_41, %dma_start3A_44] : memref<163840x128xf32, #tpu.memory_space<hbm>> -> memref<128x128xf32, #tpu.memory_space<hbm>>
      tpu.enqueue_dma source(%arg6 : memref<128x128xf32, #tpu.memory_space<vmem>>) target(%dma_start3A_45 : memref<128x128xf32, #tpu.memory_space<hbm>>) target_semaphore(%arg10 : memref<!tpu.dma_semaphore, #tpu.memory_space<semaphore_mem>>)
      %dma_wait3A_46 = arith.constant 0 : i32
      %dma_wait3A_47 = tpu.memref_slice %arg5[%add3A_19, %dma_wait3A_46] : memref<40x128xi32, #tpu.memory_space<vmem>> -> memref<1x128xi32, #tpu.memory_space<vmem>>
      %dma_wait3A_48 = tpu.memref_squeeze %dma_wait3A_47 : memref<1x128xi32, #tpu.memory_space<vmem>> -> memref<128xi32, #tpu.memory_space<vmem>>
      %dma_wait3A_49 = arith.constant 0 : i32
      %dma_wait3A_50 = arith.constant 0 : i32
      %dma_wait3A_51 = tpu.memref_slice %arg2[%dma_wait3A_49, %dma_wait3A_50] : memref<10240x128xf32, #tpu.memory_space<hbm>> -> memref<10240x128xf32, #tpu.memory_space<hbm>>
      tpu.wait_indirect_dma semaphore(%arg9 : memref<!tpu.dma_semaphore, #tpu.memory_space<semaphore_mem>>) src(%dma_wait3A_51 : memref<10240x128xf32, #tpu.memory_space<hbm>>) dst(%arg7 : memref<128x128xf32, #tpu.memory_space<vmem>>)
      %mul3A_52 = arith.constant 128 : i32
      %mul3A_53 = arith.muli %add3A_19, %mul3A_52 : i32
      %add3A_54 = arith.addi %mul3A_2, %mul3A_53 : i32
      %dma_start3A_55 = arith.constant 0 : i32
      %dma_start3A_56 = tpu.memref_slice %arg4[%add3A_54, %dma_start3A_55] : memref<163840x128xf32, #tpu.memory_space<hbm>> -> memref<128x128xf32, #tpu.memory_space<hbm>>
      %dma_start3A_57 = arith.constant 0 : i32
      %dma_start3A_58 = tpu.memref_slice %arg4[%add3A_54, %dma_start3A_57] : memref<163840x128xf32, #tpu.memory_space<hbm>> -> memref<128x128xf32, #tpu.memory_space<hbm>>
      tpu.enqueue_dma source(%arg7 : memref<128x128xf32, #tpu.memory_space<vmem>>) target(%dma_start3A_58 : memref<128x128xf32, #tpu.memory_space<hbm>>) target_semaphore(%arg11 : memref<!tpu.dma_semaphore, #tpu.memory_space<semaphore_mem>>)
    }
    %scan3A_7 = arith.constant 20 : i32
    %dma_wait3A = arith.constant 0 : i32
    %dma_wait3A_8 = tpu.memref_slice %arg4[%mul3A_2, %dma_wait3A] : memref<163840x128xf32, #tpu.memory_space<hbm>> -> memref<128x128xf32, #tpu.memory_space<hbm>>
    %dma_wait3A_9 = arith.constant 0 : i32
    %dma_wait3A_10 = tpu.memref_slice %arg4[%mul3A_2, %dma_wait3A_9] : memref<163840x128xf32, #tpu.memory_space<hbm>> -> memref<128x128xf32, #tpu.memory_space<hbm>>
    tpu.wait_dma2 semaphore(%arg10 : memref<!tpu.dma_semaphore, #tpu.memory_space<semaphore_mem>>) src(%arg6 : memref<128x128xf32, #tpu.memory_space<vmem>>) dst(%dma_wait3A_10 : memref<128x128xf32, #tpu.memory_space<hbm>>)
    %dma_wait3A_11 = arith.constant 0 : i32
    %dma_wait3A_12 = tpu.memref_slice %arg4[%mul3A_2, %dma_wait3A_11] : memref<163840x128xf32, #tpu.memory_space<hbm>> -> memref<128x128xf32, #tpu.memory_space<hbm>>
    %dma_wait3A_13 = arith.constant 0 : i32
    %dma_wait3A_14 = tpu.memref_slice %arg4[%mul3A_2, %dma_wait3A_13] : memref<163840x128xf32, #tpu.memory_space<hbm>> -> memref<128x128xf32, #tpu.memory_space<hbm>>
    tpu.wait_dma2 semaphore(%arg11 : memref<!tpu.dma_semaphore, #tpu.memory_space<semaphore_mem>>) src(%arg7 : memref<128x128xf32, #tpu.memory_space<vmem>>) dst(%dma_wait3A_14 : memref<128x128xf32, #tpu.memory_space<hbm>>)
    return
  }
}

#map = affine_map<(d0, d1) -> (0, 0)>
#map1 = affine_map<(d0, d1) -> (0, 0, 0)>
module attributes {stable_mosaic.version = 14 : i64} {
  func.func @gather_k(%arg0: i32, %arg1: i32, %arg2: memref<10240x128xf32, #tpu.memory_space<hbm>>, %arg3: memref<32x40x128xi32, #tpu.memory_space<hbm>>, %arg4: memref<163840x128xf32, #tpu.memory_space<hbm>>, %arg5: memref<40x128xi32, #tpu.memory_space<vmem>>, %arg6: memref<128x128xf32, #tpu.memory_space<vmem>>, %arg7: memref<128x128xf32, #tpu.memory_space<vmem>>, %arg8: memref<!tpu.dma_semaphore, #tpu.memory_space<semaphore_mem>>, %arg9: memref<!tpu.dma_semaphore, #tpu.memory_space<semaphore_mem>>, %arg10: memref<!tpu.dma_semaphore, #tpu.memory_space<semaphore_mem>>, %arg11: memref<!tpu.dma_semaphore, #tpu.memory_space<semaphore_mem>>) attributes {dimension_semantics = [#tpu.dimension_semantics<core_parallel>, #tpu.dimension_semantics<subcore_parallel>], iteration_bounds = array<i64: 2, 16>, scalar_prefetch = 0 : i64, scratch_operands = 7 : i64, tpu.core_type = #tpu.core_type<sc_vector_subcore>, window_params = [{transform_indices = #map}, {transform_indices = #map1}, {transform_indices = #map}]} {
    %mul3A = arith.constant 2 : i32
    %mul3A_0 = arith.muli %arg1, %mul3A : i32
    %add3A = arith.addi %mul3A_0, %arg0 : i32
    "tpu.region"() ({
      %run_scoped3A = tpu.sem_alloc : memref<!tpu.dma_semaphore, #tpu.memory_space<semaphore_mem>>
      %dma_start3A = arith.constant 0 : i32
      %dma_start3A_15 = arith.constant 0 : i32
      %dma_start3A_16 = tpu.memref_slice %arg3[%add3A, %dma_start3A, %dma_start3A_15] : memref<32x40x128xi32, #tpu.memory_space<hbm>> -> memref<1x40x128xi32, #tpu.memory_space<hbm>>
      %dma_start3A_17 = tpu.memref_squeeze %dma_start3A_16 : memref<1x40x128xi32, #tpu.memory_space<hbm>> -> memref<40x128xi32, #tpu.memory_space<hbm>>
      %dma_start3A_18 = arith.constant 0 : i32
      %dma_start3A_19 = arith.constant 0 : i32
      %dma_start3A_20 = tpu.memref_slice %arg3[%add3A, %dma_start3A_18, %dma_start3A_19] : memref<32x40x128xi32, #tpu.memory_space<hbm>> -> memref<1x40x128xi32, #tpu.memory_space<hbm>>
      %dma_start3A_21 = tpu.memref_squeeze %dma_start3A_20 : memref<1x40x128xi32, #tpu.memory_space<hbm>> -> memref<40x128xi32, #tpu.memory_space<hbm>>
      tpu.enqueue_dma source(%dma_start3A_21 : memref<40x128xi32, #tpu.memory_space<hbm>>) target(%arg5 : memref<40x128xi32, #tpu.memory_space<vmem>>) target_semaphore(%run_scoped3A : memref<!tpu.dma_semaphore, #tpu.memory_space<semaphore_mem>>)
      %dma_wait3A_22 = arith.constant 0 : i32
      %dma_wait3A_23 = arith.constant 0 : i32
      %dma_wait3A_24 = tpu.memref_slice %arg3[%add3A, %dma_wait3A_22, %dma_wait3A_23] : memref<32x40x128xi32, #tpu.memory_space<hbm>> -> memref<1x40x128xi32, #tpu.memory_space<hbm>>
      %dma_wait3A_25 = tpu.memref_squeeze %dma_wait3A_24 : memref<1x40x128xi32, #tpu.memory_space<hbm>> -> memref<40x128xi32, #tpu.memory_space<hbm>>
      %dma_wait3A_26 = arith.constant 0 : i32
      %dma_wait3A_27 = arith.constant 0 : i32
      %dma_wait3A_28 = tpu.memref_slice %arg3[%add3A, %dma_wait3A_26, %dma_wait3A_27] : memref<32x40x128xi32, #tpu.memory_space<hbm>> -> memref<1x40x128xi32, #tpu.memory_space<hbm>>
      %dma_wait3A_29 = tpu.memref_squeeze %dma_wait3A_28 : memref<1x40x128xi32, #tpu.memory_space<hbm>> -> memref<40x128xi32, #tpu.memory_space<hbm>>
      tpu.wait_dma2 semaphore(%run_scoped3A : memref<!tpu.dma_semaphore, #tpu.memory_space<semaphore_mem>>) src(%dma_wait3A_29 : memref<40x128xi32, #tpu.memory_space<hbm>>) dst(%arg5 : memref<40x128xi32, #tpu.memory_space<vmem>>)
      tpu.yield
    }) : () -> ()
    %mul3A_1 = arith.constant 5120 : i32
    %mul3A_2 = arith.muli %add3A, %mul3A_1 : i32
    %scan3A = arith.constant 0 : i32
    %scan3A_3 = arith.constant 0 : i32
    %scan3A_4 = arith.constant 20 : i32
    %scan3A_5 = arith.addi %scan3A_3, %scan3A_4 : i32
    %scan3A_6 = arith.constant 1 : i32
    scf.for %scan3A_15 = %scan3A_3 to %scan3A_5 step %scan3A_6  : i32 {
      %mul3A_16 = arith.constant 2 : i32
      %mul3A_17 = arith.muli %mul3A_16, %scan3A_15 : i32
      %add3A_18 = arith.constant 1 : i32
      %add3A_19 = arith.addi %mul3A_17, %add3A_18 : i32
      %gt3A = arith.constant 0 : i32
      %gt3A_20 = arith.cmpi sgt, %scan3A_15, %gt3A : i32
      %convert_element_type3A = arith.extui %gt3A_20 : i1 to i32
      %cond3A = arith.constant 0 : i32
      %cond3A_21 = arith.cmpi ne, %convert_element_type3A, %cond3A : i32
      scf.if %cond3A_21 {
        %dma_wait3A_59 = arith.constant 0 : i32
        %dma_wait3A_60 = tpu.memref_slice %arg4[%mul3A_2, %dma_wait3A_59] : memref<163840x128xf32, #tpu.memory_space<hbm>> -> memref<128x128xf32, #tpu.memory_space<hbm>>
        %dma_wait3A_61 = arith.constant 0 : i32
        %dma_wait3A_62 = tpu.memref_slice %arg4[%mul3A_2, %dma_wait3A_61] : memref<163840x128xf32, #tpu.memory_space<hbm>> -> memref<128x128xf32, #tpu.memory_space<hbm>>
        tpu.wait_dma2 semaphore(%arg10 : memref<!tpu.dma_semaphore, #tpu.memory_space<semaphore_mem>>) src(%arg6 : memref<128x128xf32, #tpu.memory_space<vmem>>) dst(%dma_wait3A_62 : memref<128x128xf32, #tpu.memory_space<hbm>>)
        %dma_wait3A_63 = arith.constant 0 : i32
        %dma_wait3A_64 = tpu.memref_slice %arg4[%mul3A_2, %dma_wait3A_63] : memref<163840x128xf32, #tpu.memory_space<hbm>> -> memref<128x128xf32, #tpu.memory_space<hbm>>
        %dma_wait3A_65 = arith.constant 0 : i32
        %dma_wait3A_66 = tpu.memref_slice %arg4[%mul3A_2, %dma_wait3A_65] : memref<163840x128xf32, #tpu.memory_space<hbm>> -> memref<128x128xf32, #tpu.memory_space<hbm>>
        tpu.wait_dma2 semaphore(%arg11 : memref<!tpu.dma_semaphore, #tpu.memory_space<semaphore_mem>>) src(%arg7 : memref<128x128xf32, #tpu.memory_space<vmem>>) dst(%dma_wait3A_66 : memref<128x128xf32, #tpu.memory_space<hbm>>)
      } else {
      }
      %dma_start3A = arith.constant 0 : i32
      %dma_start3A_22 = tpu.memref_slice %arg5[%mul3A_17, %dma_start3A] : memref<40x128xi32, #tpu.memory_space<vmem>> -> memref<1x128xi32, #tpu.memory_space<vmem>>
      %dma_start3A_23 = tpu.memref_squeeze %dma_start3A_22 : memref<1x128xi32, #tpu.memory_space<vmem>> -> memref<128xi32, #tpu.memory_space<vmem>>
      %dma_start3A_24 = arith.constant 0 : i32
      %dma_start3A_25 = arith.constant 0 : i32
      %dma_start3A_26 = tpu.memref_slice %arg2[%dma_start3A_24, %dma_start3A_25] : memref<10240x128xf32, #tpu.memory_space<hbm>> -> memref<10240x128xf32, #tpu.memory_space<hbm>>
      tpu.enqueue_indirect_dma source(%dma_start3A_26 : memref<10240x128xf32, #tpu.memory_space<hbm>>) target(%arg6 : memref<128x128xf32, #tpu.memory_space<vmem>>) offsets(%dma_start3A_23 : memref<128xi32, #tpu.memory_space<vmem>>) semaphore(%arg8 : memref<!tpu.dma_semaphore, #tpu.memory_space<semaphore_mem>>)
      %dma_start3A_27 = arith.constant 0 : i32
      %dma_start3A_28 = tpu.memref_slice %arg5[%add3A_19, %dma_start3A_27] : memref<40x128xi32, #tpu.memory_space<vmem>> -> memref<1x128xi32, #tpu.memory_space<vmem>>
      %dma_start3A_29 = tpu.memref_squeeze %dma_start3A_28 : memref<1x128xi32, #tpu.memory_space<vmem>> -> memref<128xi32, #tpu.memory_space<vmem>>
      %dma_start3A_30 = arith.constant 0 : i32
      %dma_start3A_31 = arith.constant 0 : i32
      %dma_start3A_32 = tpu.memref_slice %arg2[%dma_start3A_30, %dma_start3A_31] : memref<10240x128xf32, #tpu.memory_space<hbm>> -> memref<10240x128xf32, #tpu.memory_space<hbm>>
      tpu.enqueue_indirect_dma source(%dma_start3A_32 : memref<10240x128xf32, #tpu.memory_space<hbm>>) target(%arg7 : memref<128x128xf32, #tpu.memory_space<vmem>>) offsets(%dma_start3A_29 : memref<128xi32, #tpu.memory_space<vmem>>) semaphore(%arg9 : memref<!tpu.dma_semaphore, #tpu.memory_space<semaphore_mem>>)
      %dma_wait3A_33 = arith.constant 0 : i32
      %dma_wait3A_34 = tpu.memref_slice %arg5[%mul3A_17, %dma_wait3A_33] : memref<40x128xi32, #tpu.memory_space<vmem>> -> memref<1x128xi32, #tpu.memory_space<vmem>>
      %dma_wait3A_35 = tpu.memref_squeeze %dma_wait3A_34 : memref<1x128xi32, #tpu.memory_space<vmem>> -> memref<128xi32, #tpu.memory_space<vmem>>
      %dma_wait3A_36 = arith.constant 0 : i32
      %dma_wait3A_37 = arith.constant 0 : i32
      %dma_wait3A_38 = tpu.memref_slice %arg2[%dma_wait3A_36, %dma_wait3A_37] : memref<10240x128xf32, #tpu.memory_space<hbm>> -> memref<10240x128xf32, #tpu.memory_space<hbm>>
      tpu.wait_indirect_dma semaphore(%arg8 : memref<!tpu.dma_semaphore, #tpu.memory_space<semaphore_mem>>) src(%dma_wait3A_38 : memref<10240x128xf32, #tpu.memory_space<hbm>>) dst(%arg6 : memref<128x128xf32, #tpu.memory_space<vmem>>)
      %mul3A_39 = arith.constant 128 : i32
      %mul3A_40 = arith.muli %mul3A_17, %mul3A_39 : i32
      %add3A_41 = arith.addi %mul3A_2, %mul3A_40 : i32
      %dma_start3A_42 = arith.constant 0 : i32
      %dma_start3A_43 = tpu.memref_slice %arg4[%add3A_41, %dma_start3A_42] : memref<163840x128xf32, #tpu.memory_space<hbm>> -> memref<128x128xf32, #tpu.memory_space<hbm>>
      %dma_start3A_44 = arith.constant 0 : i32
      %dma_start3A_45 = tpu.memref_slice %arg4[%add3A_41, %dma_start3A_44] : memref<163840x128xf32, #tpu.memory_space<hbm>> -> memref<128x128xf32, #tpu.memory_space<hbm>>
      tpu.enqueue_dma source(%arg6 : memref<128x128xf32, #tpu.memory_space<vmem>>) target(%dma_start3A_45 : memref<128x128xf32, #tpu.memory_space<hbm>>) target_semaphore(%arg10 : memref<!tpu.dma_semaphore, #tpu.memory_space<semaphore_mem>>)
      %dma_wait3A_46 = arith.constant 0 : i32
      %dma_wait3A_47 = tpu.memref_slice %arg5[%add3A_19, %dma_wait3A_46] : memref<40x128xi32, #tpu.memory_space<vmem>> -> memref<1x128xi32, #tpu.memory_space<vmem>>
      %dma_wait3A_48 = tpu.memref_squeeze %dma_wait3A_47 : memref<1x128xi32, #tpu.memory_space<vmem>> -> memref<128xi32, #tpu.memory_space<vmem>>
      %dma_wait3A_49 = arith.constant 0 : i32
      %dma_wait3A_50 = arith.constant 0 : i32
      %dma_wait3A_51 = tpu.memref_slice %arg2[%dma_wait3A_49, %dma_wait3A_50] : memref<10240x128xf32, #tpu.memory_space<hbm>> -> memref<10240x128xf32, #tpu.memory_space<hbm>>
      tpu.wait_indirect_dma semaphore(%arg9 : memref<!tpu.dma_semaphore, #tpu.memory_space<semaphore_mem>>) src(%dma_wait3A_51 : memref<10240x128xf32, #tpu.memory_space<hbm>>) dst(%arg7 : memref<128x128xf32, #tpu.memory_space<vmem>>)
      %mul3A_52 = arith.constant 128 : i32
      %mul3A_53 = arith.muli %add3A_19, %mul3A_52 : i32
      %add3A_54 = arith.addi %mul3A_2, %mul3A_53 : i32
      %dma_start3A_55 = arith.constant 0 : i32
      %dma_start3A_56 = tpu.memref_slice %arg4[%add3A_54, %dma_start3A_55] : memref<163840x128xf32, #tpu.memory_space<hbm>> -> memref<128x128xf32, #tpu.memory_space<hbm>>
      %dma_start3A_57 = arith.constant 0 : i32
      %dma_start3A_58 = tpu.memref_slice %arg4[%add3A_54, %dma_start3A_57] : memref<163840x128xf32, #tpu.memory_space<hbm>> -> memref<128x128xf32, #tpu.memory_space<hbm>>
      tpu.enqueue_dma source(%arg7 : memref<128x128xf32, #tpu.memory_space<vmem>>) target(%dma_start3A_58 : memref<128x128xf32, #tpu.memory_space<hbm>>) target_semaphore(%arg11 : memref<!tpu.dma_semaphore, #tpu.memory_space<semaphore_mem>>)
    }
    %scan3A_7 = arith.constant 20 : i32
    %dma_wait3A = arith.constant 0 : i32
    %dma_wait3A_8 = tpu.memref_slice %arg4[%mul3A_2, %dma_wait3A] : memref<163840x128xf32, #tpu.memory_space<hbm>> -> memref<128x128xf32, #tpu.memory_space<hbm>>
    %dma_wait3A_9 = arith.constant 0 : i32
    %dma_wait3A_10 = tpu.memref_slice %arg4[%mul3A_2, %dma_wait3A_9] : memref<163840x128xf32, #tpu.memory_space<hbm>> -> memref<128x128xf32, #tpu.memory_space<hbm>>
    tpu.wait_dma2 semaphore(%arg10 : memref<!tpu.dma_semaphore, #tpu.memory_space<semaphore_mem>>) src(%arg6 : memref<128x128xf32, #tpu.memory_space<vmem>>) dst(%dma_wait3A_10 : memref<128x128xf32, #tpu.memory_space<hbm>>)
    %dma_wait3A_11 = arith.constant 0 : i32
    %dma_wait3A_12 = tpu.memref_slice %arg4[%mul3A_2, %dma_wait3A_11] : memref<163840x128xf32, #tpu.memory_space<hbm>> -> memref<128x128xf32, #tpu.memory_space<hbm>>
    %dma_wait3A_13 = arith.constant 0 : i32
    %dma_wait3A_14 = tpu.memref_slice %arg4[%mul3A_2, %dma_wait3A_13] : memref<163840x128xf32, #tpu.memory_space<hbm>> -> memref<128x128xf32, #tpu.memory_space<hbm>>
    tpu.wait_dma2 semaphore(%arg11 : memref<!tpu.dma_semaphore, #tpu.memory_space<semaphore_mem>>) src(%arg7 : memref<128x128xf32, #tpu.memory_space<vmem>>) dst(%dma_wait3A_14 : memref<128x128xf32, #tpu.memory_space<hbm>>)
    return
  }
}

#map = affine_map<(d0, d1) -> (0, 0)>
#map1 = affine_map<(d0, d1) -> (0, 0, 0)>
module attributes {stable_mosaic.version = 14 : i64} {
  func.func @gather_k(%arg0: i32, %arg1: i32, %arg2: memref<10240x128xf32, #tpu.memory_space<hbm>>, %arg3: memref<32x40x128xi32, #tpu.memory_space<hbm>>, %arg4: memref<163840x128xf32, #tpu.memory_space<hbm>>, %arg5: memref<40x128xi32, #tpu.memory_space<vmem>>, %arg6: memref<128x128xf32, #tpu.memory_space<vmem>>, %arg7: memref<128x128xf32, #tpu.memory_space<vmem>>, %arg8: memref<!tpu.dma_semaphore, #tpu.memory_space<semaphore_mem>>, %arg9: memref<!tpu.dma_semaphore, #tpu.memory_space<semaphore_mem>>, %arg10: memref<!tpu.dma_semaphore, #tpu.memory_space<semaphore_mem>>, %arg11: memref<!tpu.dma_semaphore, #tpu.memory_space<semaphore_mem>>) attributes {dimension_semantics = [#tpu.dimension_semantics<core_parallel>, #tpu.dimension_semantics<subcore_parallel>], iteration_bounds = array<i64: 2, 16>, scalar_prefetch = 0 : i64, scratch_operands = 7 : i64, tpu.core_type = #tpu.core_type<sc_vector_subcore>, window_params = [{transform_indices = #map}, {transform_indices = #map1}, {transform_indices = #map}]} {
    %mul3A = arith.constant 2 : i32
    %mul3A_0 = arith.muli %arg1, %mul3A : i32
    %add3A = arith.addi %mul3A_0, %arg0 : i32
    "tpu.region"() ({
      %run_scoped3A = tpu.sem_alloc : memref<!tpu.dma_semaphore, #tpu.memory_space<semaphore_mem>>
      %dma_start3A = arith.constant 0 : i32
      %dma_start3A_15 = arith.constant 0 : i32
      %dma_start3A_16 = tpu.memref_slice %arg3[%add3A, %dma_start3A, %dma_start3A_15] : memref<32x40x128xi32, #tpu.memory_space<hbm>> -> memref<1x40x128xi32, #tpu.memory_space<hbm>>
      %dma_start3A_17 = tpu.memref_squeeze %dma_start3A_16 : memref<1x40x128xi32, #tpu.memory_space<hbm>> -> memref<40x128xi32, #tpu.memory_space<hbm>>
      %dma_start3A_18 = arith.constant 0 : i32
      %dma_start3A_19 = arith.constant 0 : i32
      %dma_start3A_20 = tpu.memref_slice %arg3[%add3A, %dma_start3A_18, %dma_start3A_19] : memref<32x40x128xi32, #tpu.memory_space<hbm>> -> memref<1x40x128xi32, #tpu.memory_space<hbm>>
      %dma_start3A_21 = tpu.memref_squeeze %dma_start3A_20 : memref<1x40x128xi32, #tpu.memory_space<hbm>> -> memref<40x128xi32, #tpu.memory_space<hbm>>
      tpu.enqueue_dma source(%dma_start3A_21 : memref<40x128xi32, #tpu.memory_space<hbm>>) target(%arg5 : memref<40x128xi32, #tpu.memory_space<vmem>>) target_semaphore(%run_scoped3A : memref<!tpu.dma_semaphore, #tpu.memory_space<semaphore_mem>>)
      %dma_wait3A_22 = arith.constant 0 : i32
      %dma_wait3A_23 = arith.constant 0 : i32
      %dma_wait3A_24 = tpu.memref_slice %arg3[%add3A, %dma_wait3A_22, %dma_wait3A_23] : memref<32x40x128xi32, #tpu.memory_space<hbm>> -> memref<1x40x128xi32, #tpu.memory_space<hbm>>
      %dma_wait3A_25 = tpu.memref_squeeze %dma_wait3A_24 : memref<1x40x128xi32, #tpu.memory_space<hbm>> -> memref<40x128xi32, #tpu.memory_space<hbm>>
      %dma_wait3A_26 = arith.constant 0 : i32
      %dma_wait3A_27 = arith.constant 0 : i32
      %dma_wait3A_28 = tpu.memref_slice %arg3[%add3A, %dma_wait3A_26, %dma_wait3A_27] : memref<32x40x128xi32, #tpu.memory_space<hbm>> -> memref<1x40x128xi32, #tpu.memory_space<hbm>>
      %dma_wait3A_29 = tpu.memref_squeeze %dma_wait3A_28 : memref<1x40x128xi32, #tpu.memory_space<hbm>> -> memref<40x128xi32, #tpu.memory_space<hbm>>
      tpu.wait_dma2 semaphore(%run_scoped3A : memref<!tpu.dma_semaphore, #tpu.memory_space<semaphore_mem>>) src(%dma_wait3A_29 : memref<40x128xi32, #tpu.memory_space<hbm>>) dst(%arg5 : memref<40x128xi32, #tpu.memory_space<vmem>>)
      tpu.yield
    }) : () -> ()
    %mul3A_1 = arith.constant 5120 : i32
    %mul3A_2 = arith.muli %add3A, %mul3A_1 : i32
    %scan3A = arith.constant 0 : i32
    %scan3A_3 = arith.constant 0 : i32
    %scan3A_4 = arith.constant 20 : i32
    %scan3A_5 = arith.addi %scan3A_3, %scan3A_4 : i32
    %scan3A_6 = arith.constant 1 : i32
    scf.for %scan3A_15 = %scan3A_3 to %scan3A_5 step %scan3A_6  : i32 {
      %mul3A_16 = arith.constant 2 : i32
      %mul3A_17 = arith.muli %mul3A_16, %scan3A_15 : i32
      %add3A_18 = arith.constant 1 : i32
      %add3A_19 = arith.addi %mul3A_17, %add3A_18 : i32
      %gt3A = arith.constant 0 : i32
      %gt3A_20 = arith.cmpi sgt, %scan3A_15, %gt3A : i32
      %convert_element_type3A = arith.extui %gt3A_20 : i1 to i32
      %cond3A = arith.constant 0 : i32
      %cond3A_21 = arith.cmpi ne, %convert_element_type3A, %cond3A : i32
      scf.if %cond3A_21 {
        %dma_wait3A_59 = arith.constant 0 : i32
        %dma_wait3A_60 = tpu.memref_slice %arg4[%mul3A_2, %dma_wait3A_59] : memref<163840x128xf32, #tpu.memory_space<hbm>> -> memref<128x128xf32, #tpu.memory_space<hbm>>
        %dma_wait3A_61 = arith.constant 0 : i32
        %dma_wait3A_62 = tpu.memref_slice %arg4[%mul3A_2, %dma_wait3A_61] : memref<163840x128xf32, #tpu.memory_space<hbm>> -> memref<128x128xf32, #tpu.memory_space<hbm>>
        tpu.wait_dma2 semaphore(%arg10 : memref<!tpu.dma_semaphore, #tpu.memory_space<semaphore_mem>>) src(%arg6 : memref<128x128xf32, #tpu.memory_space<vmem>>) dst(%dma_wait3A_62 : memref<128x128xf32, #tpu.memory_space<hbm>>)
        %dma_wait3A_63 = arith.constant 0 : i32
        %dma_wait3A_64 = tpu.memref_slice %arg4[%mul3A_2, %dma_wait3A_63] : memref<163840x128xf32, #tpu.memory_space<hbm>> -> memref<128x128xf32, #tpu.memory_space<hbm>>
        %dma_wait3A_65 = arith.constant 0 : i32
        %dma_wait3A_66 = tpu.memref_slice %arg4[%mul3A_2, %dma_wait3A_65] : memref<163840x128xf32, #tpu.memory_space<hbm>> -> memref<128x128xf32, #tpu.memory_space<hbm>>
        tpu.wait_dma2 semaphore(%arg11 : memref<!tpu.dma_semaphore, #tpu.memory_space<semaphore_mem>>) src(%arg7 : memref<128x128xf32, #tpu.memory_space<vmem>>) dst(%dma_wait3A_66 : memref<128x128xf32, #tpu.memory_space<hbm>>)
      } else {
      }
      %dma_start3A = arith.constant 0 : i32
      %dma_start3A_22 = tpu.memref_slice %arg5[%mul3A_17, %dma_start3A] : memref<40x128xi32, #tpu.memory_space<vmem>> -> memref<1x128xi32, #tpu.memory_space<vmem>>
      %dma_start3A_23 = tpu.memref_squeeze %dma_start3A_22 : memref<1x128xi32, #tpu.memory_space<vmem>> -> memref<128xi32, #tpu.memory_space<vmem>>
      %dma_start3A_24 = arith.constant 0 : i32
      %dma_start3A_25 = arith.constant 0 : i32
      %dma_start3A_26 = tpu.memref_slice %arg2[%dma_start3A_24, %dma_start3A_25] : memref<10240x128xf32, #tpu.memory_space<hbm>> -> memref<10240x128xf32, #tpu.memory_space<hbm>>
      tpu.enqueue_indirect_dma source(%dma_start3A_26 : memref<10240x128xf32, #tpu.memory_space<hbm>>) target(%arg6 : memref<128x128xf32, #tpu.memory_space<vmem>>) offsets(%dma_start3A_23 : memref<128xi32, #tpu.memory_space<vmem>>) semaphore(%arg8 : memref<!tpu.dma_semaphore, #tpu.memory_space<semaphore_mem>>)
      %dma_start3A_27 = arith.constant 0 : i32
      %dma_start3A_28 = tpu.memref_slice %arg5[%add3A_19, %dma_start3A_27] : memref<40x128xi32, #tpu.memory_space<vmem>> -> memref<1x128xi32, #tpu.memory_space<vmem>>
      %dma_start3A_29 = tpu.memref_squeeze %dma_start3A_28 : memref<1x128xi32, #tpu.memory_space<vmem>> -> memref<128xi32, #tpu.memory_space<vmem>>
      %dma_start3A_30 = arith.constant 0 : i32
      %dma_start3A_31 = arith.constant 0 : i32
      %dma_start3A_32 = tpu.memref_slice %arg2[%dma_start3A_30, %dma_start3A_31] : memref<10240x128xf32, #tpu.memory_space<hbm>> -> memref<10240x128xf32, #tpu.memory_space<hbm>>
      tpu.enqueue_indirect_dma source(%dma_start3A_32 : memref<10240x128xf32, #tpu.memory_space<hbm>>) target(%arg7 : memref<128x128xf32, #tpu.memory_space<vmem>>) offsets(%dma_start3A_29 : memref<128xi32, #tpu.memory_space<vmem>>) semaphore(%arg9 : memref<!tpu.dma_semaphore, #tpu.memory_space<semaphore_mem>>)
      %dma_wait3A_33 = arith.constant 0 : i32
      %dma_wait3A_34 = tpu.memref_slice %arg5[%mul3A_17, %dma_wait3A_33] : memref<40x128xi32, #tpu.memory_space<vmem>> -> memref<1x128xi32, #tpu.memory_space<vmem>>
      %dma_wait3A_35 = tpu.memref_squeeze %dma_wait3A_34 : memref<1x128xi32, #tpu.memory_space<vmem>> -> memref<128xi32, #tpu.memory_space<vmem>>
      %dma_wait3A_36 = arith.constant 0 : i32
      %dma_wait3A_37 = arith.constant 0 : i32
      %dma_wait3A_38 = tpu.memref_slice %arg2[%dma_wait3A_36, %dma_wait3A_37] : memref<10240x128xf32, #tpu.memory_space<hbm>> -> memref<10240x128xf32, #tpu.memory_space<hbm>>
      tpu.wait_indirect_dma semaphore(%arg8 : memref<!tpu.dma_semaphore, #tpu.memory_space<semaphore_mem>>) src(%dma_wait3A_38 : memref<10240x128xf32, #tpu.memory_space<hbm>>) dst(%arg6 : memref<128x128xf32, #tpu.memory_space<vmem>>)
      %mul3A_39 = arith.constant 128 : i32
      %mul3A_40 = arith.muli %mul3A_17, %mul3A_39 : i32
      %add3A_41 = arith.addi %mul3A_2, %mul3A_40 : i32
      %dma_start3A_42 = arith.constant 0 : i32
      %dma_start3A_43 = tpu.memref_slice %arg4[%add3A_41, %dma_start3A_42] : memref<163840x128xf32, #tpu.memory_space<hbm>> -> memref<128x128xf32, #tpu.memory_space<hbm>>
      %dma_start3A_44 = arith.constant 0 : i32
      %dma_start3A_45 = tpu.memref_slice %arg4[%add3A_41, %dma_start3A_44] : memref<163840x128xf32, #tpu.memory_space<hbm>> -> memref<128x128xf32, #tpu.memory_space<hbm>>
      tpu.enqueue_dma source(%arg6 : memref<128x128xf32, #tpu.memory_space<vmem>>) target(%dma_start3A_45 : memref<128x128xf32, #tpu.memory_space<hbm>>) target_semaphore(%arg10 : memref<!tpu.dma_semaphore, #tpu.memory_space<semaphore_mem>>)
      %dma_wait3A_46 = arith.constant 0 : i32
      %dma_wait3A_47 = tpu.memref_slice %arg5[%add3A_19, %dma_wait3A_46] : memref<40x128xi32, #tpu.memory_space<vmem>> -> memref<1x128xi32, #tpu.memory_space<vmem>>
      %dma_wait3A_48 = tpu.memref_squeeze %dma_wait3A_47 : memref<1x128xi32, #tpu.memory_space<vmem>> -> memref<128xi32, #tpu.memory_space<vmem>>
      %dma_wait3A_49 = arith.constant 0 : i32
      %dma_wait3A_50 = arith.constant 0 : i32
      %dma_wait3A_51 = tpu.memref_slice %arg2[%dma_wait3A_49, %dma_wait3A_50] : memref<10240x128xf32, #tpu.memory_space<hbm>> -> memref<10240x128xf32, #tpu.memory_space<hbm>>
      tpu.wait_indirect_dma semaphore(%arg9 : memref<!tpu.dma_semaphore, #tpu.memory_space<semaphore_mem>>) src(%dma_wait3A_51 : memref<10240x128xf32, #tpu.memory_space<hbm>>) dst(%arg7 : memref<128x128xf32, #tpu.memory_space<vmem>>)
      %mul3A_52 = arith.constant 128 : i32
      %mul3A_53 = arith.muli %add3A_19, %mul3A_52 : i32
      %add3A_54 = arith.addi %mul3A_2, %mul3A_53 : i32
      %dma_start3A_55 = arith.constant 0 : i32
      %dma_start3A_56 = tpu.memref_slice %arg4[%add3A_54, %dma_start3A_55] : memref<163840x128xf32, #tpu.memory_space<hbm>> -> memref<128x128xf32, #tpu.memory_space<hbm>>
      %dma_start3A_57 = arith.constant 0 : i32
      %dma_start3A_58 = tpu.memref_slice %arg4[%add3A_54, %dma_start3A_57] : memref<163840x128xf32, #tpu.memory_space<hbm>> -> memref<128x128xf32, #tpu.memory_space<hbm>>
      tpu.enqueue_dma source(%arg7 : memref<128x128xf32, #tpu.memory_space<vmem>>) target(%dma_start3A_58 : memref<128x128xf32, #tpu.memory_space<hbm>>) target_semaphore(%arg11 : memref<!tpu.dma_semaphore, #tpu.memory_space<semaphore_mem>>)
    }
    %scan3A_7 = arith.constant 20 : i32
    %dma_wait3A = arith.constant 0 : i32
    %dma_wait3A_8 = tpu.memref_slice %arg4[%mul3A_2, %dma_wait3A] : memref<163840x128xf32, #tpu.memory_space<hbm>> -> memref<128x128xf32, #tpu.memory_space<hbm>>
    %dma_wait3A_9 = arith.constant 0 : i32
    %dma_wait3A_10 = tpu.memref_slice %arg4[%mul3A_2, %dma_wait3A_9] : memref<163840x128xf32, #tpu.memory_space<hbm>> -> memref<128x128xf32, #tpu.memory_space<hbm>>
    tpu.wait_dma2 semaphore(%arg10 : memref<!tpu.dma_semaphore, #tpu.memory_space<semaphore_mem>>) src(%arg6 : memref<128x128xf32, #tpu.memory_space<vmem>>) dst(%dma_wait3A_10 : memref<128x128xf32, #tpu.memory_space<hbm>>)
    %dma_wait3A_11 = arith.constant 0 : i32
    %dma_wait3A_12 = tpu.memref_slice %arg4[%mul3A_2, %dma_wait3A_11] : memref<163840x128xf32, #tpu.memory_space<hbm>> -> memref<128x128xf32, #tpu.memory_space<hbm>>
    %dma_wait3A_13 = arith.constant 0 : i32
    %dma_wait3A_14 = tpu.memref_slice %arg4[%mul3A_2, %dma_wait3A_13] : memref<163840x128xf32, #tpu.memory_space<hbm>> -> memref<128x128xf32, #tpu.memory_space<hbm>>
    tpu.wait_dma2 semaphore(%arg11 : memref<!tpu.dma_semaphore, #tpu.memory_space<semaphore_mem>>) src(%arg7 : memref<128x128xf32, #tpu.memory_space<vmem>>) dst(%dma_wait3A_14 : memref<128x128xf32, #tpu.memory_space<hbm>>)
    return
  }
}

#map = affine_map<(d0, d1) -> (0, 0)>
#map1 = affine_map<(d0, d1) -> (0, 0, 0)>
module attributes {stable_mosaic.version = 14 : i64} {
  func.func @gather_k(%arg0: i32, %arg1: i32, %arg2: memref<10240x128xf32, #tpu.memory_space<hbm>>, %arg3: memref<32x40x128xi32, #tpu.memory_space<hbm>>, %arg4: memref<163840x128xf32, #tpu.memory_space<hbm>>, %arg5: memref<40x128xi32, #tpu.memory_space<vmem>>, %arg6: memref<128x128xf32, #tpu.memory_space<vmem>>, %arg7: memref<128x128xf32, #tpu.memory_space<vmem>>, %arg8: memref<!tpu.dma_semaphore, #tpu.memory_space<semaphore_mem>>, %arg9: memref<!tpu.dma_semaphore, #tpu.memory_space<semaphore_mem>>, %arg10: memref<!tpu.dma_semaphore, #tpu.memory_space<semaphore_mem>>, %arg11: memref<!tpu.dma_semaphore, #tpu.memory_space<semaphore_mem>>) attributes {dimension_semantics = [#tpu.dimension_semantics<core_parallel>, #tpu.dimension_semantics<subcore_parallel>], iteration_bounds = array<i64: 2, 16>, scalar_prefetch = 0 : i64, scratch_operands = 7 : i64, tpu.core_type = #tpu.core_type<sc_vector_subcore>, window_params = [{transform_indices = #map}, {transform_indices = #map1}, {transform_indices = #map}]} {
    %mul3A = arith.constant 2 : i32
    %mul3A_0 = arith.muli %arg1, %mul3A : i32
    %add3A = arith.addi %mul3A_0, %arg0 : i32
    "tpu.region"() ({
      %run_scoped3A = tpu.sem_alloc : memref<!tpu.dma_semaphore, #tpu.memory_space<semaphore_mem>>
      %dma_start3A = arith.constant 0 : i32
      %dma_start3A_15 = arith.constant 0 : i32
      %dma_start3A_16 = tpu.memref_slice %arg3[%add3A, %dma_start3A, %dma_start3A_15] : memref<32x40x128xi32, #tpu.memory_space<hbm>> -> memref<1x40x128xi32, #tpu.memory_space<hbm>>
      %dma_start3A_17 = tpu.memref_squeeze %dma_start3A_16 : memref<1x40x128xi32, #tpu.memory_space<hbm>> -> memref<40x128xi32, #tpu.memory_space<hbm>>
      %dma_start3A_18 = arith.constant 0 : i32
      %dma_start3A_19 = arith.constant 0 : i32
      %dma_start3A_20 = tpu.memref_slice %arg3[%add3A, %dma_start3A_18, %dma_start3A_19] : memref<32x40x128xi32, #tpu.memory_space<hbm>> -> memref<1x40x128xi32, #tpu.memory_space<hbm>>
      %dma_start3A_21 = tpu.memref_squeeze %dma_start3A_20 : memref<1x40x128xi32, #tpu.memory_space<hbm>> -> memref<40x128xi32, #tpu.memory_space<hbm>>
      tpu.enqueue_dma source(%dma_start3A_21 : memref<40x128xi32, #tpu.memory_space<hbm>>) target(%arg5 : memref<40x128xi32, #tpu.memory_space<vmem>>) target_semaphore(%run_scoped3A : memref<!tpu.dma_semaphore, #tpu.memory_space<semaphore_mem>>)
      %dma_wait3A_22 = arith.constant 0 : i32
      %dma_wait3A_23 = arith.constant 0 : i32
      %dma_wait3A_24 = tpu.memref_slice %arg3[%add3A, %dma_wait3A_22, %dma_wait3A_23] : memref<32x40x128xi32, #tpu.memory_space<hbm>> -> memref<1x40x128xi32, #tpu.memory_space<hbm>>
      %dma_wait3A_25 = tpu.memref_squeeze %dma_wait3A_24 : memref<1x40x128xi32, #tpu.memory_space<hbm>> -> memref<40x128xi32, #tpu.memory_space<hbm>>
      %dma_wait3A_26 = arith.constant 0 : i32
      %dma_wait3A_27 = arith.constant 0 : i32
      %dma_wait3A_28 = tpu.memref_slice %arg3[%add3A, %dma_wait3A_26, %dma_wait3A_27] : memref<32x40x128xi32, #tpu.memory_space<hbm>> -> memref<1x40x128xi32, #tpu.memory_space<hbm>>
      %dma_wait3A_29 = tpu.memref_squeeze %dma_wait3A_28 : memref<1x40x128xi32, #tpu.memory_space<hbm>> -> memref<40x128xi32, #tpu.memory_space<hbm>>
      tpu.wait_dma2 semaphore(%run_scoped3A : memref<!tpu.dma_semaphore, #tpu.memory_space<semaphore_mem>>) src(%dma_wait3A_29 : memref<40x128xi32, #tpu.memory_space<hbm>>) dst(%arg5 : memref<40x128xi32, #tpu.memory_space<vmem>>)
      tpu.yield
    }) : () -> ()
    %mul3A_1 = arith.constant 5120 : i32
    %mul3A_2 = arith.muli %add3A, %mul3A_1 : i32
    %scan3A = arith.constant 0 : i32
    %scan3A_3 = arith.constant 0 : i32
    %scan3A_4 = arith.constant 20 : i32
    %scan3A_5 = arith.addi %scan3A_3, %scan3A_4 : i32
    %scan3A_6 = arith.constant 1 : i32
    scf.for %scan3A_15 = %scan3A_3 to %scan3A_5 step %scan3A_6  : i32 {
      %mul3A_16 = arith.constant 2 : i32
      %mul3A_17 = arith.muli %mul3A_16, %scan3A_15 : i32
      %add3A_18 = arith.constant 1 : i32
      %add3A_19 = arith.addi %mul3A_17, %add3A_18 : i32
      %gt3A = arith.constant 0 : i32
      %gt3A_20 = arith.cmpi sgt, %scan3A_15, %gt3A : i32
      %convert_element_type3A = arith.extui %gt3A_20 : i1 to i32
      %cond3A = arith.constant 0 : i32
      %cond3A_21 = arith.cmpi ne, %convert_element_type3A, %cond3A : i32
      scf.if %cond3A_21 {
        %dma_wait3A_59 = arith.constant 0 : i32
        %dma_wait3A_60 = tpu.memref_slice %arg4[%mul3A_2, %dma_wait3A_59] : memref<163840x128xf32, #tpu.memory_space<hbm>> -> memref<128x128xf32, #tpu.memory_space<hbm>>
        %dma_wait3A_61 = arith.constant 0 : i32
        %dma_wait3A_62 = tpu.memref_slice %arg4[%mul3A_2, %dma_wait3A_61] : memref<163840x128xf32, #tpu.memory_space<hbm>> -> memref<128x128xf32, #tpu.memory_space<hbm>>
        tpu.wait_dma2 semaphore(%arg10 : memref<!tpu.dma_semaphore, #tpu.memory_space<semaphore_mem>>) src(%arg6 : memref<128x128xf32, #tpu.memory_space<vmem>>) dst(%dma_wait3A_62 : memref<128x128xf32, #tpu.memory_space<hbm>>)
        %dma_wait3A_63 = arith.constant 0 : i32
        %dma_wait3A_64 = tpu.memref_slice %arg4[%mul3A_2, %dma_wait3A_63] : memref<163840x128xf32, #tpu.memory_space<hbm>> -> memref<128x128xf32, #tpu.memory_space<hbm>>
        %dma_wait3A_65 = arith.constant 0 : i32
        %dma_wait3A_66 = tpu.memref_slice %arg4[%mul3A_2, %dma_wait3A_65] : memref<163840x128xf32, #tpu.memory_space<hbm>> -> memref<128x128xf32, #tpu.memory_space<hbm>>
        tpu.wait_dma2 semaphore(%arg11 : memref<!tpu.dma_semaphore, #tpu.memory_space<semaphore_mem>>) src(%arg7 : memref<128x128xf32, #tpu.memory_space<vmem>>) dst(%dma_wait3A_66 : memref<128x128xf32, #tpu.memory_space<hbm>>)
      } else {
      }
      %dma_start3A = arith.constant 0 : i32
      %dma_start3A_22 = tpu.memref_slice %arg5[%mul3A_17, %dma_start3A] : memref<40x128xi32, #tpu.memory_space<vmem>> -> memref<1x128xi32, #tpu.memory_space<vmem>>
      %dma_start3A_23 = tpu.memref_squeeze %dma_start3A_22 : memref<1x128xi32, #tpu.memory_space<vmem>> -> memref<128xi32, #tpu.memory_space<vmem>>
      %dma_start3A_24 = arith.constant 0 : i32
      %dma_start3A_25 = arith.constant 0 : i32
      %dma_start3A_26 = tpu.memref_slice %arg2[%dma_start3A_24, %dma_start3A_25] : memref<10240x128xf32, #tpu.memory_space<hbm>> -> memref<10240x128xf32, #tpu.memory_space<hbm>>
      tpu.enqueue_indirect_dma source(%dma_start3A_26 : memref<10240x128xf32, #tpu.memory_space<hbm>>) target(%arg6 : memref<128x128xf32, #tpu.memory_space<vmem>>) offsets(%dma_start3A_23 : memref<128xi32, #tpu.memory_space<vmem>>) semaphore(%arg8 : memref<!tpu.dma_semaphore, #tpu.memory_space<semaphore_mem>>)
      %dma_start3A_27 = arith.constant 0 : i32
      %dma_start3A_28 = tpu.memref_slice %arg5[%add3A_19, %dma_start3A_27] : memref<40x128xi32, #tpu.memory_space<vmem>> -> memref<1x128xi32, #tpu.memory_space<vmem>>
      %dma_start3A_29 = tpu.memref_squeeze %dma_start3A_28 : memref<1x128xi32, #tpu.memory_space<vmem>> -> memref<128xi32, #tpu.memory_space<vmem>>
      %dma_start3A_30 = arith.constant 0 : i32
      %dma_start3A_31 = arith.constant 0 : i32
      %dma_start3A_32 = tpu.memref_slice %arg2[%dma_start3A_30, %dma_start3A_31] : memref<10240x128xf32, #tpu.memory_space<hbm>> -> memref<10240x128xf32, #tpu.memory_space<hbm>>
      tpu.enqueue_indirect_dma source(%dma_start3A_32 : memref<10240x128xf32, #tpu.memory_space<hbm>>) target(%arg7 : memref<128x128xf32, #tpu.memory_space<vmem>>) offsets(%dma_start3A_29 : memref<128xi32, #tpu.memory_space<vmem>>) semaphore(%arg9 : memref<!tpu.dma_semaphore, #tpu.memory_space<semaphore_mem>>)
      %dma_wait3A_33 = arith.constant 0 : i32
      %dma_wait3A_34 = tpu.memref_slice %arg5[%mul3A_17, %dma_wait3A_33] : memref<40x128xi32, #tpu.memory_space<vmem>> -> memref<1x128xi32, #tpu.memory_space<vmem>>
      %dma_wait3A_35 = tpu.memref_squeeze %dma_wait3A_34 : memref<1x128xi32, #tpu.memory_space<vmem>> -> memref<128xi32, #tpu.memory_space<vmem>>
      %dma_wait3A_36 = arith.constant 0 : i32
      %dma_wait3A_37 = arith.constant 0 : i32
      %dma_wait3A_38 = tpu.memref_slice %arg2[%dma_wait3A_36, %dma_wait3A_37] : memref<10240x128xf32, #tpu.memory_space<hbm>> -> memref<10240x128xf32, #tpu.memory_space<hbm>>
      tpu.wait_indirect_dma semaphore(%arg8 : memref<!tpu.dma_semaphore, #tpu.memory_space<semaphore_mem>>) src(%dma_wait3A_38 : memref<10240x128xf32, #tpu.memory_space<hbm>>) dst(%arg6 : memref<128x128xf32, #tpu.memory_space<vmem>>)
      %mul3A_39 = arith.constant 128 : i32
      %mul3A_40 = arith.muli %mul3A_17, %mul3A_39 : i32
      %add3A_41 = arith.addi %mul3A_2, %mul3A_40 : i32
      %dma_start3A_42 = arith.constant 0 : i32
      %dma_start3A_43 = tpu.memref_slice %arg4[%add3A_41, %dma_start3A_42] : memref<163840x128xf32, #tpu.memory_space<hbm>> -> memref<128x128xf32, #tpu.memory_space<hbm>>
      %dma_start3A_44 = arith.constant 0 : i32
      %dma_start3A_45 = tpu.memref_slice %arg4[%add3A_41, %dma_start3A_44] : memref<163840x128xf32, #tpu.memory_space<hbm>> -> memref<128x128xf32, #tpu.memory_space<hbm>>
      tpu.enqueue_dma source(%arg6 : memref<128x128xf32, #tpu.memory_space<vmem>>) target(%dma_start3A_45 : memref<128x128xf32, #tpu.memory_space<hbm>>) target_semaphore(%arg10 : memref<!tpu.dma_semaphore, #tpu.memory_space<semaphore_mem>>)
      %dma_wait3A_46 = arith.constant 0 : i32
      %dma_wait3A_47 = tpu.memref_slice %arg5[%add3A_19, %dma_wait3A_46] : memref<40x128xi32, #tpu.memory_space<vmem>> -> memref<1x128xi32, #tpu.memory_space<vmem>>
      %dma_wait3A_48 = tpu.memref_squeeze %dma_wait3A_47 : memref<1x128xi32, #tpu.memory_space<vmem>> -> memref<128xi32, #tpu.memory_space<vmem>>
      %dma_wait3A_49 = arith.constant 0 : i32
      %dma_wait3A_50 = arith.constant 0 : i32
      %dma_wait3A_51 = tpu.memref_slice %arg2[%dma_wait3A_49, %dma_wait3A_50] : memref<10240x128xf32, #tpu.memory_space<hbm>> -> memref<10240x128xf32, #tpu.memory_space<hbm>>
      tpu.wait_indirect_dma semaphore(%arg9 : memref<!tpu.dma_semaphore, #tpu.memory_space<semaphore_mem>>) src(%dma_wait3A_51 : memref<10240x128xf32, #tpu.memory_space<hbm>>) dst(%arg7 : memref<128x128xf32, #tpu.memory_space<vmem>>)
      %mul3A_52 = arith.constant 128 : i32
      %mul3A_53 = arith.muli %add3A_19, %mul3A_52 : i32
      %add3A_54 = arith.addi %mul3A_2, %mul3A_53 : i32
      %dma_start3A_55 = arith.constant 0 : i32
      %dma_start3A_56 = tpu.memref_slice %arg4[%add3A_54, %dma_start3A_55] : memref<163840x128xf32, #tpu.memory_space<hbm>> -> memref<128x128xf32, #tpu.memory_space<hbm>>
      %dma_start3A_57 = arith.constant 0 : i32
      %dma_start3A_58 = tpu.memref_slice %arg4[%add3A_54, %dma_start3A_57] : memref<163840x128xf32, #tpu.memory_space<hbm>> -> memref<128x128xf32, #tpu.memory_space<hbm>>
      tpu.enqueue_dma source(%arg7 : memref<128x128xf32, #tpu.memory_space<vmem>>) target(%dma_start3A_58 : memref<128x128xf32, #tpu.memory_space<hbm>>) target_semaphore(%arg11 : memref<!tpu.dma_semaphore, #tpu.memory_space<semaphore_mem>>)
    }
    %scan3A_7 = arith.constant 20 : i32
    %dma_wait3A = arith.constant 0 : i32
    %dma_wait3A_8 = tpu.memref_slice %arg4[%mul3A_2, %dma_wait3A] : memref<163840x128xf32, #tpu.memory_space<hbm>> -> memref<128x128xf32, #tpu.memory_space<hbm>>
    %dma_wait3A_9 = arith.constant 0 : i32
    %dma_wait3A_10 = tpu.memref_slice %arg4[%mul3A_2, %dma_wait3A_9] : memref<163840x128xf32, #tpu.memory_space<hbm>> -> memref<128x128xf32, #tpu.memory_space<hbm>>
    tpu.wait_dma2 semaphore(%arg10 : memref<!tpu.dma_semaphore, #tpu.memory_space<semaphore_mem>>) src(%arg6 : memref<128x128xf32, #tpu.memory_space<vmem>>) dst(%dma_wait3A_10 : memref<128x128xf32, #tpu.memory_space<hbm>>)
    %dma_wait3A_11 = arith.constant 0 : i32
    %dma_wait3A_12 = tpu.memref_slice %arg4[%mul3A_2, %dma_wait3A_11] : memref<163840x128xf32, #tpu.memory_space<hbm>> -> memref<128x128xf32, #tpu.memory_space<hbm>>
    %dma_wait3A_13 = arith.constant 0 : i32
    %dma_wait3A_14 = tpu.memref_slice %arg4[%mul3A_2, %dma_wait3A_13] : memref<163840x128xf32, #tpu.memory_space<hbm>> -> memref<128x128xf32, #tpu.memory_space<hbm>>
    tpu.wait_dma2 semaphore(%arg11 : memref<!tpu.dma_semaphore, #tpu.memory_space<semaphore_mem>>) src(%arg7 : memref<128x128xf32, #tpu.memory_space<vmem>>) dst(%dma_wait3A_14 : memref<128x128xf32, #tpu.memory_space<hbm>>)
    return
  }
}

#map = affine_map<(d0, d1) -> (0, 0)>
#map1 = affine_map<(d0, d1) -> (0, 0, 0)>
module attributes {stable_mosaic.version = 14 : i64} {
  func.func @gather_k(%arg0: i32, %arg1: i32, %arg2: memref<10240x128xf32, #tpu.memory_space<hbm>>, %arg3: memref<32x40x128xi32, #tpu.memory_space<hbm>>, %arg4: memref<163840x128xf32, #tpu.memory_space<hbm>>, %arg5: memref<40x128xi32, #tpu.memory_space<vmem>>, %arg6: memref<128x128xf32, #tpu.memory_space<vmem>>, %arg7: memref<128x128xf32, #tpu.memory_space<vmem>>, %arg8: memref<!tpu.dma_semaphore, #tpu.memory_space<semaphore_mem>>, %arg9: memref<!tpu.dma_semaphore, #tpu.memory_space<semaphore_mem>>, %arg10: memref<!tpu.dma_semaphore, #tpu.memory_space<semaphore_mem>>, %arg11: memref<!tpu.dma_semaphore, #tpu.memory_space<semaphore_mem>>) attributes {dimension_semantics = [#tpu.dimension_semantics<core_parallel>, #tpu.dimension_semantics<subcore_parallel>], iteration_bounds = array<i64: 2, 16>, scalar_prefetch = 0 : i64, scratch_operands = 7 : i64, tpu.core_type = #tpu.core_type<sc_vector_subcore>, window_params = [{transform_indices = #map}, {transform_indices = #map1}, {transform_indices = #map}]} {
    %mul3A = arith.constant 2 : i32
    %mul3A_0 = arith.muli %arg1, %mul3A : i32
    %add3A = arith.addi %mul3A_0, %arg0 : i32
    "tpu.region"() ({
      %run_scoped3A = tpu.sem_alloc : memref<!tpu.dma_semaphore, #tpu.memory_space<semaphore_mem>>
      %dma_start3A = arith.constant 0 : i32
      %dma_start3A_15 = arith.constant 0 : i32
      %dma_start3A_16 = tpu.memref_slice %arg3[%add3A, %dma_start3A, %dma_start3A_15] : memref<32x40x128xi32, #tpu.memory_space<hbm>> -> memref<1x40x128xi32, #tpu.memory_space<hbm>>
      %dma_start3A_17 = tpu.memref_squeeze %dma_start3A_16 : memref<1x40x128xi32, #tpu.memory_space<hbm>> -> memref<40x128xi32, #tpu.memory_space<hbm>>
      %dma_start3A_18 = arith.constant 0 : i32
      %dma_start3A_19 = arith.constant 0 : i32
      %dma_start3A_20 = tpu.memref_slice %arg3[%add3A, %dma_start3A_18, %dma_start3A_19] : memref<32x40x128xi32, #tpu.memory_space<hbm>> -> memref<1x40x128xi32, #tpu.memory_space<hbm>>
      %dma_start3A_21 = tpu.memref_squeeze %dma_start3A_20 : memref<1x40x128xi32, #tpu.memory_space<hbm>> -> memref<40x128xi32, #tpu.memory_space<hbm>>
      tpu.enqueue_dma source(%dma_start3A_21 : memref<40x128xi32, #tpu.memory_space<hbm>>) target(%arg5 : memref<40x128xi32, #tpu.memory_space<vmem>>) target_semaphore(%run_scoped3A : memref<!tpu.dma_semaphore, #tpu.memory_space<semaphore_mem>>)
      %dma_wait3A_22 = arith.constant 0 : i32
      %dma_wait3A_23 = arith.constant 0 : i32
      %dma_wait3A_24 = tpu.memref_slice %arg3[%add3A, %dma_wait3A_22, %dma_wait3A_23] : memref<32x40x128xi32, #tpu.memory_space<hbm>> -> memref<1x40x128xi32, #tpu.memory_space<hbm>>
      %dma_wait3A_25 = tpu.memref_squeeze %dma_wait3A_24 : memref<1x40x128xi32, #tpu.memory_space<hbm>> -> memref<40x128xi32, #tpu.memory_space<hbm>>
      %dma_wait3A_26 = arith.constant 0 : i32
      %dma_wait3A_27 = arith.constant 0 : i32
      %dma_wait3A_28 = tpu.memref_slice %arg3[%add3A, %dma_wait3A_26, %dma_wait3A_27] : memref<32x40x128xi32, #tpu.memory_space<hbm>> -> memref<1x40x128xi32, #tpu.memory_space<hbm>>
      %dma_wait3A_29 = tpu.memref_squeeze %dma_wait3A_28 : memref<1x40x128xi32, #tpu.memory_space<hbm>> -> memref<40x128xi32, #tpu.memory_space<hbm>>
      tpu.wait_dma2 semaphore(%run_scoped3A : memref<!tpu.dma_semaphore, #tpu.memory_space<semaphore_mem>>) src(%dma_wait3A_29 : memref<40x128xi32, #tpu.memory_space<hbm>>) dst(%arg5 : memref<40x128xi32, #tpu.memory_space<vmem>>)
      tpu.yield
    }) : () -> ()
    %mul3A_1 = arith.constant 5120 : i32
    %mul3A_2 = arith.muli %add3A, %mul3A_1 : i32
    %scan3A = arith.constant 0 : i32
    %scan3A_3 = arith.constant 0 : i32
    %scan3A_4 = arith.constant 20 : i32
    %scan3A_5 = arith.addi %scan3A_3, %scan3A_4 : i32
    %scan3A_6 = arith.constant 1 : i32
    scf.for %scan3A_15 = %scan3A_3 to %scan3A_5 step %scan3A_6  : i32 {
      %mul3A_16 = arith.constant 2 : i32
      %mul3A_17 = arith.muli %mul3A_16, %scan3A_15 : i32
      %add3A_18 = arith.constant 1 : i32
      %add3A_19 = arith.addi %mul3A_17, %add3A_18 : i32
      %gt3A = arith.constant 0 : i32
      %gt3A_20 = arith.cmpi sgt, %scan3A_15, %gt3A : i32
      %convert_element_type3A = arith.extui %gt3A_20 : i1 to i32
      %cond3A = arith.constant 0 : i32
      %cond3A_21 = arith.cmpi ne, %convert_element_type3A, %cond3A : i32
      scf.if %cond3A_21 {
        %dma_wait3A_59 = arith.constant 0 : i32
        %dma_wait3A_60 = tpu.memref_slice %arg4[%mul3A_2, %dma_wait3A_59] : memref<163840x128xf32, #tpu.memory_space<hbm>> -> memref<128x128xf32, #tpu.memory_space<hbm>>
        %dma_wait3A_61 = arith.constant 0 : i32
        %dma_wait3A_62 = tpu.memref_slice %arg4[%mul3A_2, %dma_wait3A_61] : memref<163840x128xf32, #tpu.memory_space<hbm>> -> memref<128x128xf32, #tpu.memory_space<hbm>>
        tpu.wait_dma2 semaphore(%arg10 : memref<!tpu.dma_semaphore, #tpu.memory_space<semaphore_mem>>) src(%arg6 : memref<128x128xf32, #tpu.memory_space<vmem>>) dst(%dma_wait3A_62 : memref<128x128xf32, #tpu.memory_space<hbm>>)
        %dma_wait3A_63 = arith.constant 0 : i32
        %dma_wait3A_64 = tpu.memref_slice %arg4[%mul3A_2, %dma_wait3A_63] : memref<163840x128xf32, #tpu.memory_space<hbm>> -> memref<128x128xf32, #tpu.memory_space<hbm>>
        %dma_wait3A_65 = arith.constant 0 : i32
        %dma_wait3A_66 = tpu.memref_slice %arg4[%mul3A_2, %dma_wait3A_65] : memref<163840x128xf32, #tpu.memory_space<hbm>> -> memref<128x128xf32, #tpu.memory_space<hbm>>
        tpu.wait_dma2 semaphore(%arg11 : memref<!tpu.dma_semaphore, #tpu.memory_space<semaphore_mem>>) src(%arg7 : memref<128x128xf32, #tpu.memory_space<vmem>>) dst(%dma_wait3A_66 : memref<128x128xf32, #tpu.memory_space<hbm>>)
      } else {
      }
      %dma_start3A = arith.constant 0 : i32
      %dma_start3A_22 = tpu.memref_slice %arg5[%mul3A_17, %dma_start3A] : memref<40x128xi32, #tpu.memory_space<vmem>> -> memref<1x128xi32, #tpu.memory_space<vmem>>
      %dma_start3A_23 = tpu.memref_squeeze %dma_start3A_22 : memref<1x128xi32, #tpu.memory_space<vmem>> -> memref<128xi32, #tpu.memory_space<vmem>>
      %dma_start3A_24 = arith.constant 0 : i32
      %dma_start3A_25 = arith.constant 0 : i32
      %dma_start3A_26 = tpu.memref_slice %arg2[%dma_start3A_24, %dma_start3A_25] : memref<10240x128xf32, #tpu.memory_space<hbm>> -> memref<10240x128xf32, #tpu.memory_space<hbm>>
      tpu.enqueue_indirect_dma source(%dma_start3A_26 : memref<10240x128xf32, #tpu.memory_space<hbm>>) target(%arg6 : memref<128x128xf32, #tpu.memory_space<vmem>>) offsets(%dma_start3A_23 : memref<128xi32, #tpu.memory_space<vmem>>) semaphore(%arg8 : memref<!tpu.dma_semaphore, #tpu.memory_space<semaphore_mem>>)
      %dma_start3A_27 = arith.constant 0 : i32
      %dma_start3A_28 = tpu.memref_slice %arg5[%add3A_19, %dma_start3A_27] : memref<40x128xi32, #tpu.memory_space<vmem>> -> memref<1x128xi32, #tpu.memory_space<vmem>>
      %dma_start3A_29 = tpu.memref_squeeze %dma_start3A_28 : memref<1x128xi32, #tpu.memory_space<vmem>> -> memref<128xi32, #tpu.memory_space<vmem>>
      %dma_start3A_30 = arith.constant 0 : i32
      %dma_start3A_31 = arith.constant 0 : i32
      %dma_start3A_32 = tpu.memref_slice %arg2[%dma_start3A_30, %dma_start3A_31] : memref<10240x128xf32, #tpu.memory_space<hbm>> -> memref<10240x128xf32, #tpu.memory_space<hbm>>
      tpu.enqueue_indirect_dma source(%dma_start3A_32 : memref<10240x128xf32, #tpu.memory_space<hbm>>) target(%arg7 : memref<128x128xf32, #tpu.memory_space<vmem>>) offsets(%dma_start3A_29 : memref<128xi32, #tpu.memory_space<vmem>>) semaphore(%arg9 : memref<!tpu.dma_semaphore, #tpu.memory_space<semaphore_mem>>)
      %dma_wait3A_33 = arith.constant 0 : i32
      %dma_wait3A_34 = tpu.memref_slice %arg5[%mul3A_17, %dma_wait3A_33] : memref<40x128xi32, #tpu.memory_space<vmem>> -> memref<1x128xi32, #tpu.memory_space<vmem>>
      %dma_wait3A_35 = tpu.memref_squeeze %dma_wait3A_34 : memref<1x128xi32, #tpu.memory_space<vmem>> -> memref<128xi32, #tpu.memory_space<vmem>>
      %dma_wait3A_36 = arith.constant 0 : i32
      %dma_wait3A_37 = arith.constant 0 : i32
      %dma_wait3A_38 = tpu.memref_slice %arg2[%dma_wait3A_36, %dma_wait3A_37] : memref<10240x128xf32, #tpu.memory_space<hbm>> -> memref<10240x128xf32, #tpu.memory_space<hbm>>
      tpu.wait_indirect_dma semaphore(%arg8 : memref<!tpu.dma_semaphore, #tpu.memory_space<semaphore_mem>>) src(%dma_wait3A_38 : memref<10240x128xf32, #tpu.memory_space<hbm>>) dst(%arg6 : memref<128x128xf32, #tpu.memory_space<vmem>>)
      %mul3A_39 = arith.constant 128 : i32
      %mul3A_40 = arith.muli %mul3A_17, %mul3A_39 : i32
      %add3A_41 = arith.addi %mul3A_2, %mul3A_40 : i32
      %dma_start3A_42 = arith.constant 0 : i32
      %dma_start3A_43 = tpu.memref_slice %arg4[%add3A_41, %dma_start3A_42] : memref<163840x128xf32, #tpu.memory_space<hbm>> -> memref<128x128xf32, #tpu.memory_space<hbm>>
      %dma_start3A_44 = arith.constant 0 : i32
      %dma_start3A_45 = tpu.memref_slice %arg4[%add3A_41, %dma_start3A_44] : memref<163840x128xf32, #tpu.memory_space<hbm>> -> memref<128x128xf32, #tpu.memory_space<hbm>>
      tpu.enqueue_dma source(%arg6 : memref<128x128xf32, #tpu.memory_space<vmem>>) target(%dma_start3A_45 : memref<128x128xf32, #tpu.memory_space<hbm>>) target_semaphore(%arg10 : memref<!tpu.dma_semaphore, #tpu.memory_space<semaphore_mem>>)
      %dma_wait3A_46 = arith.constant 0 : i32
      %dma_wait3A_47 = tpu.memref_slice %arg5[%add3A_19, %dma_wait3A_46] : memref<40x128xi32, #tpu.memory_space<vmem>> -> memref<1x128xi32, #tpu.memory_space<vmem>>
      %dma_wait3A_48 = tpu.memref_squeeze %dma_wait3A_47 : memref<1x128xi32, #tpu.memory_space<vmem>> -> memref<128xi32, #tpu.memory_space<vmem>>
      %dma_wait3A_49 = arith.constant 0 : i32
      %dma_wait3A_50 = arith.constant 0 : i32
      %dma_wait3A_51 = tpu.memref_slice %arg2[%dma_wait3A_49, %dma_wait3A_50] : memref<10240x128xf32, #tpu.memory_space<hbm>> -> memref<10240x128xf32, #tpu.memory_space<hbm>>
      tpu.wait_indirect_dma semaphore(%arg9 : memref<!tpu.dma_semaphore, #tpu.memory_space<semaphore_mem>>) src(%dma_wait3A_51 : memref<10240x128xf32, #tpu.memory_space<hbm>>) dst(%arg7 : memref<128x128xf32, #tpu.memory_space<vmem>>)
      %mul3A_52 = arith.constant 128 : i32
      %mul3A_53 = arith.muli %add3A_19, %mul3A_52 : i32
      %add3A_54 = arith.addi %mul3A_2, %mul3A_53 : i32
      %dma_start3A_55 = arith.constant 0 : i32
      %dma_start3A_56 = tpu.memref_slice %arg4[%add3A_54, %dma_start3A_55] : memref<163840x128xf32, #tpu.memory_space<hbm>> -> memref<128x128xf32, #tpu.memory_space<hbm>>
      %dma_start3A_57 = arith.constant 0 : i32
      %dma_start3A_58 = tpu.memref_slice %arg4[%add3A_54, %dma_start3A_57] : memref<163840x128xf32, #tpu.memory_space<hbm>> -> memref<128x128xf32, #tpu.memory_space<hbm>>
      tpu.enqueue_dma source(%arg7 : memref<128x128xf32, #tpu.memory_space<vmem>>) target(%dma_start3A_58 : memref<128x128xf32, #tpu.memory_space<hbm>>) target_semaphore(%arg11 : memref<!tpu.dma_semaphore, #tpu.memory_space<semaphore_mem>>)
    }
    %scan3A_7 = arith.constant 20 : i32
    %dma_wait3A = arith.constant 0 : i32
    %dma_wait3A_8 = tpu.memref_slice %arg4[%mul3A_2, %dma_wait3A] : memref<163840x128xf32, #tpu.memory_space<hbm>> -> memref<128x128xf32, #tpu.memory_space<hbm>>
    %dma_wait3A_9 = arith.constant 0 : i32
    %dma_wait3A_10 = tpu.memref_slice %arg4[%mul3A_2, %dma_wait3A_9] : memref<163840x128xf32, #tpu.memory_space<hbm>> -> memref<128x128xf32, #tpu.memory_space<hbm>>
    tpu.wait_dma2 semaphore(%arg10 : memref<!tpu.dma_semaphore, #tpu.memory_space<semaphore_mem>>) src(%arg6 : memref<128x128xf32, #tpu.memory_space<vmem>>) dst(%dma_wait3A_10 : memref<128x128xf32, #tpu.memory_space<hbm>>)
    %dma_wait3A_11 = arith.constant 0 : i32
    %dma_wait3A_12 = tpu.memref_slice %arg4[%mul3A_2, %dma_wait3A_11] : memref<163840x128xf32, #tpu.memory_space<hbm>> -> memref<128x128xf32, #tpu.memory_space<hbm>>
    %dma_wait3A_13 = arith.constant 0 : i32
    %dma_wait3A_14 = tpu.memref_slice %arg4[%mul3A_2, %dma_wait3A_13] : memref<163840x128xf32, #tpu.memory_space<hbm>> -> memref<128x128xf32, #tpu.memory_space<hbm>>
    tpu.wait_dma2 semaphore(%arg11 : memref<!tpu.dma_semaphore, #tpu.memory_space<semaphore_mem>>) src(%arg7 : memref<128x128xf32, #tpu.memory_space<vmem>>) dst(%dma_wait3A_14 : memref<128x128xf32, #tpu.memory_space<hbm>>)
    return
  }
}

#map = affine_map<(d0, d1) -> (0, 0)>
#map1 = affine_map<(d0, d1) -> (0, 0, 0)>
module attributes {stable_mosaic.version = 14 : i64} {
  func.func @gather_k(%arg0: i32, %arg1: i32, %arg2: memref<10240x128xf32, #tpu.memory_space<hbm>>, %arg3: memref<32x40x128xi32, #tpu.memory_space<hbm>>, %arg4: memref<163840x128xf32, #tpu.memory_space<hbm>>, %arg5: memref<40x128xi32, #tpu.memory_space<vmem>>, %arg6: memref<128x128xf32, #tpu.memory_space<vmem>>, %arg7: memref<128x128xf32, #tpu.memory_space<vmem>>, %arg8: memref<!tpu.dma_semaphore, #tpu.memory_space<semaphore_mem>>, %arg9: memref<!tpu.dma_semaphore, #tpu.memory_space<semaphore_mem>>, %arg10: memref<!tpu.dma_semaphore, #tpu.memory_space<semaphore_mem>>, %arg11: memref<!tpu.dma_semaphore, #tpu.memory_space<semaphore_mem>>) attributes {dimension_semantics = [#tpu.dimension_semantics<core_parallel>, #tpu.dimension_semantics<subcore_parallel>], iteration_bounds = array<i64: 2, 16>, scalar_prefetch = 0 : i64, scratch_operands = 7 : i64, tpu.core_type = #tpu.core_type<sc_vector_subcore>, window_params = [{transform_indices = #map}, {transform_indices = #map1}, {transform_indices = #map}]} {
    %mul3A = arith.constant 2 : i32
    %mul3A_0 = arith.muli %arg1, %mul3A : i32
    %add3A = arith.addi %mul3A_0, %arg0 : i32
    "tpu.region"() ({
      %run_scoped3A = tpu.sem_alloc : memref<!tpu.dma_semaphore, #tpu.memory_space<semaphore_mem>>
      %dma_start3A = arith.constant 0 : i32
      %dma_start3A_15 = arith.constant 0 : i32
      %dma_start3A_16 = tpu.memref_slice %arg3[%add3A, %dma_start3A, %dma_start3A_15] : memref<32x40x128xi32, #tpu.memory_space<hbm>> -> memref<1x40x128xi32, #tpu.memory_space<hbm>>
      %dma_start3A_17 = tpu.memref_squeeze %dma_start3A_16 : memref<1x40x128xi32, #tpu.memory_space<hbm>> -> memref<40x128xi32, #tpu.memory_space<hbm>>
      %dma_start3A_18 = arith.constant 0 : i32
      %dma_start3A_19 = arith.constant 0 : i32
      %dma_start3A_20 = tpu.memref_slice %arg3[%add3A, %dma_start3A_18, %dma_start3A_19] : memref<32x40x128xi32, #tpu.memory_space<hbm>> -> memref<1x40x128xi32, #tpu.memory_space<hbm>>
      %dma_start3A_21 = tpu.memref_squeeze %dma_start3A_20 : memref<1x40x128xi32, #tpu.memory_space<hbm>> -> memref<40x128xi32, #tpu.memory_space<hbm>>
      tpu.enqueue_dma source(%dma_start3A_21 : memref<40x128xi32, #tpu.memory_space<hbm>>) target(%arg5 : memref<40x128xi32, #tpu.memory_space<vmem>>) target_semaphore(%run_scoped3A : memref<!tpu.dma_semaphore, #tpu.memory_space<semaphore_mem>>)
      %dma_wait3A_22 = arith.constant 0 : i32
      %dma_wait3A_23 = arith.constant 0 : i32
      %dma_wait3A_24 = tpu.memref_slice %arg3[%add3A, %dma_wait3A_22, %dma_wait3A_23] : memref<32x40x128xi32, #tpu.memory_space<hbm>> -> memref<1x40x128xi32, #tpu.memory_space<hbm>>
      %dma_wait3A_25 = tpu.memref_squeeze %dma_wait3A_24 : memref<1x40x128xi32, #tpu.memory_space<hbm>> -> memref<40x128xi32, #tpu.memory_space<hbm>>
      %dma_wait3A_26 = arith.constant 0 : i32
      %dma_wait3A_27 = arith.constant 0 : i32
      %dma_wait3A_28 = tpu.memref_slice %arg3[%add3A, %dma_wait3A_26, %dma_wait3A_27] : memref<32x40x128xi32, #tpu.memory_space<hbm>> -> memref<1x40x128xi32, #tpu.memory_space<hbm>>
      %dma_wait3A_29 = tpu.memref_squeeze %dma_wait3A_28 : memref<1x40x128xi32, #tpu.memory_space<hbm>> -> memref<40x128xi32, #tpu.memory_space<hbm>>
      tpu.wait_dma2 semaphore(%run_scoped3A : memref<!tpu.dma_semaphore, #tpu.memory_space<semaphore_mem>>) src(%dma_wait3A_29 : memref<40x128xi32, #tpu.memory_space<hbm>>) dst(%arg5 : memref<40x128xi32, #tpu.memory_space<vmem>>)
      tpu.yield
    }) : () -> ()
    %mul3A_1 = arith.constant 5120 : i32
    %mul3A_2 = arith.muli %add3A, %mul3A_1 : i32
    %scan3A = arith.constant 0 : i32
    %scan3A_3 = arith.constant 0 : i32
    %scan3A_4 = arith.constant 20 : i32
    %scan3A_5 = arith.addi %scan3A_3, %scan3A_4 : i32
    %scan3A_6 = arith.constant 1 : i32
    scf.for %scan3A_15 = %scan3A_3 to %scan3A_5 step %scan3A_6  : i32 {
      %mul3A_16 = arith.constant 2 : i32
      %mul3A_17 = arith.muli %mul3A_16, %scan3A_15 : i32
      %add3A_18 = arith.constant 1 : i32
      %add3A_19 = arith.addi %mul3A_17, %add3A_18 : i32
      %gt3A = arith.constant 0 : i32
      %gt3A_20 = arith.cmpi sgt, %scan3A_15, %gt3A : i32
      %convert_element_type3A = arith.extui %gt3A_20 : i1 to i32
      %cond3A = arith.constant 0 : i32
      %cond3A_21 = arith.cmpi ne, %convert_element_type3A, %cond3A : i32
      scf.if %cond3A_21 {
        %dma_wait3A_59 = arith.constant 0 : i32
        %dma_wait3A_60 = tpu.memref_slice %arg4[%mul3A_2, %dma_wait3A_59] : memref<163840x128xf32, #tpu.memory_space<hbm>> -> memref<128x128xf32, #tpu.memory_space<hbm>>
        %dma_wait3A_61 = arith.constant 0 : i32
        %dma_wait3A_62 = tpu.memref_slice %arg4[%mul3A_2, %dma_wait3A_61] : memref<163840x128xf32, #tpu.memory_space<hbm>> -> memref<128x128xf32, #tpu.memory_space<hbm>>
        tpu.wait_dma2 semaphore(%arg10 : memref<!tpu.dma_semaphore, #tpu.memory_space<semaphore_mem>>) src(%arg6 : memref<128x128xf32, #tpu.memory_space<vmem>>) dst(%dma_wait3A_62 : memref<128x128xf32, #tpu.memory_space<hbm>>)
        %dma_wait3A_63 = arith.constant 0 : i32
        %dma_wait3A_64 = tpu.memref_slice %arg4[%mul3A_2, %dma_wait3A_63] : memref<163840x128xf32, #tpu.memory_space<hbm>> -> memref<128x128xf32, #tpu.memory_space<hbm>>
        %dma_wait3A_65 = arith.constant 0 : i32
        %dma_wait3A_66 = tpu.memref_slice %arg4[%mul3A_2, %dma_wait3A_65] : memref<163840x128xf32, #tpu.memory_space<hbm>> -> memref<128x128xf32, #tpu.memory_space<hbm>>
        tpu.wait_dma2 semaphore(%arg11 : memref<!tpu.dma_semaphore, #tpu.memory_space<semaphore_mem>>) src(%arg7 : memref<128x128xf32, #tpu.memory_space<vmem>>) dst(%dma_wait3A_66 : memref<128x128xf32, #tpu.memory_space<hbm>>)
      } else {
      }
      %dma_start3A = arith.constant 0 : i32
      %dma_start3A_22 = tpu.memref_slice %arg5[%mul3A_17, %dma_start3A] : memref<40x128xi32, #tpu.memory_space<vmem>> -> memref<1x128xi32, #tpu.memory_space<vmem>>
      %dma_start3A_23 = tpu.memref_squeeze %dma_start3A_22 : memref<1x128xi32, #tpu.memory_space<vmem>> -> memref<128xi32, #tpu.memory_space<vmem>>
      %dma_start3A_24 = arith.constant 0 : i32
      %dma_start3A_25 = arith.constant 0 : i32
      %dma_start3A_26 = tpu.memref_slice %arg2[%dma_start3A_24, %dma_start3A_25] : memref<10240x128xf32, #tpu.memory_space<hbm>> -> memref<10240x128xf32, #tpu.memory_space<hbm>>
      tpu.enqueue_indirect_dma source(%dma_start3A_26 : memref<10240x128xf32, #tpu.memory_space<hbm>>) target(%arg6 : memref<128x128xf32, #tpu.memory_space<vmem>>) offsets(%dma_start3A_23 : memref<128xi32, #tpu.memory_space<vmem>>) semaphore(%arg8 : memref<!tpu.dma_semaphore, #tpu.memory_space<semaphore_mem>>)
      %dma_start3A_27 = arith.constant 0 : i32
      %dma_start3A_28 = tpu.memref_slice %arg5[%add3A_19, %dma_start3A_27] : memref<40x128xi32, #tpu.memory_space<vmem>> -> memref<1x128xi32, #tpu.memory_space<vmem>>
      %dma_start3A_29 = tpu.memref_squeeze %dma_start3A_28 : memref<1x128xi32, #tpu.memory_space<vmem>> -> memref<128xi32, #tpu.memory_space<vmem>>
      %dma_start3A_30 = arith.constant 0 : i32
      %dma_start3A_31 = arith.constant 0 : i32
      %dma_start3A_32 = tpu.memref_slice %arg2[%dma_start3A_30, %dma_start3A_31] : memref<10240x128xf32, #tpu.memory_space<hbm>> -> memref<10240x128xf32, #tpu.memory_space<hbm>>
      tpu.enqueue_indirect_dma source(%dma_start3A_32 : memref<10240x128xf32, #tpu.memory_space<hbm>>) target(%arg7 : memref<128x128xf32, #tpu.memory_space<vmem>>) offsets(%dma_start3A_29 : memref<128xi32, #tpu.memory_space<vmem>>) semaphore(%arg9 : memref<!tpu.dma_semaphore, #tpu.memory_space<semaphore_mem>>)
      %dma_wait3A_33 = arith.constant 0 : i32
      %dma_wait3A_34 = tpu.memref_slice %arg5[%mul3A_17, %dma_wait3A_33] : memref<40x128xi32, #tpu.memory_space<vmem>> -> memref<1x128xi32, #tpu.memory_space<vmem>>
      %dma_wait3A_35 = tpu.memref_squeeze %dma_wait3A_34 : memref<1x128xi32, #tpu.memory_space<vmem>> -> memref<128xi32, #tpu.memory_space<vmem>>
      %dma_wait3A_36 = arith.constant 0 : i32
      %dma_wait3A_37 = arith.constant 0 : i32
      %dma_wait3A_38 = tpu.memref_slice %arg2[%dma_wait3A_36, %dma_wait3A_37] : memref<10240x128xf32, #tpu.memory_space<hbm>> -> memref<10240x128xf32, #tpu.memory_space<hbm>>
      tpu.wait_indirect_dma semaphore(%arg8 : memref<!tpu.dma_semaphore, #tpu.memory_space<semaphore_mem>>) src(%dma_wait3A_38 : memref<10240x128xf32, #tpu.memory_space<hbm>>) dst(%arg6 : memref<128x128xf32, #tpu.memory_space<vmem>>)
      %mul3A_39 = arith.constant 128 : i32
      %mul3A_40 = arith.muli %mul3A_17, %mul3A_39 : i32
      %add3A_41 = arith.addi %mul3A_2, %mul3A_40 : i32
      %dma_start3A_42 = arith.constant 0 : i32
      %dma_start3A_43 = tpu.memref_slice %arg4[%add3A_41, %dma_start3A_42] : memref<163840x128xf32, #tpu.memory_space<hbm>> -> memref<128x128xf32, #tpu.memory_space<hbm>>
      %dma_start3A_44 = arith.constant 0 : i32
      %dma_start3A_45 = tpu.memref_slice %arg4[%add3A_41, %dma_start3A_44] : memref<163840x128xf32, #tpu.memory_space<hbm>> -> memref<128x128xf32, #tpu.memory_space<hbm>>
      tpu.enqueue_dma source(%arg6 : memref<128x128xf32, #tpu.memory_space<vmem>>) target(%dma_start3A_45 : memref<128x128xf32, #tpu.memory_space<hbm>>) target_semaphore(%arg10 : memref<!tpu.dma_semaphore, #tpu.memory_space<semaphore_mem>>)
      %dma_wait3A_46 = arith.constant 0 : i32
      %dma_wait3A_47 = tpu.memref_slice %arg5[%add3A_19, %dma_wait3A_46] : memref<40x128xi32, #tpu.memory_space<vmem>> -> memref<1x128xi32, #tpu.memory_space<vmem>>
      %dma_wait3A_48 = tpu.memref_squeeze %dma_wait3A_47 : memref<1x128xi32, #tpu.memory_space<vmem>> -> memref<128xi32, #tpu.memory_space<vmem>>
      %dma_wait3A_49 = arith.constant 0 : i32
      %dma_wait3A_50 = arith.constant 0 : i32
      %dma_wait3A_51 = tpu.memref_slice %arg2[%dma_wait3A_49, %dma_wait3A_50] : memref<10240x128xf32, #tpu.memory_space<hbm>> -> memref<10240x128xf32, #tpu.memory_space<hbm>>
      tpu.wait_indirect_dma semaphore(%arg9 : memref<!tpu.dma_semaphore, #tpu.memory_space<semaphore_mem>>) src(%dma_wait3A_51 : memref<10240x128xf32, #tpu.memory_space<hbm>>) dst(%arg7 : memref<128x128xf32, #tpu.memory_space<vmem>>)
      %mul3A_52 = arith.constant 128 : i32
      %mul3A_53 = arith.muli %add3A_19, %mul3A_52 : i32
      %add3A_54 = arith.addi %mul3A_2, %mul3A_53 : i32
      %dma_start3A_55 = arith.constant 0 : i32
      %dma_start3A_56 = tpu.memref_slice %arg4[%add3A_54, %dma_start3A_55] : memref<163840x128xf32, #tpu.memory_space<hbm>> -> memref<128x128xf32, #tpu.memory_space<hbm>>
      %dma_start3A_57 = arith.constant 0 : i32
      %dma_start3A_58 = tpu.memref_slice %arg4[%add3A_54, %dma_start3A_57] : memref<163840x128xf32, #tpu.memory_space<hbm>> -> memref<128x128xf32, #tpu.memory_space<hbm>>
      tpu.enqueue_dma source(%arg7 : memref<128x128xf32, #tpu.memory_space<vmem>>) target(%dma_start3A_58 : memref<128x128xf32, #tpu.memory_space<hbm>>) target_semaphore(%arg11 : memref<!tpu.dma_semaphore, #tpu.memory_space<semaphore_mem>>)
    }
    %scan3A_7 = arith.constant 20 : i32
    %dma_wait3A = arith.constant 0 : i32
    %dma_wait3A_8 = tpu.memref_slice %arg4[%mul3A_2, %dma_wait3A] : memref<163840x128xf32, #tpu.memory_space<hbm>> -> memref<128x128xf32, #tpu.memory_space<hbm>>
    %dma_wait3A_9 = arith.constant 0 : i32
    %dma_wait3A_10 = tpu.memref_slice %arg4[%mul3A_2, %dma_wait3A_9] : memref<163840x128xf32, #tpu.memory_space<hbm>> -> memref<128x128xf32, #tpu.memory_space<hbm>>
    tpu.wait_dma2 semaphore(%arg10 : memref<!tpu.dma_semaphore, #tpu.memory_space<semaphore_mem>>) src(%arg6 : memref<128x128xf32, #tpu.memory_space<vmem>>) dst(%dma_wait3A_10 : memref<128x128xf32, #tpu.memory_space<hbm>>)
    %dma_wait3A_11 = arith.constant 0 : i32
    %dma_wait3A_12 = tpu.memref_slice %arg4[%mul3A_2, %dma_wait3A_11] : memref<163840x128xf32, #tpu.memory_space<hbm>> -> memref<128x128xf32, #tpu.memory_space<hbm>>
    %dma_wait3A_13 = arith.constant 0 : i32
    %dma_wait3A_14 = tpu.memref_slice %arg4[%mul3A_2, %dma_wait3A_13] : memref<163840x128xf32, #tpu.memory_space<hbm>> -> memref<128x128xf32, #tpu.memory_space<hbm>>
    tpu.wait_dma2 semaphore(%arg11 : memref<!tpu.dma_semaphore, #tpu.memory_space<semaphore_mem>>) src(%arg7 : memref<128x128xf32, #tpu.memory_space<vmem>>) dst(%dma_wait3A_14 : memref<128x128xf32, #tpu.memory_space<hbm>>)
    return
  }
}

#map = affine_map<(d0, d1) -> (0, 0)>
#map1 = affine_map<(d0, d1) -> (0, 0, 0)>
module attributes {stable_mosaic.version = 14 : i64} {
  func.func @gather_k(%arg0: i32, %arg1: i32, %arg2: memref<10240x128xf32, #tpu.memory_space<hbm>>, %arg3: memref<32x40x128xi32, #tpu.memory_space<hbm>>, %arg4: memref<163840x128xf32, #tpu.memory_space<hbm>>, %arg5: memref<40x128xi32, #tpu.memory_space<vmem>>, %arg6: memref<128x128xf32, #tpu.memory_space<vmem>>, %arg7: memref<128x128xf32, #tpu.memory_space<vmem>>, %arg8: memref<!tpu.dma_semaphore, #tpu.memory_space<semaphore_mem>>, %arg9: memref<!tpu.dma_semaphore, #tpu.memory_space<semaphore_mem>>, %arg10: memref<!tpu.dma_semaphore, #tpu.memory_space<semaphore_mem>>, %arg11: memref<!tpu.dma_semaphore, #tpu.memory_space<semaphore_mem>>) attributes {dimension_semantics = [#tpu.dimension_semantics<core_parallel>, #tpu.dimension_semantics<subcore_parallel>], iteration_bounds = array<i64: 2, 16>, scalar_prefetch = 0 : i64, scratch_operands = 7 : i64, tpu.core_type = #tpu.core_type<sc_vector_subcore>, window_params = [{transform_indices = #map}, {transform_indices = #map1}, {transform_indices = #map}]} {
    %mul3A = arith.constant 2 : i32
    %mul3A_0 = arith.muli %arg1, %mul3A : i32
    %add3A = arith.addi %mul3A_0, %arg0 : i32
    "tpu.region"() ({
      %run_scoped3A = tpu.sem_alloc : memref<!tpu.dma_semaphore, #tpu.memory_space<semaphore_mem>>
      %dma_start3A = arith.constant 0 : i32
      %dma_start3A_15 = arith.constant 0 : i32
      %dma_start3A_16 = tpu.memref_slice %arg3[%add3A, %dma_start3A, %dma_start3A_15] : memref<32x40x128xi32, #tpu.memory_space<hbm>> -> memref<1x40x128xi32, #tpu.memory_space<hbm>>
      %dma_start3A_17 = tpu.memref_squeeze %dma_start3A_16 : memref<1x40x128xi32, #tpu.memory_space<hbm>> -> memref<40x128xi32, #tpu.memory_space<hbm>>
      %dma_start3A_18 = arith.constant 0 : i32
      %dma_start3A_19 = arith.constant 0 : i32
      %dma_start3A_20 = tpu.memref_slice %arg3[%add3A, %dma_start3A_18, %dma_start3A_19] : memref<32x40x128xi32, #tpu.memory_space<hbm>> -> memref<1x40x128xi32, #tpu.memory_space<hbm>>
      %dma_start3A_21 = tpu.memref_squeeze %dma_start3A_20 : memref<1x40x128xi32, #tpu.memory_space<hbm>> -> memref<40x128xi32, #tpu.memory_space<hbm>>
      tpu.enqueue_dma source(%dma_start3A_21 : memref<40x128xi32, #tpu.memory_space<hbm>>) target(%arg5 : memref<40x128xi32, #tpu.memory_space<vmem>>) target_semaphore(%run_scoped3A : memref<!tpu.dma_semaphore, #tpu.memory_space<semaphore_mem>>)
      %dma_wait3A_22 = arith.constant 0 : i32
      %dma_wait3A_23 = arith.constant 0 : i32
      %dma_wait3A_24 = tpu.memref_slice %arg3[%add3A, %dma_wait3A_22, %dma_wait3A_23] : memref<32x40x128xi32, #tpu.memory_space<hbm>> -> memref<1x40x128xi32, #tpu.memory_space<hbm>>
      %dma_wait3A_25 = tpu.memref_squeeze %dma_wait3A_24 : memref<1x40x128xi32, #tpu.memory_space<hbm>> -> memref<40x128xi32, #tpu.memory_space<hbm>>
      %dma_wait3A_26 = arith.constant 0 : i32
      %dma_wait3A_27 = arith.constant 0 : i32
      %dma_wait3A_28 = tpu.memref_slice %arg3[%add3A, %dma_wait3A_26, %dma_wait3A_27] : memref<32x40x128xi32, #tpu.memory_space<hbm>> -> memref<1x40x128xi32, #tpu.memory_space<hbm>>
      %dma_wait3A_29 = tpu.memref_squeeze %dma_wait3A_28 : memref<1x40x128xi32, #tpu.memory_space<hbm>> -> memref<40x128xi32, #tpu.memory_space<hbm>>
      tpu.wait_dma2 semaphore(%run_scoped3A : memref<!tpu.dma_semaphore, #tpu.memory_space<semaphore_mem>>) src(%dma_wait3A_29 : memref<40x128xi32, #tpu.memory_space<hbm>>) dst(%arg5 : memref<40x128xi32, #tpu.memory_space<vmem>>)
      tpu.yield
    }) : () -> ()
    %mul3A_1 = arith.constant 5120 : i32
    %mul3A_2 = arith.muli %add3A, %mul3A_1 : i32
    %scan3A = arith.constant 0 : i32
    %scan3A_3 = arith.constant 0 : i32
    %scan3A_4 = arith.constant 20 : i32
    %scan3A_5 = arith.addi %scan3A_3, %scan3A_4 : i32
    %scan3A_6 = arith.constant 1 : i32
    scf.for %scan3A_15 = %scan3A_3 to %scan3A_5 step %scan3A_6  : i32 {
      %mul3A_16 = arith.constant 2 : i32
      %mul3A_17 = arith.muli %mul3A_16, %scan3A_15 : i32
      %add3A_18 = arith.constant 1 : i32
      %add3A_19 = arith.addi %mul3A_17, %add3A_18 : i32
      %gt3A = arith.constant 0 : i32
      %gt3A_20 = arith.cmpi sgt, %scan3A_15, %gt3A : i32
      %convert_element_type3A = arith.extui %gt3A_20 : i1 to i32
      %cond3A = arith.constant 0 : i32
      %cond3A_21 = arith.cmpi ne, %convert_element_type3A, %cond3A : i32
      scf.if %cond3A_21 {
        %dma_wait3A_59 = arith.constant 0 : i32
        %dma_wait3A_60 = tpu.memref_slice %arg4[%mul3A_2, %dma_wait3A_59] : memref<163840x128xf32, #tpu.memory_space<hbm>> -> memref<128x128xf32, #tpu.memory_space<hbm>>
        %dma_wait3A_61 = arith.constant 0 : i32
        %dma_wait3A_62 = tpu.memref_slice %arg4[%mul3A_2, %dma_wait3A_61] : memref<163840x128xf32, #tpu.memory_space<hbm>> -> memref<128x128xf32, #tpu.memory_space<hbm>>
        tpu.wait_dma2 semaphore(%arg10 : memref<!tpu.dma_semaphore, #tpu.memory_space<semaphore_mem>>) src(%arg6 : memref<128x128xf32, #tpu.memory_space<vmem>>) dst(%dma_wait3A_62 : memref<128x128xf32, #tpu.memory_space<hbm>>)
        %dma_wait3A_63 = arith.constant 0 : i32
        %dma_wait3A_64 = tpu.memref_slice %arg4[%mul3A_2, %dma_wait3A_63] : memref<163840x128xf32, #tpu.memory_space<hbm>> -> memref<128x128xf32, #tpu.memory_space<hbm>>
        %dma_wait3A_65 = arith.constant 0 : i32
        %dma_wait3A_66 = tpu.memref_slice %arg4[%mul3A_2, %dma_wait3A_65] : memref<163840x128xf32, #tpu.memory_space<hbm>> -> memref<128x128xf32, #tpu.memory_space<hbm>>
        tpu.wait_dma2 semaphore(%arg11 : memref<!tpu.dma_semaphore, #tpu.memory_space<semaphore_mem>>) src(%arg7 : memref<128x128xf32, #tpu.memory_space<vmem>>) dst(%dma_wait3A_66 : memref<128x128xf32, #tpu.memory_space<hbm>>)
      } else {
      }
      %dma_start3A = arith.constant 0 : i32
      %dma_start3A_22 = tpu.memref_slice %arg5[%mul3A_17, %dma_start3A] : memref<40x128xi32, #tpu.memory_space<vmem>> -> memref<1x128xi32, #tpu.memory_space<vmem>>
      %dma_start3A_23 = tpu.memref_squeeze %dma_start3A_22 : memref<1x128xi32, #tpu.memory_space<vmem>> -> memref<128xi32, #tpu.memory_space<vmem>>
      %dma_start3A_24 = arith.constant 0 : i32
      %dma_start3A_25 = arith.constant 0 : i32
      %dma_start3A_26 = tpu.memref_slice %arg2[%dma_start3A_24, %dma_start3A_25] : memref<10240x128xf32, #tpu.memory_space<hbm>> -> memref<10240x128xf32, #tpu.memory_space<hbm>>
      tpu.enqueue_indirect_dma source(%dma_start3A_26 : memref<10240x128xf32, #tpu.memory_space<hbm>>) target(%arg6 : memref<128x128xf32, #tpu.memory_space<vmem>>) offsets(%dma_start3A_23 : memref<128xi32, #tpu.memory_space<vmem>>) semaphore(%arg8 : memref<!tpu.dma_semaphore, #tpu.memory_space<semaphore_mem>>)
      %dma_start3A_27 = arith.constant 0 : i32
      %dma_start3A_28 = tpu.memref_slice %arg5[%add3A_19, %dma_start3A_27] : memref<40x128xi32, #tpu.memory_space<vmem>> -> memref<1x128xi32, #tpu.memory_space<vmem>>
      %dma_start3A_29 = tpu.memref_squeeze %dma_start3A_28 : memref<1x128xi32, #tpu.memory_space<vmem>> -> memref<128xi32, #tpu.memory_space<vmem>>
      %dma_start3A_30 = arith.constant 0 : i32
      %dma_start3A_31 = arith.constant 0 : i32
      %dma_start3A_32 = tpu.memref_slice %arg2[%dma_start3A_30, %dma_start3A_31] : memref<10240x128xf32, #tpu.memory_space<hbm>> -> memref<10240x128xf32, #tpu.memory_space<hbm>>
      tpu.enqueue_indirect_dma source(%dma_start3A_32 : memref<10240x128xf32, #tpu.memory_space<hbm>>) target(%arg7 : memref<128x128xf32, #tpu.memory_space<vmem>>) offsets(%dma_start3A_29 : memref<128xi32, #tpu.memory_space<vmem>>) semaphore(%arg9 : memref<!tpu.dma_semaphore, #tpu.memory_space<semaphore_mem>>)
      %dma_wait3A_33 = arith.constant 0 : i32
      %dma_wait3A_34 = tpu.memref_slice %arg5[%mul3A_17, %dma_wait3A_33] : memref<40x128xi32, #tpu.memory_space<vmem>> -> memref<1x128xi32, #tpu.memory_space<vmem>>
      %dma_wait3A_35 = tpu.memref_squeeze %dma_wait3A_34 : memref<1x128xi32, #tpu.memory_space<vmem>> -> memref<128xi32, #tpu.memory_space<vmem>>
      %dma_wait3A_36 = arith.constant 0 : i32
      %dma_wait3A_37 = arith.constant 0 : i32
      %dma_wait3A_38 = tpu.memref_slice %arg2[%dma_wait3A_36, %dma_wait3A_37] : memref<10240x128xf32, #tpu.memory_space<hbm>> -> memref<10240x128xf32, #tpu.memory_space<hbm>>
      tpu.wait_indirect_dma semaphore(%arg8 : memref<!tpu.dma_semaphore, #tpu.memory_space<semaphore_mem>>) src(%dma_wait3A_38 : memref<10240x128xf32, #tpu.memory_space<hbm>>) dst(%arg6 : memref<128x128xf32, #tpu.memory_space<vmem>>)
      %mul3A_39 = arith.constant 128 : i32
      %mul3A_40 = arith.muli %mul3A_17, %mul3A_39 : i32
      %add3A_41 = arith.addi %mul3A_2, %mul3A_40 : i32
      %dma_start3A_42 = arith.constant 0 : i32
      %dma_start3A_43 = tpu.memref_slice %arg4[%add3A_41, %dma_start3A_42] : memref<163840x128xf32, #tpu.memory_space<hbm>> -> memref<128x128xf32, #tpu.memory_space<hbm>>
      %dma_start3A_44 = arith.constant 0 : i32
      %dma_start3A_45 = tpu.memref_slice %arg4[%add3A_41, %dma_start3A_44] : memref<163840x128xf32, #tpu.memory_space<hbm>> -> memref<128x128xf32, #tpu.memory_space<hbm>>
      tpu.enqueue_dma source(%arg6 : memref<128x128xf32, #tpu.memory_space<vmem>>) target(%dma_start3A_45 : memref<128x128xf32, #tpu.memory_space<hbm>>) target_semaphore(%arg10 : memref<!tpu.dma_semaphore, #tpu.memory_space<semaphore_mem>>)
      %dma_wait3A_46 = arith.constant 0 : i32
      %dma_wait3A_47 = tpu.memref_slice %arg5[%add3A_19, %dma_wait3A_46] : memref<40x128xi32, #tpu.memory_space<vmem>> -> memref<1x128xi32, #tpu.memory_space<vmem>>
      %dma_wait3A_48 = tpu.memref_squeeze %dma_wait3A_47 : memref<1x128xi32, #tpu.memory_space<vmem>> -> memref<128xi32, #tpu.memory_space<vmem>>
      %dma_wait3A_49 = arith.constant 0 : i32
      %dma_wait3A_50 = arith.constant 0 : i32
      %dma_wait3A_51 = tpu.memref_slice %arg2[%dma_wait3A_49, %dma_wait3A_50] : memref<10240x128xf32, #tpu.memory_space<hbm>> -> memref<10240x128xf32, #tpu.memory_space<hbm>>
      tpu.wait_indirect_dma semaphore(%arg9 : memref<!tpu.dma_semaphore, #tpu.memory_space<semaphore_mem>>) src(%dma_wait3A_51 : memref<10240x128xf32, #tpu.memory_space<hbm>>) dst(%arg7 : memref<128x128xf32, #tpu.memory_space<vmem>>)
      %mul3A_52 = arith.constant 128 : i32
      %mul3A_53 = arith.muli %add3A_19, %mul3A_52 : i32
      %add3A_54 = arith.addi %mul3A_2, %mul3A_53 : i32
      %dma_start3A_55 = arith.constant 0 : i32
      %dma_start3A_56 = tpu.memref_slice %arg4[%add3A_54, %dma_start3A_55] : memref<163840x128xf32, #tpu.memory_space<hbm>> -> memref<128x128xf32, #tpu.memory_space<hbm>>
      %dma_start3A_57 = arith.constant 0 : i32
      %dma_start3A_58 = tpu.memref_slice %arg4[%add3A_54, %dma_start3A_57] : memref<163840x128xf32, #tpu.memory_space<hbm>> -> memref<128x128xf32, #tpu.memory_space<hbm>>
      tpu.enqueue_dma source(%arg7 : memref<128x128xf32, #tpu.memory_space<vmem>>) target(%dma_start3A_58 : memref<128x128xf32, #tpu.memory_space<hbm>>) target_semaphore(%arg11 : memref<!tpu.dma_semaphore, #tpu.memory_space<semaphore_mem>>)
    }
    %scan3A_7 = arith.constant 20 : i32
    %dma_wait3A = arith.constant 0 : i32
    %dma_wait3A_8 = tpu.memref_slice %arg4[%mul3A_2, %dma_wait3A] : memref<163840x128xf32, #tpu.memory_space<hbm>> -> memref<128x128xf32, #tpu.memory_space<hbm>>
    %dma_wait3A_9 = arith.constant 0 : i32
    %dma_wait3A_10 = tpu.memref_slice %arg4[%mul3A_2, %dma_wait3A_9] : memref<163840x128xf32, #tpu.memory_space<hbm>> -> memref<128x128xf32, #tpu.memory_space<hbm>>
    tpu.wait_dma2 semaphore(%arg10 : memref<!tpu.dma_semaphore, #tpu.memory_space<semaphore_mem>>) src(%arg6 : memref<128x128xf32, #tpu.memory_space<vmem>>) dst(%dma_wait3A_10 : memref<128x128xf32, #tpu.memory_space<hbm>>)
    %dma_wait3A_11 = arith.constant 0 : i32
    %dma_wait3A_12 = tpu.memref_slice %arg4[%mul3A_2, %dma_wait3A_11] : memref<163840x128xf32, #tpu.memory_space<hbm>> -> memref<128x128xf32, #tpu.memory_space<hbm>>
    %dma_wait3A_13 = arith.constant 0 : i32
    %dma_wait3A_14 = tpu.memref_slice %arg4[%mul3A_2, %dma_wait3A_13] : memref<163840x128xf32, #tpu.memory_space<hbm>> -> memref<128x128xf32, #tpu.memory_space<hbm>>
    tpu.wait_dma2 semaphore(%arg11 : memref<!tpu.dma_semaphore, #tpu.memory_space<semaphore_mem>>) src(%arg7 : memref<128x128xf32, #tpu.memory_space<vmem>>) dst(%dma_wait3A_14 : memref<128x128xf32, #tpu.memory_space<hbm>>)
    return
  }
}

#map = affine_map<(d0, d1) -> (0, 0)>
#map1 = affine_map<(d0, d1) -> (0, 0, 0)>
module attributes {stable_mosaic.version = 14 : i64} {
  func.func @gather_k(%arg0: i32, %arg1: i32, %arg2: memref<10240x128xf32, #tpu.memory_space<hbm>>, %arg3: memref<32x40x128xi32, #tpu.memory_space<hbm>>, %arg4: memref<163840x128xf32, #tpu.memory_space<hbm>>, %arg5: memref<40x128xi32, #tpu.memory_space<vmem>>, %arg6: memref<128x128xf32, #tpu.memory_space<vmem>>, %arg7: memref<128x128xf32, #tpu.memory_space<vmem>>, %arg8: memref<!tpu.dma_semaphore, #tpu.memory_space<semaphore_mem>>, %arg9: memref<!tpu.dma_semaphore, #tpu.memory_space<semaphore_mem>>, %arg10: memref<!tpu.dma_semaphore, #tpu.memory_space<semaphore_mem>>, %arg11: memref<!tpu.dma_semaphore, #tpu.memory_space<semaphore_mem>>) attributes {dimension_semantics = [#tpu.dimension_semantics<core_parallel>, #tpu.dimension_semantics<subcore_parallel>], iteration_bounds = array<i64: 2, 16>, scalar_prefetch = 0 : i64, scratch_operands = 7 : i64, tpu.core_type = #tpu.core_type<sc_vector_subcore>, window_params = [{transform_indices = #map}, {transform_indices = #map1}, {transform_indices = #map}]} {
    %mul3A = arith.constant 2 : i32
    %mul3A_0 = arith.muli %arg1, %mul3A : i32
    %add3A = arith.addi %mul3A_0, %arg0 : i32
    "tpu.region"() ({
      %run_scoped3A = tpu.sem_alloc : memref<!tpu.dma_semaphore, #tpu.memory_space<semaphore_mem>>
      %dma_start3A = arith.constant 0 : i32
      %dma_start3A_15 = arith.constant 0 : i32
      %dma_start3A_16 = tpu.memref_slice %arg3[%add3A, %dma_start3A, %dma_start3A_15] : memref<32x40x128xi32, #tpu.memory_space<hbm>> -> memref<1x40x128xi32, #tpu.memory_space<hbm>>
      %dma_start3A_17 = tpu.memref_squeeze %dma_start3A_16 : memref<1x40x128xi32, #tpu.memory_space<hbm>> -> memref<40x128xi32, #tpu.memory_space<hbm>>
      %dma_start3A_18 = arith.constant 0 : i32
      %dma_start3A_19 = arith.constant 0 : i32
      %dma_start3A_20 = tpu.memref_slice %arg3[%add3A, %dma_start3A_18, %dma_start3A_19] : memref<32x40x128xi32, #tpu.memory_space<hbm>> -> memref<1x40x128xi32, #tpu.memory_space<hbm>>
      %dma_start3A_21 = tpu.memref_squeeze %dma_start3A_20 : memref<1x40x128xi32, #tpu.memory_space<hbm>> -> memref<40x128xi32, #tpu.memory_space<hbm>>
      tpu.enqueue_dma source(%dma_start3A_21 : memref<40x128xi32, #tpu.memory_space<hbm>>) target(%arg5 : memref<40x128xi32, #tpu.memory_space<vmem>>) target_semaphore(%run_scoped3A : memref<!tpu.dma_semaphore, #tpu.memory_space<semaphore_mem>>)
      %dma_wait3A_22 = arith.constant 0 : i32
      %dma_wait3A_23 = arith.constant 0 : i32
      %dma_wait3A_24 = tpu.memref_slice %arg3[%add3A, %dma_wait3A_22, %dma_wait3A_23] : memref<32x40x128xi32, #tpu.memory_space<hbm>> -> memref<1x40x128xi32, #tpu.memory_space<hbm>>
      %dma_wait3A_25 = tpu.memref_squeeze %dma_wait3A_24 : memref<1x40x128xi32, #tpu.memory_space<hbm>> -> memref<40x128xi32, #tpu.memory_space<hbm>>
      %dma_wait3A_26 = arith.constant 0 : i32
      %dma_wait3A_27 = arith.constant 0 : i32
      %dma_wait3A_28 = tpu.memref_slice %arg3[%add3A, %dma_wait3A_26, %dma_wait3A_27] : memref<32x40x128xi32, #tpu.memory_space<hbm>> -> memref<1x40x128xi32, #tpu.memory_space<hbm>>
      %dma_wait3A_29 = tpu.memref_squeeze %dma_wait3A_28 : memref<1x40x128xi32, #tpu.memory_space<hbm>> -> memref<40x128xi32, #tpu.memory_space<hbm>>
      tpu.wait_dma2 semaphore(%run_scoped3A : memref<!tpu.dma_semaphore, #tpu.memory_space<semaphore_mem>>) src(%dma_wait3A_29 : memref<40x128xi32, #tpu.memory_space<hbm>>) dst(%arg5 : memref<40x128xi32, #tpu.memory_space<vmem>>)
      tpu.yield
    }) : () -> ()
    %mul3A_1 = arith.constant 5120 : i32
    %mul3A_2 = arith.muli %add3A, %mul3A_1 : i32
    %scan3A = arith.constant 0 : i32
    %scan3A_3 = arith.constant 0 : i32
    %scan3A_4 = arith.constant 20 : i32
    %scan3A_5 = arith.addi %scan3A_3, %scan3A_4 : i32
    %scan3A_6 = arith.constant 1 : i32
    scf.for %scan3A_15 = %scan3A_3 to %scan3A_5 step %scan3A_6  : i32 {
      %mul3A_16 = arith.constant 2 : i32
      %mul3A_17 = arith.muli %mul3A_16, %scan3A_15 : i32
      %add3A_18 = arith.constant 1 : i32
      %add3A_19 = arith.addi %mul3A_17, %add3A_18 : i32
      %gt3A = arith.constant 0 : i32
      %gt3A_20 = arith.cmpi sgt, %scan3A_15, %gt3A : i32
      %convert_element_type3A = arith.extui %gt3A_20 : i1 to i32
      %cond3A = arith.constant 0 : i32
      %cond3A_21 = arith.cmpi ne, %convert_element_type3A, %cond3A : i32
      scf.if %cond3A_21 {
        %dma_wait3A_59 = arith.constant 0 : i32
        %dma_wait3A_60 = tpu.memref_slice %arg4[%mul3A_2, %dma_wait3A_59] : memref<163840x128xf32, #tpu.memory_space<hbm>> -> memref<128x128xf32, #tpu.memory_space<hbm>>
        %dma_wait3A_61 = arith.constant 0 : i32
        %dma_wait3A_62 = tpu.memref_slice %arg4[%mul3A_2, %dma_wait3A_61] : memref<163840x128xf32, #tpu.memory_space<hbm>> -> memref<128x128xf32, #tpu.memory_space<hbm>>
        tpu.wait_dma2 semaphore(%arg10 : memref<!tpu.dma_semaphore, #tpu.memory_space<semaphore_mem>>) src(%arg6 : memref<128x128xf32, #tpu.memory_space<vmem>>) dst(%dma_wait3A_62 : memref<128x128xf32, #tpu.memory_space<hbm>>)
        %dma_wait3A_63 = arith.constant 0 : i32
        %dma_wait3A_64 = tpu.memref_slice %arg4[%mul3A_2, %dma_wait3A_63] : memref<163840x128xf32, #tpu.memory_space<hbm>> -> memref<128x128xf32, #tpu.memory_space<hbm>>
        %dma_wait3A_65 = arith.constant 0 : i32
        %dma_wait3A_66 = tpu.memref_slice %arg4[%mul3A_2, %dma_wait3A_65] : memref<163840x128xf32, #tpu.memory_space<hbm>> -> memref<128x128xf32, #tpu.memory_space<hbm>>
        tpu.wait_dma2 semaphore(%arg11 : memref<!tpu.dma_semaphore, #tpu.memory_space<semaphore_mem>>) src(%arg7 : memref<128x128xf32, #tpu.memory_space<vmem>>) dst(%dma_wait3A_66 : memref<128x128xf32, #tpu.memory_space<hbm>>)
      } else {
      }
      %dma_start3A = arith.constant 0 : i32
      %dma_start3A_22 = tpu.memref_slice %arg5[%mul3A_17, %dma_start3A] : memref<40x128xi32, #tpu.memory_space<vmem>> -> memref<1x128xi32, #tpu.memory_space<vmem>>
      %dma_start3A_23 = tpu.memref_squeeze %dma_start3A_22 : memref<1x128xi32, #tpu.memory_space<vmem>> -> memref<128xi32, #tpu.memory_space<vmem>>
      %dma_start3A_24 = arith.constant 0 : i32
      %dma_start3A_25 = arith.constant 0 : i32
      %dma_start3A_26 = tpu.memref_slice %arg2[%dma_start3A_24, %dma_start3A_25] : memref<10240x128xf32, #tpu.memory_space<hbm>> -> memref<10240x128xf32, #tpu.memory_space<hbm>>
      tpu.enqueue_indirect_dma source(%dma_start3A_26 : memref<10240x128xf32, #tpu.memory_space<hbm>>) target(%arg6 : memref<128x128xf32, #tpu.memory_space<vmem>>) offsets(%dma_start3A_23 : memref<128xi32, #tpu.memory_space<vmem>>) semaphore(%arg8 : memref<!tpu.dma_semaphore, #tpu.memory_space<semaphore_mem>>)
      %dma_start3A_27 = arith.constant 0 : i32
      %dma_start3A_28 = tpu.memref_slice %arg5[%add3A_19, %dma_start3A_27] : memref<40x128xi32, #tpu.memory_space<vmem>> -> memref<1x128xi32, #tpu.memory_space<vmem>>
      %dma_start3A_29 = tpu.memref_squeeze %dma_start3A_28 : memref<1x128xi32, #tpu.memory_space<vmem>> -> memref<128xi32, #tpu.memory_space<vmem>>
      %dma_start3A_30 = arith.constant 0 : i32
      %dma_start3A_31 = arith.constant 0 : i32
      %dma_start3A_32 = tpu.memref_slice %arg2[%dma_start3A_30, %dma_start3A_31] : memref<10240x128xf32, #tpu.memory_space<hbm>> -> memref<10240x128xf32, #tpu.memory_space<hbm>>
      tpu.enqueue_indirect_dma source(%dma_start3A_32 : memref<10240x128xf32, #tpu.memory_space<hbm>>) target(%arg7 : memref<128x128xf32, #tpu.memory_space<vmem>>) offsets(%dma_start3A_29 : memref<128xi32, #tpu.memory_space<vmem>>) semaphore(%arg9 : memref<!tpu.dma_semaphore, #tpu.memory_space<semaphore_mem>>)
      %dma_wait3A_33 = arith.constant 0 : i32
      %dma_wait3A_34 = tpu.memref_slice %arg5[%mul3A_17, %dma_wait3A_33] : memref<40x128xi32, #tpu.memory_space<vmem>> -> memref<1x128xi32, #tpu.memory_space<vmem>>
      %dma_wait3A_35 = tpu.memref_squeeze %dma_wait3A_34 : memref<1x128xi32, #tpu.memory_space<vmem>> -> memref<128xi32, #tpu.memory_space<vmem>>
      %dma_wait3A_36 = arith.constant 0 : i32
      %dma_wait3A_37 = arith.constant 0 : i32
      %dma_wait3A_38 = tpu.memref_slice %arg2[%dma_wait3A_36, %dma_wait3A_37] : memref<10240x128xf32, #tpu.memory_space<hbm>> -> memref<10240x128xf32, #tpu.memory_space<hbm>>
      tpu.wait_indirect_dma semaphore(%arg8 : memref<!tpu.dma_semaphore, #tpu.memory_space<semaphore_mem>>) src(%dma_wait3A_38 : memref<10240x128xf32, #tpu.memory_space<hbm>>) dst(%arg6 : memref<128x128xf32, #tpu.memory_space<vmem>>)
      %mul3A_39 = arith.constant 128 : i32
      %mul3A_40 = arith.muli %mul3A_17, %mul3A_39 : i32
      %add3A_41 = arith.addi %mul3A_2, %mul3A_40 : i32
      %dma_start3A_42 = arith.constant 0 : i32
      %dma_start3A_43 = tpu.memref_slice %arg4[%add3A_41, %dma_start3A_42] : memref<163840x128xf32, #tpu.memory_space<hbm>> -> memref<128x128xf32, #tpu.memory_space<hbm>>
      %dma_start3A_44 = arith.constant 0 : i32
      %dma_start3A_45 = tpu.memref_slice %arg4[%add3A_41, %dma_start3A_44] : memref<163840x128xf32, #tpu.memory_space<hbm>> -> memref<128x128xf32, #tpu.memory_space<hbm>>
      tpu.enqueue_dma source(%arg6 : memref<128x128xf32, #tpu.memory_space<vmem>>) target(%dma_start3A_45 : memref<128x128xf32, #tpu.memory_space<hbm>>) target_semaphore(%arg10 : memref<!tpu.dma_semaphore, #tpu.memory_space<semaphore_mem>>)
      %dma_wait3A_46 = arith.constant 0 : i32
      %dma_wait3A_47 = tpu.memref_slice %arg5[%add3A_19, %dma_wait3A_46] : memref<40x128xi32, #tpu.memory_space<vmem>> -> memref<1x128xi32, #tpu.memory_space<vmem>>
      %dma_wait3A_48 = tpu.memref_squeeze %dma_wait3A_47 : memref<1x128xi32, #tpu.memory_space<vmem>> -> memref<128xi32, #tpu.memory_space<vmem>>
      %dma_wait3A_49 = arith.constant 0 : i32
      %dma_wait3A_50 = arith.constant 0 : i32
      %dma_wait3A_51 = tpu.memref_slice %arg2[%dma_wait3A_49, %dma_wait3A_50] : memref<10240x128xf32, #tpu.memory_space<hbm>> -> memref<10240x128xf32, #tpu.memory_space<hbm>>
      tpu.wait_indirect_dma semaphore(%arg9 : memref<!tpu.dma_semaphore, #tpu.memory_space<semaphore_mem>>) src(%dma_wait3A_51 : memref<10240x128xf32, #tpu.memory_space<hbm>>) dst(%arg7 : memref<128x128xf32, #tpu.memory_space<vmem>>)
      %mul3A_52 = arith.constant 128 : i32
      %mul3A_53 = arith.muli %add3A_19, %mul3A_52 : i32
      %add3A_54 = arith.addi %mul3A_2, %mul3A_53 : i32
      %dma_start3A_55 = arith.constant 0 : i32
      %dma_start3A_56 = tpu.memref_slice %arg4[%add3A_54, %dma_start3A_55] : memref<163840x128xf32, #tpu.memory_space<hbm>> -> memref<128x128xf32, #tpu.memory_space<hbm>>
      %dma_start3A_57 = arith.constant 0 : i32
      %dma_start3A_58 = tpu.memref_slice %arg4[%add3A_54, %dma_start3A_57] : memref<163840x128xf32, #tpu.memory_space<hbm>> -> memref<128x128xf32, #tpu.memory_space<hbm>>
      tpu.enqueue_dma source(%arg7 : memref<128x128xf32, #tpu.memory_space<vmem>>) target(%dma_start3A_58 : memref<128x128xf32, #tpu.memory_space<hbm>>) target_semaphore(%arg11 : memref<!tpu.dma_semaphore, #tpu.memory_space<semaphore_mem>>)
    }
    %scan3A_7 = arith.constant 20 : i32
    %dma_wait3A = arith.constant 0 : i32
    %dma_wait3A_8 = tpu.memref_slice %arg4[%mul3A_2, %dma_wait3A] : memref<163840x128xf32, #tpu.memory_space<hbm>> -> memref<128x128xf32, #tpu.memory_space<hbm>>
    %dma_wait3A_9 = arith.constant 0 : i32
    %dma_wait3A_10 = tpu.memref_slice %arg4[%mul3A_2, %dma_wait3A_9] : memref<163840x128xf32, #tpu.memory_space<hbm>> -> memref<128x128xf32, #tpu.memory_space<hbm>>
    tpu.wait_dma2 semaphore(%arg10 : memref<!tpu.dma_semaphore, #tpu.memory_space<semaphore_mem>>) src(%arg6 : memref<128x128xf32, #tpu.memory_space<vmem>>) dst(%dma_wait3A_10 : memref<128x128xf32, #tpu.memory_space<hbm>>)
    %dma_wait3A_11 = arith.constant 0 : i32
    %dma_wait3A_12 = tpu.memref_slice %arg4[%mul3A_2, %dma_wait3A_11] : memref<163840x128xf32, #tpu.memory_space<hbm>> -> memref<128x128xf32, #tpu.memory_space<hbm>>
    %dma_wait3A_13 = arith.constant 0 : i32
    %dma_wait3A_14 = tpu.memref_slice %arg4[%mul3A_2, %dma_wait3A_13] : memref<163840x128xf32, #tpu.memory_space<hbm>> -> memref<128x128xf32, #tpu.memory_space<hbm>>
    tpu.wait_dma2 semaphore(%arg11 : memref<!tpu.dma_semaphore, #tpu.memory_space<semaphore_mem>>) src(%arg7 : memref<128x128xf32, #tpu.memory_space<vmem>>) dst(%dma_wait3A_14 : memref<128x128xf32, #tpu.memory_space<hbm>>)
    return
  }
}

#map = affine_map<(d0, d1) -> (0, 0)>
#map1 = affine_map<(d0, d1) -> (0, 0, 0)>
module attributes {stable_mosaic.version = 14 : i64} {
  func.func @gather_k(%arg0: i32, %arg1: i32, %arg2: memref<10240x128xf32, #tpu.memory_space<hbm>>, %arg3: memref<32x40x128xi32, #tpu.memory_space<hbm>>, %arg4: memref<163840x128xf32, #tpu.memory_space<hbm>>, %arg5: memref<40x128xi32, #tpu.memory_space<vmem>>, %arg6: memref<128x128xf32, #tpu.memory_space<vmem>>, %arg7: memref<128x128xf32, #tpu.memory_space<vmem>>, %arg8: memref<!tpu.dma_semaphore, #tpu.memory_space<semaphore_mem>>, %arg9: memref<!tpu.dma_semaphore, #tpu.memory_space<semaphore_mem>>, %arg10: memref<!tpu.dma_semaphore, #tpu.memory_space<semaphore_mem>>, %arg11: memref<!tpu.dma_semaphore, #tpu.memory_space<semaphore_mem>>) attributes {dimension_semantics = [#tpu.dimension_semantics<core_parallel>, #tpu.dimension_semantics<subcore_parallel>], iteration_bounds = array<i64: 2, 16>, scalar_prefetch = 0 : i64, scratch_operands = 7 : i64, tpu.core_type = #tpu.core_type<sc_vector_subcore>, window_params = [{transform_indices = #map}, {transform_indices = #map1}, {transform_indices = #map}]} {
    %mul3A = arith.constant 2 : i32
    %mul3A_0 = arith.muli %arg1, %mul3A : i32
    %add3A = arith.addi %mul3A_0, %arg0 : i32
    "tpu.region"() ({
      %run_scoped3A = tpu.sem_alloc : memref<!tpu.dma_semaphore, #tpu.memory_space<semaphore_mem>>
      %dma_start3A = arith.constant 0 : i32
      %dma_start3A_15 = arith.constant 0 : i32
      %dma_start3A_16 = tpu.memref_slice %arg3[%add3A, %dma_start3A, %dma_start3A_15] : memref<32x40x128xi32, #tpu.memory_space<hbm>> -> memref<1x40x128xi32, #tpu.memory_space<hbm>>
      %dma_start3A_17 = tpu.memref_squeeze %dma_start3A_16 : memref<1x40x128xi32, #tpu.memory_space<hbm>> -> memref<40x128xi32, #tpu.memory_space<hbm>>
      %dma_start3A_18 = arith.constant 0 : i32
      %dma_start3A_19 = arith.constant 0 : i32
      %dma_start3A_20 = tpu.memref_slice %arg3[%add3A, %dma_start3A_18, %dma_start3A_19] : memref<32x40x128xi32, #tpu.memory_space<hbm>> -> memref<1x40x128xi32, #tpu.memory_space<hbm>>
      %dma_start3A_21 = tpu.memref_squeeze %dma_start3A_20 : memref<1x40x128xi32, #tpu.memory_space<hbm>> -> memref<40x128xi32, #tpu.memory_space<hbm>>
      tpu.enqueue_dma source(%dma_start3A_21 : memref<40x128xi32, #tpu.memory_space<hbm>>) target(%arg5 : memref<40x128xi32, #tpu.memory_space<vmem>>) target_semaphore(%run_scoped3A : memref<!tpu.dma_semaphore, #tpu.memory_space<semaphore_mem>>)
      %dma_wait3A_22 = arith.constant 0 : i32
      %dma_wait3A_23 = arith.constant 0 : i32
      %dma_wait3A_24 = tpu.memref_slice %arg3[%add3A, %dma_wait3A_22, %dma_wait3A_23] : memref<32x40x128xi32, #tpu.memory_space<hbm>> -> memref<1x40x128xi32, #tpu.memory_space<hbm>>
      %dma_wait3A_25 = tpu.memref_squeeze %dma_wait3A_24 : memref<1x40x128xi32, #tpu.memory_space<hbm>> -> memref<40x128xi32, #tpu.memory_space<hbm>>
      %dma_wait3A_26 = arith.constant 0 : i32
      %dma_wait3A_27 = arith.constant 0 : i32
      %dma_wait3A_28 = tpu.memref_slice %arg3[%add3A, %dma_wait3A_26, %dma_wait3A_27] : memref<32x40x128xi32, #tpu.memory_space<hbm>> -> memref<1x40x128xi32, #tpu.memory_space<hbm>>
      %dma_wait3A_29 = tpu.memref_squeeze %dma_wait3A_28 : memref<1x40x128xi32, #tpu.memory_space<hbm>> -> memref<40x128xi32, #tpu.memory_space<hbm>>
      tpu.wait_dma2 semaphore(%run_scoped3A : memref<!tpu.dma_semaphore, #tpu.memory_space<semaphore_mem>>) src(%dma_wait3A_29 : memref<40x128xi32, #tpu.memory_space<hbm>>) dst(%arg5 : memref<40x128xi32, #tpu.memory_space<vmem>>)
      tpu.yield
    }) : () -> ()
    %mul3A_1 = arith.constant 5120 : i32
    %mul3A_2 = arith.muli %add3A, %mul3A_1 : i32
    %scan3A = arith.constant 0 : i32
    %scan3A_3 = arith.constant 0 : i32
    %scan3A_4 = arith.constant 20 : i32
    %scan3A_5 = arith.addi %scan3A_3, %scan3A_4 : i32
    %scan3A_6 = arith.constant 1 : i32
    scf.for %scan3A_15 = %scan3A_3 to %scan3A_5 step %scan3A_6  : i32 {
      %mul3A_16 = arith.constant 2 : i32
      %mul3A_17 = arith.muli %mul3A_16, %scan3A_15 : i32
      %add3A_18 = arith.constant 1 : i32
      %add3A_19 = arith.addi %mul3A_17, %add3A_18 : i32
      %gt3A = arith.constant 0 : i32
      %gt3A_20 = arith.cmpi sgt, %scan3A_15, %gt3A : i32
      %convert_element_type3A = arith.extui %gt3A_20 : i1 to i32
      %cond3A = arith.constant 0 : i32
      %cond3A_21 = arith.cmpi ne, %convert_element_type3A, %cond3A : i32
      scf.if %cond3A_21 {
        %dma_wait3A_59 = arith.constant 0 : i32
        %dma_wait3A_60 = tpu.memref_slice %arg4[%mul3A_2, %dma_wait3A_59] : memref<163840x128xf32, #tpu.memory_space<hbm>> -> memref<128x128xf32, #tpu.memory_space<hbm>>
        %dma_wait3A_61 = arith.constant 0 : i32
        %dma_wait3A_62 = tpu.memref_slice %arg4[%mul3A_2, %dma_wait3A_61] : memref<163840x128xf32, #tpu.memory_space<hbm>> -> memref<128x128xf32, #tpu.memory_space<hbm>>
        tpu.wait_dma2 semaphore(%arg10 : memref<!tpu.dma_semaphore, #tpu.memory_space<semaphore_mem>>) src(%arg6 : memref<128x128xf32, #tpu.memory_space<vmem>>) dst(%dma_wait3A_62 : memref<128x128xf32, #tpu.memory_space<hbm>>)
        %dma_wait3A_63 = arith.constant 0 : i32
        %dma_wait3A_64 = tpu.memref_slice %arg4[%mul3A_2, %dma_wait3A_63] : memref<163840x128xf32, #tpu.memory_space<hbm>> -> memref<128x128xf32, #tpu.memory_space<hbm>>
        %dma_wait3A_65 = arith.constant 0 : i32
        %dma_wait3A_66 = tpu.memref_slice %arg4[%mul3A_2, %dma_wait3A_65] : memref<163840x128xf32, #tpu.memory_space<hbm>> -> memref<128x128xf32, #tpu.memory_space<hbm>>
        tpu.wait_dma2 semaphore(%arg11 : memref<!tpu.dma_semaphore, #tpu.memory_space<semaphore_mem>>) src(%arg7 : memref<128x128xf32, #tpu.memory_space<vmem>>) dst(%dma_wait3A_66 : memref<128x128xf32, #tpu.memory_space<hbm>>)
      } else {
      }
      %dma_start3A = arith.constant 0 : i32
      %dma_start3A_22 = tpu.memref_slice %arg5[%mul3A_17, %dma_start3A] : memref<40x128xi32, #tpu.memory_space<vmem>> -> memref<1x128xi32, #tpu.memory_space<vmem>>
      %dma_start3A_23 = tpu.memref_squeeze %dma_start3A_22 : memref<1x128xi32, #tpu.memory_space<vmem>> -> memref<128xi32, #tpu.memory_space<vmem>>
      %dma_start3A_24 = arith.constant 0 : i32
      %dma_start3A_25 = arith.constant 0 : i32
      %dma_start3A_26 = tpu.memref_slice %arg2[%dma_start3A_24, %dma_start3A_25] : memref<10240x128xf32, #tpu.memory_space<hbm>> -> memref<10240x128xf32, #tpu.memory_space<hbm>>
      tpu.enqueue_indirect_dma source(%dma_start3A_26 : memref<10240x128xf32, #tpu.memory_space<hbm>>) target(%arg6 : memref<128x128xf32, #tpu.memory_space<vmem>>) offsets(%dma_start3A_23 : memref<128xi32, #tpu.memory_space<vmem>>) semaphore(%arg8 : memref<!tpu.dma_semaphore, #tpu.memory_space<semaphore_mem>>)
      %dma_start3A_27 = arith.constant 0 : i32
      %dma_start3A_28 = tpu.memref_slice %arg5[%add3A_19, %dma_start3A_27] : memref<40x128xi32, #tpu.memory_space<vmem>> -> memref<1x128xi32, #tpu.memory_space<vmem>>
      %dma_start3A_29 = tpu.memref_squeeze %dma_start3A_28 : memref<1x128xi32, #tpu.memory_space<vmem>> -> memref<128xi32, #tpu.memory_space<vmem>>
      %dma_start3A_30 = arith.constant 0 : i32
      %dma_start3A_31 = arith.constant 0 : i32
      %dma_start3A_32 = tpu.memref_slice %arg2[%dma_start3A_30, %dma_start3A_31] : memref<10240x128xf32, #tpu.memory_space<hbm>> -> memref<10240x128xf32, #tpu.memory_space<hbm>>
      tpu.enqueue_indirect_dma source(%dma_start3A_32 : memref<10240x128xf32, #tpu.memory_space<hbm>>) target(%arg7 : memref<128x128xf32, #tpu.memory_space<vmem>>) offsets(%dma_start3A_29 : memref<128xi32, #tpu.memory_space<vmem>>) semaphore(%arg9 : memref<!tpu.dma_semaphore, #tpu.memory_space<semaphore_mem>>)
      %dma_wait3A_33 = arith.constant 0 : i32
      %dma_wait3A_34 = tpu.memref_slice %arg5[%mul3A_17, %dma_wait3A_33] : memref<40x128xi32, #tpu.memory_space<vmem>> -> memref<1x128xi32, #tpu.memory_space<vmem>>
      %dma_wait3A_35 = tpu.memref_squeeze %dma_wait3A_34 : memref<1x128xi32, #tpu.memory_space<vmem>> -> memref<128xi32, #tpu.memory_space<vmem>>
      %dma_wait3A_36 = arith.constant 0 : i32
      %dma_wait3A_37 = arith.constant 0 : i32
      %dma_wait3A_38 = tpu.memref_slice %arg2[%dma_wait3A_36, %dma_wait3A_37] : memref<10240x128xf32, #tpu.memory_space<hbm>> -> memref<10240x128xf32, #tpu.memory_space<hbm>>
      tpu.wait_indirect_dma semaphore(%arg8 : memref<!tpu.dma_semaphore, #tpu.memory_space<semaphore_mem>>) src(%dma_wait3A_38 : memref<10240x128xf32, #tpu.memory_space<hbm>>) dst(%arg6 : memref<128x128xf32, #tpu.memory_space<vmem>>)
      %mul3A_39 = arith.constant 128 : i32
      %mul3A_40 = arith.muli %mul3A_17, %mul3A_39 : i32
      %add3A_41 = arith.addi %mul3A_2, %mul3A_40 : i32
      %dma_start3A_42 = arith.constant 0 : i32
      %dma_start3A_43 = tpu.memref_slice %arg4[%add3A_41, %dma_start3A_42] : memref<163840x128xf32, #tpu.memory_space<hbm>> -> memref<128x128xf32, #tpu.memory_space<hbm>>
      %dma_start3A_44 = arith.constant 0 : i32
      %dma_start3A_45 = tpu.memref_slice %arg4[%add3A_41, %dma_start3A_44] : memref<163840x128xf32, #tpu.memory_space<hbm>> -> memref<128x128xf32, #tpu.memory_space<hbm>>
      tpu.enqueue_dma source(%arg6 : memref<128x128xf32, #tpu.memory_space<vmem>>) target(%dma_start3A_45 : memref<128x128xf32, #tpu.memory_space<hbm>>) target_semaphore(%arg10 : memref<!tpu.dma_semaphore, #tpu.memory_space<semaphore_mem>>)
      %dma_wait3A_46 = arith.constant 0 : i32
      %dma_wait3A_47 = tpu.memref_slice %arg5[%add3A_19, %dma_wait3A_46] : memref<40x128xi32, #tpu.memory_space<vmem>> -> memref<1x128xi32, #tpu.memory_space<vmem>>
      %dma_wait3A_48 = tpu.memref_squeeze %dma_wait3A_47 : memref<1x128xi32, #tpu.memory_space<vmem>> -> memref<128xi32, #tpu.memory_space<vmem>>
      %dma_wait3A_49 = arith.constant 0 : i32
      %dma_wait3A_50 = arith.constant 0 : i32
      %dma_wait3A_51 = tpu.memref_slice %arg2[%dma_wait3A_49, %dma_wait3A_50] : memref<10240x128xf32, #tpu.memory_space<hbm>> -> memref<10240x128xf32, #tpu.memory_space<hbm>>
      tpu.wait_indirect_dma semaphore(%arg9 : memref<!tpu.dma_semaphore, #tpu.memory_space<semaphore_mem>>) src(%dma_wait3A_51 : memref<10240x128xf32, #tpu.memory_space<hbm>>) dst(%arg7 : memref<128x128xf32, #tpu.memory_space<vmem>>)
      %mul3A_52 = arith.constant 128 : i32
      %mul3A_53 = arith.muli %add3A_19, %mul3A_52 : i32
      %add3A_54 = arith.addi %mul3A_2, %mul3A_53 : i32
      %dma_start3A_55 = arith.constant 0 : i32
      %dma_start3A_56 = tpu.memref_slice %arg4[%add3A_54, %dma_start3A_55] : memref<163840x128xf32, #tpu.memory_space<hbm>> -> memref<128x128xf32, #tpu.memory_space<hbm>>
      %dma_start3A_57 = arith.constant 0 : i32
      %dma_start3A_58 = tpu.memref_slice %arg4[%add3A_54, %dma_start3A_57] : memref<163840x128xf32, #tpu.memory_space<hbm>> -> memref<128x128xf32, #tpu.memory_space<hbm>>
      tpu.enqueue_dma source(%arg7 : memref<128x128xf32, #tpu.memory_space<vmem>>) target(%dma_start3A_58 : memref<128x128xf32, #tpu.memory_space<hbm>>) target_semaphore(%arg11 : memref<!tpu.dma_semaphore, #tpu.memory_space<semaphore_mem>>)
    }
    %scan3A_7 = arith.constant 20 : i32
    %dma_wait3A = arith.constant 0 : i32
    %dma_wait3A_8 = tpu.memref_slice %arg4[%mul3A_2, %dma_wait3A] : memref<163840x128xf32, #tpu.memory_space<hbm>> -> memref<128x128xf32, #tpu.memory_space<hbm>>
    %dma_wait3A_9 = arith.constant 0 : i32
    %dma_wait3A_10 = tpu.memref_slice %arg4[%mul3A_2, %dma_wait3A_9] : memref<163840x128xf32, #tpu.memory_space<hbm>> -> memref<128x128xf32, #tpu.memory_space<hbm>>
    tpu.wait_dma2 semaphore(%arg10 : memref<!tpu.dma_semaphore, #tpu.memory_space<semaphore_mem>>) src(%arg6 : memref<128x128xf32, #tpu.memory_space<vmem>>) dst(%dma_wait3A_10 : memref<128x128xf32, #tpu.memory_space<hbm>>)
    %dma_wait3A_11 = arith.constant 0 : i32
    %dma_wait3A_12 = tpu.memref_slice %arg4[%mul3A_2, %dma_wait3A_11] : memref<163840x128xf32, #tpu.memory_space<hbm>> -> memref<128x128xf32, #tpu.memory_space<hbm>>
    %dma_wait3A_13 = arith.constant 0 : i32
    %dma_wait3A_14 = tpu.memref_slice %arg4[%mul3A_2, %dma_wait3A_13] : memref<163840x128xf32, #tpu.memory_space<hbm>> -> memref<128x128xf32, #tpu.memory_space<hbm>>
    tpu.wait_dma2 semaphore(%arg11 : memref<!tpu.dma_semaphore, #tpu.memory_space<semaphore_mem>>) src(%arg7 : memref<128x128xf32, #tpu.memory_space<vmem>>) dst(%dma_wait3A_14 : memref<128x128xf32, #tpu.memory_space<hbm>>)
    return
  }
}

module attributes {stable_mosaic.version = 14 : i64} {
  func.func @_posnorm_body(%arg0: memref<2x5120xf32, #tpu.memory_space<vmem>>, %arg1: memref<2x5120xf32, #tpu.memory_space<vmem>>, %arg2: memref<2x5120xf32, #tpu.memory_space<vmem>>, %arg3: memref<2x5120xf32, #tpu.memory_space<vmem>>) attributes {dimension_semantics = [], scalar_prefetch = 0 : i64, scratch_operands = 0 : i64, tpu.core_type = #tpu.core_type<tc>} {
    %iota3A = tpu.iota {dimensions = array<i32: 1>} : vector<2x5120xi32>
    %lt3A = arith.constant 5000 : i32
    %lt3A_0 = vector.broadcast %lt3A : i32 to vector<2x5120xi32>
    %lt3A_1 = arith.cmpi slt, %iota3A, %lt3A_0 : vector<2x5120xi32>
    %get3A = arith.constant 0 : index
    %get3A_2 = arith.constant 0 : index
    %get3A_3 = vector.load %arg0[%get3A, %get3A_2] : memref<2x5120xf32, #tpu.memory_space<vmem>>, vector<2x5120xf32>
    %jit3A = arith.constant 1.000000e+30 : f32
    %broadcast_in_dim3A = vector.broadcast %jit3A : f32 to vector<2x5120xf32>
    %select_n3A = arith.select %lt3A_1, %get3A_3, %broadcast_in_dim3A : vector<2x5120xi1>, vector<2x5120xf32>
    %reduce_min3A = arith.constant dense<0x7F800000> : vector<2xf32>
    %reduce_min3A_4 = vector.multi_reduction <minimumf>, %select_n3A, %reduce_min3A [1] : vector<2x5120xf32> to vector<2xf32>
    %broadcast_in_dim3A_5 = vector.shape_cast %reduce_min3A_4 : vector<2xf32> to vector<2x1xf32>
    %jit3A_6 = arith.constant -1.000000e+30 : f32
    %broadcast_in_dim3A_7 = vector.broadcast %jit3A_6 : f32 to vector<2x5120xf32>
    %select_n3A_8 = arith.select %lt3A_1, %get3A_3, %broadcast_in_dim3A_7 : vector<2x5120xi1>, vector<2x5120xf32>
    %reduce_max3A = arith.constant dense<0xFF800000> : vector<2xf32>
    %reduce_max3A_9 = vector.multi_reduction <maximumf>, %select_n3A_8, %reduce_max3A [1] : vector<2x5120xf32> to vector<2xf32>
    %broadcast_in_dim3A_10 = vector.shape_cast %reduce_max3A_9 : vector<2xf32> to vector<2x1xf32>
    %sub3A = vector.broadcast %broadcast_in_dim3A_5 : vector<2x1xf32> to vector<2x5120xf32>
    %sub3A_11 = arith.subf %get3A_3, %sub3A : vector<2x5120xf32>
    %sub3A_12 = arith.subf %broadcast_in_dim3A_10, %broadcast_in_dim3A_5 : vector<2x1xf32>
    %div3A = vector.broadcast %sub3A_12 : vector<2x1xf32> to vector<2x5120xf32>
    %div3A_13 = arith.divf %sub3A_11, %div3A : vector<2x5120xf32>
    %swap3A = arith.constant 0 : index
    %swap3A_14 = arith.constant 0 : index
    %swap3A_15 = vector.load %arg2[%swap3A, %swap3A_14] : memref<2x5120xf32, #tpu.memory_space<vmem>>, vector<2x5120xf32>
    tpu.vector_store %arg2[%swap3A, %swap3A_14], %div3A_13 {strides = array<i32>} : memref<2x5120xf32, #tpu.memory_space<vmem>>, vector<2x5120xf32>,
    %get3A_16 = arith.constant 0 : index
    %get3A_17 = arith.constant 0 : index
    %get3A_18 = vector.load %arg1[%get3A_16, %get3A_17] : memref<2x5120xf32, #tpu.memory_space<vmem>>, vector<2x5120xf32>
    %jit3A_19 = arith.constant 1.000000e+30 : f32
    %broadcast_in_dim3A_20 = vector.broadcast %jit3A_19 : f32 to vector<2x5120xf32>
    %select_n3A_21 = arith.select %lt3A_1, %get3A_18, %broadcast_in_dim3A_20 : vector<2x5120xi1>, vector<2x5120xf32>
    %reduce_min3A_22 = arith.constant dense<0x7F800000> : vector<2xf32>
    %reduce_min3A_23 = vector.multi_reduction <minimumf>, %select_n3A_21, %reduce_min3A_22 [1] : vector<2x5120xf32> to vector<2xf32>
    %broadcast_in_dim3A_24 = vector.shape_cast %reduce_min3A_23 : vector<2xf32> to vector<2x1xf32>
    %jit3A_25 = arith.constant -1.000000e+30 : f32
    %broadcast_in_dim3A_26 = vector.broadcast %jit3A_25 : f32 to vector<2x5120xf32>
    %select_n3A_27 = arith.select %lt3A_1, %get3A_18, %broadcast_in_dim3A_26 : vector<2x5120xi1>, vector<2x5120xf32>
    %reduce_max3A_28 = arith.constant dense<0xFF800000> : vector<2xf32>
    %reduce_max3A_29 = vector.multi_reduction <maximumf>, %select_n3A_27, %reduce_max3A_28 [1] : vector<2x5120xf32> to vector<2xf32>
    %broadcast_in_dim3A_30 = vector.shape_cast %reduce_max3A_29 : vector<2xf32> to vector<2x1xf32>
    %sub3A_31 = vector.broadcast %broadcast_in_dim3A_24 : vector<2x1xf32> to vector<2x5120xf32>
    %sub3A_32 = arith.subf %get3A_18, %sub3A_31 : vector<2x5120xf32>
    %sub3A_33 = arith.subf %broadcast_in_dim3A_30, %broadcast_in_dim3A_24 : vector<2x1xf32>
    %div3A_34 = vector.broadcast %sub3A_33 : vector<2x1xf32> to vector<2x5120xf32>
    %div3A_35 = arith.divf %sub3A_32, %div3A_34 : vector<2x5120xf32>
    %swap3A_36 = arith.constant 0 : index
    %swap3A_37 = arith.constant 0 : index
    %swap3A_38 = vector.load %arg3[%swap3A_36, %swap3A_37] : memref<2x5120xf32, #tpu.memory_space<vmem>>, vector<2x5120xf32>
    tpu.vector_store %arg3[%swap3A_36, %swap3A_37], %div3A_35 {strides = array<i32>} : memref<2x5120xf32, #tpu.memory_space<vmem>>, vector<2x5120xf32>,
    return
  }
}

module attributes {stable_mosaic.version = 14 : i64} {
  func.func @_knn_body(%arg0: i32, %arg1: i32, %arg2: memref<256x1xf32, #tpu.memory_space<vmem>>, %arg3: memref<256x1xf32, #tpu.memory_space<vmem>>, %arg4: memref<1x1x5120xf32, #tpu.memory_space<vmem>>, %arg5: memref<1x1x5120xf32, #tpu.memory_space<vmem>>, %arg6: memref<256x32xi32, #tpu.memory_space<vmem>>) attributes {dimension_semantics = [#tpu.dimension_semantics<arbitrary>, #tpu.dimension_semantics<arbitrary>], iteration_bounds = array<i64: 2, 20>, scalar_prefetch = 0 : i64, scratch_operands = 0 : i64, tpu.core_type = #tpu.core_type<tc>, window_params = [{transform_indices = @transform_0, window_bounds = array<i64: 256, 1>}, {transform_indices = @transform_1, window_bounds = array<i64: 256, 1>}, {transform_indices = @transform_2, window_bounds = array<i64: 1, 1, 5120>}, {transform_indices = @transform_3, window_bounds = array<i64: 1, 1, 5120>}, {transform_indices = @transform_4, window_bounds = array<i64: 256, 32>}]} {
    %get3A = arith.constant 0 : index
    %get3A_0 = arith.constant 0 : index
    %get3A_1 = vector.load %arg2[%get3A, %get3A_0] : memref<256x1xf32, #tpu.memory_space<vmem>>, vector<256x1xf32>
    %get3A_2 = arith.constant 0 : index
    %get3A_3 = arith.constant 0 : index
    %get3A_4 = vector.load %arg3[%get3A_2, %get3A_3] : memref<256x1xf32, #tpu.memory_space<vmem>>, vector<256x1xf32>
    %get3A_5 = arith.constant 0 : index
    %get3A_6 = arith.constant 0 : index
    %get3A_7 = arith.constant 0 : index
    %get3A_8 = vector.load %arg4[%get3A_5, %get3A_6, %get3A_7] : memref<1x1x5120xf32, #tpu.memory_space<vmem>>, vector<1x1x5120xf32>
    %reshape3A = vector.shape_cast %get3A_8 : vector<1x1x5120xf32> to vector<1x5120xf32>
    %get3A_9 = arith.constant 0 : index
    %get3A_10 = arith.constant 0 : index
    %get3A_11 = arith.constant 0 : index
    %get3A_12 = vector.load %arg5[%get3A_9, %get3A_10, %get3A_11] : memref<1x1x5120xf32, #tpu.memory_space<vmem>>, vector<1x1x5120xf32>
    %reshape3A_13 = vector.shape_cast %get3A_12 : vector<1x1x5120xf32> to vector<1x5120xf32>
    %mul3A = arith.mulf %get3A_1, %get3A_1 : vector<256x1xf32>
    %mul3A_14 = arith.mulf %get3A_4, %get3A_4 : vector<256x1xf32>
    %add3A = arith.addf %mul3A, %mul3A_14 : vector<256x1xf32>
    %mul3A_15 = arith.mulf %reshape3A, %reshape3A : vector<1x5120xf32>
    %mul3A_16 = arith.mulf %reshape3A_13, %reshape3A_13 : vector<1x5120xf32>
    %add3A_17 = arith.addf %mul3A_15, %mul3A_16 : vector<1x5120xf32>
    %mul3A_18 = vector.broadcast %get3A_1 : vector<256x1xf32> to vector<256x5120xf32>
    %mul3A_19 = vector.broadcast %reshape3A : vector<1x5120xf32> to vector<256x5120xf32>
    %mul3A_20 = arith.mulf %mul3A_18, %mul3A_19 : vector<256x5120xf32>
    %mul3A_21 = vector.broadcast %get3A_4 : vector<256x1xf32> to vector<256x5120xf32>
    %mul3A_22 = vector.broadcast %reshape3A_13 : vector<1x5120xf32> to vector<256x5120xf32>
    %mul3A_23 = arith.mulf %mul3A_21, %mul3A_22 : vector<256x5120xf32>
    %add3A_24 = arith.addf %mul3A_20, %mul3A_23 : vector<256x5120xf32>
    %add3A_25 = vector.broadcast %add3A : vector<256x1xf32> to vector<256x5120xf32>
    %add3A_26 = vector.broadcast %add3A_17 : vector<1x5120xf32> to vector<256x5120xf32>
    %add3A_27 = arith.addf %add3A_25, %add3A_26 : vector<256x5120xf32>
    %mul3A_28 = arith.constant 2.000000e+00 : f32
    %mul3A_29 = vector.broadcast %mul3A_28 : f32 to vector<256x5120xf32>
    %mul3A_30 = arith.mulf %mul3A_29, %add3A_24 : vector<256x5120xf32>
    %sub3A = arith.subf %add3A_27, %mul3A_30 : vector<256x5120xf32>
    %iota3A = tpu.iota {dimensions = array<i32: 1>} : vector<256x5120xi32>
    %mul3A_31 = arith.constant 256 : i32
    %mul3A_32 = arith.muli %arg1, %mul3A_31 : i32
    %iota3A_33 = tpu.iota {dimensions = array<i32: 0>} : vector<256x5120xi32>
    %add3A_34 = vector.broadcast %mul3A_32 : i32 to vector<256x5120xi32>
    %add3A_35 = arith.addi %add3A_34, %iota3A_33 : vector<256x5120xi32>
    %eq3A = arith.cmpi eq, %iota3A, %add3A_35 : vector<256x5120xi32>
    %jit3A = arith.constant 1.000000e+10 : f32
    %jit3A_36 = arith.constant 0.000000e+00 : f32
    %broadcast_in_dim3A = vector.broadcast %jit3A : f32 to vector<256x5120xf32>
    %broadcast_in_dim3A_37 = vector.broadcast %jit3A_36 : f32 to vector<256x5120xf32>
    %select_n3A = arith.select %eq3A, %broadcast_in_dim3A, %broadcast_in_dim3A_37 : vector<256x5120xi1>, vector<256x5120xf32>
    %add3A_38 = arith.addf %sub3A, %select_n3A : vector<256x5120xf32>
    %ge3A = arith.constant 5000 : i32
    %ge3A_39 = vector.broadcast %ge3A : i32 to vector<256x5120xi32>
    %ge3A_40 = arith.cmpi sge, %iota3A, %ge3A_39 : vector<256x5120xi32>
    %jit3A_41 = arith.constant 1.000000e+30 : f32
    %broadcast_in_dim3A_42 = vector.broadcast %jit3A_41 : f32 to vector<256x5120xf32>
    %select_n3A_43 = arith.select %ge3A_40, %broadcast_in_dim3A_42, %add3A_38 : vector<256x5120xi1>, vector<256x5120xf32>
    %max3A = arith.constant 0.000000e+00 : f32
    %max3A_44 = vector.broadcast %max3A : f32 to vector<256x5120xf32>
    %max3A_45 = arith.maximumf %select_n3A_43, %max3A_44 : vector<256x5120xf32>
    %bitcast_convert_type3A = tpu.bitcast %max3A_45 : vector<256x5120xf32> -> vector<256x5120xi32>
    %and3A = arith.constant -8192 : i32
    %and3A_46 = vector.broadcast %and3A : i32 to vector<256x5120xi32>
    %and3A_47 = arith.andi %bitcast_convert_type3A, %and3A_46 : vector<256x5120xi32>
    %or3A = arith.ori %and3A_47, %iota3A : vector<256x5120xi32>
    %iota3A_48 = tpu.iota {dimensions = array<i32: 1>} : vector<256x32xi32>
    %mul3A_49 = arith.constant 5120 : i32
    %mul3A_50 = arith.muli %arg0, %mul3A_49 : i32
    %broadcast_in_dim3A_51 = arith.constant 0 : i32
    %broadcast_in_dim3A_52 = vector.broadcast %broadcast_in_dim3A_51 : i32 to vector<256x32xi32>
    %broadcast_in_dim3A_53 = arith.constant -1 : i32
    %broadcast_in_dim3A_54 = vector.broadcast %broadcast_in_dim3A_53 : i32 to vector<256x1xi32>
    %gt3A = vector.broadcast %broadcast_in_dim3A_54 : vector<256x1xi32> to vector<256x5120xi32>
    %gt3A_55 = arith.cmpi sgt, %or3A, %gt3A : vector<256x5120xi32>
    %jit3A_56 = arith.constant 2147483647 : i32
    %broadcast_in_dim3A_57 = vector.broadcast %jit3A_56 : i32 to vector<256x5120xi32>
    %select_n3A_58 = arith.select %gt3A_55, %or3A, %broadcast_in_dim3A_57 : vector<256x5120xi1>, vector<256x5120xi32>
    %reduce_min3A = arith.constant dense<2147483647> : vector<256xi32>
    %reduce_min3A_59 = vector.multi_reduction <minsi>, %select_n3A_58, %reduce_min3A [1] : vector<256x5120xi32> to vector<256xi32>
    %broadcast_in_dim3A_60 = vector.shape_cast %reduce_min3A_59 : vector<256xi32> to vector<256x1xi32>
    %and3A_61 = arith.constant 8191 : i32
    %and3A_62 = vector.broadcast %and3A_61 : i32 to vector<256x1xi32>
    %and3A_63 = arith.andi %broadcast_in_dim3A_60, %and3A_62 : vector<256x1xi32>
    %eq3A_64 = arith.constant 0 : i32
    %eq3A_65 = vector.broadcast %eq3A_64 : i32 to vector<256x32xi32>
    %eq3A_66 = arith.cmpi eq, %iota3A_48, %eq3A_65 : vector<256x32xi32>
    %add3A_67 = vector.broadcast %mul3A_50 : i32 to vector<256x1xi32>
    %add3A_68 = arith.addi %and3A_63, %add3A_67 : vector<256x1xi32>
    %broadcast_in_dim3A_69 = vector.shape_cast %add3A_68 : vector<256x1xi32> to vector<256x1xi32>
    %broadcast_in_dim3A_70 = vector.broadcast %broadcast_in_dim3A_69 : vector<256x1xi32> to vector<256x32xi32>
    %select_n3A_71 = arith.select %eq3A_66, %broadcast_in_dim3A_70, %broadcast_in_dim3A_52 : vector<256x32xi1>, vector<256x32xi32>
    %gt3A_72 = vector.broadcast %broadcast_in_dim3A_60 : vector<256x1xi32> to vector<256x5120xi32>
    %gt3A_73 = arith.cmpi sgt, %or3A, %gt3A_72 : vector<256x5120xi32>
    %jit3A_74 = arith.constant 2147483647 : i32
    %broadcast_in_dim3A_75 = vector.broadcast %jit3A_74 : i32 to vector<256x5120xi32>
    %select_n3A_76 = arith.select %gt3A_73, %or3A, %broadcast_in_dim3A_75 : vector<256x5120xi1>, vector<256x5120xi32>
    %reduce_min3A_77 = arith.constant dense<2147483647> : vector<256xi32>
    %reduce_min3A_78 = vector.multi_reduction <minsi>, %select_n3A_76, %reduce_min3A_77 [1] : vector<256x5120xi32> to vector<256xi32>
    %broadcast_in_dim3A_79 = vector.shape_cast %reduce_min3A_78 : vector<256xi32> to vector<256x1xi32>
    %and3A_80 = arith.constant 8191 : i32
    %and3A_81 = vector.broadcast %and3A_80 : i32 to vector<256x1xi32>
    %and3A_82 = arith.andi %broadcast_in_dim3A_79, %and3A_81 : vector<256x1xi32>
    %eq3A_83 = arith.constant 1 : i32
    %eq3A_84 = vector.broadcast %eq3A_83 : i32 to vector<256x32xi32>
    %eq3A_85 = arith.cmpi eq, %iota3A_48, %eq3A_84 : vector<256x32xi32>
    %add3A_86 = vector.broadcast %mul3A_50 : i32 to vector<256x1xi32>
    %add3A_87 = arith.addi %and3A_82, %add3A_86 : vector<256x1xi32>
    %broadcast_in_dim3A_88 = vector.shape_cast %add3A_87 : vector<256x1xi32> to vector<256x1xi32>
    %broadcast_in_dim3A_89 = vector.broadcast %broadcast_in_dim3A_88 : vector<256x1xi32> to vector<256x32xi32>
    %select_n3A_90 = arith.select %eq3A_85, %broadcast_in_dim3A_89, %select_n3A_71 : vector<256x32xi1>, vector<256x32xi32>
    %gt3A_91 = vector.broadcast %broadcast_in_dim3A_79 : vector<256x1xi32> to vector<256x5120xi32>
    %gt3A_92 = arith.cmpi sgt, %or3A, %gt3A_91 : vector<256x5120xi32>
    %jit3A_93 = arith.constant 2147483647 : i32
    %broadcast_in_dim3A_94 = vector.broadcast %jit3A_93 : i32 to vector<256x5120xi32>
    %select_n3A_95 = arith.select %gt3A_92, %or3A, %broadcast_in_dim3A_94 : vector<256x5120xi1>, vector<256x5120xi32>
    %reduce_min3A_96 = arith.constant dense<2147483647> : vector<256xi32>
    %reduce_min3A_97 = vector.multi_reduction <minsi>, %select_n3A_95, %reduce_min3A_96 [1] : vector<256x5120xi32> to vector<256xi32>
    %broadcast_in_dim3A_98 = vector.shape_cast %reduce_min3A_97 : vector<256xi32> to vector<256x1xi32>
    %and3A_99 = arith.constant 8191 : i32
    %and3A_100 = vector.broadcast %and3A_99 : i32 to vector<256x1xi32>
    %and3A_101 = arith.andi %broadcast_in_dim3A_98, %and3A_100 : vector<256x1xi32>
    %eq3A_102 = arith.constant 2 : i32
    %eq3A_103 = vector.broadcast %eq3A_102 : i32 to vector<256x32xi32>
    %eq3A_104 = arith.cmpi eq, %iota3A_48, %eq3A_103 : vector<256x32xi32>
    %add3A_105 = vector.broadcast %mul3A_50 : i32 to vector<256x1xi32>
    %add3A_106 = arith.addi %and3A_101, %add3A_105 : vector<256x1xi32>
    %broadcast_in_dim3A_107 = vector.shape_cast %add3A_106 : vector<256x1xi32> to vector<256x1xi32>
    %broadcast_in_dim3A_108 = vector.broadcast %broadcast_in_dim3A_107 : vector<256x1xi32> to vector<256x32xi32>
    %select_n3A_109 = arith.select %eq3A_104, %broadcast_in_dim3A_108, %select_n3A_90 : vector<256x32xi1>, vector<256x32xi32>
    %gt3A_110 = vector.broadcast %broadcast_in_dim3A_98 : vector<256x1xi32> to vector<256x5120xi32>
    %gt3A_111 = arith.cmpi sgt, %or3A, %gt3A_110 : vector<256x5120xi32>
    %jit3A_112 = arith.constant 2147483647 : i32
    %broadcast_in_dim3A_113 = vector.broadcast %jit3A_112 : i32 to vector<256x5120xi32>
    %select_n3A_114 = arith.select %gt3A_111, %or3A, %broadcast_in_dim3A_113 : vector<256x5120xi1>, vector<256x5120xi32>
    %reduce_min3A_115 = arith.constant dense<2147483647> : vector<256xi32>
    %reduce_min3A_116 = vector.multi_reduction <minsi>, %select_n3A_114, %reduce_min3A_115 [1] : vector<256x5120xi32> to vector<256xi32>
    %broadcast_in_dim3A_117 = vector.shape_cast %reduce_min3A_116 : vector<256xi32> to vector<256x1xi32>
    %and3A_118 = arith.constant 8191 : i32
    %and3A_119 = vector.broadcast %and3A_118 : i32 to vector<256x1xi32>
    %and3A_120 = arith.andi %broadcast_in_dim3A_117, %and3A_119 : vector<256x1xi32>
    %eq3A_121 = arith.constant 3 : i32
    %eq3A_122 = vector.broadcast %eq3A_121 : i32 to vector<256x32xi32>
    %eq3A_123 = arith.cmpi eq, %iota3A_48, %eq3A_122 : vector<256x32xi32>
    %add3A_124 = vector.broadcast %mul3A_50 : i32 to vector<256x1xi32>
    %add3A_125 = arith.addi %and3A_120, %add3A_124 : vector<256x1xi32>
    %broadcast_in_dim3A_126 = vector.shape_cast %add3A_125 : vector<256x1xi32> to vector<256x1xi32>
    %broadcast_in_dim3A_127 = vector.broadcast %broadcast_in_dim3A_126 : vector<256x1xi32> to vector<256x32xi32>
    %select_n3A_128 = arith.select %eq3A_123, %broadcast_in_dim3A_127, %select_n3A_109 : vector<256x32xi1>, vector<256x32xi32>
    %gt3A_129 = vector.broadcast %broadcast_in_dim3A_117 : vector<256x1xi32> to vector<256x5120xi32>
    %gt3A_130 = arith.cmpi sgt, %or3A, %gt3A_129 : vector<256x5120xi32>
    %jit3A_131 = arith.constant 2147483647 : i32
    %broadcast_in_dim3A_132 = vector.broadcast %jit3A_131 : i32 to vector<256x5120xi32>
    %select_n3A_133 = arith.select %gt3A_130, %or3A, %broadcast_in_dim3A_132 : vector<256x5120xi1>, vector<256x5120xi32>
    %reduce_min3A_134 = arith.constant dense<2147483647> : vector<256xi32>
    %reduce_min3A_135 = vector.multi_reduction <minsi>, %select_n3A_133, %reduce_min3A_134 [1] : vector<256x5120xi32> to vector<256xi32>
    %broadcast_in_dim3A_136 = vector.shape_cast %reduce_min3A_135 : vector<256xi32> to vector<256x1xi32>
    %and3A_137 = arith.constant 8191 : i32
    %and3A_138 = vector.broadcast %and3A_137 : i32 to vector<256x1xi32>
    %and3A_139 = arith.andi %broadcast_in_dim3A_136, %and3A_138 : vector<256x1xi32>
    %eq3A_140 = arith.constant 4 : i32
    %eq3A_141 = vector.broadcast %eq3A_140 : i32 to vector<256x32xi32>
    %eq3A_142 = arith.cmpi eq, %iota3A_48, %eq3A_141 : vector<256x32xi32>
    %add3A_143 = vector.broadcast %mul3A_50 : i32 to vector<256x1xi32>
    %add3A_144 = arith.addi %and3A_139, %add3A_143 : vector<256x1xi32>
    %broadcast_in_dim3A_145 = vector.shape_cast %add3A_144 : vector<256x1xi32> to vector<256x1xi32>
    %broadcast_in_dim3A_146 = vector.broadcast %broadcast_in_dim3A_145 : vector<256x1xi32> to vector<256x32xi32>
    %select_n3A_147 = arith.select %eq3A_142, %broadcast_in_dim3A_146, %select_n3A_128 : vector<256x32xi1>, vector<256x32xi32>
    %gt3A_148 = vector.broadcast %broadcast_in_dim3A_136 : vector<256x1xi32> to vector<256x5120xi32>
    %gt3A_149 = arith.cmpi sgt, %or3A, %gt3A_148 : vector<256x5120xi32>
    %jit3A_150 = arith.constant 2147483647 : i32
    %broadcast_in_dim3A_151 = vector.broadcast %jit3A_150 : i32 to vector<256x5120xi32>
    %select_n3A_152 = arith.select %gt3A_149, %or3A, %broadcast_in_dim3A_151 : vector<256x5120xi1>, vector<256x5120xi32>
    %reduce_min3A_153 = arith.constant dense<2147483647> : vector<256xi32>
    %reduce_min3A_154 = vector.multi_reduction <minsi>, %select_n3A_152, %reduce_min3A_153 [1] : vector<256x5120xi32> to vector<256xi32>
    %broadcast_in_dim3A_155 = vector.shape_cast %reduce_min3A_154 : vector<256xi32> to vector<256x1xi32>
    %and3A_156 = arith.constant 8191 : i32
    %and3A_157 = vector.broadcast %and3A_156 : i32 to vector<256x1xi32>
    %and3A_158 = arith.andi %broadcast_in_dim3A_155, %and3A_157 : vector<256x1xi32>
    %eq3A_159 = arith.constant 5 : i32
    %eq3A_160 = vector.broadcast %eq3A_159 : i32 to vector<256x32xi32>
    %eq3A_161 = arith.cmpi eq, %iota3A_48, %eq3A_160 : vector<256x32xi32>
    %add3A_162 = vector.broadcast %mul3A_50 : i32 to vector<256x1xi32>
    %add3A_163 = arith.addi %and3A_158, %add3A_162 : vector<256x1xi32>
    %broadcast_in_dim3A_164 = vector.shape_cast %add3A_163 : vector<256x1xi32> to vector<256x1xi32>
    %broadcast_in_dim3A_165 = vector.broadcast %broadcast_in_dim3A_164 : vector<256x1xi32> to vector<256x32xi32>
    %select_n3A_166 = arith.select %eq3A_161, %broadcast_in_dim3A_165, %select_n3A_147 : vector<256x32xi1>, vector<256x32xi32>
    %gt3A_167 = vector.broadcast %broadcast_in_dim3A_155 : vector<256x1xi32> to vector<256x5120xi32>
    %gt3A_168 = arith.cmpi sgt, %or3A, %gt3A_167 : vector<256x5120xi32>
    %jit3A_169 = arith.constant 2147483647 : i32
    %broadcast_in_dim3A_170 = vector.broadcast %jit3A_169 : i32 to vector<256x5120xi32>
    %select_n3A_171 = arith.select %gt3A_168, %or3A, %broadcast_in_dim3A_170 : vector<256x5120xi1>, vector<256x5120xi32>
    %reduce_min3A_172 = arith.constant dense<2147483647> : vector<256xi32>
    %reduce_min3A_173 = vector.multi_reduction <minsi>, %select_n3A_171, %reduce_min3A_172 [1] : vector<256x5120xi32> to vector<256xi32>
    %broadcast_in_dim3A_174 = vector.shape_cast %reduce_min3A_173 : vector<256xi32> to vector<256x1xi32>
    %and3A_175 = arith.constant 8191 : i32
    %and3A_176 = vector.broadcast %and3A_175 : i32 to vector<256x1xi32>
    %and3A_177 = arith.andi %broadcast_in_dim3A_174, %and3A_176 : vector<256x1xi32>
    %eq3A_178 = arith.constant 6 : i32
    %eq3A_179 = vector.broadcast %eq3A_178 : i32 to vector<256x32xi32>
    %eq3A_180 = arith.cmpi eq, %iota3A_48, %eq3A_179 : vector<256x32xi32>
    %add3A_181 = vector.broadcast %mul3A_50 : i32 to vector<256x1xi32>
    %add3A_182 = arith.addi %and3A_177, %add3A_181 : vector<256x1xi32>
    %broadcast_in_dim3A_183 = vector.shape_cast %add3A_182 : vector<256x1xi32> to vector<256x1xi32>
    %broadcast_in_dim3A_184 = vector.broadcast %broadcast_in_dim3A_183 : vector<256x1xi32> to vector<256x32xi32>
    %select_n3A_185 = arith.select %eq3A_180, %broadcast_in_dim3A_184, %select_n3A_166 : vector<256x32xi1>, vector<256x32xi32>
    %gt3A_186 = vector.broadcast %broadcast_in_dim3A_174 : vector<256x1xi32> to vector<256x5120xi32>
    %gt3A_187 = arith.cmpi sgt, %or3A, %gt3A_186 : vector<256x5120xi32>
    %jit3A_188 = arith.constant 2147483647 : i32
    %broadcast_in_dim3A_189 = vector.broadcast %jit3A_188 : i32 to vector<256x5120xi32>
    %select_n3A_190 = arith.select %gt3A_187, %or3A, %broadcast_in_dim3A_189 : vector<256x5120xi1>, vector<256x5120xi32>
    %reduce_min3A_191 = arith.constant dense<2147483647> : vector<256xi32>
    %reduce_min3A_192 = vector.multi_reduction <minsi>, %select_n3A_190, %reduce_min3A_191 [1] : vector<256x5120xi32> to vector<256xi32>
    %broadcast_in_dim3A_193 = vector.shape_cast %reduce_min3A_192 : vector<256xi32> to vector<256x1xi32>
    %and3A_194 = arith.constant 8191 : i32
    %and3A_195 = vector.broadcast %and3A_194 : i32 to vector<256x1xi32>
    %and3A_196 = arith.andi %broadcast_in_dim3A_193, %and3A_195 : vector<256x1xi32>
    %eq3A_197 = arith.constant 7 : i32
    %eq3A_198 = vector.broadcast %eq3A_197 : i32 to vector<256x32xi32>
    %eq3A_199 = arith.cmpi eq, %iota3A_48, %eq3A_198 : vector<256x32xi32>
    %add3A_200 = vector.broadcast %mul3A_50 : i32 to vector<256x1xi32>
    %add3A_201 = arith.addi %and3A_196, %add3A_200 : vector<256x1xi32>
    %broadcast_in_dim3A_202 = vector.shape_cast %add3A_201 : vector<256x1xi32> to vector<256x1xi32>
    %broadcast_in_dim3A_203 = vector.broadcast %broadcast_in_dim3A_202 : vector<256x1xi32> to vector<256x32xi32>
    %select_n3A_204 = arith.select %eq3A_199, %broadcast_in_dim3A_203, %select_n3A_185 : vector<256x32xi1>, vector<256x32xi32>
    %gt3A_205 = vector.broadcast %broadcast_in_dim3A_193 : vector<256x1xi32> to vector<256x5120xi32>
    %gt3A_206 = arith.cmpi sgt, %or3A, %gt3A_205 : vector<256x5120xi32>
    %jit3A_207 = arith.constant 2147483647 : i32
    %broadcast_in_dim3A_208 = vector.broadcast %jit3A_207 : i32 to vector<256x5120xi32>
    %select_n3A_209 = arith.select %gt3A_206, %or3A, %broadcast_in_dim3A_208 : vector<256x5120xi1>, vector<256x5120xi32>
    %reduce_min3A_210 = arith.constant dense<2147483647> : vector<256xi32>
    %reduce_min3A_211 = vector.multi_reduction <minsi>, %select_n3A_209, %reduce_min3A_210 [1] : vector<256x5120xi32> to vector<256xi32>
    %broadcast_in_dim3A_212 = vector.shape_cast %reduce_min3A_211 : vector<256xi32> to vector<256x1xi32>
    %and3A_213 = arith.constant 8191 : i32
    %and3A_214 = vector.broadcast %and3A_213 : i32 to vector<256x1xi32>
    %and3A_215 = arith.andi %broadcast_in_dim3A_212, %and3A_214 : vector<256x1xi32>
    %eq3A_216 = arith.constant 8 : i32
    %eq3A_217 = vector.broadcast %eq3A_216 : i32 to vector<256x32xi32>
    %eq3A_218 = arith.cmpi eq, %iota3A_48, %eq3A_217 : vector<256x32xi32>
    %add3A_219 = vector.broadcast %mul3A_50 : i32 to vector<256x1xi32>
    %add3A_220 = arith.addi %and3A_215, %add3A_219 : vector<256x1xi32>
    %broadcast_in_dim3A_221 = vector.shape_cast %add3A_220 : vector<256x1xi32> to vector<256x1xi32>
    %broadcast_in_dim3A_222 = vector.broadcast %broadcast_in_dim3A_221 : vector<256x1xi32> to vector<256x32xi32>
    %select_n3A_223 = arith.select %eq3A_218, %broadcast_in_dim3A_222, %select_n3A_204 : vector<256x32xi1>, vector<256x32xi32>
    %gt3A_224 = vector.broadcast %broadcast_in_dim3A_212 : vector<256x1xi32> to vector<256x5120xi32>
    %gt3A_225 = arith.cmpi sgt, %or3A, %gt3A_224 : vector<256x5120xi32>
    %jit3A_226 = arith.constant 2147483647 : i32
    %broadcast_in_dim3A_227 = vector.broadcast %jit3A_226 : i32 to vector<256x5120xi32>
    %select_n3A_228 = arith.select %gt3A_225, %or3A, %broadcast_in_dim3A_227 : vector<256x5120xi1>, vector<256x5120xi32>
    %reduce_min3A_229 = arith.constant dense<2147483647> : vector<256xi32>
    %reduce_min3A_230 = vector.multi_reduction <minsi>, %select_n3A_228, %reduce_min3A_229 [1] : vector<256x5120xi32> to vector<256xi32>
    %broadcast_in_dim3A_231 = vector.shape_cast %reduce_min3A_230 : vector<256xi32> to vector<256x1xi32>
    %and3A_232 = arith.constant 8191 : i32
    %and3A_233 = vector.broadcast %and3A_232 : i32 to vector<256x1xi32>
    %and3A_234 = arith.andi %broadcast_in_dim3A_231, %and3A_233 : vector<256x1xi32>
    %eq3A_235 = arith.constant 9 : i32
    %eq3A_236 = vector.broadcast %eq3A_235 : i32 to vector<256x32xi32>
    %eq3A_237 = arith.cmpi eq, %iota3A_48, %eq3A_236 : vector<256x32xi32>
    %add3A_238 = vector.broadcast %mul3A_50 : i32 to vector<256x1xi32>
    %add3A_239 = arith.addi %and3A_234, %add3A_238 : vector<256x1xi32>
    %broadcast_in_dim3A_240 = vector.shape_cast %add3A_239 : vector<256x1xi32> to vector<256x1xi32>
    %broadcast_in_dim3A_241 = vector.broadcast %broadcast_in_dim3A_240 : vector<256x1xi32> to vector<256x32xi32>
    %select_n3A_242 = arith.select %eq3A_237, %broadcast_in_dim3A_241, %select_n3A_223 : vector<256x32xi1>, vector<256x32xi32>
    %gt3A_243 = vector.broadcast %broadcast_in_dim3A_231 : vector<256x1xi32> to vector<256x5120xi32>
    %gt3A_244 = arith.cmpi sgt, %or3A, %gt3A_243 : vector<256x5120xi32>
    %jit3A_245 = arith.constant 2147483647 : i32
    %broadcast_in_dim3A_246 = vector.broadcast %jit3A_245 : i32 to vector<256x5120xi32>
    %select_n3A_247 = arith.select %gt3A_244, %or3A, %broadcast_in_dim3A_246 : vector<256x5120xi1>, vector<256x5120xi32>
    %reduce_min3A_248 = arith.constant dense<2147483647> : vector<256xi32>
    %reduce_min3A_249 = vector.multi_reduction <minsi>, %select_n3A_247, %reduce_min3A_248 [1] : vector<256x5120xi32> to vector<256xi32>
    %broadcast_in_dim3A_250 = vector.shape_cast %reduce_min3A_249 : vector<256xi32> to vector<256x1xi32>
    %and3A_251 = arith.constant 8191 : i32
    %and3A_252 = vector.broadcast %and3A_251 : i32 to vector<256x1xi32>
    %and3A_253 = arith.andi %broadcast_in_dim3A_250, %and3A_252 : vector<256x1xi32>
    %eq3A_254 = arith.constant 10 : i32
    %eq3A_255 = vector.broadcast %eq3A_254 : i32 to vector<256x32xi32>
    %eq3A_256 = arith.cmpi eq, %iota3A_48, %eq3A_255 : vector<256x32xi32>
    %add3A_257 = vector.broadcast %mul3A_50 : i32 to vector<256x1xi32>
    %add3A_258 = arith.addi %and3A_253, %add3A_257 : vector<256x1xi32>
    %broadcast_in_dim3A_259 = vector.shape_cast %add3A_258 : vector<256x1xi32> to vector<256x1xi32>
    %broadcast_in_dim3A_260 = vector.broadcast %broadcast_in_dim3A_259 : vector<256x1xi32> to vector<256x32xi32>
    %select_n3A_261 = arith.select %eq3A_256, %broadcast_in_dim3A_260, %select_n3A_242 : vector<256x32xi1>, vector<256x32xi32>
    %gt3A_262 = vector.broadcast %broadcast_in_dim3A_250 : vector<256x1xi32> to vector<256x5120xi32>
    %gt3A_263 = arith.cmpi sgt, %or3A, %gt3A_262 : vector<256x5120xi32>
    %jit3A_264 = arith.constant 2147483647 : i32
    %broadcast_in_dim3A_265 = vector.broadcast %jit3A_264 : i32 to vector<256x5120xi32>
    %select_n3A_266 = arith.select %gt3A_263, %or3A, %broadcast_in_dim3A_265 : vector<256x5120xi1>, vector<256x5120xi32>
    %reduce_min3A_267 = arith.constant dense<2147483647> : vector<256xi32>
    %reduce_min3A_268 = vector.multi_reduction <minsi>, %select_n3A_266, %reduce_min3A_267 [1] : vector<256x5120xi32> to vector<256xi32>
    %broadcast_in_dim3A_269 = vector.shape_cast %reduce_min3A_268 : vector<256xi32> to vector<256x1xi32>
    %and3A_270 = arith.constant 8191 : i32
    %and3A_271 = vector.broadcast %and3A_270 : i32 to vector<256x1xi32>
    %and3A_272 = arith.andi %broadcast_in_dim3A_269, %and3A_271 : vector<256x1xi32>
    %eq3A_273 = arith.constant 11 : i32
    %eq3A_274 = vector.broadcast %eq3A_273 : i32 to vector<256x32xi32>
    %eq3A_275 = arith.cmpi eq, %iota3A_48, %eq3A_274 : vector<256x32xi32>
    %add3A_276 = vector.broadcast %mul3A_50 : i32 to vector<256x1xi32>
    %add3A_277 = arith.addi %and3A_272, %add3A_276 : vector<256x1xi32>
    %broadcast_in_dim3A_278 = vector.shape_cast %add3A_277 : vector<256x1xi32> to vector<256x1xi32>
    %broadcast_in_dim3A_279 = vector.broadcast %broadcast_in_dim3A_278 : vector<256x1xi32> to vector<256x32xi32>
    %select_n3A_280 = arith.select %eq3A_275, %broadcast_in_dim3A_279, %select_n3A_261 : vector<256x32xi1>, vector<256x32xi32>
    %gt3A_281 = vector.broadcast %broadcast_in_dim3A_269 : vector<256x1xi32> to vector<256x5120xi32>
    %gt3A_282 = arith.cmpi sgt, %or3A, %gt3A_281 : vector<256x5120xi32>
    %jit3A_283 = arith.constant 2147483647 : i32
    %broadcast_in_dim3A_284 = vector.broadcast %jit3A_283 : i32 to vector<256x5120xi32>
    %select_n3A_285 = arith.select %gt3A_282, %or3A, %broadcast_in_dim3A_284 : vector<256x5120xi1>, vector<256x5120xi32>
    %reduce_min3A_286 = arith.constant dense<2147483647> : vector<256xi32>
    %reduce_min3A_287 = vector.multi_reduction <minsi>, %select_n3A_285, %reduce_min3A_286 [1] : vector<256x5120xi32> to vector<256xi32>
    %broadcast_in_dim3A_288 = vector.shape_cast %reduce_min3A_287 : vector<256xi32> to vector<256x1xi32>
    %and3A_289 = arith.constant 8191 : i32
    %and3A_290 = vector.broadcast %and3A_289 : i32 to vector<256x1xi32>
    %and3A_291 = arith.andi %broadcast_in_dim3A_288, %and3A_290 : vector<256x1xi32>
    %eq3A_292 = arith.constant 12 : i32
    %eq3A_293 = vector.broadcast %eq3A_292 : i32 to vector<256x32xi32>
    %eq3A_294 = arith.cmpi eq, %iota3A_48, %eq3A_293 : vector<256x32xi32>
    %add3A_295 = vector.broadcast %mul3A_50 : i32 to vector<256x1xi32>
    %add3A_296 = arith.addi %and3A_291, %add3A_295 : vector<256x1xi32>
    %broadcast_in_dim3A_297 = vector.shape_cast %add3A_296 : vector<256x1xi32> to vector<256x1xi32>
    %broadcast_in_dim3A_298 = vector.broadcast %broadcast_in_dim3A_297 : vector<256x1xi32> to vector<256x32xi32>
    %select_n3A_299 = arith.select %eq3A_294, %broadcast_in_dim3A_298, %select_n3A_280 : vector<256x32xi1>, vector<256x32xi32>
    %gt3A_300 = vector.broadcast %broadcast_in_dim3A_288 : vector<256x1xi32> to vector<256x5120xi32>
    %gt3A_301 = arith.cmpi sgt, %or3A, %gt3A_300 : vector<256x5120xi32>
    %jit3A_302 = arith.constant 2147483647 : i32
    %broadcast_in_dim3A_303 = vector.broadcast %jit3A_302 : i32 to vector<256x5120xi32>
    %select_n3A_304 = arith.select %gt3A_301, %or3A, %broadcast_in_dim3A_303 : vector<256x5120xi1>, vector<256x5120xi32>
    %reduce_min3A_305 = arith.constant dense<2147483647> : vector<256xi32>
    %reduce_min3A_306 = vector.multi_reduction <minsi>, %select_n3A_304, %reduce_min3A_305 [1] : vector<256x5120xi32> to vector<256xi32>
    %broadcast_in_dim3A_307 = vector.shape_cast %reduce_min3A_306 : vector<256xi32> to vector<256x1xi32>
    %and3A_308 = arith.constant 8191 : i32
    %and3A_309 = vector.broadcast %and3A_308 : i32 to vector<256x1xi32>
    %and3A_310 = arith.andi %broadcast_in_dim3A_307, %and3A_309 : vector<256x1xi32>
    %eq3A_311 = arith.constant 13 : i32
    %eq3A_312 = vector.broadcast %eq3A_311 : i32 to vector<256x32xi32>
    %eq3A_313 = arith.cmpi eq, %iota3A_48, %eq3A_312 : vector<256x32xi32>
    %add3A_314 = vector.broadcast %mul3A_50 : i32 to vector<256x1xi32>
    %add3A_315 = arith.addi %and3A_310, %add3A_314 : vector<256x1xi32>
    %broadcast_in_dim3A_316 = vector.shape_cast %add3A_315 : vector<256x1xi32> to vector<256x1xi32>
    %broadcast_in_dim3A_317 = vector.broadcast %broadcast_in_dim3A_316 : vector<256x1xi32> to vector<256x32xi32>
    %select_n3A_318 = arith.select %eq3A_313, %broadcast_in_dim3A_317, %select_n3A_299 : vector<256x32xi1>, vector<256x32xi32>
    %gt3A_319 = vector.broadcast %broadcast_in_dim3A_307 : vector<256x1xi32> to vector<256x5120xi32>
    %gt3A_320 = arith.cmpi sgt, %or3A, %gt3A_319 : vector<256x5120xi32>
    %jit3A_321 = arith.constant 2147483647 : i32
    %broadcast_in_dim3A_322 = vector.broadcast %jit3A_321 : i32 to vector<256x5120xi32>
    %select_n3A_323 = arith.select %gt3A_320, %or3A, %broadcast_in_dim3A_322 : vector<256x5120xi1>, vector<256x5120xi32>
    %reduce_min3A_324 = arith.constant dense<2147483647> : vector<256xi32>
    %reduce_min3A_325 = vector.multi_reduction <minsi>, %select_n3A_323, %reduce_min3A_324 [1] : vector<256x5120xi32> to vector<256xi32>
    %broadcast_in_dim3A_326 = vector.shape_cast %reduce_min3A_325 : vector<256xi32> to vector<256x1xi32>
    %and3A_327 = arith.constant 8191 : i32
    %and3A_328 = vector.broadcast %and3A_327 : i32 to vector<256x1xi32>
    %and3A_329 = arith.andi %broadcast_in_dim3A_326, %and3A_328 : vector<256x1xi32>
    %eq3A_330 = arith.constant 14 : i32
    %eq3A_331 = vector.broadcast %eq3A_330 : i32 to vector<256x32xi32>
    %eq3A_332 = arith.cmpi eq, %iota3A_48, %eq3A_331 : vector<256x32xi32>
    %add3A_333 = vector.broadcast %mul3A_50 : i32 to vector<256x1xi32>
    %add3A_334 = arith.addi %and3A_329, %add3A_333 : vector<256x1xi32>
    %broadcast_in_dim3A_335 = vector.shape_cast %add3A_334 : vector<256x1xi32> to vector<256x1xi32>
    %broadcast_in_dim3A_336 = vector.broadcast %broadcast_in_dim3A_335 : vector<256x1xi32> to vector<256x32xi32>
    %select_n3A_337 = arith.select %eq3A_332, %broadcast_in_dim3A_336, %select_n3A_318 : vector<256x32xi1>, vector<256x32xi32>
    %gt3A_338 = vector.broadcast %broadcast_in_dim3A_326 : vector<256x1xi32> to vector<256x5120xi32>
    %gt3A_339 = arith.cmpi sgt, %or3A, %gt3A_338 : vector<256x5120xi32>
    %jit3A_340 = arith.constant 2147483647 : i32
    %broadcast_in_dim3A_341 = vector.broadcast %jit3A_340 : i32 to vector<256x5120xi32>
    %select_n3A_342 = arith.select %gt3A_339, %or3A, %broadcast_in_dim3A_341 : vector<256x5120xi1>, vector<256x5120xi32>
    %reduce_min3A_343 = arith.constant dense<2147483647> : vector<256xi32>
    %reduce_min3A_344 = vector.multi_reduction <minsi>, %select_n3A_342, %reduce_min3A_343 [1] : vector<256x5120xi32> to vector<256xi32>
    %broadcast_in_dim3A_345 = vector.shape_cast %reduce_min3A_344 : vector<256xi32> to vector<256x1xi32>
    %and3A_346 = arith.constant 8191 : i32
    %and3A_347 = vector.broadcast %and3A_346 : i32 to vector<256x1xi32>
    %and3A_348 = arith.andi %broadcast_in_dim3A_345, %and3A_347 : vector<256x1xi32>
    %eq3A_349 = arith.constant 15 : i32
    %eq3A_350 = vector.broadcast %eq3A_349 : i32 to vector<256x32xi32>
    %eq3A_351 = arith.cmpi eq, %iota3A_48, %eq3A_350 : vector<256x32xi32>
    %add3A_352 = vector.broadcast %mul3A_50 : i32 to vector<256x1xi32>
    %add3A_353 = arith.addi %and3A_348, %add3A_352 : vector<256x1xi32>
    %broadcast_in_dim3A_354 = vector.shape_cast %add3A_353 : vector<256x1xi32> to vector<256x1xi32>
    %broadcast_in_dim3A_355 = vector.broadcast %broadcast_in_dim3A_354 : vector<256x1xi32> to vector<256x32xi32>
    %select_n3A_356 = arith.select %eq3A_351, %broadcast_in_dim3A_355, %select_n3A_337 : vector<256x32xi1>, vector<256x32xi32>
    %gt3A_357 = vector.broadcast %broadcast_in_dim3A_345 : vector<256x1xi32> to vector<256x5120xi32>
    %gt3A_358 = arith.cmpi sgt, %or3A, %gt3A_357 : vector<256x5120xi32>
    %jit3A_359 = arith.constant 2147483647 : i32
    %broadcast_in_dim3A_360 = vector.broadcast %jit3A_359 : i32 to vector<256x5120xi32>
    %select_n3A_361 = arith.select %gt3A_358, %or3A, %broadcast_in_dim3A_360 : vector<256x5120xi1>, vector<256x5120xi32>
    %reduce_min3A_362 = arith.constant dense<2147483647> : vector<256xi32>
    %reduce_min3A_363 = vector.multi_reduction <minsi>, %select_n3A_361, %reduce_min3A_362 [1] : vector<256x5120xi32> to vector<256xi32>
    %broadcast_in_dim3A_364 = vector.shape_cast %reduce_min3A_363 : vector<256xi32> to vector<256x1xi32>
    %and3A_365 = arith.constant 8191 : i32
    %and3A_366 = vector.broadcast %and3A_365 : i32 to vector<256x1xi32>
    %and3A_367 = arith.andi %broadcast_in_dim3A_364, %and3A_366 : vector<256x1xi32>
    %eq3A_368 = arith.constant 16 : i32
    %eq3A_369 = vector.broadcast %eq3A_368 : i32 to vector<256x32xi32>
    %eq3A_370 = arith.cmpi eq, %iota3A_48, %eq3A_369 : vector<256x32xi32>
    %add3A_371 = vector.broadcast %mul3A_50 : i32 to vector<256x1xi32>
    %add3A_372 = arith.addi %and3A_367, %add3A_371 : vector<256x1xi32>
    %broadcast_in_dim3A_373 = vector.shape_cast %add3A_372 : vector<256x1xi32> to vector<256x1xi32>
    %broadcast_in_dim3A_374 = vector.broadcast %broadcast_in_dim3A_373 : vector<256x1xi32> to vector<256x32xi32>
    %select_n3A_375 = arith.select %eq3A_370, %broadcast_in_dim3A_374, %select_n3A_356 : vector<256x32xi1>, vector<256x32xi32>
    %gt3A_376 = vector.broadcast %broadcast_in_dim3A_364 : vector<256x1xi32> to vector<256x5120xi32>
    %gt3A_377 = arith.cmpi sgt, %or3A, %gt3A_376 : vector<256x5120xi32>
    %jit3A_378 = arith.constant 2147483647 : i32
    %broadcast_in_dim3A_379 = vector.broadcast %jit3A_378 : i32 to vector<256x5120xi32>
    %select_n3A_380 = arith.select %gt3A_377, %or3A, %broadcast_in_dim3A_379 : vector<256x5120xi1>, vector<256x5120xi32>
    %reduce_min3A_381 = arith.constant dense<2147483647> : vector<256xi32>
    %reduce_min3A_382 = vector.multi_reduction <minsi>, %select_n3A_380, %reduce_min3A_381 [1] : vector<256x5120xi32> to vector<256xi32>
    %broadcast_in_dim3A_383 = vector.shape_cast %reduce_min3A_382 : vector<256xi32> to vector<256x1xi32>
    %and3A_384 = arith.constant 8191 : i32
    %and3A_385 = vector.broadcast %and3A_384 : i32 to vector<256x1xi32>
    %and3A_386 = arith.andi %broadcast_in_dim3A_383, %and3A_385 : vector<256x1xi32>
    %eq3A_387 = arith.constant 17 : i32
    %eq3A_388 = vector.broadcast %eq3A_387 : i32 to vector<256x32xi32>
    %eq3A_389 = arith.cmpi eq, %iota3A_48, %eq3A_388 : vector<256x32xi32>
    %add3A_390 = vector.broadcast %mul3A_50 : i32 to vector<256x1xi32>
    %add3A_391 = arith.addi %and3A_386, %add3A_390 : vector<256x1xi32>
    %broadcast_in_dim3A_392 = vector.shape_cast %add3A_391 : vector<256x1xi32> to vector<256x1xi32>
    %broadcast_in_dim3A_393 = vector.broadcast %broadcast_in_dim3A_392 : vector<256x1xi32> to vector<256x32xi32>
    %select_n3A_394 = arith.select %eq3A_389, %broadcast_in_dim3A_393, %select_n3A_375 : vector<256x32xi1>, vector<256x32xi32>
    %gt3A_395 = vector.broadcast %broadcast_in_dim3A_383 : vector<256x1xi32> to vector<256x5120xi32>
    %gt3A_396 = arith.cmpi sgt, %or3A, %gt3A_395 : vector<256x5120xi32>
    %jit3A_397 = arith.constant 2147483647 : i32
    %broadcast_in_dim3A_398 = vector.broadcast %jit3A_397 : i32 to vector<256x5120xi32>
    %select_n3A_399 = arith.select %gt3A_396, %or3A, %broadcast_in_dim3A_398 : vector<256x5120xi1>, vector<256x5120xi32>
    %reduce_min3A_400 = arith.constant dense<2147483647> : vector<256xi32>
    %reduce_min3A_401 = vector.multi_reduction <minsi>, %select_n3A_399, %reduce_min3A_400 [1] : vector<256x5120xi32> to vector<256xi32>
    %broadcast_in_dim3A_402 = vector.shape_cast %reduce_min3A_401 : vector<256xi32> to vector<256x1xi32>
    %and3A_403 = arith.constant 8191 : i32
    %and3A_404 = vector.broadcast %and3A_403 : i32 to vector<256x1xi32>
    %and3A_405 = arith.andi %broadcast_in_dim3A_402, %and3A_404 : vector<256x1xi32>
    %eq3A_406 = arith.constant 18 : i32
    %eq3A_407 = vector.broadcast %eq3A_406 : i32 to vector<256x32xi32>
    %eq3A_408 = arith.cmpi eq, %iota3A_48, %eq3A_407 : vector<256x32xi32>
    %add3A_409 = vector.broadcast %mul3A_50 : i32 to vector<256x1xi32>
    %add3A_410 = arith.addi %and3A_405, %add3A_409 : vector<256x1xi32>
    %broadcast_in_dim3A_411 = vector.shape_cast %add3A_410 : vector<256x1xi32> to vector<256x1xi32>
    %broadcast_in_dim3A_412 = vector.broadcast %broadcast_in_dim3A_411 : vector<256x1xi32> to vector<256x32xi32>
    %select_n3A_413 = arith.select %eq3A_408, %broadcast_in_dim3A_412, %select_n3A_394 : vector<256x32xi1>, vector<256x32xi32>
    %gt3A_414 = vector.broadcast %broadcast_in_dim3A_402 : vector<256x1xi32> to vector<256x5120xi32>
    %gt3A_415 = arith.cmpi sgt, %or3A, %gt3A_414 : vector<256x5120xi32>
    %jit3A_416 = arith.constant 2147483647 : i32
    %broadcast_in_dim3A_417 = vector.broadcast %jit3A_416 : i32 to vector<256x5120xi32>
    %select_n3A_418 = arith.select %gt3A_415, %or3A, %broadcast_in_dim3A_417 : vector<256x5120xi1>, vector<256x5120xi32>
    %reduce_min3A_419 = arith.constant dense<2147483647> : vector<256xi32>
    %reduce_min3A_420 = vector.multi_reduction <minsi>, %select_n3A_418, %reduce_min3A_419 [1] : vector<256x5120xi32> to vector<256xi32>
    %broadcast_in_dim3A_421 = vector.shape_cast %reduce_min3A_420 : vector<256xi32> to vector<256x1xi32>
    %and3A_422 = arith.constant 8191 : i32
    %and3A_423 = vector.broadcast %and3A_422 : i32 to vector<256x1xi32>
    %and3A_424 = arith.andi %broadcast_in_dim3A_421, %and3A_423 : vector<256x1xi32>
    %eq3A_425 = arith.constant 19 : i32
    %eq3A_426 = vector.broadcast %eq3A_425 : i32 to vector<256x32xi32>
    %eq3A_427 = arith.cmpi eq, %iota3A_48, %eq3A_426 : vector<256x32xi32>
    %add3A_428 = vector.broadcast %mul3A_50 : i32 to vector<256x1xi32>
    %add3A_429 = arith.addi %and3A_424, %add3A_428 : vector<256x1xi32>
    %broadcast_in_dim3A_430 = vector.shape_cast %add3A_429 : vector<256x1xi32> to vector<256x1xi32>
    %broadcast_in_dim3A_431 = vector.broadcast %broadcast_in_dim3A_430 : vector<256x1xi32> to vector<256x32xi32>
    %select_n3A_432 = arith.select %eq3A_427, %broadcast_in_dim3A_431, %select_n3A_413 : vector<256x32xi1>, vector<256x32xi32>
    %gt3A_433 = vector.broadcast %broadcast_in_dim3A_421 : vector<256x1xi32> to vector<256x5120xi32>
    %gt3A_434 = arith.cmpi sgt, %or3A, %gt3A_433 : vector<256x5120xi32>
    %jit3A_435 = arith.constant 2147483647 : i32
    %broadcast_in_dim3A_436 = vector.broadcast %jit3A_435 : i32 to vector<256x5120xi32>
    %select_n3A_437 = arith.select %gt3A_434, %or3A, %broadcast_in_dim3A_436 : vector<256x5120xi1>, vector<256x5120xi32>
    %reduce_min3A_438 = arith.constant dense<2147483647> : vector<256xi32>
    %reduce_min3A_439 = vector.multi_reduction <minsi>, %select_n3A_437, %reduce_min3A_438 [1] : vector<256x5120xi32> to vector<256xi32>
    %broadcast_in_dim3A_440 = vector.shape_cast %reduce_min3A_439 : vector<256xi32> to vector<256x1xi32>
    %and3A_441 = arith.constant 8191 : i32
    %and3A_442 = vector.broadcast %and3A_441 : i32 to vector<256x1xi32>
    %and3A_443 = arith.andi %broadcast_in_dim3A_440, %and3A_442 : vector<256x1xi32>
    %eq3A_444 = arith.constant 20 : i32
    %eq3A_445 = vector.broadcast %eq3A_444 : i32 to vector<256x32xi32>
    %eq3A_446 = arith.cmpi eq, %iota3A_48, %eq3A_445 : vector<256x32xi32>
    %add3A_447 = vector.broadcast %mul3A_50 : i32 to vector<256x1xi32>
    %add3A_448 = arith.addi %and3A_443, %add3A_447 : vector<256x1xi32>
    %broadcast_in_dim3A_449 = vector.shape_cast %add3A_448 : vector<256x1xi32> to vector<256x1xi32>
    %broadcast_in_dim3A_450 = vector.broadcast %broadcast_in_dim3A_449 : vector<256x1xi32> to vector<256x32xi32>
    %select_n3A_451 = arith.select %eq3A_446, %broadcast_in_dim3A_450, %select_n3A_432 : vector<256x32xi1>, vector<256x32xi32>
    %gt3A_452 = vector.broadcast %broadcast_in_dim3A_440 : vector<256x1xi32> to vector<256x5120xi32>
    %gt3A_453 = arith.cmpi sgt, %or3A, %gt3A_452 : vector<256x5120xi32>
    %jit3A_454 = arith.constant 2147483647 : i32
    %broadcast_in_dim3A_455 = vector.broadcast %jit3A_454 : i32 to vector<256x5120xi32>
    %select_n3A_456 = arith.select %gt3A_453, %or3A, %broadcast_in_dim3A_455 : vector<256x5120xi1>, vector<256x5120xi32>
    %reduce_min3A_457 = arith.constant dense<2147483647> : vector<256xi32>
    %reduce_min3A_458 = vector.multi_reduction <minsi>, %select_n3A_456, %reduce_min3A_457 [1] : vector<256x5120xi32> to vector<256xi32>
    %broadcast_in_dim3A_459 = vector.shape_cast %reduce_min3A_458 : vector<256xi32> to vector<256x1xi32>
    %and3A_460 = arith.constant 8191 : i32
    %and3A_461 = vector.broadcast %and3A_460 : i32 to vector<256x1xi32>
    %and3A_462 = arith.andi %broadcast_in_dim3A_459, %and3A_461 : vector<256x1xi32>
    %eq3A_463 = arith.constant 21 : i32
    %eq3A_464 = vector.broadcast %eq3A_463 : i32 to vector<256x32xi32>
    %eq3A_465 = arith.cmpi eq, %iota3A_48, %eq3A_464 : vector<256x32xi32>
    %add3A_466 = vector.broadcast %mul3A_50 : i32 to vector<256x1xi32>
    %add3A_467 = arith.addi %and3A_462, %add3A_466 : vector<256x1xi32>
    %broadcast_in_dim3A_468 = vector.shape_cast %add3A_467 : vector<256x1xi32> to vector<256x1xi32>
    %broadcast_in_dim3A_469 = vector.broadcast %broadcast_in_dim3A_468 : vector<256x1xi32> to vector<256x32xi32>
    %select_n3A_470 = arith.select %eq3A_465, %broadcast_in_dim3A_469, %select_n3A_451 : vector<256x32xi1>, vector<256x32xi32>
    %gt3A_471 = vector.broadcast %broadcast_in_dim3A_459 : vector<256x1xi32> to vector<256x5120xi32>
    %gt3A_472 = arith.cmpi sgt, %or3A, %gt3A_471 : vector<256x5120xi32>
    %jit3A_473 = arith.constant 2147483647 : i32
    %broadcast_in_dim3A_474 = vector.broadcast %jit3A_473 : i32 to vector<256x5120xi32>
    %select_n3A_475 = arith.select %gt3A_472, %or3A, %broadcast_in_dim3A_474 : vector<256x5120xi1>, vector<256x5120xi32>
    %reduce_min3A_476 = arith.constant dense<2147483647> : vector<256xi32>
    %reduce_min3A_477 = vector.multi_reduction <minsi>, %select_n3A_475, %reduce_min3A_476 [1] : vector<256x5120xi32> to vector<256xi32>
    %broadcast_in_dim3A_478 = vector.shape_cast %reduce_min3A_477 : vector<256xi32> to vector<256x1xi32>
    %and3A_479 = arith.constant 8191 : i32
    %and3A_480 = vector.broadcast %and3A_479 : i32 to vector<256x1xi32>
    %and3A_481 = arith.andi %broadcast_in_dim3A_478, %and3A_480 : vector<256x1xi32>
    %eq3A_482 = arith.constant 22 : i32
    %eq3A_483 = vector.broadcast %eq3A_482 : i32 to vector<256x32xi32>
    %eq3A_484 = arith.cmpi eq, %iota3A_48, %eq3A_483 : vector<256x32xi32>
    %add3A_485 = vector.broadcast %mul3A_50 : i32 to vector<256x1xi32>
    %add3A_486 = arith.addi %and3A_481, %add3A_485 : vector<256x1xi32>
    %broadcast_in_dim3A_487 = vector.shape_cast %add3A_486 : vector<256x1xi32> to vector<256x1xi32>
    %broadcast_in_dim3A_488 = vector.broadcast %broadcast_in_dim3A_487 : vector<256x1xi32> to vector<256x32xi32>
    %select_n3A_489 = arith.select %eq3A_484, %broadcast_in_dim3A_488, %select_n3A_470 : vector<256x32xi1>, vector<256x32xi32>
    %gt3A_490 = vector.broadcast %broadcast_in_dim3A_478 : vector<256x1xi32> to vector<256x5120xi32>
    %gt3A_491 = arith.cmpi sgt, %or3A, %gt3A_490 : vector<256x5120xi32>
    %jit3A_492 = arith.constant 2147483647 : i32
    %broadcast_in_dim3A_493 = vector.broadcast %jit3A_492 : i32 to vector<256x5120xi32>
    %select_n3A_494 = arith.select %gt3A_491, %or3A, %broadcast_in_dim3A_493 : vector<256x5120xi1>, vector<256x5120xi32>
    %reduce_min3A_495 = arith.constant dense<2147483647> : vector<256xi32>
    %reduce_min3A_496 = vector.multi_reduction <minsi>, %select_n3A_494, %reduce_min3A_495 [1] : vector<256x5120xi32> to vector<256xi32>
    %broadcast_in_dim3A_497 = vector.shape_cast %reduce_min3A_496 : vector<256xi32> to vector<256x1xi32>
    %and3A_498 = arith.constant 8191 : i32
    %and3A_499 = vector.broadcast %and3A_498 : i32 to vector<256x1xi32>
    %and3A_500 = arith.andi %broadcast_in_dim3A_497, %and3A_499 : vector<256x1xi32>
    %eq3A_501 = arith.constant 23 : i32
    %eq3A_502 = vector.broadcast %eq3A_501 : i32 to vector<256x32xi32>
    %eq3A_503 = arith.cmpi eq, %iota3A_48, %eq3A_502 : vector<256x32xi32>
    %add3A_504 = vector.broadcast %mul3A_50 : i32 to vector<256x1xi32>
    %add3A_505 = arith.addi %and3A_500, %add3A_504 : vector<256x1xi32>
    %broadcast_in_dim3A_506 = vector.shape_cast %add3A_505 : vector<256x1xi32> to vector<256x1xi32>
    %broadcast_in_dim3A_507 = vector.broadcast %broadcast_in_dim3A_506 : vector<256x1xi32> to vector<256x32xi32>
    %select_n3A_508 = arith.select %eq3A_503, %broadcast_in_dim3A_507, %select_n3A_489 : vector<256x32xi1>, vector<256x32xi32>
    %gt3A_509 = vector.broadcast %broadcast_in_dim3A_497 : vector<256x1xi32> to vector<256x5120xi32>
    %gt3A_510 = arith.cmpi sgt, %or3A, %gt3A_509 : vector<256x5120xi32>
    %jit3A_511 = arith.constant 2147483647 : i32
    %broadcast_in_dim3A_512 = vector.broadcast %jit3A_511 : i32 to vector<256x5120xi32>
    %select_n3A_513 = arith.select %gt3A_510, %or3A, %broadcast_in_dim3A_512 : vector<256x5120xi1>, vector<256x5120xi32>
    %reduce_min3A_514 = arith.constant dense<2147483647> : vector<256xi32>
    %reduce_min3A_515 = vector.multi_reduction <minsi>, %select_n3A_513, %reduce_min3A_514 [1] : vector<256x5120xi32> to vector<256xi32>
    %broadcast_in_dim3A_516 = vector.shape_cast %reduce_min3A_515 : vector<256xi32> to vector<256x1xi32>
    %and3A_517 = arith.constant 8191 : i32
    %and3A_518 = vector.broadcast %and3A_517 : i32 to vector<256x1xi32>
    %and3A_519 = arith.andi %broadcast_in_dim3A_516, %and3A_518 : vector<256x1xi32>
    %eq3A_520 = arith.constant 24 : i32
    %eq3A_521 = vector.broadcast %eq3A_520 : i32 to vector<256x32xi32>
    %eq3A_522 = arith.cmpi eq, %iota3A_48, %eq3A_521 : vector<256x32xi32>
    %add3A_523 = vector.broadcast %mul3A_50 : i32 to vector<256x1xi32>
    %add3A_524 = arith.addi %and3A_519, %add3A_523 : vector<256x1xi32>
    %broadcast_in_dim3A_525 = vector.shape_cast %add3A_524 : vector<256x1xi32> to vector<256x1xi32>
    %broadcast_in_dim3A_526 = vector.broadcast %broadcast_in_dim3A_525 : vector<256x1xi32> to vector<256x32xi32>
    %select_n3A_527 = arith.select %eq3A_522, %broadcast_in_dim3A_526, %select_n3A_508 : vector<256x32xi1>, vector<256x32xi32>
    %gt3A_528 = vector.broadcast %broadcast_in_dim3A_516 : vector<256x1xi32> to vector<256x5120xi32>
    %gt3A_529 = arith.cmpi sgt, %or3A, %gt3A_528 : vector<256x5120xi32>
    %jit3A_530 = arith.constant 2147483647 : i32
    %broadcast_in_dim3A_531 = vector.broadcast %jit3A_530 : i32 to vector<256x5120xi32>
    %select_n3A_532 = arith.select %gt3A_529, %or3A, %broadcast_in_dim3A_531 : vector<256x5120xi1>, vector<256x5120xi32>
    %reduce_min3A_533 = arith.constant dense<2147483647> : vector<256xi32>
    %reduce_min3A_534 = vector.multi_reduction <minsi>, %select_n3A_532, %reduce_min3A_533 [1] : vector<256x5120xi32> to vector<256xi32>
    %broadcast_in_dim3A_535 = vector.shape_cast %reduce_min3A_534 : vector<256xi32> to vector<256x1xi32>
    %and3A_536 = arith.constant 8191 : i32
    %and3A_537 = vector.broadcast %and3A_536 : i32 to vector<256x1xi32>
    %and3A_538 = arith.andi %broadcast_in_dim3A_535, %and3A_537 : vector<256x1xi32>
    %eq3A_539 = arith.constant 25 : i32
    %eq3A_540 = vector.broadcast %eq3A_539 : i32 to vector<256x32xi32>
    %eq3A_541 = arith.cmpi eq, %iota3A_48, %eq3A_540 : vector<256x32xi32>
    %add3A_542 = vector.broadcast %mul3A_50 : i32 to vector<256x1xi32>
    %add3A_543 = arith.addi %and3A_538, %add3A_542 : vector<256x1xi32>
    %broadcast_in_dim3A_544 = vector.shape_cast %add3A_543 : vector<256x1xi32> to vector<256x1xi32>
    %broadcast_in_dim3A_545 = vector.broadcast %broadcast_in_dim3A_544 : vector<256x1xi32> to vector<256x32xi32>
    %select_n3A_546 = arith.select %eq3A_541, %broadcast_in_dim3A_545, %select_n3A_527 : vector<256x32xi1>, vector<256x32xi32>
    %gt3A_547 = vector.broadcast %broadcast_in_dim3A_535 : vector<256x1xi32> to vector<256x5120xi32>
    %gt3A_548 = arith.cmpi sgt, %or3A, %gt3A_547 : vector<256x5120xi32>
    %jit3A_549 = arith.constant 2147483647 : i32
    %broadcast_in_dim3A_550 = vector.broadcast %jit3A_549 : i32 to vector<256x5120xi32>
    %select_n3A_551 = arith.select %gt3A_548, %or3A, %broadcast_in_dim3A_550 : vector<256x5120xi1>, vector<256x5120xi32>
    %reduce_min3A_552 = arith.constant dense<2147483647> : vector<256xi32>
    %reduce_min3A_553 = vector.multi_reduction <minsi>, %select_n3A_551, %reduce_min3A_552 [1] : vector<256x5120xi32> to vector<256xi32>
    %broadcast_in_dim3A_554 = vector.shape_cast %reduce_min3A_553 : vector<256xi32> to vector<256x1xi32>
    %and3A_555 = arith.constant 8191 : i32
    %and3A_556 = vector.broadcast %and3A_555 : i32 to vector<256x1xi32>
    %and3A_557 = arith.andi %broadcast_in_dim3A_554, %and3A_556 : vector<256x1xi32>
    %eq3A_558 = arith.constant 26 : i32
    %eq3A_559 = vector.broadcast %eq3A_558 : i32 to vector<256x32xi32>
    %eq3A_560 = arith.cmpi eq, %iota3A_48, %eq3A_559 : vector<256x32xi32>
    %add3A_561 = vector.broadcast %mul3A_50 : i32 to vector<256x1xi32>
    %add3A_562 = arith.addi %and3A_557, %add3A_561 : vector<256x1xi32>
    %broadcast_in_dim3A_563 = vector.shape_cast %add3A_562 : vector<256x1xi32> to vector<256x1xi32>
    %broadcast_in_dim3A_564 = vector.broadcast %broadcast_in_dim3A_563 : vector<256x1xi32> to vector<256x32xi32>
    %select_n3A_565 = arith.select %eq3A_560, %broadcast_in_dim3A_564, %select_n3A_546 : vector<256x32xi1>, vector<256x32xi32>
    %gt3A_566 = vector.broadcast %broadcast_in_dim3A_554 : vector<256x1xi32> to vector<256x5120xi32>
    %gt3A_567 = arith.cmpi sgt, %or3A, %gt3A_566 : vector<256x5120xi32>
    %jit3A_568 = arith.constant 2147483647 : i32
    %broadcast_in_dim3A_569 = vector.broadcast %jit3A_568 : i32 to vector<256x5120xi32>
    %select_n3A_570 = arith.select %gt3A_567, %or3A, %broadcast_in_dim3A_569 : vector<256x5120xi1>, vector<256x5120xi32>
    %reduce_min3A_571 = arith.constant dense<2147483647> : vector<256xi32>
    %reduce_min3A_572 = vector.multi_reduction <minsi>, %select_n3A_570, %reduce_min3A_571 [1] : vector<256x5120xi32> to vector<256xi32>
    %broadcast_in_dim3A_573 = vector.shape_cast %reduce_min3A_572 : vector<256xi32> to vector<256x1xi32>
    %and3A_574 = arith.constant 8191 : i32
    %and3A_575 = vector.broadcast %and3A_574 : i32 to vector<256x1xi32>
    %and3A_576 = arith.andi %broadcast_in_dim3A_573, %and3A_575 : vector<256x1xi32>
    %eq3A_577 = arith.constant 27 : i32
    %eq3A_578 = vector.broadcast %eq3A_577 : i32 to vector<256x32xi32>
    %eq3A_579 = arith.cmpi eq, %iota3A_48, %eq3A_578 : vector<256x32xi32>
    %add3A_580 = vector.broadcast %mul3A_50 : i32 to vector<256x1xi32>
    %add3A_581 = arith.addi %and3A_576, %add3A_580 : vector<256x1xi32>
    %broadcast_in_dim3A_582 = vector.shape_cast %add3A_581 : vector<256x1xi32> to vector<256x1xi32>
    %broadcast_in_dim3A_583 = vector.broadcast %broadcast_in_dim3A_582 : vector<256x1xi32> to vector<256x32xi32>
    %select_n3A_584 = arith.select %eq3A_579, %broadcast_in_dim3A_583, %select_n3A_565 : vector<256x32xi1>, vector<256x32xi32>
    %gt3A_585 = vector.broadcast %broadcast_in_dim3A_573 : vector<256x1xi32> to vector<256x5120xi32>
    %gt3A_586 = arith.cmpi sgt, %or3A, %gt3A_585 : vector<256x5120xi32>
    %jit3A_587 = arith.constant 2147483647 : i32
    %broadcast_in_dim3A_588 = vector.broadcast %jit3A_587 : i32 to vector<256x5120xi32>
    %select_n3A_589 = arith.select %gt3A_586, %or3A, %broadcast_in_dim3A_588 : vector<256x5120xi1>, vector<256x5120xi32>
    %reduce_min3A_590 = arith.constant dense<2147483647> : vector<256xi32>
    %reduce_min3A_591 = vector.multi_reduction <minsi>, %select_n3A_589, %reduce_min3A_590 [1] : vector<256x5120xi32> to vector<256xi32>
    %broadcast_in_dim3A_592 = vector.shape_cast %reduce_min3A_591 : vector<256xi32> to vector<256x1xi32>
    %and3A_593 = arith.constant 8191 : i32
    %and3A_594 = vector.broadcast %and3A_593 : i32 to vector<256x1xi32>
    %and3A_595 = arith.andi %broadcast_in_dim3A_592, %and3A_594 : vector<256x1xi32>
    %eq3A_596 = arith.constant 28 : i32
    %eq3A_597 = vector.broadcast %eq3A_596 : i32 to vector<256x32xi32>
    %eq3A_598 = arith.cmpi eq, %iota3A_48, %eq3A_597 : vector<256x32xi32>
    %add3A_599 = vector.broadcast %mul3A_50 : i32 to vector<256x1xi32>
    %add3A_600 = arith.addi %and3A_595, %add3A_599 : vector<256x1xi32>
    %broadcast_in_dim3A_601 = vector.shape_cast %add3A_600 : vector<256x1xi32> to vector<256x1xi32>
    %broadcast_in_dim3A_602 = vector.broadcast %broadcast_in_dim3A_601 : vector<256x1xi32> to vector<256x32xi32>
    %select_n3A_603 = arith.select %eq3A_598, %broadcast_in_dim3A_602, %select_n3A_584 : vector<256x32xi1>, vector<256x32xi32>
    %gt3A_604 = vector.broadcast %broadcast_in_dim3A_592 : vector<256x1xi32> to vector<256x5120xi32>
    %gt3A_605 = arith.cmpi sgt, %or3A, %gt3A_604 : vector<256x5120xi32>
    %jit3A_606 = arith.constant 2147483647 : i32
    %broadcast_in_dim3A_607 = vector.broadcast %jit3A_606 : i32 to vector<256x5120xi32>
    %select_n3A_608 = arith.select %gt3A_605, %or3A, %broadcast_in_dim3A_607 : vector<256x5120xi1>, vector<256x5120xi32>
    %reduce_min3A_609 = arith.constant dense<2147483647> : vector<256xi32>
    %reduce_min3A_610 = vector.multi_reduction <minsi>, %select_n3A_608, %reduce_min3A_609 [1] : vector<256x5120xi32> to vector<256xi32>
    %broadcast_in_dim3A_611 = vector.shape_cast %reduce_min3A_610 : vector<256xi32> to vector<256x1xi32>
    %and3A_612 = arith.constant 8191 : i32
    %and3A_613 = vector.broadcast %and3A_612 : i32 to vector<256x1xi32>
    %and3A_614 = arith.andi %broadcast_in_dim3A_611, %and3A_613 : vector<256x1xi32>
    %eq3A_615 = arith.constant 29 : i32
    %eq3A_616 = vector.broadcast %eq3A_615 : i32 to vector<256x32xi32>
    %eq3A_617 = arith.cmpi eq, %iota3A_48, %eq3A_616 : vector<256x32xi32>
    %add3A_618 = vector.broadcast %mul3A_50 : i32 to vector<256x1xi32>
    %add3A_619 = arith.addi %and3A_614, %add3A_618 : vector<256x1xi32>
    %broadcast_in_dim3A_620 = vector.shape_cast %add3A_619 : vector<256x1xi32> to vector<256x1xi32>
    %broadcast_in_dim3A_621 = vector.broadcast %broadcast_in_dim3A_620 : vector<256x1xi32> to vector<256x32xi32>
    %select_n3A_622 = arith.select %eq3A_617, %broadcast_in_dim3A_621, %select_n3A_603 : vector<256x32xi1>, vector<256x32xi32>
    %gt3A_623 = vector.broadcast %broadcast_in_dim3A_611 : vector<256x1xi32> to vector<256x5120xi32>
    %gt3A_624 = arith.cmpi sgt, %or3A, %gt3A_623 : vector<256x5120xi32>
    %jit3A_625 = arith.constant 2147483647 : i32
    %broadcast_in_dim3A_626 = vector.broadcast %jit3A_625 : i32 to vector<256x5120xi32>
    %select_n3A_627 = arith.select %gt3A_624, %or3A, %broadcast_in_dim3A_626 : vector<256x5120xi1>, vector<256x5120xi32>
    %reduce_min3A_628 = arith.constant dense<2147483647> : vector<256xi32>
    %reduce_min3A_629 = vector.multi_reduction <minsi>, %select_n3A_627, %reduce_min3A_628 [1] : vector<256x5120xi32> to vector<256xi32>
    %broadcast_in_dim3A_630 = vector.shape_cast %reduce_min3A_629 : vector<256xi32> to vector<256x1xi32>
    %and3A_631 = arith.constant 8191 : i32
    %and3A_632 = vector.broadcast %and3A_631 : i32 to vector<256x1xi32>
    %and3A_633 = arith.andi %broadcast_in_dim3A_630, %and3A_632 : vector<256x1xi32>
    %eq3A_634 = arith.constant 30 : i32
    %eq3A_635 = vector.broadcast %eq3A_634 : i32 to vector<256x32xi32>
    %eq3A_636 = arith.cmpi eq, %iota3A_48, %eq3A_635 : vector<256x32xi32>
    %add3A_637 = vector.broadcast %mul3A_50 : i32 to vector<256x1xi32>
    %add3A_638 = arith.addi %and3A_633, %add3A_637 : vector<256x1xi32>
    %broadcast_in_dim3A_639 = vector.shape_cast %add3A_638 : vector<256x1xi32> to vector<256x1xi32>
    %broadcast_in_dim3A_640 = vector.broadcast %broadcast_in_dim3A_639 : vector<256x1xi32> to vector<256x32xi32>
    %select_n3A_641 = arith.select %eq3A_636, %broadcast_in_dim3A_640, %select_n3A_622 : vector<256x32xi1>, vector<256x32xi32>
    %gt3A_642 = vector.broadcast %broadcast_in_dim3A_630 : vector<256x1xi32> to vector<256x5120xi32>
    %gt3A_643 = arith.cmpi sgt, %or3A, %gt3A_642 : vector<256x5120xi32>
    %jit3A_644 = arith.constant 2147483647 : i32
    %broadcast_in_dim3A_645 = vector.broadcast %jit3A_644 : i32 to vector<256x5120xi32>
    %select_n3A_646 = arith.select %gt3A_643, %or3A, %broadcast_in_dim3A_645 : vector<256x5120xi1>, vector<256x5120xi32>
    %reduce_min3A_647 = arith.constant dense<2147483647> : vector<256xi32>
    %reduce_min3A_648 = vector.multi_reduction <minsi>, %select_n3A_646, %reduce_min3A_647 [1] : vector<256x5120xi32> to vector<256xi32>
    %broadcast_in_dim3A_649 = vector.shape_cast %reduce_min3A_648 : vector<256xi32> to vector<256x1xi32>
    %and3A_650 = arith.constant 8191 : i32
    %and3A_651 = vector.broadcast %and3A_650 : i32 to vector<256x1xi32>
    %and3A_652 = arith.andi %broadcast_in_dim3A_649, %and3A_651 : vector<256x1xi32>
    %eq3A_653 = arith.constant 31 : i32
    %eq3A_654 = vector.broadcast %eq3A_653 : i32 to vector<256x32xi32>
    %eq3A_655 = arith.cmpi eq, %iota3A_48, %eq3A_654 : vector<256x32xi32>
    %add3A_656 = vector.broadcast %mul3A_50 : i32 to vector<256x1xi32>
    %add3A_657 = arith.addi %and3A_652, %add3A_656 : vector<256x1xi32>
    %broadcast_in_dim3A_658 = vector.shape_cast %add3A_657 : vector<256x1xi32> to vector<256x1xi32>
    %broadcast_in_dim3A_659 = vector.broadcast %broadcast_in_dim3A_658 : vector<256x1xi32> to vector<256x32xi32>
    %select_n3A_660 = arith.select %eq3A_655, %broadcast_in_dim3A_659, %select_n3A_641 : vector<256x32xi1>, vector<256x32xi32>
    %swap3A = arith.constant 0 : index
    %swap3A_661 = arith.constant 0 : index
    %swap3A_662 = vector.load %arg6[%swap3A, %swap3A_661] : memref<256x32xi32, #tpu.memory_space<vmem>>, vector<256x32xi32>
    tpu.vector_store %arg6[%swap3A, %swap3A_661], %select_n3A_660 {strides = array<i32>} : memref<256x32xi32, #tpu.memory_space<vmem>>, vector<256x32xi32>,
    return
  }
  func.func @transform_0(%arg0: i32, %arg1: i32) -> (i32, i32) {
    %mul3A = arith.constant 20 : i32
    %mul3A_0 = arith.muli %arg0, %mul3A : i32
    %add3A = arith.addi %mul3A_0, %arg1 : i32
    %c0_i32 = arith.constant 0 : i32
    %c0_i32_1 = arith.constant 0 : i32
    return %add3A, %c0_i32 : i32, i32
  }
  func.func @transform_1(%arg0: i32, %arg1: i32) -> (i32, i32) {
    %mul3A = arith.constant 20 : i32
    %mul3A_0 = arith.muli %arg0, %mul3A : i32
    %add3A = arith.addi %mul3A_0, %arg1 : i32
    %c0_i32 = arith.constant 0 : i32
    %c0_i32_1 = arith.constant 0 : i32
    return %add3A, %c0_i32 : i32, i32
  }
  func.func @transform_2(%arg0: i32, %arg1: i32) -> (i32, i32, i32) {
    %c0_i32 = arith.constant 0 : i32
    %c0_i32_0 = arith.constant 0 : i32
    %c0_i32_1 = arith.constant 0 : i32
    return %arg0, %c0_i32, %c0_i32_0 : i32, i32, i32
  }
  func.func @transform_3(%arg0: i32, %arg1: i32) -> (i32, i32, i32) {
    %c0_i32 = arith.constant 0 : i32
    %c0_i32_0 = arith.constant 0 : i32
    %c0_i32_1 = arith.constant 0 : i32
    return %arg0, %c0_i32, %c0_i32_0 : i32, i32, i32
  }
  func.func @transform_4(%arg0: i32, %arg1: i32) -> (i32, i32) {
    %mul3A = arith.constant 20 : i32
    %mul3A_0 = arith.muli %arg0, %mul3A : i32
    %add3A = arith.addi %mul3A_0, %arg1 : i32
    %c0_i32 = arith.constant 0 : i32
    %c0_i32_1 = arith.constant 0 : i32
    return %add3A, %c0_i32 : i32, i32
  }
}

module attributes {stable_mosaic.version = 14 : i64} {
  func.func @_embed_body(%arg0: memref<10240x8xf32, #tpu.memory_space<vmem>>, %arg1: memref<8x128xf32, #tpu.memory_space<vmem>>, %arg2: memref<1x128xf32, #tpu.memory_space<vmem>>, %arg3: memref<128x128xf32, #tpu.memory_space<vmem>>, %arg4: memref<1x128xf32, #tpu.memory_space<vmem>>, %arg5: memref<10240x128xf32, #tpu.memory_space<vmem>>) attributes {dimension_semantics = [], scalar_prefetch = 0 : i64, scratch_operands = 0 : i64, tpu.core_type = #tpu.core_type<tc>} {
    %get3A = arith.constant 0 : index
    %get3A_0 = arith.constant 0 : index
    %get3A_1 = vector.load %arg0[%get3A, %get3A_0] : memref<10240x8xf32, #tpu.memory_space<vmem>>, vector<10240x8xf32>
    %get3A_2 = arith.constant 0 : index
    %get3A_3 = arith.constant 0 : index
    %get3A_4 = vector.load %arg1[%get3A_2, %get3A_3] : memref<8x128xf32, #tpu.memory_space<vmem>>, vector<8x128xf32>
    %dot_general3A = arith.constant dense<0.000000e+00> : vector<10240x128xf32>
    %dot_general3A_5 = tpu.matmul %get3A_1, %get3A_4, %dot_general3A {dimension_numbers = #tpu.dot_dimension_numbers<[1], [0], [0], [1], [0, 0, 1, 1], [], []>, transpose_lhs_hint = false} : vector<10240x8xf32>, vector<8x128xf32>, vector<10240x128xf32> -> vector<10240x128xf32>
    %get3A_6 = arith.constant 0 : index
    %get3A_7 = arith.constant 0 : index
    %get3A_8 = vector.load %arg2[%get3A_6, %get3A_7] : memref<1x128xf32, #tpu.memory_space<vmem>>, vector<1x128xf32>
    %add3A = vector.broadcast %get3A_8 : vector<1x128xf32> to vector<10240x128xf32>
    %add3A_9 = arith.addf %dot_general3A_5, %add3A : vector<10240x128xf32>
    %neg3A = arith.constant 0.000000e+00 : f32
    %neg3A_10 = vector.broadcast %neg3A : f32 to vector<10240x128xf32>
    %neg3A_11 = arith.subf %neg3A_10, %add3A_9 : vector<10240x128xf32>
    %exp3A = math.exp %neg3A_11 : vector<10240x128xf32>
    %add3A_12 = arith.constant 1.000000e+00 : f32
    %add3A_13 = vector.broadcast %add3A_12 : f32 to vector<10240x128xf32>
    %add3A_14 = arith.addf %add3A_13, %exp3A : vector<10240x128xf32>
    %div3A = arith.constant 1.000000e+00 : f32
    %div3A_15 = vector.broadcast %div3A : f32 to vector<10240x128xf32>
    %div3A_16 = arith.divf %div3A_15, %add3A_14 : vector<10240x128xf32>
    %mul3A = arith.mulf %add3A_9, %div3A_16 : vector<10240x128xf32>
    %get3A_17 = arith.constant 0 : index
    %get3A_18 = arith.constant 0 : index
    %get3A_19 = vector.load %arg3[%get3A_17, %get3A_18] : memref<128x128xf32, #tpu.memory_space<vmem>>, vector<128x128xf32>
    %dot_general3A_20 = arith.constant dense<0.000000e+00> : vector<10240x128xf32>
    %dot_general3A_21 = tpu.matmul %mul3A, %get3A_19, %dot_general3A_20 {dimension_numbers = #tpu.dot_dimension_numbers<[1], [0], [0], [1], [0, 0, 1, 1], [], []>, transpose_lhs_hint = false} : vector<10240x128xf32>, vector<128x128xf32>, vector<10240x128xf32> -> vector<10240x128xf32>
    %get3A_22 = arith.constant 0 : index
    %get3A_23 = arith.constant 0 : index
    %get3A_24 = vector.load %arg4[%get3A_22, %get3A_23] : memref<1x128xf32, #tpu.memory_space<vmem>>, vector<1x128xf32>
    %add3A_25 = vector.broadcast %get3A_24 : vector<1x128xf32> to vector<10240x128xf32>
    %add3A_26 = arith.addf %dot_general3A_21, %add3A_25 : vector<10240x128xf32>
    %neg3A_27 = arith.constant 0.000000e+00 : f32
    %neg3A_28 = vector.broadcast %neg3A_27 : f32 to vector<10240x128xf32>
    %neg3A_29 = arith.subf %neg3A_28, %add3A_26 : vector<10240x128xf32>
    %exp3A_30 = math.exp %neg3A_29 : vector<10240x128xf32>
    %add3A_31 = arith.constant 1.000000e+00 : f32
    %add3A_32 = vector.broadcast %add3A_31 : f32 to vector<10240x128xf32>
    %add3A_33 = arith.addf %add3A_32, %exp3A_30 : vector<10240x128xf32>
    %div3A_34 = arith.constant 1.000000e+00 : f32
    %div3A_35 = vector.broadcast %div3A_34 : f32 to vector<10240x128xf32>
    %div3A_36 = arith.divf %div3A_35, %add3A_33 : vector<10240x128xf32>
    %mul3A_37 = arith.mulf %add3A_26, %div3A_36 : vector<10240x128xf32>
    %swap3A = arith.constant 0 : index
    %swap3A_38 = arith.constant 0 : index
    %swap3A_39 = vector.load %arg5[%swap3A, %swap3A_38] : memref<10240x128xf32, #tpu.memory_space<vmem>>, vector<10240x128xf32>
    tpu.vector_store %arg5[%swap3A, %swap3A_38], %mul3A_37 {strides = array<i32>} : memref<10240x128xf32, #tpu.memory_space<vmem>>, vector<10240x128xf32>,
    return
  }
}

module attributes {stable_mosaic.version = 14 : i64} {
  func.func @_pre_body(%arg0: i32, %arg1: memref<1280x128xf32, #tpu.memory_space<vmem>>, %arg2: memref<1280x8xf32, #tpu.memory_space<vmem>>, %arg3: memref<128x128xf32, #tpu.memory_space<vmem>>, %arg4: memref<128x128xf32, #tpu.memory_space<vmem>>, %arg5: memref<8x128xf32, #tpu.memory_space<vmem>>, %arg6: memref<8x128xf32, #tpu.memory_space<vmem>>, %arg7: memref<1x128xf32, #tpu.memory_space<vmem>>, %arg8: memref<1280x128xf32, #tpu.memory_space<vmem>>, %arg9: memref<1280x128xf32, #tpu.memory_space<vmem>>) attributes {dimension_semantics = [#tpu.dimension_semantics<arbitrary>], iteration_bounds = array<i64: 8>, scalar_prefetch = 0 : i64, scratch_operands = 0 : i64, tpu.core_type = #tpu.core_type<tc>, window_params = [{transform_indices = @transform_0, window_bounds = array<i64: 1280, 128>}, {transform_indices = @transform_1, window_bounds = array<i64: 1280, 8>}, {pipeline_mode = #tpu.pipeline_mode<synchronous>, transform_indices = @transform_2, window_bounds = array<i64: 128, 128>}, {pipeline_mode = #tpu.pipeline_mode<synchronous>, transform_indices = @transform_3, window_bounds = array<i64: 128, 128>}, {pipeline_mode = #tpu.pipeline_mode<synchronous>, transform_indices = @transform_4, window_bounds = array<i64: 8, 128>}, {pipeline_mode = #tpu.pipeline_mode<synchronous>, transform_indices = @transform_5, window_bounds = array<i64: 8, 128>}, {pipeline_mode = #tpu.pipeline_mode<synchronous>, transform_indices = @transform_6, window_bounds = array<i64: 1, 128>}, {transform_indices = @transform_7, window_bounds = array<i64: 1280, 128>}, {transform_indices = @transform_8, window_bounds = array<i64: 1280, 128>}]} {
    %get3A = arith.constant 0 : index
    %get3A_0 = arith.constant 0 : index
    %get3A_1 = vector.load %arg1[%get3A, %get3A_0] : memref<1280x128xf32, #tpu.memory_space<vmem>>, vector<1280x128xf32>
    %get3A_2 = arith.constant 0 : index
    %get3A_3 = arith.constant 0 : index
    %get3A_4 = vector.load %arg2[%get3A_2, %get3A_3] : memref<1280x8xf32, #tpu.memory_space<vmem>>, vector<1280x8xf32>
    %get3A_5 = arith.constant 0 : index
    %get3A_6 = arith.constant 0 : index
    %get3A_7 = vector.load %arg3[%get3A_5, %get3A_6] : memref<128x128xf32, #tpu.memory_space<vmem>>, vector<128x128xf32>
    %dot_general3A = arith.constant dense<0.000000e+00> : vector<1280x128xf32>
    %dot_general3A_8 = tpu.matmul %get3A_1, %get3A_7, %dot_general3A {dimension_numbers = #tpu.dot_dimension_numbers<[1], [0], [0], [1], [0, 0, 1, 1], [], []>, transpose_lhs_hint = false} : vector<1280x128xf32>, vector<128x128xf32>, vector<1280x128xf32> -> vector<1280x128xf32>
    %get3A_9 = arith.constant 0 : index
    %get3A_10 = arith.constant 0 : index
    %get3A_11 = vector.load %arg5[%get3A_9, %get3A_10] : memref<8x128xf32, #tpu.memory_space<vmem>>, vector<8x128xf32>
    %dot_general3A_12 = arith.constant dense<0.000000e+00> : vector<1280x128xf32>
    %dot_general3A_13 = tpu.matmul %get3A_4, %get3A_11, %dot_general3A_12 {dimension_numbers = #tpu.dot_dimension_numbers<[1], [0], [0], [1], [0, 0, 1, 1], [], []>, transpose_lhs_hint = false} : vector<1280x8xf32>, vector<8x128xf32>, vector<1280x128xf32> -> vector<1280x128xf32>
    %add3A = arith.addf %dot_general3A_8, %dot_general3A_13 : vector<1280x128xf32>
    %get3A_14 = arith.constant 0 : index
    %get3A_15 = arith.constant 0 : index
    %get3A_16 = vector.load %arg7[%get3A_14, %get3A_15] : memref<1x128xf32, #tpu.memory_space<vmem>>, vector<1x128xf32>
    %add3A_17 = vector.broadcast %get3A_16 : vector<1x128xf32> to vector<1280x128xf32>
    %add3A_18 = arith.addf %add3A, %add3A_17 : vector<1280x128xf32>
    %swap3A = arith.constant 0 : index
    %swap3A_19 = arith.constant 0 : index
    %swap3A_20 = vector.load %arg8[%swap3A, %swap3A_19] : memref<1280x128xf32, #tpu.memory_space<vmem>>, vector<1280x128xf32>
    tpu.vector_store %arg8[%swap3A, %swap3A_19], %add3A_18 {strides = array<i32>} : memref<1280x128xf32, #tpu.memory_space<vmem>>, vector<1280x128xf32>,
    %get3A_21 = arith.constant 0 : index
    %get3A_22 = arith.constant 0 : index
    %get3A_23 = vector.load %arg4[%get3A_21, %get3A_22] : memref<128x128xf32, #tpu.memory_space<vmem>>, vector<128x128xf32>
    %dot_general3A_24 = arith.constant dense<0.000000e+00> : vector<1280x128xf32>
    %dot_general3A_25 = tpu.matmul %get3A_1, %get3A_23, %dot_general3A_24 {dimension_numbers = #tpu.dot_dimension_numbers<[1], [0], [0], [1], [0, 0, 1, 1], [], []>, transpose_lhs_hint = false} : vector<1280x128xf32>, vector<128x128xf32>, vector<1280x128xf32> -> vector<1280x128xf32>
    %get3A_26 = arith.constant 0 : index
    %get3A_27 = arith.constant 0 : index
    %get3A_28 = vector.load %arg6[%get3A_26, %get3A_27] : memref<8x128xf32, #tpu.memory_space<vmem>>, vector<8x128xf32>
    %dot_general3A_29 = arith.constant dense<0.000000e+00> : vector<1280x128xf32>
    %dot_general3A_30 = tpu.matmul %get3A_4, %get3A_28, %dot_general3A_29 {dimension_numbers = #tpu.dot_dimension_numbers<[1], [0], [0], [1], [0, 0, 1, 1], [], []>, transpose_lhs_hint = false} : vector<1280x8xf32>, vector<8x128xf32>, vector<1280x128xf32> -> vector<1280x128xf32>
    %sub3A = arith.subf %dot_general3A_25, %dot_general3A_30 : vector<1280x128xf32>
    %swap3A_31 = arith.constant 0 : index
    %swap3A_32 = arith.constant 0 : index
    %swap3A_33 = vector.load %arg9[%swap3A_31, %swap3A_32] : memref<1280x128xf32, #tpu.memory_space<vmem>>, vector<1280x128xf32>
    tpu.vector_store %arg9[%swap3A_31, %swap3A_32], %sub3A {strides = array<i32>} : memref<1280x128xf32, #tpu.memory_space<vmem>>, vector<1280x128xf32>,
    return
  }
  func.func @transform_0(%arg0: i32) -> (i32, i32) {
    %c0_i32 = arith.constant 0 : i32
    %c0_i32_0 = arith.constant 0 : i32
    return %arg0, %c0_i32 : i32, i32
  }
  func.func @transform_1(%arg0: i32) -> (i32, i32) {
    %c0_i32 = arith.constant 0 : i32
    %c0_i32_0 = arith.constant 0 : i32
    return %arg0, %c0_i32 : i32, i32
  }
  func.func @transform_2(%arg0: i32) -> (i32, i32) {
    %c0_i32 = arith.constant 0 : i32
    %c0_i32_0 = arith.constant 0 : i32
    %c0_i32_1 = arith.constant 0 : i32
    return %c0_i32, %c0_i32_0 : i32, i32
  }
  func.func @transform_3(%arg0: i32) -> (i32, i32) {
    %c0_i32 = arith.constant 0 : i32
    %c0_i32_0 = arith.constant 0 : i32
    %c0_i32_1 = arith.constant 0 : i32
    return %c0_i32, %c0_i32_0 : i32, i32
  }
  func.func @transform_4(%arg0: i32) -> (i32, i32) {
    %c0_i32 = arith.constant 0 : i32
    %c0_i32_0 = arith.constant 0 : i32
    %c0_i32_1 = arith.constant 0 : i32
    return %c0_i32, %c0_i32_0 : i32, i32
  }
  func.func @transform_5(%arg0: i32) -> (i32, i32) {
    %c0_i32 = arith.constant 0 : i32
    %c0_i32_0 = arith.constant 0 : i32
    %c0_i32_1 = arith.constant 0 : i32
    return %c0_i32, %c0_i32_0 : i32, i32
  }
  func.func @transform_6(%arg0: i32) -> (i32, i32) {
    %c0_i32 = arith.constant 0 : i32
    %c0_i32_0 = arith.constant 0 : i32
    %c0_i32_1 = arith.constant 0 : i32
    return %c0_i32, %c0_i32_0 : i32, i32
  }
  func.func @transform_7(%arg0: i32) -> (i32, i32) {
    %c0_i32 = arith.constant 0 : i32
    %c0_i32_0 = arith.constant 0 : i32
    return %arg0, %c0_i32 : i32, i32
  }
  func.func @transform_8(%arg0: i32) -> (i32, i32) {
    %c0_i32 = arith.constant 0 : i32
    %c0_i32_0 = arith.constant 0 : i32
    return %arg0, %c0_i32 : i32, i32
  }
}

module attributes {stable_mosaic.version = 14 : i64} {
  func.func @_msg_body(%arg0: i32, %arg1: memref<8192x128xf32, #tpu.memory_space<vmem>>, %arg2: memref<256x128xf32, #tpu.memory_space<vmem>>, %arg3: memref<128x128xf32, #tpu.memory_space<vmem>>, %arg4: memref<1x128xf32, #tpu.memory_space<vmem>>, %arg5: memref<256x128xf32, #tpu.memory_space<vmem>>) attributes {dimension_semantics = [#tpu.dimension_semantics<arbitrary>], iteration_bounds = array<i64: 20>, scalar_prefetch = 0 : i64, scratch_operands = 0 : i64, tpu.core_type = #tpu.core_type<tc>, window_params = [{transform_indices = @transform_0, window_bounds = array<i64: 8192, 128>}, {transform_indices = @transform_1, window_bounds = array<i64: 256, 128>}, {pipeline_mode = #tpu.pipeline_mode<synchronous>, transform_indices = @transform_2, window_bounds = array<i64: 128, 128>}, {pipeline_mode = #tpu.pipeline_mode<synchronous>, transform_indices = @transform_3, window_bounds = array<i64: 1, 128>}, {transform_indices = @transform_4, window_bounds = array<i64: 256, 128>}]} {
    %get3A = arith.constant 0 : index
    %get3A_0 = arith.constant 0 : index
    %get3A_1 = vector.load %arg1[%get3A, %get3A_0] : memref<8192x128xf32, #tpu.memory_space<vmem>>, vector<8192x128xf32>
    %reshape3A = vector.shape_cast %get3A_1 : vector<8192x128xf32> to vector<256x32x128xf32>
    %get3A_2 = arith.constant 0 : index
    %get3A_3 = arith.constant 0 : index
    %get3A_4 = vector.load %arg2[%get3A_2, %get3A_3] : memref<256x128xf32, #tpu.memory_space<vmem>>, vector<256x128xf32>
    %broadcast_in_dim3A = vector.shape_cast %get3A_4 : vector<256x128xf32> to vector<256x1x128xf32>
    %add3A = vector.broadcast %broadcast_in_dim3A : vector<256x1x128xf32> to vector<256x32x128xf32>
    %add3A_5 = arith.addf %reshape3A, %add3A : vector<256x32x128xf32>
    %neg3A = arith.constant 0.000000e+00 : f32
    %neg3A_6 = vector.broadcast %neg3A : f32 to vector<256x32x128xf32>
    %neg3A_7 = arith.subf %neg3A_6, %add3A_5 : vector<256x32x128xf32>
    %exp3A = math.exp %neg3A_7 : vector<256x32x128xf32>
    %add3A_8 = arith.constant 1.000000e+00 : f32
    %add3A_9 = vector.broadcast %add3A_8 : f32 to vector<256x32x128xf32>
    %add3A_10 = arith.addf %add3A_9, %exp3A : vector<256x32x128xf32>
    %div3A = arith.constant 1.000000e+00 : f32
    %div3A_11 = vector.broadcast %div3A : f32 to vector<256x32x128xf32>
    %div3A_12 = arith.divf %div3A_11, %add3A_10 : vector<256x32x128xf32>
    %mul3A = arith.mulf %add3A_5, %div3A_12 : vector<256x32x128xf32>
    %reshape3A_13 = vector.shape_cast %mul3A : vector<256x32x128xf32> to vector<8192x128xf32>
    %get3A_14 = arith.constant 0 : index
    %get3A_15 = arith.constant 0 : index
    %get3A_16 = vector.load %arg3[%get3A_14, %get3A_15] : memref<128x128xf32, #tpu.memory_space<vmem>>, vector<128x128xf32>
    %dot_general3A = arith.constant dense<0.000000e+00> : vector<8192x128xf32>
    %dot_general3A_17 = tpu.matmul %reshape3A_13, %get3A_16, %dot_general3A {dimension_numbers = #tpu.dot_dimension_numbers<[1], [0], [0], [1], [0, 0, 1, 1], [], []>, transpose_lhs_hint = false} : vector<8192x128xf32>, vector<128x128xf32>, vector<8192x128xf32> -> vector<8192x128xf32>
    %get3A_18 = arith.constant 0 : index
    %get3A_19 = arith.constant 0 : index
    %get3A_20 = vector.load %arg4[%get3A_18, %get3A_19] : memref<1x128xf32, #tpu.memory_space<vmem>>, vector<1x128xf32>
    %add3A_21 = vector.broadcast %get3A_20 : vector<1x128xf32> to vector<8192x128xf32>
    %add3A_22 = arith.addf %dot_general3A_17, %add3A_21 : vector<8192x128xf32>
    %neg3A_23 = arith.constant 0.000000e+00 : f32
    %neg3A_24 = vector.broadcast %neg3A_23 : f32 to vector<8192x128xf32>
    %neg3A_25 = arith.subf %neg3A_24, %add3A_22 : vector<8192x128xf32>
    %exp3A_26 = math.exp %neg3A_25 : vector<8192x128xf32>
    %add3A_27 = arith.constant 1.000000e+00 : f32
    %add3A_28 = vector.broadcast %add3A_27 : f32 to vector<8192x128xf32>
    %add3A_29 = arith.addf %add3A_28, %exp3A_26 : vector<8192x128xf32>
    %div3A_30 = arith.constant 1.000000e+00 : f32
    %div3A_31 = vector.broadcast %div3A_30 : f32 to vector<8192x128xf32>
    %div3A_32 = arith.divf %div3A_31, %add3A_29 : vector<8192x128xf32>
    %mul3A_33 = arith.mulf %add3A_22, %div3A_32 : vector<8192x128xf32>
    %reshape3A_34 = vector.shape_cast %mul3A_33 : vector<8192x128xf32> to vector<256x32x128xf32>
    %reduce_sum3A = arith.constant dense<0.000000e+00> : vector<256x128xf32>
    %reduce_sum3A_35 = vector.multi_reduction <add>, %reshape3A_34, %reduce_sum3A [1] : vector<256x32x128xf32> to vector<256x128xf32>
    %mul3A_36 = arith.constant 3.125000e-02 : f32
    %mul3A_37 = vector.broadcast %mul3A_36 : f32 to vector<256x128xf32>
    %mul3A_38 = arith.mulf %reduce_sum3A_35, %mul3A_37 : vector<256x128xf32>
    %swap3A = arith.constant 0 : index
    %swap3A_39 = arith.constant 0 : index
    %swap3A_40 = vector.load %arg5[%swap3A, %swap3A_39] : memref<256x128xf32, #tpu.memory_space<vmem>>, vector<256x128xf32>
    tpu.vector_store %arg5[%swap3A, %swap3A_39], %mul3A_38 {strides = array<i32>} : memref<256x128xf32, #tpu.memory_space<vmem>>, vector<256x128xf32>,
    return
  }
  func.func @transform_0(%arg0: i32) -> (i32, i32) {
    %c0_i32 = arith.constant 0 : i32
    %c0_i32_0 = arith.constant 0 : i32
    return %arg0, %c0_i32 : i32, i32
  }
  func.func @transform_1(%arg0: i32) -> (i32, i32) {
    %add3A = arith.constant 0 : i32
    %add3A_0 = arith.addi %add3A, %arg0 : i32
    %c0_i32 = arith.constant 0 : i32
    %c0_i32_1 = arith.constant 0 : i32
    return %add3A_0, %c0_i32 : i32, i32
  }
  func.func @transform_2(%arg0: i32) -> (i32, i32) {
    %c0_i32 = arith.constant 0 : i32
    %c0_i32_0 = arith.constant 0 : i32
    %c0_i32_1 = arith.constant 0 : i32
    return %c0_i32, %c0_i32_0 : i32, i32
  }
  func.func @transform_3(%arg0: i32) -> (i32, i32) {
    %c0_i32 = arith.constant 0 : i32
    %c0_i32_0 = arith.constant 0 : i32
    %c0_i32_1 = arith.constant 0 : i32
    return %c0_i32, %c0_i32_0 : i32, i32
  }
  func.func @transform_4(%arg0: i32) -> (i32, i32) {
    %c0_i32 = arith.constant 0 : i32
    %c0_i32_0 = arith.constant 0 : i32
    return %arg0, %c0_i32 : i32, i32
  }
}

module attributes {stable_mosaic.version = 14 : i64} {
  func.func @_msg_body(%arg0: i32, %arg1: memref<8192x128xf32, #tpu.memory_space<vmem>>, %arg2: memref<256x128xf32, #tpu.memory_space<vmem>>, %arg3: memref<128x128xf32, #tpu.memory_space<vmem>>, %arg4: memref<1x128xf32, #tpu.memory_space<vmem>>, %arg5: memref<256x128xf32, #tpu.memory_space<vmem>>) attributes {dimension_semantics = [#tpu.dimension_semantics<arbitrary>], iteration_bounds = array<i64: 20>, scalar_prefetch = 0 : i64, scratch_operands = 0 : i64, tpu.core_type = #tpu.core_type<tc>, window_params = [{transform_indices = @transform_0, window_bounds = array<i64: 8192, 128>}, {transform_indices = @transform_1, window_bounds = array<i64: 256, 128>}, {pipeline_mode = #tpu.pipeline_mode<synchronous>, transform_indices = @transform_2, window_bounds = array<i64: 128, 128>}, {pipeline_mode = #tpu.pipeline_mode<synchronous>, transform_indices = @transform_3, window_bounds = array<i64: 1, 128>}, {transform_indices = @transform_4, window_bounds = array<i64: 256, 128>}]} {
    %get3A = arith.constant 0 : index
    %get3A_0 = arith.constant 0 : index
    %get3A_1 = vector.load %arg1[%get3A, %get3A_0] : memref<8192x128xf32, #tpu.memory_space<vmem>>, vector<8192x128xf32>
    %reshape3A = vector.shape_cast %get3A_1 : vector<8192x128xf32> to vector<256x32x128xf32>
    %get3A_2 = arith.constant 0 : index
    %get3A_3 = arith.constant 0 : index
    %get3A_4 = vector.load %arg2[%get3A_2, %get3A_3] : memref<256x128xf32, #tpu.memory_space<vmem>>, vector<256x128xf32>
    %broadcast_in_dim3A = vector.shape_cast %get3A_4 : vector<256x128xf32> to vector<256x1x128xf32>
    %add3A = vector.broadcast %broadcast_in_dim3A : vector<256x1x128xf32> to vector<256x32x128xf32>
    %add3A_5 = arith.addf %reshape3A, %add3A : vector<256x32x128xf32>
    %neg3A = arith.constant 0.000000e+00 : f32
    %neg3A_6 = vector.broadcast %neg3A : f32 to vector<256x32x128xf32>
    %neg3A_7 = arith.subf %neg3A_6, %add3A_5 : vector<256x32x128xf32>
    %exp3A = math.exp %neg3A_7 : vector<256x32x128xf32>
    %add3A_8 = arith.constant 1.000000e+00 : f32
    %add3A_9 = vector.broadcast %add3A_8 : f32 to vector<256x32x128xf32>
    %add3A_10 = arith.addf %add3A_9, %exp3A : vector<256x32x128xf32>
    %div3A = arith.constant 1.000000e+00 : f32
    %div3A_11 = vector.broadcast %div3A : f32 to vector<256x32x128xf32>
    %div3A_12 = arith.divf %div3A_11, %add3A_10 : vector<256x32x128xf32>
    %mul3A = arith.mulf %add3A_5, %div3A_12 : vector<256x32x128xf32>
    %reshape3A_13 = vector.shape_cast %mul3A : vector<256x32x128xf32> to vector<8192x128xf32>
    %get3A_14 = arith.constant 0 : index
    %get3A_15 = arith.constant 0 : index
    %get3A_16 = vector.load %arg3[%get3A_14, %get3A_15] : memref<128x128xf32, #tpu.memory_space<vmem>>, vector<128x128xf32>
    %dot_general3A = arith.constant dense<0.000000e+00> : vector<8192x128xf32>
    %dot_general3A_17 = tpu.matmul %reshape3A_13, %get3A_16, %dot_general3A {dimension_numbers = #tpu.dot_dimension_numbers<[1], [0], [0], [1], [0, 0, 1, 1], [], []>, transpose_lhs_hint = false} : vector<8192x128xf32>, vector<128x128xf32>, vector<8192x128xf32> -> vector<8192x128xf32>
    %get3A_18 = arith.constant 0 : index
    %get3A_19 = arith.constant 0 : index
    %get3A_20 = vector.load %arg4[%get3A_18, %get3A_19] : memref<1x128xf32, #tpu.memory_space<vmem>>, vector<1x128xf32>
    %add3A_21 = vector.broadcast %get3A_20 : vector<1x128xf32> to vector<8192x128xf32>
    %add3A_22 = arith.addf %dot_general3A_17, %add3A_21 : vector<8192x128xf32>
    %neg3A_23 = arith.constant 0.000000e+00 : f32
    %neg3A_24 = vector.broadcast %neg3A_23 : f32 to vector<8192x128xf32>
    %neg3A_25 = arith.subf %neg3A_24, %add3A_22 : vector<8192x128xf32>
    %exp3A_26 = math.exp %neg3A_25 : vector<8192x128xf32>
    %add3A_27 = arith.constant 1.000000e+00 : f32
    %add3A_28 = vector.broadcast %add3A_27 : f32 to vector<8192x128xf32>
    %add3A_29 = arith.addf %add3A_28, %exp3A_26 : vector<8192x128xf32>
    %div3A_30 = arith.constant 1.000000e+00 : f32
    %div3A_31 = vector.broadcast %div3A_30 : f32 to vector<8192x128xf32>
    %div3A_32 = arith.divf %div3A_31, %add3A_29 : vector<8192x128xf32>
    %mul3A_33 = arith.mulf %add3A_22, %div3A_32 : vector<8192x128xf32>
    %reshape3A_34 = vector.shape_cast %mul3A_33 : vector<8192x128xf32> to vector<256x32x128xf32>
    %reduce_sum3A = arith.constant dense<0.000000e+00> : vector<256x128xf32>
    %reduce_sum3A_35 = vector.multi_reduction <add>, %reshape3A_34, %reduce_sum3A [1] : vector<256x32x128xf32> to vector<256x128xf32>
    %mul3A_36 = arith.constant 3.125000e-02 : f32
    %mul3A_37 = vector.broadcast %mul3A_36 : f32 to vector<256x128xf32>
    %mul3A_38 = arith.mulf %reduce_sum3A_35, %mul3A_37 : vector<256x128xf32>
    %swap3A = arith.constant 0 : index
    %swap3A_39 = arith.constant 0 : index
    %swap3A_40 = vector.load %arg5[%swap3A, %swap3A_39] : memref<256x128xf32, #tpu.memory_space<vmem>>, vector<256x128xf32>
    tpu.vector_store %arg5[%swap3A, %swap3A_39], %mul3A_38 {strides = array<i32>} : memref<256x128xf32, #tpu.memory_space<vmem>>, vector<256x128xf32>,
    return
  }
  func.func @transform_0(%arg0: i32) -> (i32, i32) {
    %c0_i32 = arith.constant 0 : i32
    %c0_i32_0 = arith.constant 0 : i32
    return %arg0, %c0_i32 : i32, i32
  }
  func.func @transform_1(%arg0: i32) -> (i32, i32) {
    %add3A = arith.constant 20 : i32
    %add3A_0 = arith.addi %add3A, %arg0 : i32
    %c0_i32 = arith.constant 0 : i32
    %c0_i32_1 = arith.constant 0 : i32
    return %add3A_0, %c0_i32 : i32, i32
  }
  func.func @transform_2(%arg0: i32) -> (i32, i32) {
    %c0_i32 = arith.constant 0 : i32
    %c0_i32_0 = arith.constant 0 : i32
    %c0_i32_1 = arith.constant 0 : i32
    return %c0_i32, %c0_i32_0 : i32, i32
  }
  func.func @transform_3(%arg0: i32) -> (i32, i32) {
    %c0_i32 = arith.constant 0 : i32
    %c0_i32_0 = arith.constant 0 : i32
    %c0_i32_1 = arith.constant 0 : i32
    return %c0_i32, %c0_i32_0 : i32, i32
  }
  func.func @transform_4(%arg0: i32) -> (i32, i32) {
    %c0_i32 = arith.constant 0 : i32
    %c0_i32_0 = arith.constant 0 : i32
    return %arg0, %c0_i32 : i32, i32
  }
}

module attributes {stable_mosaic.version = 14 : i64} {
  func.func @_upd_body(%arg0: i32, %arg1: memref<5120x128xf32, #tpu.memory_space<vmem>>, %arg2: memref<5120x128xf32, #tpu.memory_space<vmem>>, %arg3: memref<5120x8xf32, #tpu.memory_space<vmem>>, %arg4: memref<128x128xf32, #tpu.memory_space<vmem>>, %arg5: memref<128x128xf32, #tpu.memory_space<vmem>>, %arg6: memref<8x128xf32, #tpu.memory_space<vmem>>, %arg7: memref<1x128xf32, #tpu.memory_space<vmem>>, %arg8: memref<128x128xf32, #tpu.memory_space<vmem>>, %arg9: memref<1x128xf32, #tpu.memory_space<vmem>>, %arg10: memref<5120x128xf32, #tpu.memory_space<vmem>>) attributes {dimension_semantics = [#tpu.dimension_semantics<arbitrary>], iteration_bounds = array<i64: 2>, scalar_prefetch = 0 : i64, scratch_operands = 0 : i64, tpu.core_type = #tpu.core_type<tc>, window_params = [{transform_indices = @transform_0, window_bounds = array<i64: 5120, 128>}, {transform_indices = @transform_1, window_bounds = array<i64: 5120, 128>}, {transform_indices = @transform_2, window_bounds = array<i64: 5120, 8>}, {pipeline_mode = #tpu.pipeline_mode<synchronous>, transform_indices = @transform_3, window_bounds = array<i64: 128, 128>}, {pipeline_mode = #tpu.pipeline_mode<synchronous>, transform_indices = @transform_4, window_bounds = array<i64: 128, 128>}, {pipeline_mode = #tpu.pipeline_mode<synchronous>, transform_indices = @transform_5, window_bounds = array<i64: 8, 128>}, {pipeline_mode = #tpu.pipeline_mode<synchronous>, transform_indices = @transform_6, window_bounds = array<i64: 1, 128>}, {pipeline_mode = #tpu.pipeline_mode<synchronous>, transform_indices = @transform_7, window_bounds = array<i64: 128, 128>}, {pipeline_mode = #tpu.pipeline_mode<synchronous>, transform_indices = @transform_8, window_bounds = array<i64: 1, 128>}, {transform_indices = @transform_9, window_bounds = array<i64: 5120, 128>}]} {
    %get3A = arith.constant 0 : index
    %get3A_0 = arith.constant 0 : index
    %get3A_1 = vector.load %arg1[%get3A, %get3A_0] : memref<5120x128xf32, #tpu.memory_space<vmem>>, vector<5120x128xf32>
    %get3A_2 = arith.constant 0 : index
    %get3A_3 = arith.constant 0 : index
    %get3A_4 = vector.load %arg4[%get3A_2, %get3A_3] : memref<128x128xf32, #tpu.memory_space<vmem>>, vector<128x128xf32>
    %dot_general3A = arith.constant dense<0.000000e+00> : vector<5120x128xf32>
    %dot_general3A_5 = tpu.matmul %get3A_1, %get3A_4, %dot_general3A {dimension_numbers = #tpu.dot_dimension_numbers<[1], [0], [0], [1], [0, 0, 1, 1], [], []>, transpose_lhs_hint = false} : vector<5120x128xf32>, vector<128x128xf32>, vector<5120x128xf32> -> vector<5120x128xf32>
    %get3A_6 = arith.constant 0 : index
    %get3A_7 = arith.constant 0 : index
    %get3A_8 = vector.load %arg2[%get3A_6, %get3A_7] : memref<5120x128xf32, #tpu.memory_space<vmem>>, vector<5120x128xf32>
    %get3A_9 = arith.constant 0 : index
    %get3A_10 = arith.constant 0 : index
    %get3A_11 = vector.load %arg5[%get3A_9, %get3A_10] : memref<128x128xf32, #tpu.memory_space<vmem>>, vector<128x128xf32>
    %dot_general3A_12 = arith.constant dense<0.000000e+00> : vector<5120x128xf32>
    %dot_general3A_13 = tpu.matmul %get3A_8, %get3A_11, %dot_general3A_12 {dimension_numbers = #tpu.dot_dimension_numbers<[1], [0], [0], [1], [0, 0, 1, 1], [], []>, transpose_lhs_hint = false} : vector<5120x128xf32>, vector<128x128xf32>, vector<5120x128xf32> -> vector<5120x128xf32>
    %add3A = arith.addf %dot_general3A_5, %dot_general3A_13 : vector<5120x128xf32>
    %get3A_14 = arith.constant 0 : index
    %get3A_15 = arith.constant 0 : index
    %get3A_16 = vector.load %arg3[%get3A_14, %get3A_15] : memref<5120x8xf32, #tpu.memory_space<vmem>>, vector<5120x8xf32>
    %get3A_17 = arith.constant 0 : index
    %get3A_18 = arith.constant 0 : index
    %get3A_19 = vector.load %arg6[%get3A_17, %get3A_18] : memref<8x128xf32, #tpu.memory_space<vmem>>, vector<8x128xf32>
    %dot_general3A_20 = arith.constant dense<0.000000e+00> : vector<5120x128xf32>
    %dot_general3A_21 = tpu.matmul %get3A_16, %get3A_19, %dot_general3A_20 {dimension_numbers = #tpu.dot_dimension_numbers<[1], [0], [0], [1], [0, 0, 1, 1], [], []>, transpose_lhs_hint = false} : vector<5120x8xf32>, vector<8x128xf32>, vector<5120x128xf32> -> vector<5120x128xf32>
    %add3A_22 = arith.addf %add3A, %dot_general3A_21 : vector<5120x128xf32>
    %get3A_23 = arith.constant 0 : index
    %get3A_24 = arith.constant 0 : index
    %get3A_25 = vector.load %arg7[%get3A_23, %get3A_24] : memref<1x128xf32, #tpu.memory_space<vmem>>, vector<1x128xf32>
    %add3A_26 = vector.broadcast %get3A_25 : vector<1x128xf32> to vector<5120x128xf32>
    %add3A_27 = arith.addf %add3A_22, %add3A_26 : vector<5120x128xf32>
    %neg3A = arith.constant 0.000000e+00 : f32
    %neg3A_28 = vector.broadcast %neg3A : f32 to vector<5120x128xf32>
    %neg3A_29 = arith.subf %neg3A_28, %add3A_27 : vector<5120x128xf32>
    %exp3A = math.exp %neg3A_29 : vector<5120x128xf32>
    %add3A_30 = arith.constant 1.000000e+00 : f32
    %add3A_31 = vector.broadcast %add3A_30 : f32 to vector<5120x128xf32>
    %add3A_32 = arith.addf %add3A_31, %exp3A : vector<5120x128xf32>
    %div3A = arith.constant 1.000000e+00 : f32
    %div3A_33 = vector.broadcast %div3A : f32 to vector<5120x128xf32>
    %div3A_34 = arith.divf %div3A_33, %add3A_32 : vector<5120x128xf32>
    %mul3A = arith.mulf %add3A_27, %div3A_34 : vector<5120x128xf32>
    %get3A_35 = arith.constant 0 : index
    %get3A_36 = arith.constant 0 : index
    %get3A_37 = vector.load %arg8[%get3A_35, %get3A_36] : memref<128x128xf32, #tpu.memory_space<vmem>>, vector<128x128xf32>
    %dot_general3A_38 = arith.constant dense<0.000000e+00> : vector<5120x128xf32>
    %dot_general3A_39 = tpu.matmul %mul3A, %get3A_37, %dot_general3A_38 {dimension_numbers = #tpu.dot_dimension_numbers<[1], [0], [0], [1], [0, 0, 1, 1], [], []>, transpose_lhs_hint = false} : vector<5120x128xf32>, vector<128x128xf32>, vector<5120x128xf32> -> vector<5120x128xf32>
    %get3A_40 = arith.constant 0 : index
    %get3A_41 = arith.constant 0 : index
    %get3A_42 = vector.load %arg9[%get3A_40, %get3A_41] : memref<1x128xf32, #tpu.memory_space<vmem>>, vector<1x128xf32>
    %add3A_43 = vector.broadcast %get3A_42 : vector<1x128xf32> to vector<5120x128xf32>
    %add3A_44 = arith.addf %dot_general3A_39, %add3A_43 : vector<5120x128xf32>
    %neg3A_45 = arith.constant 0.000000e+00 : f32
    %neg3A_46 = vector.broadcast %neg3A_45 : f32 to vector<5120x128xf32>
    %neg3A_47 = arith.subf %neg3A_46, %add3A_44 : vector<5120x128xf32>
    %exp3A_48 = math.exp %neg3A_47 : vector<5120x128xf32>
    %add3A_49 = arith.constant 1.000000e+00 : f32
    %add3A_50 = vector.broadcast %add3A_49 : f32 to vector<5120x128xf32>
    %add3A_51 = arith.addf %add3A_50, %exp3A_48 : vector<5120x128xf32>
    %div3A_52 = arith.constant 1.000000e+00 : f32
    %div3A_53 = vector.broadcast %div3A_52 : f32 to vector<5120x128xf32>
    %div3A_54 = arith.divf %div3A_53, %add3A_51 : vector<5120x128xf32>
    %mul3A_55 = arith.mulf %add3A_44, %div3A_54 : vector<5120x128xf32>
    %add3A_56 = arith.addf %get3A_1, %mul3A_55 : vector<5120x128xf32>
    %iota3A = tpu.iota {dimensions = array<i32: 0>} : vector<5120x128xi32>
    %lt3A = arith.constant 5000 : i32
    %lt3A_57 = vector.broadcast %lt3A : i32 to vector<5120x128xi32>
    %lt3A_58 = arith.cmpi slt, %iota3A, %lt3A_57 : vector<5120x128xi32>
    %jit3A = arith.constant 0.000000e+00 : f32
    %broadcast_in_dim3A = vector.broadcast %jit3A : f32 to vector<5120x128xf32>
    %select_n3A = arith.select %lt3A_58, %add3A_56, %broadcast_in_dim3A : vector<5120x128xi1>, vector<5120x128xf32>
    %reduce_sum3A = arith.constant dense<0.000000e+00> : vector<128xf32>
    %reduce_sum3A_59 = vector.multi_reduction <add>, %select_n3A, %reduce_sum3A [0] : vector<5120x128xf32> to vector<128xf32>
    %broadcast_in_dim3A_60 = vector.shape_cast %reduce_sum3A_59 : vector<128xf32> to vector<1x128xf32>
    %mul3A_61 = arith.constant 2.000000e-04 : f32
    %mul3A_62 = vector.broadcast %mul3A_61 : f32 to vector<1x128xf32>
    %mul3A_63 = arith.mulf %broadcast_in_dim3A_60, %mul3A_62 : vector<1x128xf32>
    %sub3A = vector.broadcast %mul3A_63 : vector<1x128xf32> to vector<5120x128xf32>
    %sub3A_64 = arith.subf %add3A_56, %sub3A : vector<5120x128xf32>
    %jit3A_65 = arith.constant 0.000000e+00 : f32
    %broadcast_in_dim3A_66 = vector.broadcast %jit3A_65 : f32 to vector<5120x128xf32>
    %select_n3A_67 = arith.select %lt3A_58, %sub3A_64, %broadcast_in_dim3A_66 : vector<5120x128xi1>, vector<5120x128xf32>
    %mul3A_68 = arith.mulf %select_n3A_67, %select_n3A_67 : vector<5120x128xf32>
    %reduce_sum3A_69 = arith.constant dense<0.000000e+00> : vector<128xf32>
    %reduce_sum3A_70 = vector.multi_reduction <add>, %mul3A_68, %reduce_sum3A_69 [0] : vector<5120x128xf32> to vector<128xf32>
    %broadcast_in_dim3A_71 = vector.shape_cast %reduce_sum3A_70 : vector<128xf32> to vector<1x128xf32>
    %mul3A_72 = arith.constant 2.000000e-04 : f32
    %mul3A_73 = vector.broadcast %mul3A_72 : f32 to vector<1x128xf32>
    %mul3A_74 = arith.mulf %broadcast_in_dim3A_71, %mul3A_73 : vector<1x128xf32>
    %sub3A_75 = vector.broadcast %mul3A_63 : vector<1x128xf32> to vector<5120x128xf32>
    %sub3A_76 = arith.subf %add3A_56, %sub3A_75 : vector<5120x128xf32>
    %add3A_77 = arith.constant 9.99999974E-6 : f32
    %add3A_78 = vector.broadcast %add3A_77 : f32 to vector<1x128xf32>
    %add3A_79 = arith.addf %mul3A_74, %add3A_78 : vector<1x128xf32>
    %sqrt3A = math.sqrt %add3A_79 : vector<1x128xf32>
    %div3A_80 = vector.broadcast %sqrt3A : vector<1x128xf32> to vector<5120x128xf32>
    %div3A_81 = arith.divf %sub3A_76, %div3A_80 : vector<5120x128xf32>
    %jit3A_82 = arith.constant 0.000000e+00 : f32
    %broadcast_in_dim3A_83 = vector.broadcast %jit3A_82 : f32 to vector<5120x128xf32>
    %select_n3A_84 = arith.select %lt3A_58, %div3A_81, %broadcast_in_dim3A_83 : vector<5120x128xi1>, vector<5120x128xf32>
    %swap3A = arith.constant 0 : index
    %swap3A_85 = arith.constant 0 : index
    %swap3A_86 = vector.load %arg10[%swap3A, %swap3A_85] : memref<5120x128xf32, #tpu.memory_space<vmem>>, vector<5120x128xf32>
    tpu.vector_store %arg10[%swap3A, %swap3A_85], %select_n3A_84 {strides = array<i32>} : memref<5120x128xf32, #tpu.memory_space<vmem>>, vector<5120x128xf32>,
    return
  }
  func.func @transform_0(%arg0: i32) -> (i32, i32) {
    %c0_i32 = arith.constant 0 : i32
    %c0_i32_0 = arith.constant 0 : i32
    return %arg0, %c0_i32 : i32, i32
  }
  func.func @transform_1(%arg0: i32) -> (i32, i32) {
    %c0_i32 = arith.constant 0 : i32
    %c0_i32_0 = arith.constant 0 : i32
    return %arg0, %c0_i32 : i32, i32
  }
  func.func @transform_2(%arg0: i32) -> (i32, i32) {
    %c0_i32 = arith.constant 0 : i32
    %c0_i32_0 = arith.constant 0 : i32
    return %arg0, %c0_i32 : i32, i32
  }
  func.func @transform_3(%arg0: i32) -> (i32, i32) {
    %c0_i32 = arith.constant 0 : i32
    %c0_i32_0 = arith.constant 0 : i32
    %c0_i32_1 = arith.constant 0 : i32
    return %c0_i32, %c0_i32_0 : i32, i32
  }
  func.func @transform_4(%arg0: i32) -> (i32, i32) {
    %c0_i32 = arith.constant 0 : i32
    %c0_i32_0 = arith.constant 0 : i32
    %c0_i32_1 = arith.constant 0 : i32
    return %c0_i32, %c0_i32_0 : i32, i32
  }
  func.func @transform_5(%arg0: i32) -> (i32, i32) {
    %c0_i32 = arith.constant 0 : i32
    %c0_i32_0 = arith.constant 0 : i32
    %c0_i32_1 = arith.constant 0 : i32
    return %c0_i32, %c0_i32_0 : i32, i32
  }
  func.func @transform_6(%arg0: i32) -> (i32, i32) {
    %c0_i32 = arith.constant 0 : i32
    %c0_i32_0 = arith.constant 0 : i32
    %c0_i32_1 = arith.constant 0 : i32
    return %c0_i32, %c0_i32_0 : i32, i32
  }
  func.func @transform_7(%arg0: i32) -> (i32, i32) {
    %c0_i32 = arith.constant 0 : i32
    %c0_i32_0 = arith.constant 0 : i32
    %c0_i32_1 = arith.constant 0 : i32
    return %c0_i32, %c0_i32_0 : i32, i32
  }
  func.func @transform_8(%arg0: i32) -> (i32, i32) {
    %c0_i32 = arith.constant 0 : i32
    %c0_i32_0 = arith.constant 0 : i32
    %c0_i32_1 = arith.constant 0 : i32
    return %c0_i32, %c0_i32_0 : i32, i32
  }
  func.func @transform_9(%arg0: i32) -> (i32, i32) {
    %c0_i32 = arith.constant 0 : i32
    %c0_i32_0 = arith.constant 0 : i32
    return %arg0, %c0_i32 : i32, i32
  }
}

module attributes {stable_mosaic.version = 14 : i64} {
  func.func @_head_body(%arg0: memref<10240x128xf32, #tpu.memory_space<vmem>>, %arg1: memref<10240x1xf32, #tpu.memory_space<vmem>>, %arg2: memref<128x64xf32, #tpu.memory_space<vmem>>, %arg3: memref<1x64xf32, #tpu.memory_space<vmem>>, %arg4: memref<64x1xf32, #tpu.memory_space<vmem>>, %arg5: memref<1x1xf32, #tpu.memory_space<vmem>>, %arg6: memref<10240x1xf32, #tpu.memory_space<vmem>>) attributes {dimension_semantics = [], scalar_prefetch = 0 : i64, scratch_operands = 0 : i64, tpu.core_type = #tpu.core_type<tc>} {
    %get3A = arith.constant 0 : index
    %get3A_0 = arith.constant 0 : index
    %get3A_1 = vector.load %arg0[%get3A, %get3A_0] : memref<10240x128xf32, #tpu.memory_space<vmem>>, vector<10240x128xf32>
    %get3A_2 = arith.constant 0 : index
    %get3A_3 = arith.constant 0 : index
    %get3A_4 = vector.load %arg2[%get3A_2, %get3A_3] : memref<128x64xf32, #tpu.memory_space<vmem>>, vector<128x64xf32>
    %dot_general3A = arith.constant dense<0.000000e+00> : vector<10240x64xf32>
    %dot_general3A_5 = tpu.matmul %get3A_1, %get3A_4, %dot_general3A {dimension_numbers = #tpu.dot_dimension_numbers<[1], [0], [0], [1], [0, 0, 1, 1], [], []>, transpose_lhs_hint = false} : vector<10240x128xf32>, vector<128x64xf32>, vector<10240x64xf32> -> vector<10240x64xf32>
    %get3A_6 = arith.constant 0 : index
    %get3A_7 = arith.constant 0 : index
    %get3A_8 = vector.load %arg3[%get3A_6, %get3A_7] : memref<1x64xf32, #tpu.memory_space<vmem>>, vector<1x64xf32>
    %add3A = vector.broadcast %get3A_8 : vector<1x64xf32> to vector<10240x64xf32>
    %add3A_9 = arith.addf %dot_general3A_5, %add3A : vector<10240x64xf32>
    %neg3A = arith.constant 0.000000e+00 : f32
    %neg3A_10 = vector.broadcast %neg3A : f32 to vector<10240x64xf32>
    %neg3A_11 = arith.subf %neg3A_10, %add3A_9 : vector<10240x64xf32>
    %exp3A = math.exp %neg3A_11 : vector<10240x64xf32>
    %add3A_12 = arith.constant 1.000000e+00 : f32
    %add3A_13 = vector.broadcast %add3A_12 : f32 to vector<10240x64xf32>
    %add3A_14 = arith.addf %add3A_13, %exp3A : vector<10240x64xf32>
    %div3A = arith.constant 1.000000e+00 : f32
    %div3A_15 = vector.broadcast %div3A : f32 to vector<10240x64xf32>
    %div3A_16 = arith.divf %div3A_15, %add3A_14 : vector<10240x64xf32>
    %mul3A = arith.mulf %add3A_9, %div3A_16 : vector<10240x64xf32>
    %get3A_17 = arith.constant 0 : index
    %get3A_18 = arith.constant 0 : index
    %get3A_19 = vector.load %arg4[%get3A_17, %get3A_18] : memref<64x1xf32, #tpu.memory_space<vmem>>, vector<64x1xf32>
    %dot_general3A_20 = arith.constant dense<0.000000e+00> : vector<10240x1xf32>
    %dot_general3A_21 = tpu.matmul %mul3A, %get3A_19, %dot_general3A_20 {dimension_numbers = #tpu.dot_dimension_numbers<[1], [0], [0], [1], [0, 0, 1, 1], [], []>, transpose_lhs_hint = false} : vector<10240x64xf32>, vector<64x1xf32>, vector<10240x1xf32> -> vector<10240x1xf32>
    %get3A_22 = arith.constant 0 : index
    %get3A_23 = arith.constant 0 : index
    %get3A_24 = vector.load %arg5[%get3A_22, %get3A_23] : memref<1x1xf32, #tpu.memory_space<vmem>>, vector<1x1xf32>
    %add3A_25 = vector.broadcast %get3A_24 : vector<1x1xf32> to vector<10240x1xf32>
    %add3A_26 = arith.addf %dot_general3A_21, %add3A_25 : vector<10240x1xf32>
    %get3A_27 = arith.constant 0 : index
    %get3A_28 = arith.constant 0 : index
    %get3A_29 = vector.load %arg1[%get3A_27, %get3A_28] : memref<10240x1xf32, #tpu.memory_space<vmem>>, vector<10240x1xf32>
    %mul3A_30 = arith.constant 1.000000e-01 : f32
    %mul3A_31 = vector.broadcast %mul3A_30 : f32 to vector<10240x1xf32>
    %mul3A_32 = arith.mulf %mul3A_31, %add3A_26 : vector<10240x1xf32>
    %add3A_33 = arith.addf %get3A_29, %mul3A_32 : vector<10240x1xf32>
    %swap3A = arith.constant 0 : index
    %swap3A_34 = arith.constant 0 : index
    %swap3A_35 = vector.load %arg6[%swap3A, %swap3A_34] : memref<10240x1xf32, #tpu.memory_space<vmem>>, vector<10240x1xf32>
    tpu.vector_store %arg6[%swap3A, %swap3A_34], %add3A_33 {strides = array<i32>} : memref<10240x1xf32, #tpu.memory_space<vmem>>, vector<10240x1xf32>,
    return
  }
}

</mosaic_0001>

<sc_bundles>
// kernel: kernel.42.cloned.1.call-start
scs
__scs_entry_jumppad:
0x0: {  	(pc) =	sbr.rel $0x88, $3  }
0x1: {  	(tag) =	ssettag $0x0;
	lr =	simm.s32 $0x1  }
0x2: {  	[smem:$0x3F66] =	sst lr;
	_ =	strace $0xD0000000  }
0x3: {  	_ = 	snop  }
0x4: {  	_ = 	snop  }
0x5: {  	_ = 	snop  }
0x6: {  	_ = 	snop  }
0x7: {  	_ = 	snop  }
__scs_overlays_trampoline_lowered:
0x8: {  	[smem:$0x3F75] =	sst s0  }
0x9: {  	[smem:$0x3F76] =	sst s1  }
0xa: {  	[smem:$0x3F77] =	sst s2  }
0xb: {  	[smem:$0x3F78] =	sst s3  }
0xc: {  	[smem:$0x3F79] =	sst s4  }
0xd: {  	[smem:$0x3F7A] =	sst s5  }
0xe: {  	[smem:$0x3F7B] =	sst s6  }
0xf: {  	[smem:$0x3F7C] =	sst s7  }
0x10: {  	[smem:$0x3F7D] =	sst s8  }
0x11: {  	[smem:$0x3F7E] =	sst s9;
	s0 =	simm.s32 @!p0 $0x0  }
0x12: {  	s1 =	sld [smem:$0x3F64];
	s0 =	simm.s32 @p0 $0x1  }
0x13: {  	[smem:$0x3F7F] =	sst s0;
	s0 =	simm.s32 @!p1 $0x0  }
0x14: {  	s2 =	sld [smem:$0x3F63];
	s0 =	simm.s32 @p1 $0x1  }
0x15: {  	[smem:$0x3F80] =	sst s0;
	s0 =	simm.s32 @!p2 $0x0  }
0x16: {  	s3 =	sld [smem:$0x3FDB];
	s0 =	simm.s32 @p2 $0x1  }
0x17: {  	s4 =	simm.s32 $0x1BF5;
	[smem:$0x3F82] =	sst s0  }
0x18: {  	s0 =	sld [smem:$0x3F65];
	_ =	swait.ge [sflag:s4], $0x0  }
0x19: {  	s7 =	sld [smem:$0x3F66]  }
0x1a: {  	s8 =	sadd.s32 $0xFFFFE003, lr  }
0x1b: {  	s9 =	sadd.s32 $0xFFFFFEF7, lr;
	s5 =	simm.s32 $0xFFFFFFFF;
	p2 =	slt.u32 s8, $0xFFFFF086  }
0x1c: {  	p1 =	slt.u32 s9, $0xF7A;
	s5 =	simm.s32 @!p2 $0x0  }
0x1d: {  	s5 =	simm.s32 @p1 $0x1;
	p0 =	seq.s32 s7, s2  }
0x1e: {  	s7 =	smul.u32 @!p0 $0xF7A, s2;
	p2 =	seq.s32 @!p0 s5, $0x0  }
0x1f: {  	s9 =	smul.u32 $0xF7A, s1;
	s8 =	simm.s32 @!p0 $0x1BF5;
	p2 =	por !p2, p0  }
0x20: {  	[sflag:s8] =	ssyncset.s32 @!p0 $0xFFFFF086;
	s6 =	sadd.s32 @!p0 s3, s7;
	s7 =	simm.s32 @!p0 $0x108  }
0x21: {  	s3 =	sadd.s32 s3, s9;
	s6 =	sadd.s32 @!p0 $0x88, s6;
	s7 =	simm.s32 @p2 $0x1082  }
0x22: {  	[simem:s7], [sflag:s8] =	dma.local @!p0 [hbm:s6], $0xF7A  }
0x23: {  	s9 =	sor.u32 $0xD0000000, s2;
	s6 =	simm.s32 $0x108;
	_ =	swait.ge @!p0 [sflag:s8], $0x0  }
0x24: {  	s3 =	sadd.s32 $0x88, s3;
	s6 =	simm.s32 @!p1 $0x1082;
	[sflag:s4] =	ssyncset.s32 $0xFFFFF086  }
0x25: {  	[simem:s6], [sflag:s4] =	dma.local [hbm:s3], $0xF7A  }
0x26: {  	[smem:$0x3F66] =	sst s1;
	(tag) =	ssettag s2;
	_ =	strace s9  }
0x27: {  	s1 =	sld [smem:$0x3F76]  }
0x28: {  	s2 =	sld [smem:$0x3F77]  }
0x29: {  	s4 =	sld [smem:$0x3F79]  }
0x2a: {  	p0 =	seq.s32 s5, $0x0;
	s5 =	sld [smem:$0x3F7A]  }
0x2b: {  	s6 =	sld [smem:$0x3F7B]  }
0x2c: {  	s7 =	sld [smem:$0x3F7C]  }
0x2d: {  	s3 =	simm.s32 $0x108;
	s8 =	sld [smem:$0x3F7D]  }
0x2e: {  	s3 =	simm.s32 @!p0 $0x1082;
	s9 =	sld [smem:$0x3F7E]  }
0x2f: {  	lr =	sadd.s32 s0, s3;
	s0 =	sld [smem:$0x3F75]  }
0x30: {  	s3 =	sld [smem:$0x3F78]  }
0x31: {  	[smem:$0x3F81] =	sst s10  }
0x32: {  	s10 =	sld [smem:$0x3F7F];
	_ =	sdelay $0x3  }
0x33: {  	p0 =	seq.s32 s10, $0x1;
	s10 =	sld [smem:$0x3F81];
	_ =	sdelay $0x3  }
0x34: {  	[smem:$0x3F81] =	sst s10  }
0x35: {  	s10 =	sld [smem:$0x3F80];
	_ =	sdelay $0x3  }
0x36: {  	p1 =	seq.s32 s10, $0x1;
	s10 =	sld [smem:$0x3F81];
	_ =	sdelay $0x3  }
0x37: {  	[smem:$0x3F81] =	sst s10  }
0x38: {  	s10 =	sld [smem:$0x3F82]  }
0x39: {  	_ = 	snop;
	(pc) =	sbr.ind lr, $3  }
0x3a: {  	_ = 	snop  }
0x3b: {  	_ = 	snop  }
0x3c: {  	p2 =	seq.s32 s10, $0x1;
	s10 =	sld [smem:$0x3F81]  }
0x3d: {  	_ =	shalt  }
0x3e: {  	_ =	shalt  }
0x3f: {  	_ =	shalt  }
0x40: {  	_ =	shalt  }
0x41: {  	_ =	shalt  }
0x42: {  	_ =	shalt  }
0x43: {  	_ =	shalt  }
0x44: {  	_ =	shalt  }
0x45: {  	_ =	shalt  }
0x46: {  	_ =	shalt  }
0x47: {  	_ =	shalt  }
0x48: {  	_ =	shalt  }
0x49: {  	_ =	shalt  }
0x4a: {  	_ =	shalt  }
0x4b: {  	_ =	shalt  }
0x4c: {  	_ =	shalt  }
0x4d: {  	_ =	shalt  }
0x4e: {  	_ =	shalt  }
0x4f: {  	_ =	shalt  }
0x50: {  	_ =	shalt  }
0x51: {  	_ =	shalt  }
0x52: {  	_ =	shalt  }
0x53: {  	_ =	shalt  }
0x54: {  	_ =	shalt  }
0x55: {  	_ =	shalt  }
0x56: {  	_ =	shalt  }
0x57: {  	_ =	shalt  }
0x58: {  	_ =	shalt  }
0x59: {  	_ =	shalt  }
0x5a: {  	_ =	shalt  }
0x5b: {  	_ =	shalt  }
0x5c: {  	_ =	shalt  }
0x5d: {  	_ =	shalt  }
0x5e: {  	_ =	shalt  }
0x5f: {  	_ =	shalt  }
0x60: {  	_ =	shalt  }
0x61: {  	_ =	shalt  }
0x62: {  	_ =	shalt  }
0x63: {  	_ =	shalt  }
0x64: {  	_ =	shalt  }
0x65: {  	_ =	shalt  }
0x66: {  	_ =	shalt  }
0x67: {  	_ =	shalt  }
0x68: {  	_ =	shalt  }
0x69: {  	_ =	shalt  }
0x6a: {  	_ =	shalt  }
0x6b: {  	_ =	shalt  }
0x6c: {  	_ =	shalt  }
0x6d: {  	_ =	shalt  }
0x6e: {  	_ =	shalt  }
0x6f: {  	_ =	shalt  }
0x70: {  	_ =	shalt  }
0x71: {  	_ =	shalt  }
0x72: {  	_ =	shalt  }
0x73: {  	_ =	shalt  }
0x74: {  	_ =	shalt  }
0x75: {  	_ =	shalt  }
0x76: {  	_ =	shalt  }
0x77: {  	_ =	shalt  }
0x78: {  	_ =	shalt  }
0x79: {  	_ =	shalt  }
0x7a: {  	_ =	shalt  }
0x7b: {  	_ =	shalt  }
0x7c: {  	_ =	shalt  }
0x7d: {  	_ =	shalt  }
0x7e: {  	_ =	shalt  }
0x7f: {  	_ =	shalt  }
0x80: {  	_ =	shalt  }
0x81: {  	_ =	shalt  }
0x82: {  	_ =	shalt  }
0x83: {  	_ =	shalt  }
0x84: {  	_ =	shalt  }
0x85: {  	_ =	shalt  }
0x86: {  	_ =	shalt  }
0x87: {  	_ =	shalt  }
.Lfunc_end0:
.L_simem_size_0:
called_computation_lowered:
.L_overlay_start_0:
0x88: {  	s2 =	sld [smem:$0x3FD9]  }
0x89: {  	s3 =	sld [smem:$0x3FFE];
	_ =	sdelay $0x1  }
0x8a: {  	s1 =	srdreg.scid  }
0x8b: {  	s0 =	sand.u32 $0x1, s1  }
0x8c: {  	s16 =	sshll.u32 s0, $0xA;
	s2 =	sadd.s32 s3, s2  }
0x8d: {  	s2 =	sadd.s32 s2, s16  }
0x8e: {  	[smem:$0x3F8D] =	sst s2  }
0x8f: {  	_ = 	snop  }
0x90: {  	(tm) =	ssettm $0x1  }
0x91: {  	s17 =	sld [smem:$0x3FFB];
	_ =	sdelay $0x3  }
0x92: {  	_ =	strace s17  }
0x93: {  	s2 =	sld [smem:$0x3FFC];
	_ =	sdelay $0x3  }
0x94: {  	_ =	strace s2  }
0x95: {  	s2 =	sld [smem:$0x3FFD];
	_ =	sdelay $0x3  }
0x96: {  	_ =	strace s2  }
0x97: {  	_ =	strace $0x8FFFFFFF  }
0x98: {  	s18 =	sld [smem:$0x3FDB];
	_ =	sdelay $0x1  }
0x99: {  	s19 =	simm.s32 $_scs_section_size  }
0x9a: {  	s4 =	simm.s32 $_size__tile_overlayer_lowered;
	s5 =	simm.s32 $_tile_overlayer_lowered  }
0x9b: {  	s22 =	simm.s32 $0x1BFF;
	s21 =	sshll.u32 s5, $0x1;
	s2 =	sadd.s32 s19, s18  }
0x9c: {  	s6 =	simm.s32 $0x0;
	s20 =	sshll.u32 s4, $0x1;
	s4 =	sadd.s32 s21, s2  }
0x9d: {  	[timem:s6], [sflag:s22] =	dma.local [hbm:s4], s20  }
0x9e: {  	_ =	swait.ge [sflag:s22], s20  }
0x9f: {  	s3 =	ssub.s32 $0x0, s20;
	[sflag:s22] =	ssyncset.done $0x0  }
0xa0: {  	[sflag:s22] =	ssyncadd.s32 s3;
	_ =	sdelay $0x1  }
0xa1: {  	s23 =	simm.s32 $0x1B8B  }
0xa2: {  	_ =	swait.ge [sflag:s23], $0x1  }
0xa3: {  	[sflag:s23] =	ssyncset.done $0x0  }
0xa4: {  	s25 =	simm.s32 $0x1B8E;
	s24 =	sld [smem:$0x3FFE];
	[sflag:s23] =	ssyncadd.s32 $0xFFFFFFFF  }
0xa5: {  	s26 =	simm.s32 $execute0_lowered;
	[smem:$0x3FD2] =	sst s25  }
0xa6: {  	s4 =	sshll.u32 s26, $0x1;
	_ =	strace $0x80000046;
	[dreg:$0x1] =	wrdreg $0xFFFFFFFF  }
0xa7: {  	s28 =	simm.s32 $_size_execute0_lowered;
	s2 =	sadd.s32 s2, s4;
	[dreg:$0x0] =	wrdreg $0x0  }
0xa8: {  	s4 =	sshll.u32 s28, $0x1;
	[dreg:$0x2] =	wrdreg s2  }
0xa9: {  	[dreg:$0x3] =	wrdreg s4  }
0xaa: {  	[dreg:$0x4] =	wrdreg $0xC0  }
0xab: {  	_ =	task [dreg:s6], $0x5FFFF  }
0xac: {  	[dreg:$0x1] =	wrdreg $0xFFFFFFFF  }
0xad: {  	[dreg:$0x0] =	wrdreg $0x60  }
0xae: {  	[dreg:$0x2] =	wrdreg s24  }
0xaf: {  	[dreg:$0x3] =	wrdreg $0x9  }
0xb0: {  	_ =	task.clear_ibuf [dreg:s6], $0x4FFFF;
	_ =	strace $0x90000046  }
0xb1: {  	s29 =	simm.s32 $0x9;
	_ =	strace $0x80000048  }
0xb2: {  	_ =	swait.ge [sflag:s29], $0x1  }
0xb3: {  	[sflag:s29] =	ssyncadd.s32 $0xFFFFFFFF  }
0xb4: {  	_ =	strace $0x90000048  }
0xb5: {  	_ =	sfence  }
0xb6: {  	s30 =	sld [smem:$0x0];
	_ =	sdelay $0x2  }
0xb7: {  	s31 =	sshll.u32 s1, $0xD;
	s1 =	sshrl.u32 s1, $0x2  }
0xb8: {  	s3 =	sand.u32 $0x4000, s31;
	s1 =	sadd.s32 s1, s30  }
0xb9: {  	s0 =	sor.u32 s3, s0;
	s1 =	sshll.u32 s1, $0x11  }
0xba: {  	s0 =	sor.u32 s1, s0  }
0xbb: {  	s0 =	sadd.s32 $0x8F2B, s0  }
0xbc: {  	[sflag:s0] =	ssyncadd.remote.s32 $0x1  }
0xbd: {  	_ =	sfence.sel $0xFFFF  }
0xbe: {  	[dreg:$0x0] =	wrdreg $0xFFFFFFFF;
	(pc) =	sbr.abs _section_cstart, $3  }
0xbf: {  	[dreg:$0x1] =	wrdreg $0xFFFFFFFF  }
0xc0: {  	_ =	task.clear_ibuf [dreg:s6], $0x2FFFF;
	_ =	strace $0x9FFFFFFF  }
0xc1: {  	(tm) =	ssettm $0x7FFFFFFF  }
tec
execute0_lowered:
.L_overlay_start_1:
0x0: {  	(tag) =	ssettag $0x1  }
0x1: {  	s1 =	srdreg.scid  }
0x2: {  	s0 =	stileid.u32;
	s4 =	rddreg [dreg:$0x0];
	s2 =	simm.s32 $0x0  }
0x3: {  	s13 =	simm.s32 $0x5400;
	s14 =	simm.s32 $0x1;
	s15 =	simm.s32 $0x2  }
0x4: {  	s16 =	simm.s32 $0x3;
	s17 =	simm.s32 $0x4;
	s11 =	smul.u32 $0x140000, s0  }
0x5: {  	s6 =	sand.u32 $0x1, s1;
	s3 =	sshll.u32 s0, $0x1;
	s26 =	smul.u32 $0x28000, s0  }
0x6: {  	s1 =	rddreg [dreg:$0x1];
	s5 =	sor.u32 s6, s3;
	s25 =	smul.u32 $0xA0000, s6  }
0x7: {  	s18 =	simm.s32 $0x0;
	[smem:$0x7FF] =	sst s2;
	s7 =	smul.u32 $0x1400, s5  }
0x8: {  	s12 =	sadd.s32 $0xBE600, s4;
	_ =	strace $0x80000047;
	s8 =	smul.u32 $0xA0000, s5  }
0x9: {  	s3 =	sadd.s32 $0x6E600, s4;
	s9 =	ssub.s32 $0x2, s6;
	s10 =	smul.u32 $0x14000, s5  }
0xa: {  	s28 =	smul.u32 $0x14000, s6;
	s24 =	sshrl.u32 s9, $0x1;
	s7 =	sshrl.u32 s7, $0x3  }
0xb: {  	s8 =	sshrl.u32 s8, $0x3;
	s30 =	sadd.s32 s10, s12;
	s10 =	simm.s32 $0x5  }
0xc: {  	s23 =	sadd.s32 s7, s4;
	s7 =	ssub.s32 s9, s24;
	s9 =	sadd.s32 s25, s11  }
0xd: {  	s6 =	sadd.s32 s12, s8;
	s11 =	simm.s32 $0x80;
	s4 =	sadd.s32 $0x41600, s23  }
0xe: {  	s5 =	smax.u32 s7, $0x1;
	s29 =	sor.u32 $0x8000, s9;
	s7 =	sadd.s32 s26, s12  }
0xf: {  	s8 =	sshrl.u32 s29, $0x3;
	s31 =	sadd.s32 s28, s7;
	s7 =	sadd.s32 $0x800, s30  }
0x10: {  	s8 =	sadd.s32 s8, s12;
	s9 =	sadd.s32 $0x1800, s31;
	s12 =	simm.s32 $0x1400  }
.LBB2_1:
0x11: {  	[tilespmem:s2], [sflag:$0x5] =	stream.linear.gather [hbm4b:s4+s2], $0x1400, $0x38;
	[tilespmem:$0x9400] =	vst v63  }
0x12: {  	_ =	swait.ge [sflag:s10], $0x1400  }
0x13: {  	[sflag:s10] =	ssyncset.done $0x0  }
0x14: {  	[sflag:s10] =	ssyncadd.s32 $0xFFFFEC00  }
0x15: {  	[tilespmem:s12], [sflag:$0x1] =	stream.indirect.gather [hbm4b:s3+s11], $0x80, s2, s11, $0xb8;
	[tilespmem:$0x9400] =	vst v63  }
0x16: {  	_ = 	snop  }
0x17: {  	[tilespmem:s13], [sflag:$0x2] =	stream.indirect.gather [hbm4b:s3+s11], $0x80, s11, s11, $0xb8;
	[tilespmem:$0x9400] =	vst v63  }
0x18: {  	_ =	swait.ge [sflag:s14], $0x4000  }
0x19: {  	[sflag:s14] =	ssyncset.done $0x0  }
0x1a: {  	[sflag:s14] =	ssyncadd.s32 $0xFFFFC000  }
0x1b: {  	[hbm4b:s6+s2] =	stream.linear.scatter [tilespmem:s12], [sflag:$0x3], $0x4000, $0x38;
	[tilespmem:$0x9400] =	vst v63  }
0x1c: {  	_ =	swait.ge [sflag:s15], $0x4000  }
0x1d: {  	[sflag:s15] =	ssyncset.done $0x0  }
0x1e: {  	[sflag:s15] =	ssyncadd.s32 $0xFFFFC000  }
0x1f: {  	[hbm4b:s7+s2] =	stream.linear.scatter [tilespmem:s13], [sflag:$0x4], $0x4000, $0x38;
	[tilespmem:$0x9400] =	vst v63  }
0x20: {  	_ =	swait.ge [sflag:s16], $0x4000  }
0x21: {  	[sflag:s16] =	ssyncset.done $0x0  }
0x22: {  	[sflag:s16] =	ssyncadd.s32 $0xFFFFC000  }
0x23: {  	_ =	swait.ge [sflag:s17], $0x4000  }
0x24: {  	[sflag:s17] =	ssyncset.done $0x0  }
0x25: {  	s19 =	simm.s32 $0x100;
	[sflag:s17] =	ssyncadd.s32 $0xFFFFC000  }
0x26: {  	[tilespmem:s12], [sflag:$0x1] =	stream.indirect.gather [hbm4b:s3+s11], $0x80, s19, s11, $0xb8;
	[tilespmem:$0x9400] =	vst v63  }
0x27: {  	s30 =	simm.s32 $0x180  }
0x28: {  	[tilespmem:s13], [sflag:$0x2] =	stream.indirect.gather [hbm4b:s3+s11], $0x80, s30, s11, $0xb8;
	[tilespmem:$0x9400] =	vst v63  }
0x29: {  	_ =	swait.ge [sflag:s14], $0x4000  }
0x2a: {  	[sflag:s14] =	ssyncset.done $0x0  }
0x2b: {  	s31 =	sadd.s32 $0x0, s8;
	[sflag:s14] =	ssyncadd.s32 $0xFFFFC000  }
0x2c: {  	[hbm4b:s31+s2] =	stream.linear.scatter [tilespmem:s12], [sflag:$0x3], $0x4000, $0x38;
	[tilespmem:$0x9400] =	vst v63  }
0x2d: {  	_ =	swait.ge [sflag:s15], $0x4000  }
0x2e: {  	s21 =	sadd.s32 $0x0, s9;
	[sflag:s15] =	ssyncset.done $0x0  }
0x2f: {  	s20 =	simm.s32 $0x200;
	s19 =	simm.s32 $0x1000;
	[sflag:s15] =	ssyncadd.s32 $0xFFFFC000  }
.LBB2_2:
0x30: {  	[hbm4b:s21+s2] =	stream.linear.scatter [tilespmem:s13], [sflag:$0x4], $0x4000, $0x38;
	[tilespmem:$0x9400] =	vst v63  }
0x31: {  	s21 =	smov.u32 s19  }
0x32: {  	p0 =	sne.s32 s19, $0x12000;
	s19 =	sadd.s32 $0x1000, s19;
	_ =	swait.ge [sflag:s16], $0x4000  }
0x33: {  	[sflag:s16] =	ssyncset.done $0x0  }
0x34: {  	[sflag:s16] =	ssyncadd.s32 $0xFFFFC000  }
0x35: {  	_ =	swait.ge [sflag:s17], $0x4000  }
0x36: {  	[sflag:s17] =	ssyncset.done $0x0  }
0x37: {  	[sflag:s17] =	ssyncadd.s32 $0xFFFFC000  }
0x38: {  	[tilespmem:s12], [sflag:$0x1] =	stream.indirect.gather [hbm4b:s3+s11], $0x80, s20, s11, $0xb8;
	[tilespmem:$0x9400] =	vst v63  }
0x39: {  	s22 =	sadd.s32 $0x80, s20  }
0x3a: {  	[tilespmem:s13], [sflag:$0x2] =	stream.indirect.gather [hbm4b:s3+s11], $0x80, s22, s11, $0xb8;
	[tilespmem:$0x9400] =	vst v63  }
0x3b: {  	_ =	swait.ge [sflag:s14], $0x4000  }
0x3c: {  	[sflag:s14] =	ssyncset.done $0x0  }
.Ltmp0:
0x3d: {  	s22 =	sadd.s32 s21, s8;
	[sflag:s14] =	ssyncadd.s32 $0xFFFFC000;
	(pc) =	sbr.rel @p0 .LBB2_2-.Ltmp0, $4  }
0x3e: {  	[hbm4b:s22+s2] =	stream.linear.scatter [tilespmem:s12], [sflag:$0x3], $0x4000, $0x38;
	[tilespmem:$0x9400] =	vst v63  }
0x3f: {  	_ =	swait.ge [sflag:s15], $0x4000  }
0x40: {  	[sflag:s15] =	ssyncset.done $0x0  }
0x41: {  	s20 =	sadd.s32 $0x100, s20;
	s21 =	sadd.s32 s21, s9;
	[sflag:s15] =	ssyncadd.s32 $0xFFFFC000  }
0x42: {  	[hbm4b:s21+s2] =	stream.linear.scatter [tilespmem:s13], [sflag:$0x4], $0x4000, $0x38;
	[tilespmem:$0x9400] =	vst v63  }
0x43: {  	s18 =	sadd.s32 $0x1, s18  }
0x44: {  	_ =	swait.ge [sflag:s16], $0x4000;
	p0 =	sne.s32 s18, s5  }
.Ltmp1:
0x45: {  	[sflag:s16] =	ssyncset.done $0x0;
	(pc) =	sbr.rel @p0 .LBB2_1-.Ltmp1, $4  }
0x46: {  	[sflag:s16] =	ssyncadd.s32 $0xFFFFC000  }
0x47: {  	_ =	swait.ge [sflag:s17], $0x4000  }
0x48: {  	[sflag:s17] =	ssyncset.done $0x0  }
0x49: {  	[sflag:s17] =	ssyncadd.s32 $0xFFFFC000  }
0x4a: {  	_ =	sfence.sel $0x180000  }
0x4b: {  	[bflag:$0x0] =	sbarrier.arrive $0xFFFF  }
0x4c: {  	p0 =	sne.s32 s0, $0x0;
	_ =	strace $0x90000047  }
0x4d: {  	s0 =	sadd.s32 @!p0 $0x100000, s1;
	[bflag:$0x2] =	sbarrier.arrive $0xFFFF  }
0x4e: {  	[sflag:s0] =	ssyncadd.tile.s32 @!p0 $0x1;
	_ =	shalt  }
.Lfunc_end2:
_tile_overlayer_lowered:
.L_overlay_start_2:
0x4f: {  	(tag) =	ssettag $0x2  }
0x50: {  	s0 =	rddreg [dreg:$0x0];
	s2 =	stileid.u32  }
0x51: {  	s1 =	rddreg [dreg:$0x1];
	p0 =	sne.s32 s2, $0x0  }
0x52: {  	s3 =	rddreg [dreg:$0x2];
	[bflag:$0x3] =	sbarrier.arrive $0xFFFF;
	s2 =	simm.s32 @!p0 $0x1C05  }
0x53: {  	[timem:s3], [sflag:s2] =	dma.local @!p0 [hbm:s0], s1  }
0x54: {  	s0 =	simm.s32 @!p0 $0x5  }
0x55: {  	_ =	swait.ge @!p0 [sflag:s0], s1  }
0x56: {  	s1 =	ssub.s32 @!p0 $0x0, s1;
	[sflag:s0] =	ssyncset.done @!p0 $0x0  }
0x57: {  	[sflag:s0] =	ssyncadd.s32 @!p0 s1  }
0x58: {  	[bflag:$0x3] =	sbarrier.arrive $0xFFFF  }
0x59: {  	_ =	shalt  }

// kernel: kernel.45.cloned.1.call-start
scs
__scs_entry_jumppad:
0x0: {  	(pc) =	sbr.rel $0x88, $3  }
0x1: {  	(tag) =	ssettag $0x0;
	lr =	simm.s32 $0x1  }
0x2: {  	[smem:$0x3F66] =	sst lr;
	_ =	strace $0xD0000000  }
0x3: {  	_ = 	snop  }
0x4: {  	_ = 	snop  }
0x5: {  	_ = 	snop  }
0x6: {  	_ = 	snop  }
0x7: {  	_ = 	snop  }
__scs_overlays_trampoline_lowered:
0x8: {  	[smem:$0x3F75] =	sst s0  }
0x9: {  	[smem:$0x3F76] =	sst s1  }
0xa: {  	[smem:$0x3F77] =	sst s2  }
0xb: {  	[smem:$0x3F78] =	sst s3  }
0xc: {  	[smem:$0x3F79] =	sst s4  }
0xd: {  	[smem:$0x3F7A] =	sst s5  }
0xe: {  	[smem:$0x3F7B] =	sst s6  }
0xf: {  	[smem:$0x3F7C] =	sst s7  }
0x10: {  	[smem:$0x3F7D] =	sst s8  }
0x11: {  	[smem:$0x3F7E] =	sst s9;
	s0 =	simm.s32 @!p0 $0x0  }
0x12: {  	s1 =	sld [smem:$0x3F64];
	s0 =	simm.s32 @p0 $0x1  }
0x13: {  	[smem:$0x3F7F] =	sst s0;
	s0 =	simm.s32 @!p1 $0x0  }
0x14: {  	s2 =	sld [smem:$0x3F63];
	s0 =	simm.s32 @p1 $0x1  }
0x15: {  	[smem:$0x3F80] =	sst s0;
	s0 =	simm.s32 @!p2 $0x0  }
0x16: {  	s3 =	sld [smem:$0x3FDB];
	s0 =	simm.s32 @p2 $0x1  }
0x17: {  	s4 =	simm.s32 $0x1BF5;
	[smem:$0x3F82] =	sst s0  }
0x18: {  	s0 =	sld [smem:$0x3F65];
	_ =	swait.ge [sflag:s4], $0x0  }
0x19: {  	s7 =	sld [smem:$0x3F66]  }
0x1a: {  	s8 =	sadd.s32 $0xFFFFE003, lr  }
0x1b: {  	s9 =	sadd.s32 $0xFFFFFEF7, lr;
	s5 =	simm.s32 $0xFFFFFFFF;
	p2 =	slt.u32 s8, $0xFFFFF086  }
0x1c: {  	p1 =	slt.u32 s9, $0xF7A;
	s5 =	simm.s32 @!p2 $0x0  }
0x1d: {  	s5 =	simm.s32 @p1 $0x1;
	p0 =	seq.s32 s7, s2  }
0x1e: {  	s7 =	smul.u32 @!p0 $0xF7A, s2;
	p2 =	seq.s32 @!p0 s5, $0x0  }
0x1f: {  	s9 =	smul.u32 $0xF7A, s1;
	s8 =	simm.s32 @!p0 $0x1BF5;
	p2 =	por !p2, p0  }
0x20: {  	[sflag:s8] =	ssyncset.s32 @!p0 $0xFFFFF086;
	s6 =	sadd.s32 @!p0 s3, s7;
	s7 =	simm.s32 @!p0 $0x108  }
0x21: {  	s3 =	sadd.s32 s3, s9;
	s6 =	sadd.s32 @!p0 $0x88, s6;
	s7 =	simm.s32 @p2 $0x1082  }
0x22: {  	[simem:s7], [sflag:s8] =	dma.local @!p0 [hbm:s6], $0xF7A  }
0x23: {  	s9 =	sor.u32 $0xD0000000, s2;
	s6 =	simm.s32 $0x108;
	_ =	swait.ge @!p0 [sflag:s8], $0x0  }
0x24: {  	s3 =	sadd.s32 $0x88, s3;
	s6 =	simm.s32 @!p1 $0x1082;
	[sflag:s4] =	ssyncset.s32 $0xFFFFF086  }
0x25: {  	[simem:s6], [sflag:s4] =	dma.local [hbm:s3], $0xF7A  }
0x26: {  	[smem:$0x3F66] =	sst s1;
	(tag) =	ssettag s2;
	_ =	strace s9  }
0x27: {  	s1 =	sld [smem:$0x3F76]  }
0x28: {  	s2 =	sld [smem:$0x3F77]  }
0x29: {  	s4 =	sld [smem:$0x3F79]  }
0x2a: {  	p0 =	seq.s32 s5, $0x0;
	s5 =	sld [smem:$0x3F7A]  }
0x2b: {  	s6 =	sld [smem:$0x3F7B]  }
0x2c: {  	s7 =	sld [smem:$0x3F7C]  }
0x2d: {  	s3 =	simm.s32 $0x108;
	s8 =	sld [smem:$0x3F7D]  }
0x2e: {  	s3 =	simm.s32 @!p0 $0x1082;
	s9 =	sld [smem:$0x3F7E]  }
0x2f: {  	lr =	sadd.s32 s0, s3;
	s0 =	sld [smem:$0x3F75]  }
0x30: {  	s3 =	sld [smem:$0x3F78]  }
0x31: {  	[smem:$0x3F81] =	sst s10  }
0x32: {  	s10 =	sld [smem:$0x3F7F];
	_ =	sdelay $0x3  }
0x33: {  	p0 =	seq.s32 s10, $0x1;
	s10 =	sld [smem:$0x3F81];
	_ =	sdelay $0x3  }
0x34: {  	[smem:$0x3F81] =	sst s10  }
0x35: {  	s10 =	sld [smem:$0x3F80];
	_ =	sdelay $0x3  }
0x36: {  	p1 =	seq.s32 s10, $0x1;
	s10 =	sld [smem:$0x3F81];
	_ =	sdelay $0x3  }
0x37: {  	[smem:$0x3F81] =	sst s10  }
0x38: {  	s10 =	sld [smem:$0x3F82]  }
0x39: {  	_ = 	snop;
	(pc) =	sbr.ind lr, $3  }
0x3a: {  	_ = 	snop  }
0x3b: {  	_ = 	snop  }
0x3c: {  	p2 =	seq.s32 s10, $0x1;
	s10 =	sld [smem:$0x3F81]  }
0x3d: {  	_ =	shalt  }
0x3e: {  	_ =	shalt  }
0x3f: {  	_ =	shalt  }
0x40: {  	_ =	shalt  }
0x41: {  	_ =	shalt  }
0x42: {  	_ =	shalt  }
0x43: {  	_ =	shalt  }
0x44: {  	_ =	shalt  }
0x45: {  	_ =	shalt  }
0x46: {  	_ =	shalt  }
0x47: {  	_ =	shalt  }
0x48: {  	_ =	shalt  }
0x49: {  	_ =	shalt  }
0x4a: {  	_ =	shalt  }
0x4b: {  	_ =	shalt  }
0x4c: {  	_ =	shalt  }
0x4d: {  	_ =	shalt  }
0x4e: {  	_ =	shalt  }
0x4f: {  	_ =	shalt  }
0x50: {  	_ =	shalt  }
0x51: {  	_ =	shalt  }
0x52: {  	_ =	shalt  }
0x53: {  	_ =	shalt  }
0x54: {  	_ =	shalt  }
0x55: {  	_ =	shalt  }
0x56: {  	_ =	shalt  }
0x57: {  	_ =	shalt  }
0x58: {  	_ =	shalt  }
0x59: {  	_ =	shalt  }
0x5a: {  	_ =	shalt  }
0x5b: {  	_ =	shalt  }
0x5c: {  	_ =	shalt  }
0x5d: {  	_ =	shalt  }
0x5e: {  	_ =	shalt  }
0x5f: {  	_ =	shalt  }
0x60: {  	_ =	shalt  }
0x61: {  	_ =	shalt  }
0x62: {  	_ =	shalt  }
0x63: {  	_ =	shalt  }
0x64: {  	_ =	shalt  }
0x65: {  	_ =	shalt  }
0x66: {  	_ =	shalt  }
0x67: {  	_ =	shalt  }
0x68: {  	_ =	shalt  }
0x69: {  	_ =	shalt  }
0x6a: {  	_ =	shalt  }
0x6b: {  	_ =	shalt  }
0x6c: {  	_ =	shalt  }
0x6d: {  	_ =	shalt  }
0x6e: {  	_ =	shalt  }
0x6f: {  	_ =	shalt  }
0x70: {  	_ =	shalt  }
0x71: {  	_ =	shalt  }
0x72: {  	_ =	shalt  }
0x73: {  	_ =	shalt  }
0x74: {  	_ =	shalt  }
0x75: {  	_ =	shalt  }
0x76: {  	_ =	shalt  }
0x77: {  	_ =	shalt  }
0x78: {  	_ =	shalt  }
0x79: {  	_ =	shalt  }
0x7a: {  	_ =	shalt  }
0x7b: {  	_ =	shalt  }
0x7c: {  	_ =	shalt  }
0x7d: {  	_ =	shalt  }
0x7e: {  	_ =	shalt  }
0x7f: {  	_ =	shalt  }
0x80: {  	_ =	shalt  }
0x81: {  	_ =	shalt  }
0x82: {  	_ =	shalt  }
0x83: {  	_ =	shalt  }
0x84: {  	_ =	shalt  }
0x85: {  	_ =	shalt  }
0x86: {  	_ =	shalt  }
0x87: {  	_ =	shalt  }
.Lfunc_end0:
.L_simem_size_0:
called_computation.1_lowered:
.L_overlay_start_0:
0x88: {  	s2 =	sld [smem:$0x3FD9]  }
0x89: {  	s3 =	sld [smem:$0x3FFE];
	_ =	sdelay $0x1  }
0x8a: {  	s1 =	srdreg.scid  }
0x8b: {  	s0 =	sand.u32 $0x1, s1  }
0x8c: {  	s17 =	sshll.u32 s0, $0xA;
	s2 =	sadd.s32 s3, s2  }
0x8d: {  	s2 =	sadd.s32 s2, s17  }
0x8e: {  	[smem:$0x3F8D] =	sst s2  }
0x8f: {  	_ = 	snop  }
0x90: {  	(tm) =	ssettm $0x1  }
0x91: {  	s18 =	sld [smem:$0x3FFB];
	_ =	sdelay $0x3  }
0x92: {  	_ =	strace s18  }
0x93: {  	s2 =	sld [smem:$0x3FFC];
	_ =	sdelay $0x3  }
0x94: {  	_ =	strace s2  }
0x95: {  	s2 =	sld [smem:$0x3FFD];
	_ =	sdelay $0x3  }
0x96: {  	_ =	strace s2  }
0x97: {  	_ =	strace $0x8FFFFFFF  }
0x98: {  	s19 =	sld [smem:$0x3FDB];
	_ =	sdelay $0x1  }
0x99: {  	s20 =	simm.s32 $_scs_section_size  }
0x9a: {  	s4 =	simm.s32 $_size__tile_overlayer_lowered;
	s5 =	simm.s32 $_tile_overlayer_lowered  }
0x9b: {  	s6 =	simm.s32 $0x1BFF;
	s21 =	sshll.u32 s5, $0x1;
	s3 =	sadd.s32 s20, s19  }
0x9c: {  	s22 =	simm.s32 $0x0;
	s4 =	sshll.u32 s4, $0x1;
	s5 =	sadd.s32 s21, s3  }
0x9d: {  	[timem:s22], [sflag:s6] =	dma.local [hbm:s5], s4  }
0x9e: {  	_ =	swait.ge [sflag:s6], s4  }
0x9f: {  	s4 =	ssub.s32 $0x0, s4;
	[sflag:s6] =	ssyncset.done $0x0  }
0xa0: {  	[sflag:s6] =	ssyncadd.s32 s4;
	_ =	sdelay $0x1  }
0xa1: {  	s23 =	simm.s32 $0x1B8B  }
0xa2: {  	_ =	swait.ge [sflag:s23], $0x1  }
0xa3: {  	[sflag:s23] =	ssyncset.done $0x0  }
0xa4: {  	[sflag:s23] =	ssyncadd.s32 $0xFFFFFFFF  }
0xa5: {  	s4 =	sld [smem:$0x0]  }
0xa6: {  	s5 =	sand.u32 $0xFFFFFFFE, s1  }
0xa7: {  	p0 =	sne.s32 s1, s5  }
0xa8: {  	s5 =	sshll.u32 @p0 s5, $0xE  }
0xa9: {  	s5 =	sadd.s32 @p0 $0x11B8D, s5;
	s6 =	sshll.u32 @p0 s4, $0x11  }
0xaa: {  	s5 =	sor.u32 @p0 s6, s5  }
0xab: {  	[sflag:s5] =	ssyncadd.remote.s32 @p0 $0x1;
	_ =	sdelay $0x1  }
0xac: {  	s5 =	simm.s32 @p0 $0x1B8D  }
0xad: {  	_ =	swait.eq @p0 [sflag:s5], $0x1  }
0xae: {  	[sflag:s5] =	ssyncadd.s32 @p0 $0xFFFFFFFF  }
0xaf: {  	s6 =	sshll.u32 @!p0 s1, $0xE  }
0xb0: {  	s6 =	sor.u32 @!p0 $0x4000, s6;
	s5 =	simm.s32 @!p0 $0x1B8D  }
0xb1: {  	s4 =	sshll.u32 @!p0 s4, $0x11;
	s6 =	sadd.s32 @!p0 $0x11B8D, s6;
	_ =	swait.eq @!p0 [sflag:s5], $0x1  }
0xb2: {  	s4 =	sor.u32 @!p0 s4, s6;
	[sflag:s5] =	ssyncadd.s32 @!p0 $0xFFFFFFFF  }
0xb3: {  	s25 =	simm.s32 $0x1B8E;
	s24 =	sld [smem:$0x3FFE];
	[sflag:s4] =	ssyncadd.remote.s32 @!p0 $0x1  }
0xb4: {  	s26 =	simm.s32 $execute0_lowered;
	[smem:$0x3FD2] =	sst s25  }
0xb5: {  	s5 =	sshll.u32 s26, $0x1;
	_ =	strace $0x80000049;
	[dreg:$0x1] =	wrdreg $0xFFFFFFFF  }
0xb6: {  	s28 =	simm.s32 $_size_execute0_lowered;
	s3 =	sadd.s32 s3, s5;
	[dreg:$0x0] =	wrdreg $0x0  }
0xb7: {  	s5 =	sshll.u32 s28, $0x1;
	[dreg:$0x2] =	wrdreg s3  }
0xb8: {  	[dreg:$0x3] =	wrdreg s5  }
0xb9: {  	[dreg:$0x4] =	wrdreg $0xC0  }
0xba: {  	_ =	task [dreg:s22], $0x5FFFF  }
0xbb: {  	[dreg:$0x1] =	wrdreg $0xFFFFFFFF  }
0xbc: {  	[dreg:$0x0] =	wrdreg $0x60  }
0xbd: {  	[dreg:$0x2] =	wrdreg s24  }
0xbe: {  	[dreg:$0x3] =	wrdreg $0xA  }
0xbf: {  	_ =	task.clear_ibuf [dreg:s22], $0x4FFFF;
	_ =	strace $0x90000049  }
0xc0: {  	s29 =	simm.s32 $0xA;
	_ =	strace $0x8000004B  }
0xc1: {  	_ =	swait.ge [sflag:s29], $0x1  }
0xc2: {  	[sflag:s29] =	ssyncadd.s32 $0xFFFFFFFF  }
0xc3: {  	_ =	strace $0x9000004B  }
0xc4: {  	_ =	sfence  }
0xc5: {  	s30 =	sld [smem:$0x0];
	_ =	sdelay $0x2  }
0xc6: {  	s31 =	sshll.u32 s1, $0xD;
	s1 =	sshrl.u32 s1, $0x2  }
0xc7: {  	s4 =	sand.u32 $0x4000, s31;
	s1 =	sadd.s32 s1, s30  }
0xc8: {  	s0 =	sor.u32 s4, s0;
	s1 =	sshll.u32 s1, $0x11  }
0xc9: {  	s0 =	sor.u32 s1, s0  }
0xca: {  	s0 =	sadd.s32 $0x8F2B, s0  }
0xcb: {  	[sflag:s0] =	ssyncadd.remote.s32 $0x1  }
0xcc: {  	_ =	sfence.sel $0xFFFF  }
0xcd: {  	[dreg:$0x0] =	wrdreg $0xFFFFFFFF;
	(pc) =	sbr.abs _section_cstart, $3  }
0xce: {  	[dreg:$0x1] =	wrdreg $0xFFFFFFFF  }
0xcf: {  	_ =	task.clear_ibuf [dreg:s22], $0x2FFFF;
	_ =	strace $0x9FFFFFFF  }
0xd0: {  	(tm) =	ssettm $0x7FFFFFFF  }
0xd1: {  	_ =	shalt  }
tec
execute0_lowered:
.L_overlay_start_1:
0x0: {  	(tag) =	ssettag $0x1  }
0x1: {  	s1 =	srdreg.scid  }
0x2: {  	s0 =	stileid.u32;
	s4 =	rddreg [dreg:$0x0];
	s2 =	simm.s32 $0x0  }
0x3: {  	s13 =	simm.s32 $0x5400;
	s14 =	simm.s32 $0x1;
	s15 =	simm.s32 $0x2  }
0x4: {  	s16 =	simm.s32 $0x3;
	s17 =	simm.s32 $0x4;
	s11 =	smul.u32 $0x140000, s0  }
0x5: {  	s6 =	sand.u32 $0x1, s1;
	s3 =	sshll.u32 s0, $0x1;
	s26 =	smul.u32 $0x28000, s0  }
0x6: {  	s18 =	simm.s32 $0x0;
	s5 =	sor.u32 s6, s3;
	s25 =	smul.u32 $0xA0000, s6  }
0x7: {  	[smem:$0x7FF] =	sst s2;
	s12 =	sadd.s32 $0x343600, s4;
	s7 =	smul.u32 $0x1400, s5  }
0x8: {  	s1 =	rddreg [dreg:$0x1];
	_ =	strace $0x8000004A;
	s8 =	smul.u32 $0xA0000, s5  }
0x9: {  	s3 =	sadd.s32 $0x6E600, s4;
	s9 =	ssub.s32 $0x2, s6;
	s10 =	smul.u32 $0x14000, s5  }
0xa: {  	s28 =	smul.u32 $0x14000, s6;
	s24 =	sshrl.u32 s9, $0x1;
	s7 =	sshrl.u32 s7, $0x3  }
0xb: {  	s8 =	sshrl.u32 s8, $0x3;
	s30 =	sadd.s32 s10, s12;
	s10 =	simm.s32 $0x5  }
0xc: {  	s23 =	sadd.s32 s7, s4;
	s7 =	ssub.s32 s9, s24;
	s9 =	sadd.s32 s25, s11  }
0xd: {  	s6 =	sadd.s32 s12, s8;
	s11 =	simm.s32 $0x80;
	s4 =	sadd.s32 $0x33E600, s23  }
0xe: {  	s5 =	smax.u32 s7, $0x1;
	s29 =	sor.u32 $0x8000, s9;
	s7 =	sadd.s32 s26, s12  }
0xf: {  	s8 =	sshrl.u32 s29, $0x3;
	s31 =	sadd.s32 s28, s7;
	s7 =	sadd.s32 $0x800, s30  }
0x10: {  	s8 =	sadd.s32 s8, s12;
	s9 =	sadd.s32 $0x1800, s31;
	s12 =	simm.s32 $0x1400  }
.LBB2_1:
0x11: {  	[tilespmem:s2], [sflag:$0x5] =	stream.linear.gather [hbm4b:s4+s2], $0x1400, $0x38;
	[tilespmem:$0x9400] =	vst v63  }
0x12: {  	_ =	swait.ge [sflag:s10], $0x1400  }
0x13: {  	[sflag:s10] =	ssyncset.done $0x0  }
0x14: {  	[sflag:s10] =	ssyncadd.s32 $0xFFFFEC00  }
0x15: {  	[tilespmem:s12], [sflag:$0x1] =	stream.indirect.gather [hbm4b:s3+s11], $0x80, s2, s11, $0xb8;
	[tilespmem:$0x9400] =	vst v63  }
0x16: {  	_ = 	snop  }
0x17: {  	[tilespmem:s13], [sflag:$0x2] =	stream.indirect.gather [hbm4b:s3+s11], $0x80, s11, s11, $0xb8;
	[tilespmem:$0x9400] =	vst v63  }
0x18: {  	_ =	swait.ge [sflag:s14], $0x4000  }
0x19: {  	[sflag:s14] =	ssyncset.done $0x0  }
0x1a: {  	[sflag:s14] =	ssyncadd.s32 $0xFFFFC000  }
0x1b: {  	[hbm4b:s6+s2] =	stream.linear.scatter [tilespmem:s12], [sflag:$0x3], $0x4000, $0x38;
	[tilespmem:$0x9400] =	vst v63  }
0x1c: {  	_ =	swait.ge [sflag:s15], $0x4000  }
0x1d: {  	[sflag:s15] =	ssyncset.done $0x0  }
0x1e: {  	[sflag:s15] =	ssyncadd.s32 $0xFFFFC000  }
0x1f: {  	[hbm4b:s7+s2] =	stream.linear.scatter [tilespmem:s13], [sflag:$0x4], $0x4000, $0x38;
	[tilespmem:$0x9400] =	vst v63  }
0x20: {  	_ =	swait.ge [sflag:s16], $0x4000  }
0x21: {  	[sflag:s16] =	ssyncset.done $0x0  }
0x22: {  	[sflag:s16] =	ssyncadd.s32 $0xFFFFC000  }
0x23: {  	_ =	swait.ge [sflag:s17], $0x4000  }
0x24: {  	[sflag:s17] =	ssyncset.done $0x0  }
0x25: {  	s19 =	simm.s32 $0x100;
	[sflag:s17] =	ssyncadd.s32 $0xFFFFC000  }
0x26: {  	[tilespmem:s12], [sflag:$0x1] =	stream.indirect.gather [hbm4b:s3+s11], $0x80, s19, s11, $0xb8;
	[tilespmem:$0x9400] =	vst v63  }
0x27: {  	s30 =	simm.s32 $0x180  }
0x28: {  	[tilespmem:s13], [sflag:$0x2] =	stream.indirect.gather [hbm4b:s3+s11], $0x80, s30, s11, $0xb8;
	[tilespmem:$0x9400] =	vst v63  }
0x29: {  	_ =	swait.ge [sflag:s14], $0x4000  }
0x2a: {  	[sflag:s14] =	ssyncset.done $0x0  }
0x2b: {  	s31 =	sadd.s32 $0x0, s8;
	[sflag:s14] =	ssyncadd.s32 $0xFFFFC000  }
0x2c: {  	[hbm4b:s31+s2] =	stream.linear.scatter [tilespmem:s12], [sflag:$0x3], $0x4000, $0x38;
	[tilespmem:$0x9400] =	vst v63  }
0x2d: {  	_ =	swait.ge [sflag:s15], $0x4000  }
0x2e: {  	s21 =	sadd.s32 $0x0, s9;
	[sflag:s15] =	ssyncset.done $0x0  }
0x2f: {  	s20 =	simm.s32 $0x200;
	s19 =	simm.s32 $0x1000;
	[sflag:s15] =	ssyncadd.s32 $0xFFFFC000  }
.LBB2_2:
0x30: {  	[hbm4b:s21+s2] =	stream.linear.scatter [tilespmem:s13], [sflag:$0x4], $0x4000, $0x38;
	[tilespmem:$0x9400] =	vst v63  }
0x31: {  	s21 =	smov.u32 s19  }
0x32: {  	p0 =	sne.s32 s19, $0x12000;
	s19 =	sadd.s32 $0x1000, s19;
	_ =	swait.ge [sflag:s16], $0x4000  }
0x33: {  	[sflag:s16] =	ssyncset.done $0x0  }
0x34: {  	[sflag:s16] =	ssyncadd.s32 $0xFFFFC000  }
0x35: {  	_ =	swait.ge [sflag:s17], $0x4000  }
0x36: {  	[sflag:s17] =	ssyncset.done $0x0  }
0x37: {  	[sflag:s17] =	ssyncadd.s32 $0xFFFFC000  }
0x38: {  	[tilespmem:s12], [sflag:$0x1] =	stream.indirect.gather [hbm4b:s3+s11], $0x80, s20, s11, $0xb8;
	[tilespmem:$0x9400] =	vst v63  }
0x39: {  	s22 =	sadd.s32 $0x80, s20  }
0x3a: {  	[tilespmem:s13], [sflag:$0x2] =	stream.indirect.gather [hbm4b:s3+s11], $0x80, s22, s11, $0xb8;
	[tilespmem:$0x9400] =	vst v63  }
0x3b: {  	_ =	swait.ge [sflag:s14], $0x4000  }
0x3c: {  	[sflag:s14] =	ssyncset.done $0x0  }
.Ltmp0:
0x3d: {  	s22 =	sadd.s32 s21, s8;
	[sflag:s14] =	ssyncadd.s32 $0xFFFFC000;
	(pc) =	sbr.rel @p0 .LBB2_2-.Ltmp0, $4  }
0x3e: {  	[hbm4b:s22+s2] =	stream.linear.scatter [tilespmem:s12], [sflag:$0x3], $0x4000, $0x38;
	[tilespmem:$0x9400] =	vst v63  }
0x3f: {  	_ =	swait.ge [sflag:s15], $0x4000  }
0x40: {  	[sflag:s15] =	ssyncset.done $0x0  }
0x41: {  	s20 =	sadd.s32 $0x100, s20;
	s21 =	sadd.s32 s21, s9;
	[sflag:s15] =	ssyncadd.s32 $0xFFFFC000  }
0x42: {  	[hbm4b:s21+s2] =	stream.linear.scatter [tilespmem:s13], [sflag:$0x4], $0x4000, $0x38;
	[tilespmem:$0x9400] =	vst v63  }
0x43: {  	s18 =	sadd.s32 $0x1, s18  }
0x44: {  	_ =	swait.ge [sflag:s16], $0x4000;
	p0 =	sne.s32 s18, s5  }
.Ltmp1:
0x45: {  	[sflag:s16] =	ssyncset.done $0x0;
	(pc) =	sbr.rel @p0 .LBB2_1-.Ltmp1, $4  }
0x46: {  	[sflag:s16] =	ssyncadd.s32 $0xFFFFC000  }
0x47: {  	_ =	swait.ge [sflag:s17], $0x4000  }
0x48: {  	[sflag:s17] =	ssyncset.done $0x0  }
0x49: {  	[sflag:s17] =	ssyncadd.s32 $0xFFFFC000  }
0x4a: {  	_ =	sfence.sel $0x180000  }
0x4b: {  	[bflag:$0x0] =	sbarrier.arrive $0xFFFF  }
0x4c: {  	p0 =	sne.s32 s0, $0x0;
	_ =	strace $0x9000004A  }
0x4d: {  	s0 =	sadd.s32 @!p0 $0x100000, s1;
	[bflag:$0x2] =	sbarrier.arrive $0xFFFF  }
0x4e: {  	[sflag:s0] =	ssyncadd.tile.s32 @!p0 $0x1;
	_ =	shalt  }
.Lfunc_end2:
_tile_overlayer_lowered:
.L_overlay_start_2:
0x4f: {  	(tag) =	ssettag $0x2  }
0x50: {  	s0 =	rddreg [dreg:$0x0];
	s2 =	stileid.u32  }
0x51: {  	s1 =	rddreg [dreg:$0x1];
	p0 =	sne.s32 s2, $0x0  }
0x52: {  	s3 =	rddreg [dreg:$0x2];
	[bflag:$0x3] =	sbarrier.arrive $0xFFFF;
	s2 =	simm.s32 @!p0 $0x1C05  }
0x53: {  	[timem:s3], [sflag:s2] =	dma.local @!p0 [hbm:s0], s1  }
0x54: {  	s0 =	simm.s32 @!p0 $0x5  }
0x55: {  	_ =	swait.ge @!p0 [sflag:s0], s1  }
0x56: {  	s1 =	ssub.s32 @!p0 $0x0, s1;
	[sflag:s0] =	ssyncset.done @!p0 $0x0  }
0x57: {  	[sflag:s0] =	ssyncadd.s32 @!p0 s1  }
0x58: {  	[bflag:$0x3] =	sbarrier.arrive $0xFFFF  }
0x59: {  	_ =	shalt  }

// kernel: kernel.48.cloned.1.call-start
scs
__scs_entry_jumppad:
0x0: {  	(pc) =	sbr.rel $0x88, $3  }
0x1: {  	(tag) =	ssettag $0x0;
	lr =	simm.s32 $0x1  }
0x2: {  	[smem:$0x3F66] =	sst lr;
	_ =	strace $0xD0000000  }
0x3: {  	_ = 	snop  }
0x4: {  	_ = 	snop  }
0x5: {  	_ = 	snop  }
0x6: {  	_ = 	snop  }
0x7: {  	_ = 	snop  }
__scs_overlays_trampoline_lowered:
0x8: {  	[smem:$0x3F75] =	sst s0  }
0x9: {  	[smem:$0x3F76] =	sst s1  }
0xa: {  	[smem:$0x3F77] =	sst s2  }
0xb: {  	[smem:$0x3F78] =	sst s3  }
0xc: {  	[smem:$0x3F79] =	sst s4  }
0xd: {  	[smem:$0x3F7A] =	sst s5  }
0xe: {  	[smem:$0x3F7B] =	sst s6  }
0xf: {  	[smem:$0x3F7C] =	sst s7  }
0x10: {  	[smem:$0x3F7D] =	sst s8  }
0x11: {  	[smem:$0x3F7E] =	sst s9;
	s0 =	simm.s32 @!p0 $0x0  }
0x12: {  	s1 =	sld [smem:$0x3F64];
	s0 =	simm.s32 @p0 $0x1  }
0x13: {  	[smem:$0x3F7F] =	sst s0;
	s0 =	simm.s32 @!p1 $0x0  }
0x14: {  	s2 =	sld [smem:$0x3F63];
	s0 =	simm.s32 @p1 $0x1  }
0x15: {  	[smem:$0x3F80] =	sst s0;
	s0 =	simm.s32 @!p2 $0x0  }
0x16: {  	s3 =	sld [smem:$0x3FDB];
	s0 =	simm.s32 @p2 $0x1  }
0x17: {  	s4 =	simm.s32 $0x1BF5;
	[smem:$0x3F82] =	sst s0  }
0x18: {  	s0 =	sld [smem:$0x3F65];
	_ =	swait.ge [sflag:s4], $0x0  }
0x19: {  	s7 =	sld [smem:$0x3F66]  }
0x1a: {  	s8 =	sadd.s32 $0xFFFFE003, lr  }
0x1b: {  	s9 =	sadd.s32 $0xFFFFFEF7, lr;
	s5 =	simm.s32 $0xFFFFFFFF;
	p2 =	slt.u32 s8, $0xFFFFF086  }
0x1c: {  	p1 =	slt.u32 s9, $0xF7A;
	s5 =	simm.s32 @!p2 $0x0  }
0x1d: {  	s5 =	simm.s32 @p1 $0x1;
	p0 =	seq.s32 s7, s2  }
0x1e: {  	s7 =	smul.u32 @!p0 $0xF7A, s2;
	p2 =	seq.s32 @!p0 s5, $0x0  }
0x1f: {  	s9 =	smul.u32 $0xF7A, s1;
	s8 =	simm.s32 @!p0 $0x1BF5;
	p2 =	por !p2, p0  }
0x20: {  	[sflag:s8] =	ssyncset.s32 @!p0 $0xFFFFF086;
	s6 =	sadd.s32 @!p0 s3, s7;
	s7 =	simm.s32 @!p0 $0x108  }
0x21: {  	s3 =	sadd.s32 s3, s9;
	s6 =	sadd.s32 @!p0 $0x88, s6;
	s7 =	simm.s32 @p2 $0x1082  }
0x22: {  	[simem:s7], [sflag:s8] =	dma.local @!p0 [hbm:s6], $0xF7A  }
0x23: {  	s9 =	sor.u32 $0xD0000000, s2;
	s6 =	simm.s32 $0x108;
	_ =	swait.ge @!p0 [sflag:s8], $0x0  }
0x24: {  	s3 =	sadd.s32 $0x88, s3;
	s6 =	simm.s32 @!p1 $0x1082;
	[sflag:s4] =	ssyncset.s32 $0xFFFFF086  }
0x25: {  	[simem:s6], [sflag:s4] =	dma.local [hbm:s3], $0xF7A  }
0x26: {  	[smem:$0x3F66] =	sst s1;
	(tag) =	ssettag s2;
	_ =	strace s9  }
0x27: {  	s1 =	sld [smem:$0x3F76]  }
0x28: {  	s2 =	sld [smem:$0x3F77]  }
0x29: {  	s4 =	sld [smem:$0x3F79]  }
0x2a: {  	p0 =	seq.s32 s5, $0x0;
	s5 =	sld [smem:$0x3F7A]  }
0x2b: {  	s6 =	sld [smem:$0x3F7B]  }
0x2c: {  	s7 =	sld [smem:$0x3F7C]  }
0x2d: {  	s3 =	simm.s32 $0x108;
	s8 =	sld [smem:$0x3F7D]  }
0x2e: {  	s3 =	simm.s32 @!p0 $0x1082;
	s9 =	sld [smem:$0x3F7E]  }
0x2f: {  	lr =	sadd.s32 s0, s3;
	s0 =	sld [smem:$0x3F75]  }
0x30: {  	s3 =	sld [smem:$0x3F78]  }
0x31: {  	[smem:$0x3F81] =	sst s10  }
0x32: {  	s10 =	sld [smem:$0x3F7F];
	_ =	sdelay $0x3  }
0x33: {  	p0 =	seq.s32 s10, $0x1;
	s10 =	sld [smem:$0x3F81];
	_ =	sdelay $0x3  }
0x34: {  	[smem:$0x3F81] =	sst s10  }
0x35: {  	s10 =	sld [smem:$0x3F80];
	_ =	sdelay $0x3  }
0x36: {  	p1 =	seq.s32 s10, $0x1;
	s10 =	sld [smem:$0x3F81];
	_ =	sdelay $0x3  }
0x37: {  	[smem:$0x3F81] =	sst s10  }
0x38: {  	s10 =	sld [smem:$0x3F82]  }
0x39: {  	_ = 	snop;
	(pc) =	sbr.ind lr, $3  }
0x3a: {  	_ = 	snop  }
0x3b: {  	_ = 	snop  }
0x3c: {  	p2 =	seq.s32 s10, $0x1;
	s10 =	sld [smem:$0x3F81]  }
0x3d: {  	_ =	shalt  }
0x3e: {  	_ =	shalt  }
0x3f: {  	_ =	shalt  }
0x40: {  	_ =	shalt  }
0x41: {  	_ =	shalt  }
0x42: {  	_ =	shalt  }
0x43: {  	_ =	shalt  }
0x44: {  	_ =	shalt  }
0x45: {  	_ =	shalt  }
0x46: {  	_ =	shalt  }
0x47: {  	_ =	shalt  }
0x48: {  	_ =	shalt  }
0x49: {  	_ =	shalt  }
0x4a: {  	_ =	shalt  }
0x4b: {  	_ =	shalt  }
0x4c: {  	_ =	shalt  }
0x4d: {  	_ =	shalt  }
0x4e: {  	_ =	shalt  }
0x4f: {  	_ =	shalt  }
0x50: {  	_ =	shalt  }
0x51: {  	_ =	shalt  }
0x52: {  	_ =	shalt  }
0x53: {  	_ =	shalt  }
0x54: {  	_ =	shalt  }
0x55: {  	_ =	shalt  }
0x56: {  	_ =	shalt  }
0x57: {  	_ =	shalt  }
0x58: {  	_ =	shalt  }
0x59: {  	_ =	shalt  }
0x5a: {  	_ =	shalt  }
0x5b: {  	_ =	shalt  }
0x5c: {  	_ =	shalt  }
0x5d: {  	_ =	shalt  }
0x5e: {  	_ =	shalt  }
0x5f: {  	_ =	shalt  }
0x60: {  	_ =	shalt  }
0x61: {  	_ =	shalt  }
0x62: {  	_ =	shalt  }
0x63: {  	_ =	shalt  }
0x64: {  	_ =	shalt  }
0x65: {  	_ =	shalt  }
0x66: {  	_ =	shalt  }
0x67: {  	_ =	shalt  }
0x68: {  	_ =	shalt  }
0x69: {  	_ =	shalt  }
0x6a: {  	_ =	shalt  }
0x6b: {  	_ =	shalt  }
0x6c: {  	_ =	shalt  }
0x6d: {  	_ =	shalt  }
0x6e: {  	_ =	shalt  }
0x6f: {  	_ =	shalt  }
0x70: {  	_ =	shalt  }
0x71: {  	_ =	shalt  }
0x72: {  	_ =	shalt  }
0x73: {  	_ =	shalt  }
0x74: {  	_ =	shalt  }
0x75: {  	_ =	shalt  }
0x76: {  	_ =	shalt  }
0x77: {  	_ =	shalt  }
0x78: {  	_ =	shalt  }
0x79: {  	_ =	shalt  }
0x7a: {  	_ =	shalt  }
0x7b: {  	_ =	shalt  }
0x7c: {  	_ =	shalt  }
0x7d: {  	_ =	shalt  }
0x7e: {  	_ =	shalt  }
0x7f: {  	_ =	shalt  }
0x80: {  	_ =	shalt  }
0x81: {  	_ =	shalt  }
0x82: {  	_ =	shalt  }
0x83: {  	_ =	shalt  }
0x84: {  	_ =	shalt  }
0x85: {  	_ =	shalt  }
0x86: {  	_ =	shalt  }
0x87: {  	_ =	shalt  }
.Lfunc_end0:
.L_simem_size_0:
called_computation.2_lowered:
.L_overlay_start_0:
0x88: {  	s2 =	sld [smem:$0x3FD9]  }
0x89: {  	s3 =	sld [smem:$0x3FFE];
	_ =	sdelay $0x1  }
0x8a: {  	s1 =	srdreg.scid  }
0x8b: {  	s0 =	sand.u32 $0x1, s1  }
0x8c: {  	s16 =	sshll.u32 s0, $0xA;
	s2 =	sadd.s32 s3, s2  }
0x8d: {  	s2 =	sadd.s32 s2, s16  }
0x8e: {  	[smem:$0x3F8D] =	sst s2  }
0x8f: {  	_ = 	snop  }
0x90: {  	(tm) =	ssettm $0x1  }
0x91: {  	s17 =	sld [smem:$0x3FFB];
	_ =	sdelay $0x3  }
0x92: {  	_ =	strace s17  }
0x93: {  	s2 =	sld [smem:$0x3FFC];
	_ =	sdelay $0x3  }
0x94: {  	_ =	strace s2  }
0x95: {  	s2 =	sld [smem:$0x3FFD];
	_ =	sdelay $0x3  }
0x96: {  	_ =	strace s2  }
0x97: {  	_ =	strace $0x8FFFFFFF  }
0x98: {  	s18 =	sld [smem:$0x3FDB];
	_ =	sdelay $0x1  }
0x99: {  	s19 =	simm.s32 $_scs_section_size  }
0x9a: {  	s4 =	simm.s32 $_size__tile_overlayer_lowered;
	s5 =	simm.s32 $_tile_overlayer_lowered  }
0x9b: {  	s22 =	simm.s32 $0x1BFF;
	s21 =	sshll.u32 s5, $0x1;
	s2 =	sadd.s32 s19, s18  }
0x9c: {  	s6 =	simm.s32 $0x0;
	s20 =	sshll.u32 s4, $0x1;
	s4 =	sadd.s32 s21, s2  }
0x9d: {  	[timem:s6], [sflag:s22] =	dma.local [hbm:s4], s20  }
0x9e: {  	_ =	swait.ge [sflag:s22], s20  }
0x9f: {  	s3 =	ssub.s32 $0x0, s20;
	[sflag:s22] =	ssyncset.done $0x0  }
0xa0: {  	[sflag:s22] =	ssyncadd.s32 s3;
	_ =	sdelay $0x1  }
0xa1: {  	s23 =	simm.s32 $0x1B8B  }
0xa2: {  	_ =	swait.ge [sflag:s23], $0x1  }
0xa3: {  	[sflag:s23] =	ssyncset.done $0x0  }
0xa4: {  	s25 =	simm.s32 $0x1B8E;
	s24 =	sld [smem:$0x3FFE];
	[sflag:s23] =	ssyncadd.s32 $0xFFFFFFFF  }
0xa5: {  	s26 =	simm.s32 $execute0_lowered;
	[smem:$0x3FD2] =	sst s25  }
0xa6: {  	s4 =	sshll.u32 s26, $0x1;
	_ =	strace $0x8000004C;
	[dreg:$0x1] =	wrdreg $0xFFFFFFFF  }
0xa7: {  	s28 =	simm.s32 $_size_execute0_lowered;
	s2 =	sadd.s32 s2, s4;
	[dreg:$0x0] =	wrdreg $0x0  }
0xa8: {  	s4 =	sshll.u32 s28, $0x1;
	[dreg:$0x2] =	wrdreg s2  }
0xa9: {  	[dreg:$0x3] =	wrdreg s4  }
0xaa: {  	[dreg:$0x4] =	wrdreg $0xC0  }
0xab: {  	_ =	task [dreg:s6], $0x5FFFF  }
0xac: {  	[dreg:$0x1] =	wrdreg $0xFFFFFFFF  }
0xad: {  	[dreg:$0x0] =	wrdreg $0x60  }
0xae: {  	[dreg:$0x2] =	wrdreg s24  }
0xaf: {  	[dreg:$0x3] =	wrdreg $0x9  }
0xb0: {  	_ =	task.clear_ibuf [dreg:s6], $0x4FFFF;
	_ =	strace $0x9000004C  }
0xb1: {  	s29 =	simm.s32 $0x9;
	_ =	strace $0x8000004E  }
0xb2: {  	_ =	swait.ge [sflag:s29], $0x1  }
0xb3: {  	[sflag:s29] =	ssyncadd.s32 $0xFFFFFFFF  }
0xb4: {  	_ =	strace $0x9000004E  }
0xb5: {  	_ =	sfence  }
0xb6: {  	s30 =	sld [smem:$0x0];
	_ =	sdelay $0x2  }
0xb7: {  	s31 =	sshll.u32 s1, $0xD;
	s1 =	sshrl.u32 s1, $0x2  }
0xb8: {  	s3 =	sand.u32 $0x4000, s31;
	s1 =	sadd.s32 s1, s30  }
0xb9: {  	s0 =	sor.u32 s3, s0;
	s1 =	sshll.u32 s1, $0x11  }
0xba: {  	s0 =	sor.u32 s1, s0  }
0xbb: {  	s0 =	sadd.s32 $0x8F2B, s0  }
0xbc: {  	[sflag:s0] =	ssyncadd.remote.s32 $0x1  }
0xbd: {  	_ =	sfence.sel $0xFFFF  }
0xbe: {  	[dreg:$0x0] =	wrdreg $0xFFFFFFFF;
	(pc) =	sbr.abs _section_cstart, $3  }
0xbf: {  	[dreg:$0x1] =	wrdreg $0xFFFFFFFF  }
0xc0: {  	_ =	task.clear_ibuf [dreg:s6], $0x2FFFF;
	_ =	strace $0x9FFFFFFF  }
0xc1: {  	(tm) =	ssettm $0x7FFFFFFF  }
tec
execute0_lowered:
.L_overlay_start_1:
0x0: {  	(tag) =	ssettag $0x1  }
0x1: {  	s1 =	srdreg.scid  }
0x2: {  	s0 =	stileid.u32;
	s4 =	rddreg [dreg:$0x0];
	s2 =	simm.s32 $0x0  }
0x3: {  	s13 =	simm.s32 $0x5400;
	s14 =	simm.s32 $0x1;
	s15 =	simm.s32 $0x2  }
0x4: {  	s16 =	simm.s32 $0x3;
	s17 =	simm.s32 $0x4;
	s11 =	smul.u32 $0x140000, s0  }
0x5: {  	s6 =	sand.u32 $0x1, s1;
	s3 =	sshll.u32 s0, $0x1;
	s26 =	smul.u32 $0x28000, s0  }
0x6: {  	s1 =	rddreg [dreg:$0x1];
	s5 =	sor.u32 s6, s3;
	s25 =	smul.u32 $0xA0000, s6  }
0x7: {  	s18 =	simm.s32 $0x0;
	[smem:$0x7FF] =	sst s2;
	s7 =	smul.u32 $0x1400, s5  }
0x8: {  	s12 =	sadd.s32 $0xBE600, s4;
	_ =	strace $0x8000004D;
	s8 =	smul.u32 $0xA0000, s5  }
0x9: {  	s3 =	sadd.s32 $0x6E600, s4;
	s9 =	ssub.s32 $0x2, s6;
	s10 =	smul.u32 $0x14000, s5  }
0xa: {  	s28 =	smul.u32 $0x14000, s6;
	s24 =	sshrl.u32 s9, $0x1;
	s7 =	sshrl.u32 s7, $0x3  }
0xb: {  	s8 =	sshrl.u32 s8, $0x3;
	s30 =	sadd.s32 s10, s12;
	s10 =	simm.s32 $0x5  }
0xc: {  	s23 =	sadd.s32 s7, s4;
	s7 =	ssub.s32 s9, s24;
	s9 =	sadd.s32 s25, s11  }
0xd: {  	s6 =	sadd.s32 s12, s8;
	s11 =	simm.s32 $0x80;
	s4 =	sadd.s32 $0x41600, s23  }
0xe: {  	s5 =	smax.u32 s7, $0x1;
	s29 =	sor.u32 $0x8000, s9;
	s7 =	sadd.s32 s26, s12  }
0xf: {  	s8 =	sshrl.u32 s29, $0x3;
	s31 =	sadd.s32 s28, s7;
	s7 =	sadd.s32 $0x800, s30  }
0x10: {  	s8 =	sadd.s32 s8, s12;
	s9 =	sadd.s32 $0x1800, s31;
	s12 =	simm.s32 $0x1400  }
.LBB2_1:
0x11: {  	[tilespmem:s2], [sflag:$0x5] =	stream.linear.gather [hbm4b:s4+s2], $0x1400, $0x38;
	[tilespmem:$0x9400] =	vst v63  }
0x12: {  	_ =	swait.ge [sflag:s10], $0x1400  }
0x13: {  	[sflag:s10] =	ssyncset.done $0x0  }
0x14: {  	[sflag:s10] =	ssyncadd.s32 $0xFFFFEC00  }
0x15: {  	[tilespmem:s12], [sflag:$0x1] =	stream.indirect.gather [hbm4b:s3+s11], $0x80, s2, s11, $0xb8;
	[tilespmem:$0x9400] =	vst v63  }
0x16: {  	_ = 	snop  }
0x17: {  	[tilespmem:s13], [sflag:$0x2] =	stream.indirect.gather [hbm4b:s3+s11], $0x80, s11, s11, $0xb8;
	[tilespmem:$0x9400] =	vst v63  }
0x18: {  	_ =	swait.ge [sflag:s14], $0x4000  }
0x19: {  	[sflag:s14] =	ssyncset.done $0x0  }
0x1a: {  	[sflag:s14] =	ssyncadd.s32 $0xFFFFC000  }
0x1b: {  	[hbm4b:s6+s2] =	stream.linear.scatter [tilespmem:s12], [sflag:$0x3], $0x4000, $0x38;
	[tilespmem:$0x9400] =	vst v63  }
0x1c: {  	_ =	swait.ge [sflag:s15], $0x4000  }
0x1d: {  	[sflag:s15] =	ssyncset.done $0x0  }
0x1e: {  	[sflag:s15] =	ssyncadd.s32 $0xFFFFC000  }
0x1f: {  	[hbm4b:s7+s2] =	stream.linear.scatter [tilespmem:s13], [sflag:$0x4], $0x4000, $0x38;
	[tilespmem:$0x9400] =	vst v63  }
0x20: {  	_ =	swait.ge [sflag:s16], $0x4000  }
0x21: {  	[sflag:s16] =	ssyncset.done $0x0  }
0x22: {  	[sflag:s16] =	ssyncadd.s32 $0xFFFFC000  }
0x23: {  	_ =	swait.ge [sflag:s17], $0x4000  }
0x24: {  	[sflag:s17] =	ssyncset.done $0x0  }
0x25: {  	s19 =	simm.s32 $0x100;
	[sflag:s17] =	ssyncadd.s32 $0xFFFFC000  }
0x26: {  	[tilespmem:s12], [sflag:$0x1] =	stream.indirect.gather [hbm4b:s3+s11], $0x80, s19, s11, $0xb8;
	[tilespmem:$0x9400] =	vst v63  }
0x27: {  	s30 =	simm.s32 $0x180  }
0x28: {  	[tilespmem:s13], [sflag:$0x2] =	stream.indirect.gather [hbm4b:s3+s11], $0x80, s30, s11, $0xb8;
	[tilespmem:$0x9400] =	vst v63  }
0x29: {  	_ =	swait.ge [sflag:s14], $0x4000  }
0x2a: {  	[sflag:s14] =	ssyncset.done $0x0  }
0x2b: {  	s31 =	sadd.s32 $0x0, s8;
	[sflag:s14] =	ssyncadd.s32 $0xFFFFC000  }
0x2c: {  	[hbm4b:s31+s2] =	stream.linear.scatter [tilespmem:s12], [sflag:$0x3], $0x4000, $0x38;
	[tilespmem:$0x9400] =	vst v63  }
0x2d: {  	_ =	swait.ge [sflag:s15], $0x4000  }
0x2e: {  	s21 =	sadd.s32 $0x0, s9;
	[sflag:s15] =	ssyncset.done $0x0  }
0x2f: {  	s20 =	simm.s32 $0x200;
	s19 =	simm.s32 $0x1000;
	[sflag:s15] =	ssyncadd.s32 $0xFFFFC000  }
.LBB2_2:
0x30: {  	[hbm4b:s21+s2] =	stream.linear.scatter [tilespmem:s13], [sflag:$0x4], $0x4000, $0x38;
	[tilespmem:$0x9400] =	vst v63  }
0x31: {  	s21 =	smov.u32 s19  }
0x32: {  	p0 =	sne.s32 s19, $0x12000;
	s19 =	sadd.s32 $0x1000, s19;
	_ =	swait.ge [sflag:s16], $0x4000  }
0x33: {  	[sflag:s16] =	ssyncset.done $0x0  }
0x34: {  	[sflag:s16] =	ssyncadd.s32 $0xFFFFC000  }
0x35: {  	_ =	swait.ge [sflag:s17], $0x4000  }
0x36: {  	[sflag:s17] =	ssyncset.done $0x0  }
0x37: {  	[sflag:s17] =	ssyncadd.s32 $0xFFFFC000  }
0x38: {  	[tilespmem:s12], [sflag:$0x1] =	stream.indirect.gather [hbm4b:s3+s11], $0x80, s20, s11, $0xb8;
	[tilespmem:$0x9400] =	vst v63  }
0x39: {  	s22 =	sadd.s32 $0x80, s20  }
0x3a: {  	[tilespmem:s13], [sflag:$0x2] =	stream.indirect.gather [hbm4b:s3+s11], $0x80, s22, s11, $0xb8;
	[tilespmem:$0x9400] =	vst v63  }
0x3b: {  	_ =	swait.ge [sflag:s14], $0x4000  }
0x3c: {  	[sflag:s14] =	ssyncset.done $0x0  }
.Ltmp0:
0x3d: {  	s22 =	sadd.s32 s21, s8;
	[sflag:s14] =	ssyncadd.s32 $0xFFFFC000;
	(pc) =	sbr.rel @p0 .LBB2_2-.Ltmp0, $4  }
0x3e: {  	[hbm4b:s22+s2] =	stream.linear.scatter [tilespmem:s12], [sflag:$0x3], $0x4000, $0x38;
	[tilespmem:$0x9400] =	vst v63  }
0x3f: {  	_ =	swait.ge [sflag:s15], $0x4000  }
0x40: {  	[sflag:s15] =	ssyncset.done $0x0  }
0x41: {  	s20 =	sadd.s32 $0x100, s20;
	s21 =	sadd.s32 s21, s9;
	[sflag:s15] =	ssyncadd.s32 $0xFFFFC000  }
0x42: {  	[hbm4b:s21+s2] =	stream.linear.scatter [tilespmem:s13], [sflag:$0x4], $0x4000, $0x38;
	[tilespmem:$0x9400] =	vst v63  }
0x43: {  	s18 =	sadd.s32 $0x1, s18  }
0x44: {  	_ =	swait.ge [sflag:s16], $0x4000;
	p0 =	sne.s32 s18, s5  }
.Ltmp1:
0x45: {  	[sflag:s16] =	ssyncset.done $0x0;
	(pc) =	sbr.rel @p0 .LBB2_1-.Ltmp1, $4  }
0x46: {  	[sflag:s16] =	ssyncadd.s32 $0xFFFFC000  }
0x47: {  	_ =	swait.ge [sflag:s17], $0x4000  }
0x48: {  	[sflag:s17] =	ssyncset.done $0x0  }
0x49: {  	[sflag:s17] =	ssyncadd.s32 $0xFFFFC000  }
0x4a: {  	_ =	sfence.sel $0x180000  }
0x4b: {  	[bflag:$0x0] =	sbarrier.arrive $0xFFFF  }
0x4c: {  	p0 =	sne.s32 s0, $0x0;
	_ =	strace $0x9000004D  }
0x4d: {  	s0 =	sadd.s32 @!p0 $0x100000, s1;
	[bflag:$0x2] =	sbarrier.arrive $0xFFFF  }
0x4e: {  	[sflag:s0] =	ssyncadd.tile.s32 @!p0 $0x1;
	_ =	shalt  }
.Lfunc_end2:
_tile_overlayer_lowered:
.L_overlay_start_2:
0x4f: {  	(tag) =	ssettag $0x2  }
0x50: {  	s0 =	rddreg [dreg:$0x0];
	s2 =	stileid.u32  }
0x51: {  	s1 =	rddreg [dreg:$0x1];
	p0 =	sne.s32 s2, $0x0  }
0x52: {  	s3 =	rddreg [dreg:$0x2];
	[bflag:$0x3] =	sbarrier.arrive $0xFFFF;
	s2 =	simm.s32 @!p0 $0x1C05  }
0x53: {  	[timem:s3], [sflag:s2] =	dma.local @!p0 [hbm:s0], s1  }
0x54: {  	s0 =	simm.s32 @!p0 $0x5  }
0x55: {  	_ =	swait.ge @!p0 [sflag:s0], s1  }
0x56: {  	s1 =	ssub.s32 @!p0 $0x0, s1;
	[sflag:s0] =	ssyncset.done @!p0 $0x0  }
0x57: {  	[sflag:s0] =	ssyncadd.s32 @!p0 s1  }
0x58: {  	[bflag:$0x3] =	sbarrier.arrive $0xFFFF  }
0x59: {  	_ =	shalt  }

// kernel: kernel.51.cloned.1.call-start
scs
__scs_entry_jumppad:
0x0: {  	(pc) =	sbr.rel $0x88, $3  }
0x1: {  	(tag) =	ssettag $0x0;
	lr =	simm.s32 $0x1  }
0x2: {  	[smem:$0x3F66] =	sst lr;
	_ =	strace $0xD0000000  }
0x3: {  	_ = 	snop  }
0x4: {  	_ = 	snop  }
0x5: {  	_ = 	snop  }
0x6: {  	_ = 	snop  }
0x7: {  	_ = 	snop  }
__scs_overlays_trampoline_lowered:
0x8: {  	[smem:$0x3F75] =	sst s0  }
0x9: {  	[smem:$0x3F76] =	sst s1  }
0xa: {  	[smem:$0x3F77] =	sst s2  }
0xb: {  	[smem:$0x3F78] =	sst s3  }
0xc: {  	[smem:$0x3F79] =	sst s4  }
0xd: {  	[smem:$0x3F7A] =	sst s5  }
0xe: {  	[smem:$0x3F7B] =	sst s6  }
0xf: {  	[smem:$0x3F7C] =	sst s7  }
0x10: {  	[smem:$0x3F7D] =	sst s8  }
0x11: {  	[smem:$0x3F7E] =	sst s9;
	s0 =	simm.s32 @!p0 $0x0  }
0x12: {  	s1 =	sld [smem:$0x3F64];
	s0 =	simm.s32 @p0 $0x1  }
0x13: {  	[smem:$0x3F7F] =	sst s0;
	s0 =	simm.s32 @!p1 $0x0  }
0x14: {  	s2 =	sld [smem:$0x3F63];
	s0 =	simm.s32 @p1 $0x1  }
0x15: {  	[smem:$0x3F80] =	sst s0;
	s0 =	simm.s32 @!p2 $0x0  }
0x16: {  	s3 =	sld [smem:$0x3FDB];
	s0 =	simm.s32 @p2 $0x1  }
0x17: {  	s4 =	simm.s32 $0x1BF5;
	[smem:$0x3F82] =	sst s0  }
0x18: {  	s0 =	sld [smem:$0x3F65];
	_ =	swait.ge [sflag:s4], $0x0  }
0x19: {  	s7 =	sld [smem:$0x3F66]  }
0x1a: {  	s8 =	sadd.s32 $0xFFFFE003, lr  }
0x1b: {  	s9 =	sadd.s32 $0xFFFFFEF7, lr;
	s5 =	simm.s32 $0xFFFFFFFF;
	p2 =	slt.u32 s8, $0xFFFFF086  }
0x1c: {  	p1 =	slt.u32 s9, $0xF7A;
	s5 =	simm.s32 @!p2 $0x0  }
0x1d: {  	s5 =	simm.s32 @p1 $0x1;
	p0 =	seq.s32 s7, s2  }
0x1e: {  	s7 =	smul.u32 @!p0 $0xF7A, s2;
	p2 =	seq.s32 @!p0 s5, $0x0  }
0x1f: {  	s9 =	smul.u32 $0xF7A, s1;
	s8 =	simm.s32 @!p0 $0x1BF5;
	p2 =	por !p2, p0  }
0x20: {  	[sflag:s8] =	ssyncset.s32 @!p0 $0xFFFFF086;
	s6 =	sadd.s32 @!p0 s3, s7;
	s7 =	simm.s32 @!p0 $0x108  }
0x21: {  	s3 =	sadd.s32 s3, s9;
	s6 =	sadd.s32 @!p0 $0x88, s6;
	s7 =	simm.s32 @p2 $0x1082  }
0x22: {  	[simem:s7], [sflag:s8] =	dma.local @!p0 [hbm:s6], $0xF7A  }
0x23: {  	s9 =	sor.u32 $0xD0000000, s2;
	s6 =	simm.s32 $0x108;
	_ =	swait.ge @!p0 [sflag:s8], $0x0  }
0x24: {  	s3 =	sadd.s32 $0x88, s3;
	s6 =	simm.s32 @!p1 $0x1082;
	[sflag:s4] =	ssyncset.s32 $0xFFFFF086  }
0x25: {  	[simem:s6], [sflag:s4] =	dma.local [hbm:s3], $0xF7A  }
0x26: {  	[smem:$0x3F66] =	sst s1;
	(tag) =	ssettag s2;
	_ =	strace s9  }
0x27: {  	s1 =	sld [smem:$0x3F76]  }
0x28: {  	s2 =	sld [smem:$0x3F77]  }
0x29: {  	s4 =	sld [smem:$0x3F79]  }
0x2a: {  	p0 =	seq.s32 s5, $0x0;
	s5 =	sld [smem:$0x3F7A]  }
0x2b: {  	s6 =	sld [smem:$0x3F7B]  }
0x2c: {  	s7 =	sld [smem:$0x3F7C]  }
0x2d: {  	s3 =	simm.s32 $0x108;
	s8 =	sld [smem:$0x3F7D]  }
0x2e: {  	s3 =	simm.s32 @!p0 $0x1082;
	s9 =	sld [smem:$0x3F7E]  }
0x2f: {  	lr =	sadd.s32 s0, s3;
	s0 =	sld [smem:$0x3F75]  }
0x30: {  	s3 =	sld [smem:$0x3F78]  }
0x31: {  	[smem:$0x3F81] =	sst s10  }
0x32: {  	s10 =	sld [smem:$0x3F7F];
	_ =	sdelay $0x3  }
0x33: {  	p0 =	seq.s32 s10, $0x1;
	s10 =	sld [smem:$0x3F81];
	_ =	sdelay $0x3  }
0x34: {  	[smem:$0x3F81] =	sst s10  }
0x35: {  	s10 =	sld [smem:$0x3F80];
	_ =	sdelay $0x3  }
0x36: {  	p1 =	seq.s32 s10, $0x1;
	s10 =	sld [smem:$0x3F81];
	_ =	sdelay $0x3  }
0x37: {  	[smem:$0x3F81] =	sst s10  }
0x38: {  	s10 =	sld [smem:$0x3F82]  }
0x39: {  	_ = 	snop;
	(pc) =	sbr.ind lr, $3  }
0x3a: {  	_ = 	snop  }
0x3b: {  	_ = 	snop  }
0x3c: {  	p2 =	seq.s32 s10, $0x1;
	s10 =	sld [smem:$0x3F81]  }
0x3d: {  	_ =	shalt  }
0x3e: {  	_ =	shalt  }
0x3f: {  	_ =	shalt  }
0x40: {  	_ =	shalt  }
0x41: {  	_ =	shalt  }
0x42: {  	_ =	shalt  }
0x43: {  	_ =	shalt  }
0x44: {  	_ =	shalt  }
0x45: {  	_ =	shalt  }
0x46: {  	_ =	shalt  }
0x47: {  	_ =	shalt  }
0x48: {  	_ =	shalt  }
0x49: {  	_ =	shalt  }
0x4a: {  	_ =	shalt  }
0x4b: {  	_ =	shalt  }
0x4c: {  	_ =	shalt  }
0x4d: {  	_ =	shalt  }
0x4e: {  	_ =	shalt  }
0x4f: {  	_ =	shalt  }
0x50: {  	_ =	shalt  }
0x51: {  	_ =	shalt  }
0x52: {  	_ =	shalt  }
0x53: {  	_ =	shalt  }
0x54: {  	_ =	shalt  }
0x55: {  	_ =	shalt  }
0x56: {  	_ =	shalt  }
0x57: {  	_ =	shalt  }
0x58: {  	_ =	shalt  }
0x59: {  	_ =	shalt  }
0x5a: {  	_ =	shalt  }
0x5b: {  	_ =	shalt  }
0x5c: {  	_ =	shalt  }
0x5d: {  	_ =	shalt  }
0x5e: {  	_ =	shalt  }
0x5f: {  	_ =	shalt  }
0x60: {  	_ =	shalt  }
0x61: {  	_ =	shalt  }
0x62: {  	_ =	shalt  }
0x63: {  	_ =	shalt  }
0x64: {  	_ =	shalt  }
0x65: {  	_ =	shalt  }
0x66: {  	_ =	shalt  }
0x67: {  	_ =	shalt  }
0x68: {  	_ =	shalt  }
0x69: {  	_ =	shalt  }
0x6a: {  	_ =	shalt  }
0x6b: {  	_ =	shalt  }
0x6c: {  	_ =	shalt  }
0x6d: {  	_ =	shalt  }
0x6e: {  	_ =	shalt  }
0x6f: {  	_ =	shalt  }
0x70: {  	_ =	shalt  }
0x71: {  	_ =	shalt  }
0x72: {  	_ =	shalt  }
0x73: {  	_ =	shalt  }
0x74: {  	_ =	shalt  }
0x75: {  	_ =	shalt  }
0x76: {  	_ =	shalt  }
0x77: {  	_ =	shalt  }
0x78: {  	_ =	shalt  }
0x79: {  	_ =	shalt  }
0x7a: {  	_ =	shalt  }
0x7b: {  	_ =	shalt  }
0x7c: {  	_ =	shalt  }
0x7d: {  	_ =	shalt  }
0x7e: {  	_ =	shalt  }
0x7f: {  	_ =	shalt  }
0x80: {  	_ =	shalt  }
0x81: {  	_ =	shalt  }
0x82: {  	_ =	shalt  }
0x83: {  	_ =	shalt  }
0x84: {  	_ =	shalt  }
0x85: {  	_ =	shalt  }
0x86: {  	_ =	shalt  }
0x87: {  	_ =	shalt  }
.Lfunc_end0:
.L_simem_size_0:
called_computation.3_lowered:
.L_overlay_start_0:
0x88: {  	s2 =	sld [smem:$0x3FD9]  }
0x89: {  	s3 =	sld [smem:$0x3FFE];
	_ =	sdelay $0x1  }
0x8a: {  	s1 =	srdreg.scid  }
0x8b: {  	s0 =	sand.u32 $0x1, s1  }
0x8c: {  	s17 =	sshll.u32 s0, $0xA;
	s2 =	sadd.s32 s3, s2  }
0x8d: {  	s2 =	sadd.s32 s2, s17  }
0x8e: {  	[smem:$0x3F8D] =	sst s2  }
0x8f: {  	_ = 	snop  }
0x90: {  	(tm) =	ssettm $0x1  }
0x91: {  	s18 =	sld [smem:$0x3FFB];
	_ =	sdelay $0x3  }
0x92: {  	_ =	strace s18  }
0x93: {  	s2 =	sld [smem:$0x3FFC];
	_ =	sdelay $0x3  }
0x94: {  	_ =	strace s2  }
0x95: {  	s2 =	sld [smem:$0x3FFD];
	_ =	sdelay $0x3  }
0x96: {  	_ =	strace s2  }
0x97: {  	_ =	strace $0x8FFFFFFF  }
0x98: {  	s19 =	sld [smem:$0x3FDB];
	_ =	sdelay $0x1  }
0x99: {  	s20 =	simm.s32 $_scs_section_size  }
0x9a: {  	s4 =	simm.s32 $_size__tile_overlayer_lowered;
	s5 =	simm.s32 $_tile_overlayer_lowered  }
0x9b: {  	s6 =	simm.s32 $0x1BFF;
	s21 =	sshll.u32 s5, $0x1;
	s3 =	sadd.s32 s20, s19  }
0x9c: {  	s22 =	simm.s32 $0x0;
	s4 =	sshll.u32 s4, $0x1;
	s5 =	sadd.s32 s21, s3  }
0x9d: {  	[timem:s22], [sflag:s6] =	dma.local [hbm:s5], s4  }
0x9e: {  	_ =	swait.ge [sflag:s6], s4  }
0x9f: {  	s4 =	ssub.s32 $0x0, s4;
	[sflag:s6] =	ssyncset.done $0x0  }
0xa0: {  	[sflag:s6] =	ssyncadd.s32 s4;
	_ =	sdelay $0x1  }
0xa1: {  	s23 =	simm.s32 $0x1B8B  }
0xa2: {  	_ =	swait.ge [sflag:s23], $0x1  }
0xa3: {  	[sflag:s23] =	ssyncset.done $0x0  }
0xa4: {  	[sflag:s23] =	ssyncadd.s32 $0xFFFFFFFF  }
0xa5: {  	s4 =	sld [smem:$0x0]  }
0xa6: {  	s5 =	sand.u32 $0xFFFFFFFE, s1  }
0xa7: {  	p0 =	sne.s32 s1, s5  }
0xa8: {  	s5 =	sshll.u32 @p0 s5, $0xE  }
0xa9: {  	s5 =	sadd.s32 @p0 $0x11B8D, s5;
	s6 =	sshll.u32 @p0 s4, $0x11  }
0xaa: {  	s5 =	sor.u32 @p0 s6, s5  }
0xab: {  	[sflag:s5] =	ssyncadd.remote.s32 @p0 $0x1;
	_ =	sdelay $0x1  }
0xac: {  	s5 =	simm.s32 @p0 $0x1B8D  }
0xad: {  	_ =	swait.eq @p0 [sflag:s5], $0x1  }
0xae: {  	[sflag:s5] =	ssyncadd.s32 @p0 $0xFFFFFFFF  }
0xaf: {  	s6 =	sshll.u32 @!p0 s1, $0xE  }
0xb0: {  	s6 =	sor.u32 @!p0 $0x4000, s6;
	s5 =	simm.s32 @!p0 $0x1B8D  }
0xb1: {  	s4 =	sshll.u32 @!p0 s4, $0x11;
	s6 =	sadd.s32 @!p0 $0x11B8D, s6;
	_ =	swait.eq @!p0 [sflag:s5], $0x1  }
0xb2: {  	s4 =	sor.u32 @!p0 s4, s6;
	[sflag:s5] =	ssyncadd.s32 @!p0 $0xFFFFFFFF  }
0xb3: {  	s25 =	simm.s32 $0x1B8E;
	s24 =	sld [smem:$0x3FFE];
	[sflag:s4] =	ssyncadd.remote.s32 @!p0 $0x1  }
0xb4: {  	s26 =	simm.s32 $execute0_lowered;
	[smem:$0x3FD2] =	sst s25  }
0xb5: {  	s5 =	sshll.u32 s26, $0x1;
	_ =	strace $0x8000004F;
	[dreg:$0x1] =	wrdreg $0xFFFFFFFF  }
0xb6: {  	s28 =	simm.s32 $_size_execute0_lowered;
	s3 =	sadd.s32 s3, s5;
	[dreg:$0x0] =	wrdreg $0x0  }
0xb7: {  	s5 =	sshll.u32 s28, $0x1;
	[dreg:$0x2] =	wrdreg s3  }
0xb8: {  	[dreg:$0x3] =	wrdreg s5  }
0xb9: {  	[dreg:$0x4] =	wrdreg $0xC0  }
0xba: {  	_ =	task [dreg:s22], $0x5FFFF  }
0xbb: {  	[dreg:$0x1] =	wrdreg $0xFFFFFFFF  }
0xbc: {  	[dreg:$0x0] =	wrdreg $0x60  }
0xbd: {  	[dreg:$0x2] =	wrdreg s24  }
0xbe: {  	[dreg:$0x3] =	wrdreg $0xA  }
0xbf: {  	_ =	task.clear_ibuf [dreg:s22], $0x4FFFF;
	_ =	strace $0x9000004F  }
0xc0: {  	s29 =	simm.s32 $0xA;
	_ =	strace $0x80000051  }
0xc1: {  	_ =	swait.ge [sflag:s29], $0x1  }
0xc2: {  	[sflag:s29] =	ssyncadd.s32 $0xFFFFFFFF  }
0xc3: {  	_ =	strace $0x90000051  }
0xc4: {  	_ =	sfence  }
0xc5: {  	s30 =	sld [smem:$0x0];
	_ =	sdelay $0x2  }
0xc6: {  	s31 =	sshll.u32 s1, $0xD;
	s1 =	sshrl.u32 s1, $0x2  }
0xc7: {  	s4 =	sand.u32 $0x4000, s31;
	s1 =	sadd.s32 s1, s30  }
0xc8: {  	s0 =	sor.u32 s4, s0;
	s1 =	sshll.u32 s1, $0x11  }
0xc9: {  	s0 =	sor.u32 s1, s0  }
0xca: {  	s0 =	sadd.s32 $0x8F2B, s0  }
0xcb: {  	[sflag:s0] =	ssyncadd.remote.s32 $0x1  }
0xcc: {  	_ =	sfence.sel $0xFFFF  }
0xcd: {  	[dreg:$0x0] =	wrdreg $0xFFFFFFFF;
	(pc) =	sbr.abs _section_cstart, $3  }
0xce: {  	[dreg:$0x1] =	wrdreg $0xFFFFFFFF  }
0xcf: {  	_ =	task.clear_ibuf [dreg:s22], $0x2FFFF;
	_ =	strace $0x9FFFFFFF  }
0xd0: {  	(tm) =	ssettm $0x7FFFFFFF  }
0xd1: {  	_ =	shalt  }
tec
execute0_lowered:
.L_overlay_start_1:
0x0: {  	(tag) =	ssettag $0x1  }
0x1: {  	s1 =	srdreg.scid  }
0x2: {  	s0 =	stileid.u32;
	s4 =	rddreg [dreg:$0x0];
	s2 =	simm.s32 $0x0  }
0x3: {  	s13 =	simm.s32 $0x5400;
	s14 =	simm.s32 $0x1;
	s15 =	simm.s32 $0x2  }
0x4: {  	s16 =	simm.s32 $0x3;
	s17 =	simm.s32 $0x4;
	s11 =	smul.u32 $0x140000, s0  }
0x5: {  	s6 =	sand.u32 $0x1, s1;
	s3 =	sshll.u32 s0, $0x1;
	s26 =	smul.u32 $0x28000, s0  }
0x6: {  	s18 =	simm.s32 $0x0;
	s5 =	sor.u32 s6, s3;
	s25 =	smul.u32 $0xA0000, s6  }
0x7: {  	[smem:$0x7FF] =	sst s2;
	s12 =	sadd.s32 $0x343600, s4;
	s7 =	smul.u32 $0x1400, s5  }
0x8: {  	s1 =	rddreg [dreg:$0x1];
	_ =	strace $0x80000050;
	s8 =	smul.u32 $0xA0000, s5  }
0x9: {  	s3 =	sadd.s32 $0x6E600, s4;
	s9 =	ssub.s32 $0x2, s6;
	s10 =	smul.u32 $0x14000, s5  }
0xa: {  	s28 =	smul.u32 $0x14000, s6;
	s24 =	sshrl.u32 s9, $0x1;
	s7 =	sshrl.u32 s7, $0x3  }
0xb: {  	s8 =	sshrl.u32 s8, $0x3;
	s30 =	sadd.s32 s10, s12;
	s10 =	simm.s32 $0x5  }
0xc: {  	s23 =	sadd.s32 s7, s4;
	s7 =	ssub.s32 s9, s24;
	s9 =	sadd.s32 s25, s11  }
0xd: {  	s6 =	sadd.s32 s12, s8;
	s11 =	simm.s32 $0x80;
	s4 =	sadd.s32 $0x33E600, s23  }
0xe: {  	s5 =	smax.u32 s7, $0x1;
	s29 =	sor.u32 $0x8000, s9;
	s7 =	sadd.s32 s26, s12  }
0xf: {  	s8 =	sshrl.u32 s29, $0x3;
	s31 =	sadd.s32 s28, s7;
	s7 =	sadd.s32 $0x800, s30  }
0x10: {  	s8 =	sadd.s32 s8, s12;
	s9 =	sadd.s32 $0x1800, s31;
	s12 =	simm.s32 $0x1400  }
.LBB2_1:
0x11: {  	[tilespmem:s2], [sflag:$0x5] =	stream.linear.gather [hbm4b:s4+s2], $0x1400, $0x38;
	[tilespmem:$0x9400] =	vst v63  }
0x12: {  	_ =	swait.ge [sflag:s10], $0x1400  }
0x13: {  	[sflag:s10] =	ssyncset.done $0x0  }
0x14: {  	[sflag:s10] =	ssyncadd.s32 $0xFFFFEC00  }
0x15: {  	[tilespmem:s12], [sflag:$0x1] =	stream.indirect.gather [hbm4b:s3+s11], $0x80, s2, s11, $0xb8;
	[tilespmem:$0x9400] =	vst v63  }
0x16: {  	_ = 	snop  }
0x17: {  	[tilespmem:s13], [sflag:$0x2] =	stream.indirect.gather [hbm4b:s3+s11], $0x80, s11, s11, $0xb8;
	[tilespmem:$0x9400] =	vst v63  }
0x18: {  	_ =	swait.ge [sflag:s14], $0x4000  }
0x19: {  	[sflag:s14] =	ssyncset.done $0x0  }
0x1a: {  	[sflag:s14] =	ssyncadd.s32 $0xFFFFC000  }
0x1b: {  	[hbm4b:s6+s2] =	stream.linear.scatter [tilespmem:s12], [sflag:$0x3], $0x4000, $0x38;
	[tilespmem:$0x9400] =	vst v63  }
0x1c: {  	_ =	swait.ge [sflag:s15], $0x4000  }
0x1d: {  	[sflag:s15] =	ssyncset.done $0x0  }
0x1e: {  	[sflag:s15] =	ssyncadd.s32 $0xFFFFC000  }
0x1f: {  	[hbm4b:s7+s2] =	stream.linear.scatter [tilespmem:s13], [sflag:$0x4], $0x4000, $0x38;
	[tilespmem:$0x9400] =	vst v63  }
0x20: {  	_ =	swait.ge [sflag:s16], $0x4000  }
0x21: {  	[sflag:s16] =	ssyncset.done $0x0  }
0x22: {  	[sflag:s16] =	ssyncadd.s32 $0xFFFFC000  }
0x23: {  	_ =	swait.ge [sflag:s17], $0x4000  }
0x24: {  	[sflag:s17] =	ssyncset.done $0x0  }
0x25: {  	s19 =	simm.s32 $0x100;
	[sflag:s17] =	ssyncadd.s32 $0xFFFFC000  }
0x26: {  	[tilespmem:s12], [sflag:$0x1] =	stream.indirect.gather [hbm4b:s3+s11], $0x80, s19, s11, $0xb8;
	[tilespmem:$0x9400] =	vst v63  }
0x27: {  	s30 =	simm.s32 $0x180  }
0x28: {  	[tilespmem:s13], [sflag:$0x2] =	stream.indirect.gather [hbm4b:s3+s11], $0x80, s30, s11, $0xb8;
	[tilespmem:$0x9400] =	vst v63  }
0x29: {  	_ =	swait.ge [sflag:s14], $0x4000  }
0x2a: {  	[sflag:s14] =	ssyncset.done $0x0  }
0x2b: {  	s31 =	sadd.s32 $0x0, s8;
	[sflag:s14] =	ssyncadd.s32 $0xFFFFC000  }
0x2c: {  	[hbm4b:s31+s2] =	stream.linear.scatter [tilespmem:s12], [sflag:$0x3], $0x4000, $0x38;
	[tilespmem:$0x9400] =	vst v63  }
0x2d: {  	_ =	swait.ge [sflag:s15], $0x4000  }
0x2e: {  	s21 =	sadd.s32 $0x0, s9;
	[sflag:s15] =	ssyncset.done $0x0  }
0x2f: {  	s20 =	simm.s32 $0x200;
	s19 =	simm.s32 $0x1000;
	[sflag:s15] =	ssyncadd.s32 $0xFFFFC000  }
.LBB2_2:
0x30: {  	[hbm4b:s21+s2] =	stream.linear.scatter [tilespmem:s13], [sflag:$0x4], $0x4000, $0x38;
	[tilespmem:$0x9400] =	vst v63  }
0x31: {  	s21 =	smov.u32 s19  }
0x32: {  	p0 =	sne.s32 s19, $0x12000;
	s19 =	sadd.s32 $0x1000, s19;
	_ =	swait.ge [sflag:s16], $0x4000  }
0x33: {  	[sflag:s16] =	ssyncset.done $0x0  }
0x34: {  	[sflag:s16] =	ssyncadd.s32 $0xFFFFC000  }
0x35: {  	_ =	swait.ge [sflag:s17], $0x4000  }
0x36: {  	[sflag:s17] =	ssyncset.done $0x0  }
0x37: {  	[sflag:s17] =	ssyncadd.s32 $0xFFFFC000  }
0x38: {  	[tilespmem:s12], [sflag:$0x1] =	stream.indirect.gather [hbm4b:s3+s11], $0x80, s20, s11, $0xb8;
	[tilespmem:$0x9400] =	vst v63  }
0x39: {  	s22 =	sadd.s32 $0x80, s20  }
0x3a: {  	[tilespmem:s13], [sflag:$0x2] =	stream.indirect.gather [hbm4b:s3+s11], $0x80, s22, s11, $0xb8;
	[tilespmem:$0x9400] =	vst v63  }
0x3b: {  	_ =	swait.ge [sflag:s14], $0x4000  }
0x3c: {  	[sflag:s14] =	ssyncset.done $0x0  }
.Ltmp0:
0x3d: {  	s22 =	sadd.s32 s21, s8;
	[sflag:s14] =	ssyncadd.s32 $0xFFFFC000;
	(pc) =	sbr.rel @p0 .LBB2_2-.Ltmp0, $4  }
0x3e: {  	[hbm4b:s22+s2] =	stream.linear.scatter [tilespmem:s12], [sflag:$0x3], $0x4000, $0x38;
	[tilespmem:$0x9400] =	vst v63  }
0x3f: {  	_ =	swait.ge [sflag:s15], $0x4000  }
0x40: {  	[sflag:s15] =	ssyncset.done $0x0  }
0x41: {  	s20 =	sadd.s32 $0x100, s20;
	s21 =	sadd.s32 s21, s9;
	[sflag:s15] =	ssyncadd.s32 $0xFFFFC000  }
0x42: {  	[hbm4b:s21+s2] =	stream.linear.scatter [tilespmem:s13], [sflag:$0x4], $0x4000, $0x38;
	[tilespmem:$0x9400] =	vst v63  }
0x43: {  	s18 =	sadd.s32 $0x1, s18  }
0x44: {  	_ =	swait.ge [sflag:s16], $0x4000;
	p0 =	sne.s32 s18, s5  }
.Ltmp1:
0x45: {  	[sflag:s16] =	ssyncset.done $0x0;
	(pc) =	sbr.rel @p0 .LBB2_1-.Ltmp1, $4  }
0x46: {  	[sflag:s16] =	ssyncadd.s32 $0xFFFFC000  }
0x47: {  	_ =	swait.ge [sflag:s17], $0x4000  }
0x48: {  	[sflag:s17] =	ssyncset.done $0x0  }
0x49: {  	[sflag:s17] =	ssyncadd.s32 $0xFFFFC000  }
0x4a: {  	_ =	sfence.sel $0x180000  }
0x4b: {  	[bflag:$0x0] =	sbarrier.arrive $0xFFFF  }
0x4c: {  	p0 =	sne.s32 s0, $0x0;
	_ =	strace $0x90000050  }
0x4d: {  	s0 =	sadd.s32 @!p0 $0x100000, s1;
	[bflag:$0x2] =	sbarrier.arrive $0xFFFF  }
0x4e: {  	[sflag:s0] =	ssyncadd.tile.s32 @!p0 $0x1;
	_ =	shalt  }
.Lfunc_end2:
_tile_overlayer_lowered:
.L_overlay_start_2:
0x4f: {  	(tag) =	ssettag $0x2  }
0x50: {  	s0 =	rddreg [dreg:$0x0];
	s2 =	stileid.u32  }
0x51: {  	s1 =	rddreg [dreg:$0x1];
	p0 =	sne.s32 s2, $0x0  }
0x52: {  	s3 =	rddreg [dreg:$0x2];
	[bflag:$0x3] =	sbarrier.arrive $0xFFFF;
	s2 =	simm.s32 @!p0 $0x1C05  }
0x53: {  	[timem:s3], [sflag:s2] =	dma.local @!p0 [hbm:s0], s1  }
0x54: {  	s0 =	simm.s32 @!p0 $0x5  }
0x55: {  	_ =	swait.ge @!p0 [sflag:s0], s1  }
0x56: {  	s1 =	ssub.s32 @!p0 $0x0, s1;
	[sflag:s0] =	ssyncset.done @!p0 $0x0  }
0x57: {  	[sflag:s0] =	ssyncadd.s32 @!p0 s1  }
0x58: {  	[bflag:$0x3] =	sbarrier.arrive $0xFFFF  }
0x59: {  	_ =	shalt  }

// kernel: kernel.54.cloned.1.call-start
scs
__scs_entry_jumppad:
0x0: {  	(pc) =	sbr.rel $0x88, $3  }
0x1: {  	(tag) =	ssettag $0x0;
	lr =	simm.s32 $0x1  }
0x2: {  	[smem:$0x3F66] =	sst lr;
	_ =	strace $0xD0000000  }
0x3: {  	_ = 	snop  }
0x4: {  	_ = 	snop  }
0x5: {  	_ = 	snop  }
0x6: {  	_ = 	snop  }
0x7: {  	_ = 	snop  }
__scs_overlays_trampoline_lowered:
0x8: {  	[smem:$0x3F75] =	sst s0  }
0x9: {  	[smem:$0x3F76] =	sst s1  }
0xa: {  	[smem:$0x3F77] =	sst s2  }
0xb: {  	[smem:$0x3F78] =	sst s3  }
0xc: {  	[smem:$0x3F79] =	sst s4  }
0xd: {  	[smem:$0x3F7A] =	sst s5  }
0xe: {  	[smem:$0x3F7B] =	sst s6  }
0xf: {  	[smem:$0x3F7C] =	sst s7  }
0x10: {  	[smem:$0x3F7D] =	sst s8  }
0x11: {  	[smem:$0x3F7E] =	sst s9;
	s0 =	simm.s32 @!p0 $0x0  }
0x12: {  	s1 =	sld [smem:$0x3F64];
	s0 =	simm.s32 @p0 $0x1  }
0x13: {  	[smem:$0x3F7F] =	sst s0;
	s0 =	simm.s32 @!p1 $0x0  }
0x14: {  	s2 =	sld [smem:$0x3F63];
	s0 =	simm.s32 @p1 $0x1  }
0x15: {  	[smem:$0x3F80] =	sst s0;
	s0 =	simm.s32 @!p2 $0x0  }
0x16: {  	s3 =	sld [smem:$0x3FDB];
	s0 =	simm.s32 @p2 $0x1  }
0x17: {  	s4 =	simm.s32 $0x1BF5;
	[smem:$0x3F82] =	sst s0  }
0x18: {  	s0 =	sld [smem:$0x3F65];
	_ =	swait.ge [sflag:s4], $0x0  }
0x19: {  	s7 =	sld [smem:$0x3F66]  }
0x1a: {  	s8 =	sadd.s32 $0xFFFFE003, lr  }
0x1b: {  	s9 =	sadd.s32 $0xFFFFFEF7, lr;
	s5 =	simm.s32 $0xFFFFFFFF;
	p2 =	slt.u32 s8, $0xFFFFF086  }
0x1c: {  	p1 =	slt.u32 s9, $0xF7A;
	s5 =	simm.s32 @!p2 $0x0  }
0x1d: {  	s5 =	simm.s32 @p1 $0x1;
	p0 =	seq.s32 s7, s2  }
0x1e: {  	s7 =	smul.u32 @!p0 $0xF7A, s2;
	p2 =	seq.s32 @!p0 s5, $0x0  }
0x1f: {  	s9 =	smul.u32 $0xF7A, s1;
	s8 =	simm.s32 @!p0 $0x1BF5;
	p2 =	por !p2, p0  }
0x20: {  	[sflag:s8] =	ssyncset.s32 @!p0 $0xFFFFF086;
	s6 =	sadd.s32 @!p0 s3, s7;
	s7 =	simm.s32 @!p0 $0x108  }
0x21: {  	s3 =	sadd.s32 s3, s9;
	s6 =	sadd.s32 @!p0 $0x88, s6;
	s7 =	simm.s32 @p2 $0x1082  }
0x22: {  	[simem:s7], [sflag:s8] =	dma.local @!p0 [hbm:s6], $0xF7A  }
0x23: {  	s9 =	sor.u32 $0xD0000000, s2;
	s6 =	simm.s32 $0x108;
	_ =	swait.ge @!p0 [sflag:s8], $0x0  }
0x24: {  	s3 =	sadd.s32 $0x88, s3;
	s6 =	simm.s32 @!p1 $0x1082;
	[sflag:s4] =	ssyncset.s32 $0xFFFFF086  }
0x25: {  	[simem:s6], [sflag:s4] =	dma.local [hbm:s3], $0xF7A  }
0x26: {  	[smem:$0x3F66] =	sst s1;
	(tag) =	ssettag s2;
	_ =	strace s9  }
0x27: {  	s1 =	sld [smem:$0x3F76]  }
0x28: {  	s2 =	sld [smem:$0x3F77]  }
0x29: {  	s4 =	sld [smem:$0x3F79]  }
0x2a: {  	p0 =	seq.s32 s5, $0x0;
	s5 =	sld [smem:$0x3F7A]  }
0x2b: {  	s6 =	sld [smem:$0x3F7B]  }
0x2c: {  	s7 =	sld [smem:$0x3F7C]  }
0x2d: {  	s3 =	simm.s32 $0x108;
	s8 =	sld [smem:$0x3F7D]  }
0x2e: {  	s3 =	simm.s32 @!p0 $0x1082;
	s9 =	sld [smem:$0x3F7E]  }
0x2f: {  	lr =	sadd.s32 s0, s3;
	s0 =	sld [smem:$0x3F75]  }
0x30: {  	s3 =	sld [smem:$0x3F78]  }
0x31: {  	[smem:$0x3F81] =	sst s10  }
0x32: {  	s10 =	sld [smem:$0x3F7F];
	_ =	sdelay $0x3  }
0x33: {  	p0 =	seq.s32 s10, $0x1;
	s10 =	sld [smem:$0x3F81];
	_ =	sdelay $0x3  }
0x34: {  	[smem:$0x3F81] =	sst s10  }
0x35: {  	s10 =	sld [smem:$0x3F80];
	_ =	sdelay $0x3  }
0x36: {  	p1 =	seq.s32 s10, $0x1;
	s10 =	sld [smem:$0x3F81];
	_ =	sdelay $0x3  }
0x37: {  	[smem:$0x3F81] =	sst s10  }
0x38: {  	s10 =	sld [smem:$0x3F82]  }
0x39: {  	_ = 	snop;
	(pc) =	sbr.ind lr, $3  }
0x3a: {  	_ = 	snop  }
0x3b: {  	_ = 	snop  }
0x3c: {  	p2 =	seq.s32 s10, $0x1;
	s10 =	sld [smem:$0x3F81]  }
0x3d: {  	_ =	shalt  }
0x3e: {  	_ =	shalt  }
0x3f: {  	_ =	shalt  }
0x40: {  	_ =	shalt  }
0x41: {  	_ =	shalt  }
0x42: {  	_ =	shalt  }
0x43: {  	_ =	shalt  }
0x44: {  	_ =	shalt  }
0x45: {  	_ =	shalt  }
0x46: {  	_ =	shalt  }
0x47: {  	_ =	shalt  }
0x48: {  	_ =	shalt  }
0x49: {  	_ =	shalt  }
0x4a: {  	_ =	shalt  }
0x4b: {  	_ =	shalt  }
0x4c: {  	_ =	shalt  }
0x4d: {  	_ =	shalt  }
0x4e: {  	_ =	shalt  }
0x4f: {  	_ =	shalt  }
0x50: {  	_ =	shalt  }
0x51: {  	_ =	shalt  }
0x52: {  	_ =	shalt  }
0x53: {  	_ =	shalt  }
0x54: {  	_ =	shalt  }
0x55: {  	_ =	shalt  }
0x56: {  	_ =	shalt  }
0x57: {  	_ =	shalt  }
0x58: {  	_ =	shalt  }
0x59: {  	_ =	shalt  }
0x5a: {  	_ =	shalt  }
0x5b: {  	_ =	shalt  }
0x5c: {  	_ =	shalt  }
0x5d: {  	_ =	shalt  }
0x5e: {  	_ =	shalt  }
0x5f: {  	_ =	shalt  }
0x60: {  	_ =	shalt  }
0x61: {  	_ =	shalt  }
0x62: {  	_ =	shalt  }
0x63: {  	_ =	shalt  }
0x64: {  	_ =	shalt  }
0x65: {  	_ =	shalt  }
0x66: {  	_ =	shalt  }
0x67: {  	_ =	shalt  }
0x68: {  	_ =	shalt  }
0x69: {  	_ =	shalt  }
0x6a: {  	_ =	shalt  }
0x6b: {  	_ =	shalt  }
0x6c: {  	_ =	shalt  }
0x6d: {  	_ =	shalt  }
0x6e: {  	_ =	shalt  }
0x6f: {  	_ =	shalt  }
0x70: {  	_ =	shalt  }
0x71: {  	_ =	shalt  }
0x72: {  	_ =	shalt  }
0x73: {  	_ =	shalt  }
0x74: {  	_ =	shalt  }
0x75: {  	_ =	shalt  }
0x76: {  	_ =	shalt  }
0x77: {  	_ =	shalt  }
0x78: {  	_ =	shalt  }
0x79: {  	_ =	shalt  }
0x7a: {  	_ =	shalt  }
0x7b: {  	_ =	shalt  }
0x7c: {  	_ =	shalt  }
0x7d: {  	_ =	shalt  }
0x7e: {  	_ =	shalt  }
0x7f: {  	_ =	shalt  }
0x80: {  	_ =	shalt  }
0x81: {  	_ =	shalt  }
0x82: {  	_ =	shalt  }
0x83: {  	_ =	shalt  }
0x84: {  	_ =	shalt  }
0x85: {  	_ =	shalt  }
0x86: {  	_ =	shalt  }
0x87: {  	_ =	shalt  }
.Lfunc_end0:
.L_simem_size_0:
called_computation.4_lowered:
.L_overlay_start_0:
0x88: {  	s2 =	sld [smem:$0x3FD9]  }
0x89: {  	s3 =	sld [smem:$0x3FFE];
	_ =	sdelay $0x1  }
0x8a: {  	s1 =	srdreg.scid  }
0x8b: {  	s0 =	sand.u32 $0x1, s1  }
0x8c: {  	s16 =	sshll.u32 s0, $0xA;
	s2 =	sadd.s32 s3, s2  }
0x8d: {  	s2 =	sadd.s32 s2, s16  }
0x8e: {  	[smem:$0x3F8D] =	sst s2  }
0x8f: {  	_ = 	snop  }
0x90: {  	(tm) =	ssettm $0x1  }
0x91: {  	s17 =	sld [smem:$0x3FFB];
	_ =	sdelay $0x3  }
0x92: {  	_ =	strace s17  }
0x93: {  	s2 =	sld [smem:$0x3FFC];
	_ =	sdelay $0x3  }
0x94: {  	_ =	strace s2  }
0x95: {  	s2 =	sld [smem:$0x3FFD];
	_ =	sdelay $0x3  }
0x96: {  	_ =	strace s2  }
0x97: {  	_ =	strace $0x8FFFFFFF  }
0x98: {  	s18 =	sld [smem:$0x3FDB];
	_ =	sdelay $0x1  }
0x99: {  	s19 =	simm.s32 $_scs_section_size  }
0x9a: {  	s4 =	simm.s32 $_size__tile_overlayer_lowered;
	s5 =	simm.s32 $_tile_overlayer_lowered  }
0x9b: {  	s22 =	simm.s32 $0x1BFF;
	s21 =	sshll.u32 s5, $0x1;
	s2 =	sadd.s32 s19, s18  }
0x9c: {  	s6 =	simm.s32 $0x0;
	s20 =	sshll.u32 s4, $0x1;
	s4 =	sadd.s32 s21, s2  }
0x9d: {  	[timem:s6], [sflag:s22] =	dma.local [hbm:s4], s20  }
0x9e: {  	_ =	swait.ge [sflag:s22], s20  }
0x9f: {  	s3 =	ssub.s32 $0x0, s20;
	[sflag:s22] =	ssyncset.done $0x0  }
0xa0: {  	[sflag:s22] =	ssyncadd.s32 s3;
	_ =	sdelay $0x1  }
0xa1: {  	s23 =	simm.s32 $0x1B8B  }
0xa2: {  	_ =	swait.ge [sflag:s23], $0x1  }
0xa3: {  	[sflag:s23] =	ssyncset.done $0x0  }
0xa4: {  	s25 =	simm.s32 $0x1B8E;
	s24 =	sld [smem:$0x3FFE];
	[sflag:s23] =	ssyncadd.s32 $0xFFFFFFFF  }
0xa5: {  	s26 =	simm.s32 $execute0_lowered;
	[smem:$0x3FD2] =	sst s25  }
0xa6: {  	s4 =	sshll.u32 s26, $0x1;
	_ =	strace $0x80000052;
	[dreg:$0x1] =	wrdreg $0xFFFFFFFF  }
0xa7: {  	s28 =	simm.s32 $_size_execute0_lowered;
	s2 =	sadd.s32 s2, s4;
	[dreg:$0x0] =	wrdreg $0x0  }
0xa8: {  	s4 =	sshll.u32 s28, $0x1;
	[dreg:$0x2] =	wrdreg s2  }
0xa9: {  	[dreg:$0x3] =	wrdreg s4  }
0xaa: {  	[dreg:$0x4] =	wrdreg $0xC0  }
0xab: {  	_ =	task [dreg:s6], $0x5FFFF  }
0xac: {  	[dreg:$0x1] =	wrdreg $0xFFFFFFFF  }
0xad: {  	[dreg:$0x0] =	wrdreg $0x60  }
0xae: {  	[dreg:$0x2] =	wrdreg s24  }
0xaf: {  	[dreg:$0x3] =	wrdreg $0x9  }
0xb0: {  	_ =	task.clear_ibuf [dreg:s6], $0x4FFFF;
	_ =	strace $0x90000052  }
0xb1: {  	s29 =	simm.s32 $0x9;
	_ =	strace $0x80000054  }
0xb2: {  	_ =	swait.ge [sflag:s29], $0x1  }
0xb3: {  	[sflag:s29] =	ssyncadd.s32 $0xFFFFFFFF  }
0xb4: {  	_ =	strace $0x90000054  }
0xb5: {  	_ =	sfence  }
0xb6: {  	s30 =	sld [smem:$0x0];
	_ =	sdelay $0x2  }
0xb7: {  	s31 =	sshll.u32 s1, $0xD;
	s1 =	sshrl.u32 s1, $0x2  }
0xb8: {  	s3 =	sand.u32 $0x4000, s31;
	s1 =	sadd.s32 s1, s30  }
0xb9: {  	s0 =	sor.u32 s3, s0;
	s1 =	sshll.u32 s1, $0x11  }
0xba: {  	s0 =	sor.u32 s1, s0  }
0xbb: {  	s0 =	sadd.s32 $0x8F2B, s0  }
0xbc: {  	[sflag:s0] =	ssyncadd.remote.s32 $0x1  }
0xbd: {  	_ =	sfence.sel $0xFFFF  }
0xbe: {  	[dreg:$0x0] =	wrdreg $0xFFFFFFFF;
	(pc) =	sbr.abs _section_cstart, $3  }
0xbf: {  	[dreg:$0x1] =	wrdreg $0xFFFFFFFF  }
0xc0: {  	_ =	task.clear_ibuf [dreg:s6], $0x2FFFF;
	_ =	strace $0x9FFFFFFF  }
0xc1: {  	(tm) =	ssettm $0x7FFFFFFF  }
tec
execute0_lowered:
.L_overlay_start_1:
0x0: {  	(tag) =	ssettag $0x1  }
0x1: {  	s1 =	srdreg.scid  }
0x2: {  	s0 =	stileid.u32;
	s4 =	rddreg [dreg:$0x0];
	s2 =	simm.s32 $0x0  }
0x3: {  	s13 =	simm.s32 $0x5400;
	s14 =	simm.s32 $0x1;
	s15 =	simm.s32 $0x2  }
0x4: {  	s16 =	simm.s32 $0x3;
	s17 =	simm.s32 $0x4;
	s11 =	smul.u32 $0x140000, s0  }
0x5: {  	s6 =	sand.u32 $0x1, s1;
	s3 =	sshll.u32 s0, $0x1;
	s26 =	smul.u32 $0x28000, s0  }
0x6: {  	s1 =	rddreg [dreg:$0x1];
	s5 =	sor.u32 s6, s3;
	s25 =	smul.u32 $0xA0000, s6  }
0x7: {  	s18 =	simm.s32 $0x0;
	[smem:$0x7FF] =	sst s2;
	s7 =	smul.u32 $0x1400, s5  }
0x8: {  	s12 =	sadd.s32 $0xBE600, s4;
	_ =	strace $0x80000053;
	s8 =	smul.u32 $0xA0000, s5  }
0x9: {  	s3 =	sadd.s32 $0x6E600, s4;
	s9 =	ssub.s32 $0x2, s6;
	s10 =	smul.u32 $0x14000, s5  }
0xa: {  	s28 =	smul.u32 $0x14000, s6;
	s24 =	sshrl.u32 s9, $0x1;
	s7 =	sshrl.u32 s7, $0x3  }
0xb: {  	s8 =	sshrl.u32 s8, $0x3;
	s30 =	sadd.s32 s10, s12;
	s10 =	simm.s32 $0x5  }
0xc: {  	s23 =	sadd.s32 s7, s4;
	s7 =	ssub.s32 s9, s24;
	s9 =	sadd.s32 s25, s11  }
0xd: {  	s6 =	sadd.s32 s12, s8;
	s11 =	simm.s32 $0x80;
	s4 =	sadd.s32 $0x41600, s23  }
0xe: {  	s5 =	smax.u32 s7, $0x1;
	s29 =	sor.u32 $0x8000, s9;
	s7 =	sadd.s32 s26, s12  }
0xf: {  	s8 =	sshrl.u32 s29, $0x3;
	s31 =	sadd.s32 s28, s7;
	s7 =	sadd.s32 $0x800, s30  }
0x10: {  	s8 =	sadd.s32 s8, s12;
	s9 =	sadd.s32 $0x1800, s31;
	s12 =	simm.s32 $0x1400  }
.LBB2_1:
0x11: {  	[tilespmem:s2], [sflag:$0x5] =	stream.linear.gather [hbm4b:s4+s2], $0x1400, $0x38;
	[tilespmem:$0x9400] =	vst v63  }
0x12: {  	_ =	swait.ge [sflag:s10], $0x1400  }
0x13: {  	[sflag:s10] =	ssyncset.done $0x0  }
0x14: {  	[sflag:s10] =	ssyncadd.s32 $0xFFFFEC00  }
0x15: {  	[tilespmem:s12], [sflag:$0x1] =	stream.indirect.gather [hbm4b:s3+s11], $0x80, s2, s11, $0xb8;
	[tilespmem:$0x9400] =	vst v63  }
0x16: {  	_ = 	snop  }
0x17: {  	[tilespmem:s13], [sflag:$0x2] =	stream.indirect.gather [hbm4b:s3+s11], $0x80, s11, s11, $0xb8;
	[tilespmem:$0x9400] =	vst v63  }
0x18: {  	_ =	swait.ge [sflag:s14], $0x4000  }
0x19: {  	[sflag:s14] =	ssyncset.done $0x0  }
0x1a: {  	[sflag:s14] =	ssyncadd.s32 $0xFFFFC000  }
0x1b: {  	[hbm4b:s6+s2] =	stream.linear.scatter [tilespmem:s12], [sflag:$0x3], $0x4000, $0x38;
	[tilespmem:$0x9400] =	vst v63  }
0x1c: {  	_ =	swait.ge [sflag:s15], $0x4000  }
0x1d: {  	[sflag:s15] =	ssyncset.done $0x0  }
0x1e: {  	[sflag:s15] =	ssyncadd.s32 $0xFFFFC000  }
0x1f: {  	[hbm4b:s7+s2] =	stream.linear.scatter [tilespmem:s13], [sflag:$0x4], $0x4000, $0x38;
	[tilespmem:$0x9400] =	vst v63  }
0x20: {  	_ =	swait.ge [sflag:s16], $0x4000  }
0x21: {  	[sflag:s16] =	ssyncset.done $0x0  }
0x22: {  	[sflag:s16] =	ssyncadd.s32 $0xFFFFC000  }
0x23: {  	_ =	swait.ge [sflag:s17], $0x4000  }
0x24: {  	[sflag:s17] =	ssyncset.done $0x0  }
0x25: {  	s19 =	simm.s32 $0x100;
	[sflag:s17] =	ssyncadd.s32 $0xFFFFC000  }
0x26: {  	[tilespmem:s12], [sflag:$0x1] =	stream.indirect.gather [hbm4b:s3+s11], $0x80, s19, s11, $0xb8;
	[tilespmem:$0x9400] =	vst v63  }
0x27: {  	s30 =	simm.s32 $0x180  }
0x28: {  	[tilespmem:s13], [sflag:$0x2] =	stream.indirect.gather [hbm4b:s3+s11], $0x80, s30, s11, $0xb8;
	[tilespmem:$0x9400] =	vst v63  }
0x29: {  	_ =	swait.ge [sflag:s14], $0x4000  }
0x2a: {  	[sflag:s14] =	ssyncset.done $0x0  }
0x2b: {  	s31 =	sadd.s32 $0x0, s8;
	[sflag:s14] =	ssyncadd.s32 $0xFFFFC000  }
0x2c: {  	[hbm4b:s31+s2] =	stream.linear.scatter [tilespmem:s12], [sflag:$0x3], $0x4000, $0x38;
	[tilespmem:$0x9400] =	vst v63  }
0x2d: {  	_ =	swait.ge [sflag:s15], $0x4000  }
0x2e: {  	s21 =	sadd.s32 $0x0, s9;
	[sflag:s15] =	ssyncset.done $0x0  }
0x2f: {  	s20 =	simm.s32 $0x200;
	s19 =	simm.s32 $0x1000;
	[sflag:s15] =	ssyncadd.s32 $0xFFFFC000  }
.LBB2_2:
0x30: {  	[hbm4b:s21+s2] =	stream.linear.scatter [tilespmem:s13], [sflag:$0x4], $0x4000, $0x38;
	[tilespmem:$0x9400] =	vst v63  }
0x31: {  	s21 =	smov.u32 s19  }
0x32: {  	p0 =	sne.s32 s19, $0x12000;
	s19 =	sadd.s32 $0x1000, s19;
	_ =	swait.ge [sflag:s16], $0x4000  }
0x33: {  	[sflag:s16] =	ssyncset.done $0x0  }
0x34: {  	[sflag:s16] =	ssyncadd.s32 $0xFFFFC000  }
0x35: {  	_ =	swait.ge [sflag:s17], $0x4000  }
0x36: {  	[sflag:s17] =	ssyncset.done $0x0  }
0x37: {  	[sflag:s17] =	ssyncadd.s32 $0xFFFFC000  }
0x38: {  	[tilespmem:s12], [sflag:$0x1] =	stream.indirect.gather [hbm4b:s3+s11], $0x80, s20, s11, $0xb8;
	[tilespmem:$0x9400] =	vst v63  }
0x39: {  	s22 =	sadd.s32 $0x80, s20  }
0x3a: {  	[tilespmem:s13], [sflag:$0x2] =	stream.indirect.gather [hbm4b:s3+s11], $0x80, s22, s11, $0xb8;
	[tilespmem:$0x9400] =	vst v63  }
0x3b: {  	_ =	swait.ge [sflag:s14], $0x4000  }
0x3c: {  	[sflag:s14] =	ssyncset.done $0x0  }
.Ltmp0:
0x3d: {  	s22 =	sadd.s32 s21, s8;
	[sflag:s14] =	ssyncadd.s32 $0xFFFFC000;
	(pc) =	sbr.rel @p0 .LBB2_2-.Ltmp0, $4  }
0x3e: {  	[hbm4b:s22+s2] =	stream.linear.scatter [tilespmem:s12], [sflag:$0x3], $0x4000, $0x38;
	[tilespmem:$0x9400] =	vst v63  }
0x3f: {  	_ =	swait.ge [sflag:s15], $0x4000  }
0x40: {  	[sflag:s15] =	ssyncset.done $0x0  }
0x41: {  	s20 =	sadd.s32 $0x100, s20;
	s21 =	sadd.s32 s21, s9;
	[sflag:s15] =	ssyncadd.s32 $0xFFFFC000  }
0x42: {  	[hbm4b:s21+s2] =	stream.linear.scatter [tilespmem:s13], [sflag:$0x4], $0x4000, $0x38;
	[tilespmem:$0x9400] =	vst v63  }
0x43: {  	s18 =	sadd.s32 $0x1, s18  }
0x44: {  	_ =	swait.ge [sflag:s16], $0x4000;
	p0 =	sne.s32 s18, s5  }
.Ltmp1:
0x45: {  	[sflag:s16] =	ssyncset.done $0x0;
	(pc) =	sbr.rel @p0 .LBB2_1-.Ltmp1, $4  }
0x46: {  	[sflag:s16] =	ssyncadd.s32 $0xFFFFC000  }
0x47: {  	_ =	swait.ge [sflag:s17], $0x4000  }
0x48: {  	[sflag:s17] =	ssyncset.done $0x0  }
0x49: {  	[sflag:s17] =	ssyncadd.s32 $0xFFFFC000  }
0x4a: {  	_ =	sfence.sel $0x180000  }
0x4b: {  	[bflag:$0x0] =	sbarrier.arrive $0xFFFF  }
0x4c: {  	p0 =	sne.s32 s0, $0x0;
	_ =	strace $0x90000053  }
0x4d: {  	s0 =	sadd.s32 @!p0 $0x100000, s1;
	[bflag:$0x2] =	sbarrier.arrive $0xFFFF  }
0x4e: {  	[sflag:s0] =	ssyncadd.tile.s32 @!p0 $0x1;
	_ =	shalt  }
.Lfunc_end2:
_tile_overlayer_lowered:
.L_overlay_start_2:
0x4f: {  	(tag) =	ssettag $0x2  }
0x50: {  	s0 =	rddreg [dreg:$0x0];
	s2 =	stileid.u32  }
0x51: {  	s1 =	rddreg [dreg:$0x1];
	p0 =	sne.s32 s2, $0x0  }
0x52: {  	s3 =	rddreg [dreg:$0x2];
	[bflag:$0x3] =	sbarrier.arrive $0xFFFF;
	s2 =	simm.s32 @!p0 $0x1C05  }
0x53: {  	[timem:s3], [sflag:s2] =	dma.local @!p0 [hbm:s0], s1  }
0x54: {  	s0 =	simm.s32 @!p0 $0x5  }
0x55: {  	_ =	swait.ge @!p0 [sflag:s0], s1  }
0x56: {  	s1 =	ssub.s32 @!p0 $0x0, s1;
	[sflag:s0] =	ssyncset.done @!p0 $0x0  }
0x57: {  	[sflag:s0] =	ssyncadd.s32 @!p0 s1  }
0x58: {  	[bflag:$0x3] =	sbarrier.arrive $0xFFFF  }
0x59: {  	_ =	shalt  }

// kernel: kernel.57.cloned.1.call-start
scs
__scs_entry_jumppad:
0x0: {  	(pc) =	sbr.rel $0x88, $3  }
0x1: {  	(tag) =	ssettag $0x0;
	lr =	simm.s32 $0x1  }
0x2: {  	[smem:$0x3F66] =	sst lr;
	_ =	strace $0xD0000000  }
0x3: {  	_ = 	snop  }
0x4: {  	_ = 	snop  }
0x5: {  	_ = 	snop  }
0x6: {  	_ = 	snop  }
0x7: {  	_ = 	snop  }
__scs_overlays_trampoline_lowered:
0x8: {  	[smem:$0x3F75] =	sst s0  }
0x9: {  	[smem:$0x3F76] =	sst s1  }
0xa: {  	[smem:$0x3F77] =	sst s2  }
0xb: {  	[smem:$0x3F78] =	sst s3  }
0xc: {  	[smem:$0x3F79] =	sst s4  }
0xd: {  	[smem:$0x3F7A] =	sst s5  }
0xe: {  	[smem:$0x3F7B] =	sst s6  }
0xf: {  	[smem:$0x3F7C] =	sst s7  }
0x10: {  	[smem:$0x3F7D] =	sst s8  }
0x11: {  	[smem:$0x3F7E] =	sst s9;
	s0 =	simm.s32 @!p0 $0x0  }
0x12: {  	s1 =	sld [smem:$0x3F64];
	s0 =	simm.s32 @p0 $0x1  }
0x13: {  	[smem:$0x3F7F] =	sst s0;
	s0 =	simm.s32 @!p1 $0x0  }
0x14: {  	s2 =	sld [smem:$0x3F63];
	s0 =	simm.s32 @p1 $0x1  }
0x15: {  	[smem:$0x3F80] =	sst s0;
	s0 =	simm.s32 @!p2 $0x0  }
0x16: {  	s3 =	sld [smem:$0x3FDB];
	s0 =	simm.s32 @p2 $0x1  }
0x17: {  	s4 =	simm.s32 $0x1BF5;
	[smem:$0x3F82] =	sst s0  }
0x18: {  	s0 =	sld [smem:$0x3F65];
	_ =	swait.ge [sflag:s4], $0x0  }
0x19: {  	s7 =	sld [smem:$0x3F66]  }
0x1a: {  	s8 =	sadd.s32 $0xFFFFE003, lr  }
0x1b: {  	s9 =	sadd.s32 $0xFFFFFEF7, lr;
	s5 =	simm.s32 $0xFFFFFFFF;
	p2 =	slt.u32 s8, $0xFFFFF086  }
0x1c: {  	p1 =	slt.u32 s9, $0xF7A;
	s5 =	simm.s32 @!p2 $0x0  }
0x1d: {  	s5 =	simm.s32 @p1 $0x1;
	p0 =	seq.s32 s7, s2  }
0x1e: {  	s7 =	smul.u32 @!p0 $0xF7A, s2;
	p2 =	seq.s32 @!p0 s5, $0x0  }
0x1f: {  	s9 =	smul.u32 $0xF7A, s1;
	s8 =	simm.s32 @!p0 $0x1BF5;
	p2 =	por !p2, p0  }
0x20: {  	[sflag:s8] =	ssyncset.s32 @!p0 $0xFFFFF086;
	s6 =	sadd.s32 @!p0 s3, s7;
	s7 =	simm.s32 @!p0 $0x108  }
0x21: {  	s3 =	sadd.s32 s3, s9;
	s6 =	sadd.s32 @!p0 $0x88, s6;
	s7 =	simm.s32 @p2 $0x1082  }
0x22: {  	[simem:s7], [sflag:s8] =	dma.local @!p0 [hbm:s6], $0xF7A  }
0x23: {  	s9 =	sor.u32 $0xD0000000, s2;
	s6 =	simm.s32 $0x108;
	_ =	swait.ge @!p0 [sflag:s8], $0x0  }
0x24: {  	s3 =	sadd.s32 $0x88, s3;
	s6 =	simm.s32 @!p1 $0x1082;
	[sflag:s4] =	ssyncset.s32 $0xFFFFF086  }
0x25: {  	[simem:s6], [sflag:s4] =	dma.local [hbm:s3], $0xF7A  }
0x26: {  	[smem:$0x3F66] =	sst s1;
	(tag) =	ssettag s2;
	_ =	strace s9  }
0x27: {  	s1 =	sld [smem:$0x3F76]  }
0x28: {  	s2 =	sld [smem:$0x3F77]  }
0x29: {  	s4 =	sld [smem:$0x3F79]  }
0x2a: {  	p0 =	seq.s32 s5, $0x0;
	s5 =	sld [smem:$0x3F7A]  }
0x2b: {  	s6 =	sld [smem:$0x3F7B]  }
0x2c: {  	s7 =	sld [smem:$0x3F7C]  }
0x2d: {  	s3 =	simm.s32 $0x108;
	s8 =	sld [smem:$0x3F7D]  }
0x2e: {  	s3 =	simm.s32 @!p0 $0x1082;
	s9 =	sld [smem:$0x3F7E]  }
0x2f: {  	lr =	sadd.s32 s0, s3;
	s0 =	sld [smem:$0x3F75]  }
0x30: {  	s3 =	sld [smem:$0x3F78]  }
0x31: {  	[smem:$0x3F81] =	sst s10  }
0x32: {  	s10 =	sld [smem:$0x3F7F];
	_ =	sdelay $0x3  }
0x33: {  	p0 =	seq.s32 s10, $0x1;
	s10 =	sld [smem:$0x3F81];
	_ =	sdelay $0x3  }
0x34: {  	[smem:$0x3F81] =	sst s10  }
0x35: {  	s10 =	sld [smem:$0x3F80];
	_ =	sdelay $0x3  }
0x36: {  	p1 =	seq.s32 s10, $0x1;
	s10 =	sld [smem:$0x3F81];
	_ =	sdelay $0x3  }
0x37: {  	[smem:$0x3F81] =	sst s10  }
0x38: {  	s10 =	sld [smem:$0x3F82]  }
0x39: {  	_ = 	snop;
	(pc) =	sbr.ind lr, $3  }
0x3a: {  	_ = 	snop  }
0x3b: {  	_ = 	snop  }
0x3c: {  	p2 =	seq.s32 s10, $0x1;
	s10 =	sld [smem:$0x3F81]  }
0x3d: {  	_ =	shalt  }
0x3e: {  	_ =	shalt  }
0x3f: {  	_ =	shalt  }
0x40: {  	_ =	shalt  }
0x41: {  	_ =	shalt  }
0x42: {  	_ =	shalt  }
0x43: {  	_ =	shalt  }
0x44: {  	_ =	shalt  }
0x45: {  	_ =	shalt  }
0x46: {  	_ =	shalt  }
0x47: {  	_ =	shalt  }
0x48: {  	_ =	shalt  }
0x49: {  	_ =	shalt  }
0x4a: {  	_ =	shalt  }
0x4b: {  	_ =	shalt  }
0x4c: {  	_ =	shalt  }
0x4d: {  	_ =	shalt  }
0x4e: {  	_ =	shalt  }
0x4f: {  	_ =	shalt  }
0x50: {  	_ =	shalt  }
0x51: {  	_ =	shalt  }
0x52: {  	_ =	shalt  }
0x53: {  	_ =	shalt  }
0x54: {  	_ =	shalt  }
0x55: {  	_ =	shalt  }
0x56: {  	_ =	shalt  }
0x57: {  	_ =	shalt  }
0x58: {  	_ =	shalt  }
0x59: {  	_ =	shalt  }
0x5a: {  	_ =	shalt  }
0x5b: {  	_ =	shalt  }
0x5c: {  	_ =	shalt  }
0x5d: {  	_ =	shalt  }
0x5e: {  	_ =	shalt  }
0x5f: {  	_ =	shalt  }
0x60: {  	_ =	shalt  }
0x61: {  	_ =	shalt  }
0x62: {  	_ =	shalt  }
0x63: {  	_ =	shalt  }
0x64: {  	_ =	shalt  }
0x65: {  	_ =	shalt  }
0x66: {  	_ =	shalt  }
0x67: {  	_ =	shalt  }
0x68: {  	_ =	shalt  }
0x69: {  	_ =	shalt  }
0x6a: {  	_ =	shalt  }
0x6b: {  	_ =	shalt  }
0x6c: {  	_ =	shalt  }
0x6d: {  	_ =	shalt  }
0x6e: {  	_ =	shalt  }
0x6f: {  	_ =	shalt  }
0x70: {  	_ =	shalt  }
0x71: {  	_ =	shalt  }
0x72: {  	_ =	shalt  }
0x73: {  	_ =	shalt  }
0x74: {  	_ =	shalt  }
0x75: {  	_ =	shalt  }
0x76: {  	_ =	shalt  }
0x77: {  	_ =	shalt  }
0x78: {  	_ =	shalt  }
0x79: {  	_ =	shalt  }
0x7a: {  	_ =	shalt  }
0x7b: {  	_ =	shalt  }
0x7c: {  	_ =	shalt  }
0x7d: {  	_ =	shalt  }
0x7e: {  	_ =	shalt  }
0x7f: {  	_ =	shalt  }
0x80: {  	_ =	shalt  }
0x81: {  	_ =	shalt  }
0x82: {  	_ =	shalt  }
0x83: {  	_ =	shalt  }
0x84: {  	_ =	shalt  }
0x85: {  	_ =	shalt  }
0x86: {  	_ =	shalt  }
0x87: {  	_ =	shalt  }
.Lfunc_end0:
.L_simem_size_0:
called_computation.5_lowered:
.L_overlay_start_0:
0x88: {  	s2 =	sld [smem:$0x3FD9]  }
0x89: {  	s3 =	sld [smem:$0x3FFE];
	_ =	sdelay $0x1  }
0x8a: {  	s1 =	srdreg.scid  }
0x8b: {  	s0 =	sand.u32 $0x1, s1  }
0x8c: {  	s17 =	sshll.u32 s0, $0xA;
	s2 =	sadd.s32 s3, s2  }
0x8d: {  	s2 =	sadd.s32 s2, s17  }
0x8e: {  	[smem:$0x3F8D] =	sst s2  }
0x8f: {  	_ = 	snop  }
0x90: {  	(tm) =	ssettm $0x1  }
0x91: {  	s18 =	sld [smem:$0x3FFB];
	_ =	sdelay $0x3  }
0x92: {  	_ =	strace s18  }
0x93: {  	s2 =	sld [smem:$0x3FFC];
	_ =	sdelay $0x3  }
0x94: {  	_ =	strace s2  }
0x95: {  	s2 =	sld [smem:$0x3FFD];
	_ =	sdelay $0x3  }
0x96: {  	_ =	strace s2  }
0x97: {  	_ =	strace $0x8FFFFFFF  }
0x98: {  	s19 =	sld [smem:$0x3FDB];
	_ =	sdelay $0x1  }
0x99: {  	s20 =	simm.s32 $_scs_section_size  }
0x9a: {  	s4 =	simm.s32 $_size__tile_overlayer_lowered;
	s5 =	simm.s32 $_tile_overlayer_lowered  }
0x9b: {  	s6 =	simm.s32 $0x1BFF;
	s21 =	sshll.u32 s5, $0x1;
	s3 =	sadd.s32 s20, s19  }
0x9c: {  	s22 =	simm.s32 $0x0;
	s4 =	sshll.u32 s4, $0x1;
	s5 =	sadd.s32 s21, s3  }
0x9d: {  	[timem:s22], [sflag:s6] =	dma.local [hbm:s5], s4  }
0x9e: {  	_ =	swait.ge [sflag:s6], s4  }
0x9f: {  	s4 =	ssub.s32 $0x0, s4;
	[sflag:s6] =	ssyncset.done $0x0  }
0xa0: {  	[sflag:s6] =	ssyncadd.s32 s4;
	_ =	sdelay $0x1  }
0xa1: {  	s23 =	simm.s32 $0x1B8B  }
0xa2: {  	_ =	swait.ge [sflag:s23], $0x1  }
0xa3: {  	[sflag:s23] =	ssyncset.done $0x0  }
0xa4: {  	[sflag:s23] =	ssyncadd.s32 $0xFFFFFFFF  }
0xa5: {  	s4 =	sld [smem:$0x0]  }
0xa6: {  	s5 =	sand.u32 $0xFFFFFFFE, s1  }
0xa7: {  	p0 =	sne.s32 s1, s5  }
0xa8: {  	s5 =	sshll.u32 @p0 s5, $0xE  }
0xa9: {  	s5 =	sadd.s32 @p0 $0x11B8D, s5;
	s6 =	sshll.u32 @p0 s4, $0x11  }
0xaa: {  	s5 =	sor.u32 @p0 s6, s5  }
0xab: {  	[sflag:s5] =	ssyncadd.remote.s32 @p0 $0x1;
	_ =	sdelay $0x1  }
0xac: {  	s5 =	simm.s32 @p0 $0x1B8D  }
0xad: {  	_ =	swait.eq @p0 [sflag:s5], $0x1  }
0xae: {  	[sflag:s5] =	ssyncadd.s32 @p0 $0xFFFFFFFF  }
0xaf: {  	s6 =	sshll.u32 @!p0 s1, $0xE  }
0xb0: {  	s6 =	sor.u32 @!p0 $0x4000, s6;
	s5 =	simm.s32 @!p0 $0x1B8D  }
0xb1: {  	s4 =	sshll.u32 @!p0 s4, $0x11;
	s6 =	sadd.s32 @!p0 $0x11B8D, s6;
	_ =	swait.eq @!p0 [sflag:s5], $0x1  }
0xb2: {  	s4 =	sor.u32 @!p0 s4, s6;
	[sflag:s5] =	ssyncadd.s32 @!p0 $0xFFFFFFFF  }
0xb3: {  	s25 =	simm.s32 $0x1B8E;
	s24 =	sld [smem:$0x3FFE];
	[sflag:s4] =	ssyncadd.remote.s32 @!p0 $0x1  }
0xb4: {  	s26 =	simm.s32 $execute0_lowered;
	[smem:$0x3FD2] =	sst s25  }
0xb5: {  	s5 =	sshll.u32 s26, $0x1;
	_ =	strace $0x80000055;
	[dreg:$0x1] =	wrdreg $0xFFFFFFFF  }
0xb6: {  	s28 =	simm.s32 $_size_execute0_lowered;
	s3 =	sadd.s32 s3, s5;
	[dreg:$0x0] =	wrdreg $0x0  }
0xb7: {  	s5 =	sshll.u32 s28, $0x1;
	[dreg:$0x2] =	wrdreg s3  }
0xb8: {  	[dreg:$0x3] =	wrdreg s5  }
0xb9: {  	[dreg:$0x4] =	wrdreg $0xC0  }
0xba: {  	_ =	task [dreg:s22], $0x5FFFF  }
0xbb: {  	[dreg:$0x1] =	wrdreg $0xFFFFFFFF  }
0xbc: {  	[dreg:$0x0] =	wrdreg $0x60  }
0xbd: {  	[dreg:$0x2] =	wrdreg s24  }
0xbe: {  	[dreg:$0x3] =	wrdreg $0xA  }
0xbf: {  	_ =	task.clear_ibuf [dreg:s22], $0x4FFFF;
	_ =	strace $0x90000055  }
0xc0: {  	s29 =	simm.s32 $0xA;
	_ =	strace $0x80000057  }
0xc1: {  	_ =	swait.ge [sflag:s29], $0x1  }
0xc2: {  	[sflag:s29] =	ssyncadd.s32 $0xFFFFFFFF  }
0xc3: {  	_ =	strace $0x90000057  }
0xc4: {  	_ =	sfence  }
0xc5: {  	s30 =	sld [smem:$0x0];
	_ =	sdelay $0x2  }
0xc6: {  	s31 =	sshll.u32 s1, $0xD;
	s1 =	sshrl.u32 s1, $0x2  }
0xc7: {  	s4 =	sand.u32 $0x4000, s31;
	s1 =	sadd.s32 s1, s30  }
0xc8: {  	s0 =	sor.u32 s4, s0;
	s1 =	sshll.u32 s1, $0x11  }
0xc9: {  	s0 =	sor.u32 s1, s0  }
0xca: {  	s0 =	sadd.s32 $0x8F2B, s0  }
0xcb: {  	[sflag:s0] =	ssyncadd.remote.s32 $0x1  }
0xcc: {  	_ =	sfence.sel $0xFFFF  }
0xcd: {  	[dreg:$0x0] =	wrdreg $0xFFFFFFFF;
	(pc) =	sbr.abs _section_cstart, $3  }
0xce: {  	[dreg:$0x1] =	wrdreg $0xFFFFFFFF  }
0xcf: {  	_ =	task.clear_ibuf [dreg:s22], $0x2FFFF;
	_ =	strace $0x9FFFFFFF  }
0xd0: {  	(tm) =	ssettm $0x7FFFFFFF  }
0xd1: {  	_ =	shalt  }
tec
execute0_lowered:
.L_overlay_start_1:
0x0: {  	(tag) =	ssettag $0x1  }
0x1: {  	s1 =	srdreg.scid  }
0x2: {  	s0 =	stileid.u32;
	s4 =	rddreg [dreg:$0x0];
	s2 =	simm.s32 $0x0  }
0x3: {  	s13 =	simm.s32 $0x5400;
	s14 =	simm.s32 $0x1;
	s15 =	simm.s32 $0x2  }
0x4: {  	s16 =	simm.s32 $0x3;
	s17 =	simm.s32 $0x4;
	s11 =	smul.u32 $0x140000, s0  }
0x5: {  	s6 =	sand.u32 $0x1, s1;
	s3 =	sshll.u32 s0, $0x1;
	s26 =	smul.u32 $0x28000, s0  }
0x6: {  	s18 =	simm.s32 $0x0;
	s5 =	sor.u32 s6, s3;
	s25 =	smul.u32 $0xA0000, s6  }
0x7: {  	[smem:$0x7FF] =	sst s2;
	s12 =	sadd.s32 $0x343600, s4;
	s7 =	smul.u32 $0x1400, s5  }
0x8: {  	s1 =	rddreg [dreg:$0x1];
	_ =	strace $0x80000056;
	s8 =	smul.u32 $0xA0000, s5  }
0x9: {  	s3 =	sadd.s32 $0x6E600, s4;
	s9 =	ssub.s32 $0x2, s6;
	s10 =	smul.u32 $0x14000, s5  }
0xa: {  	s28 =	smul.u32 $0x14000, s6;
	s24 =	sshrl.u32 s9, $0x1;
	s7 =	sshrl.u32 s7, $0x3  }
0xb: {  	s8 =	sshrl.u32 s8, $0x3;
	s30 =	sadd.s32 s10, s12;
	s10 =	simm.s32 $0x5  }
0xc: {  	s23 =	sadd.s32 s7, s4;
	s7 =	ssub.s32 s9, s24;
	s9 =	sadd.s32 s25, s11  }
0xd: {  	s6 =	sadd.s32 s12, s8;
	s11 =	simm.s32 $0x80;
	s4 =	sadd.s32 $0x33E600, s23  }
0xe: {  	s5 =	smax.u32 s7, $0x1;
	s29 =	sor.u32 $0x8000, s9;
	s7 =	sadd.s32 s26, s12  }
0xf: {  	s8 =	sshrl.u32 s29, $0x3;
	s31 =	sadd.s32 s28, s7;
	s7 =	sadd.s32 $0x800, s30  }
0x10: {  	s8 =	sadd.s32 s8, s12;
	s9 =	sadd.s32 $0x1800, s31;
	s12 =	simm.s32 $0x1400  }
.LBB2_1:
0x11: {  	[tilespmem:s2], [sflag:$0x5] =	stream.linear.gather [hbm4b:s4+s2], $0x1400, $0x38;
	[tilespmem:$0x9400] =	vst v63  }
0x12: {  	_ =	swait.ge [sflag:s10], $0x1400  }
0x13: {  	[sflag:s10] =	ssyncset.done $0x0  }
0x14: {  	[sflag:s10] =	ssyncadd.s32 $0xFFFFEC00  }
0x15: {  	[tilespmem:s12], [sflag:$0x1] =	stream.indirect.gather [hbm4b:s3+s11], $0x80, s2, s11, $0xb8;
	[tilespmem:$0x9400] =	vst v63  }
0x16: {  	_ = 	snop  }
0x17: {  	[tilespmem:s13], [sflag:$0x2] =	stream.indirect.gather [hbm4b:s3+s11], $0x80, s11, s11, $0xb8;
	[tilespmem:$0x9400] =	vst v63  }
0x18: {  	_ =	swait.ge [sflag:s14], $0x4000  }
0x19: {  	[sflag:s14] =	ssyncset.done $0x0  }
0x1a: {  	[sflag:s14] =	ssyncadd.s32 $0xFFFFC000  }
0x1b: {  	[hbm4b:s6+s2] =	stream.linear.scatter [tilespmem:s12], [sflag:$0x3], $0x4000, $0x38;
	[tilespmem:$0x9400] =	vst v63  }
0x1c: {  	_ =	swait.ge [sflag:s15], $0x4000  }
0x1d: {  	[sflag:s15] =	ssyncset.done $0x0  }
0x1e: {  	[sflag:s15] =	ssyncadd.s32 $0xFFFFC000  }
0x1f: {  	[hbm4b:s7+s2] =	stream.linear.scatter [tilespmem:s13], [sflag:$0x4], $0x4000, $0x38;
	[tilespmem:$0x9400] =	vst v63  }
0x20: {  	_ =	swait.ge [sflag:s16], $0x4000  }
0x21: {  	[sflag:s16] =	ssyncset.done $0x0  }
0x22: {  	[sflag:s16] =	ssyncadd.s32 $0xFFFFC000  }
0x23: {  	_ =	swait.ge [sflag:s17], $0x4000  }
0x24: {  	[sflag:s17] =	ssyncset.done $0x0  }
0x25: {  	s19 =	simm.s32 $0x100;
	[sflag:s17] =	ssyncadd.s32 $0xFFFFC000  }
0x26: {  	[tilespmem:s12], [sflag:$0x1] =	stream.indirect.gather [hbm4b:s3+s11], $0x80, s19, s11, $0xb8;
	[tilespmem:$0x9400] =	vst v63  }
0x27: {  	s30 =	simm.s32 $0x180  }
0x28: {  	[tilespmem:s13], [sflag:$0x2] =	stream.indirect.gather [hbm4b:s3+s11], $0x80, s30, s11, $0xb8;
	[tilespmem:$0x9400] =	vst v63  }
0x29: {  	_ =	swait.ge [sflag:s14], $0x4000  }
0x2a: {  	[sflag:s14] =	ssyncset.done $0x0  }
0x2b: {  	s31 =	sadd.s32 $0x0, s8;
	[sflag:s14] =	ssyncadd.s32 $0xFFFFC000  }
0x2c: {  	[hbm4b:s31+s2] =	stream.linear.scatter [tilespmem:s12], [sflag:$0x3], $0x4000, $0x38;
	[tilespmem:$0x9400] =	vst v63  }
0x2d: {  	_ =	swait.ge [sflag:s15], $0x4000  }
0x2e: {  	s21 =	sadd.s32 $0x0, s9;
	[sflag:s15] =	ssyncset.done $0x0  }
0x2f: {  	s20 =	simm.s32 $0x200;
	s19 =	simm.s32 $0x1000;
	[sflag:s15] =	ssyncadd.s32 $0xFFFFC000  }
.LBB2_2:
0x30: {  	[hbm4b:s21+s2] =	stream.linear.scatter [tilespmem:s13], [sflag:$0x4], $0x4000, $0x38;
	[tilespmem:$0x9400] =	vst v63  }
0x31: {  	s21 =	smov.u32 s19  }
0x32: {  	p0 =	sne.s32 s19, $0x12000;
	s19 =	sadd.s32 $0x1000, s19;
	_ =	swait.ge [sflag:s16], $0x4000  }
0x33: {  	[sflag:s16] =	ssyncset.done $0x0  }
0x34: {  	[sflag:s16] =	ssyncadd.s32 $0xFFFFC000  }
0x35: {  	_ =	swait.ge [sflag:s17], $0x4000  }
0x36: {  	[sflag:s17] =	ssyncset.done $0x0  }
0x37: {  	[sflag:s17] =	ssyncadd.s32 $0xFFFFC000  }
0x38: {  	[tilespmem:s12], [sflag:$0x1] =	stream.indirect.gather [hbm4b:s3+s11], $0x80, s20, s11, $0xb8;
	[tilespmem:$0x9400] =	vst v63  }
0x39: {  	s22 =	sadd.s32 $0x80, s20  }
0x3a: {  	[tilespmem:s13], [sflag:$0x2] =	stream.indirect.gather [hbm4b:s3+s11], $0x80, s22, s11, $0xb8;
	[tilespmem:$0x9400] =	vst v63  }
0x3b: {  	_ =	swait.ge [sflag:s14], $0x4000  }
0x3c: {  	[sflag:s14] =	ssyncset.done $0x0  }
.Ltmp0:
0x3d: {  	s22 =	sadd.s32 s21, s8;
	[sflag:s14] =	ssyncadd.s32 $0xFFFFC000;
	(pc) =	sbr.rel @p0 .LBB2_2-.Ltmp0, $4  }
0x3e: {  	[hbm4b:s22+s2] =	stream.linear.scatter [tilespmem:s12], [sflag:$0x3], $0x4000, $0x38;
	[tilespmem:$0x9400] =	vst v63  }
0x3f: {  	_ =	swait.ge [sflag:s15], $0x4000  }
0x40: {  	[sflag:s15] =	ssyncset.done $0x0  }
0x41: {  	s20 =	sadd.s32 $0x100, s20;
	s21 =	sadd.s32 s21, s9;
	[sflag:s15] =	ssyncadd.s32 $0xFFFFC000  }
0x42: {  	[hbm4b:s21+s2] =	stream.linear.scatter [tilespmem:s13], [sflag:$0x4], $0x4000, $0x38;
	[tilespmem:$0x9400] =	vst v63  }
0x43: {  	s18 =	sadd.s32 $0x1, s18  }
0x44: {  	_ =	swait.ge [sflag:s16], $0x4000;
	p0 =	sne.s32 s18, s5  }
.Ltmp1:
0x45: {  	[sflag:s16] =	ssyncset.done $0x0;
	(pc) =	sbr.rel @p0 .LBB2_1-.Ltmp1, $4  }
0x46: {  	[sflag:s16] =	ssyncadd.s32 $0xFFFFC000  }
0x47: {  	_ =	swait.ge [sflag:s17], $0x4000  }
0x48: {  	[sflag:s17] =	ssyncset.done $0x0  }
0x49: {  	[sflag:s17] =	ssyncadd.s32 $0xFFFFC000  }
0x4a: {  	_ =	sfence.sel $0x180000  }
0x4b: {  	[bflag:$0x0] =	sbarrier.arrive $0xFFFF  }
0x4c: {  	p0 =	sne.s32 s0, $0x0;
	_ =	strace $0x90000056  }
0x4d: {  	s0 =	sadd.s32 @!p0 $0x100000, s1;
	[bflag:$0x2] =	sbarrier.arrive $0xFFFF  }
0x4e: {  	[sflag:s0] =	ssyncadd.tile.s32 @!p0 $0x1;
	_ =	shalt  }
.Lfunc_end2:
_tile_overlayer_lowered:
.L_overlay_start_2:
0x4f: {  	(tag) =	ssettag $0x2  }
0x50: {  	s0 =	rddreg [dreg:$0x0];
	s2 =	stileid.u32  }
0x51: {  	s1 =	rddreg [dreg:$0x1];
	p0 =	sne.s32 s2, $0x0  }
0x52: {  	s3 =	rddreg [dreg:$0x2];
	[bflag:$0x3] =	sbarrier.arrive $0xFFFF;
	s2 =	simm.s32 @!p0 $0x1C05  }
0x53: {  	[timem:s3], [sflag:s2] =	dma.local @!p0 [hbm:s0], s1  }
0x54: {  	s0 =	simm.s32 @!p0 $0x5  }
0x55: {  	_ =	swait.ge @!p0 [sflag:s0], s1  }
0x56: {  	s1 =	ssub.s32 @!p0 $0x0, s1;
	[sflag:s0] =	ssyncset.done @!p0 $0x0  }
0x57: {  	[sflag:s0] =	ssyncadd.s32 @!p0 s1  }
0x58: {  	[bflag:$0x3] =	sbarrier.arrive $0xFFFF  }
0x59: {  	_ =	shalt  }

// kernel: kernel.60.cloned.1.call-start
scs
__scs_entry_jumppad:
0x0: {  	(pc) =	sbr.rel $0x88, $3  }
0x1: {  	(tag) =	ssettag $0x0;
	lr =	simm.s32 $0x1  }
0x2: {  	[smem:$0x3F66] =	sst lr;
	_ =	strace $0xD0000000  }
0x3: {  	_ = 	snop  }
0x4: {  	_ = 	snop  }
0x5: {  	_ = 	snop  }
0x6: {  	_ = 	snop  }
0x7: {  	_ = 	snop  }
__scs_overlays_trampoline_lowered:
0x8: {  	[smem:$0x3F75] =	sst s0  }
0x9: {  	[smem:$0x3F76] =	sst s1  }
0xa: {  	[smem:$0x3F77] =	sst s2  }
0xb: {  	[smem:$0x3F78] =	sst s3  }
0xc: {  	[smem:$0x3F79] =	sst s4  }
0xd: {  	[smem:$0x3F7A] =	sst s5  }
0xe: {  	[smem:$0x3F7B] =	sst s6  }
0xf: {  	[smem:$0x3F7C] =	sst s7  }
0x10: {  	[smem:$0x3F7D] =	sst s8  }
0x11: {  	[smem:$0x3F7E] =	sst s9;
	s0 =	simm.s32 @!p0 $0x0  }
0x12: {  	s1 =	sld [smem:$0x3F64];
	s0 =	simm.s32 @p0 $0x1  }
0x13: {  	[smem:$0x3F7F] =	sst s0;
	s0 =	simm.s32 @!p1 $0x0  }
0x14: {  	s2 =	sld [smem:$0x3F63];
	s0 =	simm.s32 @p1 $0x1  }
0x15: {  	[smem:$0x3F80] =	sst s0;
	s0 =	simm.s32 @!p2 $0x0  }
0x16: {  	s3 =	sld [smem:$0x3FDB];
	s0 =	simm.s32 @p2 $0x1  }
0x17: {  	s4 =	simm.s32 $0x1BF5;
	[smem:$0x3F82] =	sst s0  }
0x18: {  	s0 =	sld [smem:$0x3F65];
	_ =	swait.ge [sflag:s4], $0x0  }
0x19: {  	s7 =	sld [smem:$0x3F66]  }
0x1a: {  	s8 =	sadd.s32 $0xFFFFE003, lr  }
0x1b: {  	s9 =	sadd.s32 $0xFFFFFEF7, lr;
	s5 =	simm.s32 $0xFFFFFFFF;
	p2 =	slt.u32 s8, $0xFFFFF086  }
0x1c: {  	p1 =	slt.u32 s9, $0xF7A;
	s5 =	simm.s32 @!p2 $0x0  }
0x1d: {  	s5 =	simm.s32 @p1 $0x1;
	p0 =	seq.s32 s7, s2  }
0x1e: {  	s7 =	smul.u32 @!p0 $0xF7A, s2;
	p2 =	seq.s32 @!p0 s5, $0x0  }
0x1f: {  	s9 =	smul.u32 $0xF7A, s1;
	s8 =	simm.s32 @!p0 $0x1BF5;
	p2 =	por !p2, p0  }
0x20: {  	[sflag:s8] =	ssyncset.s32 @!p0 $0xFFFFF086;
	s6 =	sadd.s32 @!p0 s3, s7;
	s7 =	simm.s32 @!p0 $0x108  }
0x21: {  	s3 =	sadd.s32 s3, s9;
	s6 =	sadd.s32 @!p0 $0x88, s6;
	s7 =	simm.s32 @p2 $0x1082  }
0x22: {  	[simem:s7], [sflag:s8] =	dma.local @!p0 [hbm:s6], $0xF7A  }
0x23: {  	s9 =	sor.u32 $0xD0000000, s2;
	s6 =	simm.s32 $0x108;
	_ =	swait.ge @!p0 [sflag:s8], $0x0  }
0x24: {  	s3 =	sadd.s32 $0x88, s3;
	s6 =	simm.s32 @!p1 $0x1082;
	[sflag:s4] =	ssyncset.s32 $0xFFFFF086  }
0x25: {  	[simem:s6], [sflag:s4] =	dma.local [hbm:s3], $0xF7A  }
0x26: {  	[smem:$0x3F66] =	sst s1;
	(tag) =	ssettag s2;
	_ =	strace s9  }
0x27: {  	s1 =	sld [smem:$0x3F76]  }
0x28: {  	s2 =	sld [smem:$0x3F77]  }
0x29: {  	s4 =	sld [smem:$0x3F79]  }
0x2a: {  	p0 =	seq.s32 s5, $0x0;
	s5 =	sld [smem:$0x3F7A]  }
0x2b: {  	s6 =	sld [smem:$0x3F7B]  }
0x2c: {  	s7 =	sld [smem:$0x3F7C]  }
0x2d: {  	s3 =	simm.s32 $0x108;
	s8 =	sld [smem:$0x3F7D]  }
0x2e: {  	s3 =	simm.s32 @!p0 $0x1082;
	s9 =	sld [smem:$0x3F7E]  }
0x2f: {  	lr =	sadd.s32 s0, s3;
	s0 =	sld [smem:$0x3F75]  }
0x30: {  	s3 =	sld [smem:$0x3F78]  }
0x31: {  	[smem:$0x3F81] =	sst s10  }
0x32: {  	s10 =	sld [smem:$0x3F7F];
	_ =	sdelay $0x3  }
0x33: {  	p0 =	seq.s32 s10, $0x1;
	s10 =	sld [smem:$0x3F81];
	_ =	sdelay $0x3  }
0x34: {  	[smem:$0x3F81] =	sst s10  }
0x35: {  	s10 =	sld [smem:$0x3F80];
	_ =	sdelay $0x3  }
0x36: {  	p1 =	seq.s32 s10, $0x1;
	s10 =	sld [smem:$0x3F81];
	_ =	sdelay $0x3  }
0x37: {  	[smem:$0x3F81] =	sst s10  }
0x38: {  	s10 =	sld [smem:$0x3F82]  }
0x39: {  	_ = 	snop;
	(pc) =	sbr.ind lr, $3  }
0x3a: {  	_ = 	snop  }
0x3b: {  	_ = 	snop  }
0x3c: {  	p2 =	seq.s32 s10, $0x1;
	s10 =	sld [smem:$0x3F81]  }
0x3d: {  	_ =	shalt  }
0x3e: {  	_ =	shalt  }
0x3f: {  	_ =	shalt  }
0x40: {  	_ =	shalt  }
0x41: {  	_ =	shalt  }
0x42: {  	_ =	shalt  }
0x43: {  	_ =	shalt  }
0x44: {  	_ =	shalt  }
0x45: {  	_ =	shalt  }
0x46: {  	_ =	shalt  }
0x47: {  	_ =	shalt  }
0x48: {  	_ =	shalt  }
0x49: {  	_ =	shalt  }
0x4a: {  	_ =	shalt  }
0x4b: {  	_ =	shalt  }
0x4c: {  	_ =	shalt  }
0x4d: {  	_ =	shalt  }
0x4e: {  	_ =	shalt  }
0x4f: {  	_ =	shalt  }
0x50: {  	_ =	shalt  }
0x51: {  	_ =	shalt  }
0x52: {  	_ =	shalt  }
0x53: {  	_ =	shalt  }
0x54: {  	_ =	shalt  }
0x55: {  	_ =	shalt  }
0x56: {  	_ =	shalt  }
0x57: {  	_ =	shalt  }
0x58: {  	_ =	shalt  }
0x59: {  	_ =	shalt  }
0x5a: {  	_ =	shalt  }
0x5b: {  	_ =	shalt  }
0x5c: {  	_ =	shalt  }
0x5d: {  	_ =	shalt  }
0x5e: {  	_ =	shalt  }
0x5f: {  	_ =	shalt  }
0x60: {  	_ =	shalt  }
0x61: {  	_ =	shalt  }
0x62: {  	_ =	shalt  }
0x63: {  	_ =	shalt  }
0x64: {  	_ =	shalt  }
0x65: {  	_ =	shalt  }
0x66: {  	_ =	shalt  }
0x67: {  	_ =	shalt  }
0x68: {  	_ =	shalt  }
0x69: {  	_ =	shalt  }
0x6a: {  	_ =	shalt  }
0x6b: {  	_ =	shalt  }
0x6c: {  	_ =	shalt  }
0x6d: {  	_ =	shalt  }
0x6e: {  	_ =	shalt  }
0x6f: {  	_ =	shalt  }
0x70: {  	_ =	shalt  }
0x71: {  	_ =	shalt  }
0x72: {  	_ =	shalt  }
0x73: {  	_ =	shalt  }
0x74: {  	_ =	shalt  }
0x75: {  	_ =	shalt  }
0x76: {  	_ =	shalt  }
0x77: {  	_ =	shalt  }
0x78: {  	_ =	shalt  }
0x79: {  	_ =	shalt  }
0x7a: {  	_ =	shalt  }
0x7b: {  	_ =	shalt  }
0x7c: {  	_ =	shalt  }
0x7d: {  	_ =	shalt  }
0x7e: {  	_ =	shalt  }
0x7f: {  	_ =	shalt  }
0x80: {  	_ =	shalt  }
0x81: {  	_ =	shalt  }
0x82: {  	_ =	shalt  }
0x83: {  	_ =	shalt  }
0x84: {  	_ =	shalt  }
0x85: {  	_ =	shalt  }
0x86: {  	_ =	shalt  }
0x87: {  	_ =	shalt  }
.Lfunc_end0:
.L_simem_size_0:
called_computation.6_lowered:
.L_overlay_start_0:
0x88: {  	s2 =	sld [smem:$0x3FD9]  }
0x89: {  	s3 =	sld [smem:$0x3FFE];
	_ =	sdelay $0x1  }
0x8a: {  	s1 =	srdreg.scid  }
0x8b: {  	s0 =	sand.u32 $0x1, s1  }
0x8c: {  	s16 =	sshll.u32 s0, $0xA;
	s2 =	sadd.s32 s3, s2  }
0x8d: {  	s2 =	sadd.s32 s2, s16  }
0x8e: {  	[smem:$0x3F8D] =	sst s2  }
0x8f: {  	_ = 	snop  }
0x90: {  	(tm) =	ssettm $0x1  }
0x91: {  	s17 =	sld [smem:$0x3FFB];
	_ =	sdelay $0x3  }
0x92: {  	_ =	strace s17  }
0x93: {  	s2 =	sld [smem:$0x3FFC];
	_ =	sdelay $0x3  }
0x94: {  	_ =	strace s2  }
0x95: {  	s2 =	sld [smem:$0x3FFD];
	_ =	sdelay $0x3  }
0x96: {  	_ =	strace s2  }
0x97: {  	_ =	strace $0x8FFFFFFF  }
0x98: {  	s18 =	sld [smem:$0x3FDB];
	_ =	sdelay $0x1  }
0x99: {  	s19 =	simm.s32 $_scs_section_size  }
0x9a: {  	s4 =	simm.s32 $_size__tile_overlayer_lowered;
	s5 =	simm.s32 $_tile_overlayer_lowered  }
0x9b: {  	s22 =	simm.s32 $0x1BFF;
	s21 =	sshll.u32 s5, $0x1;
	s2 =	sadd.s32 s19, s18  }
0x9c: {  	s6 =	simm.s32 $0x0;
	s20 =	sshll.u32 s4, $0x1;
	s4 =	sadd.s32 s21, s2  }
0x9d: {  	[timem:s6], [sflag:s22] =	dma.local [hbm:s4], s20  }
0x9e: {  	_ =	swait.ge [sflag:s22], s20  }
0x9f: {  	s3 =	ssub.s32 $0x0, s20;
	[sflag:s22] =	ssyncset.done $0x0  }
0xa0: {  	[sflag:s22] =	ssyncadd.s32 s3;
	_ =	sdelay $0x1  }
0xa1: {  	s23 =	simm.s32 $0x1B8B  }
0xa2: {  	_ =	swait.ge [sflag:s23], $0x1  }
0xa3: {  	[sflag:s23] =	ssyncset.done $0x0  }
0xa4: {  	s25 =	simm.s32 $0x1B8E;
	s24 =	sld [smem:$0x3FFE];
	[sflag:s23] =	ssyncadd.s32 $0xFFFFFFFF  }
0xa5: {  	s26 =	simm.s32 $execute0_lowered;
	[smem:$0x3FD2] =	sst s25  }
0xa6: {  	s4 =	sshll.u32 s26, $0x1;
	_ =	strace $0x80000058;
	[dreg:$0x1] =	wrdreg $0xFFFFFFFF  }
0xa7: {  	s28 =	simm.s32 $_size_execute0_lowered;
	s2 =	sadd.s32 s2, s4;
	[dreg:$0x0] =	wrdreg $0x0  }
0xa8: {  	s4 =	sshll.u32 s28, $0x1;
	[dreg:$0x2] =	wrdreg s2  }
0xa9: {  	[dreg:$0x3] =	wrdreg s4  }
0xaa: {  	[dreg:$0x4] =	wrdreg $0xC0  }
0xab: {  	_ =	task [dreg:s6], $0x5FFFF  }
0xac: {  	[dreg:$0x1] =	wrdreg $0xFFFFFFFF  }
0xad: {  	[dreg:$0x0] =	wrdreg $0x60  }
0xae: {  	[dreg:$0x2] =	wrdreg s24  }
0xaf: {  	[dreg:$0x3] =	wrdreg $0x9  }
0xb0: {  	_ =	task.clear_ibuf [dreg:s6], $0x4FFFF;
	_ =	strace $0x90000058  }
0xb1: {  	s29 =	simm.s32 $0x9;
	_ =	strace $0x8000005A  }
0xb2: {  	_ =	swait.ge [sflag:s29], $0x1  }
0xb3: {  	[sflag:s29] =	ssyncadd.s32 $0xFFFFFFFF  }
0xb4: {  	_ =	strace $0x9000005A  }
0xb5: {  	_ =	sfence  }
0xb6: {  	s30 =	sld [smem:$0x0];
	_ =	sdelay $0x2  }
0xb7: {  	s31 =	sshll.u32 s1, $0xD;
	s1 =	sshrl.u32 s1, $0x2  }
0xb8: {  	s3 =	sand.u32 $0x4000, s31;
	s1 =	sadd.s32 s1, s30  }
0xb9: {  	s0 =	sor.u32 s3, s0;
	s1 =	sshll.u32 s1, $0x11  }
0xba: {  	s0 =	sor.u32 s1, s0  }
0xbb: {  	s0 =	sadd.s32 $0x8F2B, s0  }
0xbc: {  	[sflag:s0] =	ssyncadd.remote.s32 $0x1  }
0xbd: {  	_ =	sfence.sel $0xFFFF  }
0xbe: {  	[dreg:$0x0] =	wrdreg $0xFFFFFFFF;
	(pc) =	sbr.abs _section_cstart, $3  }
0xbf: {  	[dreg:$0x1] =	wrdreg $0xFFFFFFFF  }
0xc0: {  	_ =	task.clear_ibuf [dreg:s6], $0x2FFFF;
	_ =	strace $0x9FFFFFFF  }
0xc1: {  	(tm) =	ssettm $0x7FFFFFFF  }
tec
execute0_lowered:
.L_overlay_start_1:
0x0: {  	(tag) =	ssettag $0x1  }
0x1: {  	s1 =	srdreg.scid  }
0x2: {  	s0 =	stileid.u32;
	s4 =	rddreg [dreg:$0x0];
	s2 =	simm.s32 $0x0  }
0x3: {  	s13 =	simm.s32 $0x5400;
	s14 =	simm.s32 $0x1;
	s15 =	simm.s32 $0x2  }
0x4: {  	s16 =	simm.s32 $0x3;
	s17 =	simm.s32 $0x4;
	s11 =	smul.u32 $0x140000, s0  }
0x5: {  	s6 =	sand.u32 $0x1, s1;
	s3 =	sshll.u32 s0, $0x1;
	s26 =	smul.u32 $0x28000, s0  }
0x6: {  	s1 =	rddreg [dreg:$0x1];
	s5 =	sor.u32 s6, s3;
	s25 =	smul.u32 $0xA0000, s6  }
0x7: {  	s18 =	simm.s32 $0x0;
	[smem:$0x7FF] =	sst s2;
	s7 =	smul.u32 $0x1400, s5  }
0x8: {  	s12 =	sadd.s32 $0xBE600, s4;
	_ =	strace $0x80000059;
	s8 =	smul.u32 $0xA0000, s5  }
0x9: {  	s3 =	sadd.s32 $0x6E600, s4;
	s9 =	ssub.s32 $0x2, s6;
	s10 =	smul.u32 $0x14000, s5  }
0xa: {  	s28 =	smul.u32 $0x14000, s6;
	s24 =	sshrl.u32 s9, $0x1;
	s7 =	sshrl.u32 s7, $0x3  }
0xb: {  	s8 =	sshrl.u32 s8, $0x3;
	s30 =	sadd.s32 s10, s12;
	s10 =	simm.s32 $0x5  }
0xc: {  	s23 =	sadd.s32 s7, s4;
	s7 =	ssub.s32 s9, s24;
	s9 =	sadd.s32 s25, s11  }
0xd: {  	s6 =	sadd.s32 s12, s8;
	s11 =	simm.s32 $0x80;
	s4 =	sadd.s32 $0x41600, s23  }
0xe: {  	s5 =	smax.u32 s7, $0x1;
	s29 =	sor.u32 $0x8000, s9;
	s7 =	sadd.s32 s26, s12  }
0xf: {  	s8 =	sshrl.u32 s29, $0x3;
	s31 =	sadd.s32 s28, s7;
	s7 =	sadd.s32 $0x800, s30  }
0x10: {  	s8 =	sadd.s32 s8, s12;
	s9 =	sadd.s32 $0x1800, s31;
	s12 =	simm.s32 $0x1400  }
.LBB2_1:
0x11: {  	[tilespmem:s2], [sflag:$0x5] =	stream.linear.gather [hbm4b:s4+s2], $0x1400, $0x38;
	[tilespmem:$0x9400] =	vst v63  }
0x12: {  	_ =	swait.ge [sflag:s10], $0x1400  }
0x13: {  	[sflag:s10] =	ssyncset.done $0x0  }
0x14: {  	[sflag:s10] =	ssyncadd.s32 $0xFFFFEC00  }
0x15: {  	[tilespmem:s12], [sflag:$0x1] =	stream.indirect.gather [hbm4b:s3+s11], $0x80, s2, s11, $0xb8;
	[tilespmem:$0x9400] =	vst v63  }
0x16: {  	_ = 	snop  }
0x17: {  	[tilespmem:s13], [sflag:$0x2] =	stream.indirect.gather [hbm4b:s3+s11], $0x80, s11, s11, $0xb8;
	[tilespmem:$0x9400] =	vst v63  }
0x18: {  	_ =	swait.ge [sflag:s14], $0x4000  }
0x19: {  	[sflag:s14] =	ssyncset.done $0x0  }
0x1a: {  	[sflag:s14] =	ssyncadd.s32 $0xFFFFC000  }
0x1b: {  	[hbm4b:s6+s2] =	stream.linear.scatter [tilespmem:s12], [sflag:$0x3], $0x4000, $0x38;
	[tilespmem:$0x9400] =	vst v63  }
0x1c: {  	_ =	swait.ge [sflag:s15], $0x4000  }
0x1d: {  	[sflag:s15] =	ssyncset.done $0x0  }
0x1e: {  	[sflag:s15] =	ssyncadd.s32 $0xFFFFC000  }
0x1f: {  	[hbm4b:s7+s2] =	stream.linear.scatter [tilespmem:s13], [sflag:$0x4], $0x4000, $0x38;
	[tilespmem:$0x9400] =	vst v63  }
0x20: {  	_ =	swait.ge [sflag:s16], $0x4000  }
0x21: {  	[sflag:s16] =	ssyncset.done $0x0  }
0x22: {  	[sflag:s16] =	ssyncadd.s32 $0xFFFFC000  }
0x23: {  	_ =	swait.ge [sflag:s17], $0x4000  }
0x24: {  	[sflag:s17] =	ssyncset.done $0x0  }
0x25: {  	s19 =	simm.s32 $0x100;
	[sflag:s17] =	ssyncadd.s32 $0xFFFFC000  }
0x26: {  	[tilespmem:s12], [sflag:$0x1] =	stream.indirect.gather [hbm4b:s3+s11], $0x80, s19, s11, $0xb8;
	[tilespmem:$0x9400] =	vst v63  }
0x27: {  	s30 =	simm.s32 $0x180  }
0x28: {  	[tilespmem:s13], [sflag:$0x2] =	stream.indirect.gather [hbm4b:s3+s11], $0x80, s30, s11, $0xb8;
	[tilespmem:$0x9400] =	vst v63  }
0x29: {  	_ =	swait.ge [sflag:s14], $0x4000  }
0x2a: {  	[sflag:s14] =	ssyncset.done $0x0  }
0x2b: {  	s31 =	sadd.s32 $0x0, s8;
	[sflag:s14] =	ssyncadd.s32 $0xFFFFC000  }
0x2c: {  	[hbm4b:s31+s2] =	stream.linear.scatter [tilespmem:s12], [sflag:$0x3], $0x4000, $0x38;
	[tilespmem:$0x9400] =	vst v63  }
0x2d: {  	_ =	swait.ge [sflag:s15], $0x4000  }
0x2e: {  	s21 =	sadd.s32 $0x0, s9;
	[sflag:s15] =	ssyncset.done $0x0  }
0x2f: {  	s20 =	simm.s32 $0x200;
	s19 =	simm.s32 $0x1000;
	[sflag:s15] =	ssyncadd.s32 $0xFFFFC000  }
.LBB2_2:
0x30: {  	[hbm4b:s21+s2] =	stream.linear.scatter [tilespmem:s13], [sflag:$0x4], $0x4000, $0x38;
	[tilespmem:$0x9400] =	vst v63  }
0x31: {  	s21 =	smov.u32 s19  }
0x32: {  	p0 =	sne.s32 s19, $0x12000;
	s19 =	sadd.s32 $0x1000, s19;
	_ =	swait.ge [sflag:s16], $0x4000  }
0x33: {  	[sflag:s16] =	ssyncset.done $0x0  }
0x34: {  	[sflag:s16] =	ssyncadd.s32 $0xFFFFC000  }
0x35: {  	_ =	swait.ge [sflag:s17], $0x4000  }
0x36: {  	[sflag:s17] =	ssyncset.done $0x0  }
0x37: {  	[sflag:s17] =	ssyncadd.s32 $0xFFFFC000  }
0x38: {  	[tilespmem:s12], [sflag:$0x1] =	stream.indirect.gather [hbm4b:s3+s11], $0x80, s20, s11, $0xb8;
	[tilespmem:$0x9400] =	vst v63  }
0x39: {  	s22 =	sadd.s32 $0x80, s20  }
0x3a: {  	[tilespmem:s13], [sflag:$0x2] =	stream.indirect.gather [hbm4b:s3+s11], $0x80, s22, s11, $0xb8;
	[tilespmem:$0x9400] =	vst v63  }
0x3b: {  	_ =	swait.ge [sflag:s14], $0x4000  }
0x3c: {  	[sflag:s14] =	ssyncset.done $0x0  }
.Ltmp0:
0x3d: {  	s22 =	sadd.s32 s21, s8;
	[sflag:s14] =	ssyncadd.s32 $0xFFFFC000;
	(pc) =	sbr.rel @p0 .LBB2_2-.Ltmp0, $4  }
0x3e: {  	[hbm4b:s22+s2] =	stream.linear.scatter [tilespmem:s12], [sflag:$0x3], $0x4000, $0x38;
	[tilespmem:$0x9400] =	vst v63  }
0x3f: {  	_ =	swait.ge [sflag:s15], $0x4000  }
0x40: {  	[sflag:s15] =	ssyncset.done $0x0  }
0x41: {  	s20 =	sadd.s32 $0x100, s20;
	s21 =	sadd.s32 s21, s9;
	[sflag:s15] =	ssyncadd.s32 $0xFFFFC000  }
0x42: {  	[hbm4b:s21+s2] =	stream.linear.scatter [tilespmem:s13], [sflag:$0x4], $0x4000, $0x38;
	[tilespmem:$0x9400] =	vst v63  }
0x43: {  	s18 =	sadd.s32 $0x1, s18  }
0x44: {  	_ =	swait.ge [sflag:s16], $0x4000;
	p0 =	sne.s32 s18, s5  }
.Ltmp1:
0x45: {  	[sflag:s16] =	ssyncset.done $0x0;
	(pc) =	sbr.rel @p0 .LBB2_1-.Ltmp1, $4  }
0x46: {  	[sflag:s16] =	ssyncadd.s32 $0xFFFFC000  }
0x47: {  	_ =	swait.ge [sflag:s17], $0x4000  }
0x48: {  	[sflag:s17] =	ssyncset.done $0x0  }
0x49: {  	[sflag:s17] =	ssyncadd.s32 $0xFFFFC000  }
0x4a: {  	_ =	sfence.sel $0x180000  }
0x4b: {  	[bflag:$0x0] =	sbarrier.arrive $0xFFFF  }
0x4c: {  	p0 =	sne.s32 s0, $0x0;
	_ =	strace $0x90000059  }
0x4d: {  	s0 =	sadd.s32 @!p0 $0x100000, s1;
	[bflag:$0x2] =	sbarrier.arrive $0xFFFF  }
0x4e: {  	[sflag:s0] =	ssyncadd.tile.s32 @!p0 $0x1;
	_ =	shalt  }
.Lfunc_end2:
_tile_overlayer_lowered:
.L_overlay_start_2:
0x4f: {  	(tag) =	ssettag $0x2  }
0x50: {  	s0 =	rddreg [dreg:$0x0];
	s2 =	stileid.u32  }
0x51: {  	s1 =	rddreg [dreg:$0x1];
	p0 =	sne.s32 s2, $0x0  }
0x52: {  	s3 =	rddreg [dreg:$0x2];
	[bflag:$0x3] =	sbarrier.arrive $0xFFFF;
	s2 =	simm.s32 @!p0 $0x1C05  }
0x53: {  	[timem:s3], [sflag:s2] =	dma.local @!p0 [hbm:s0], s1  }
0x54: {  	s0 =	simm.s32 @!p0 $0x5  }
0x55: {  	_ =	swait.ge @!p0 [sflag:s0], s1  }
0x56: {  	s1 =	ssub.s32 @!p0 $0x0, s1;
	[sflag:s0] =	ssyncset.done @!p0 $0x0  }
0x57: {  	[sflag:s0] =	ssyncadd.s32 @!p0 s1  }
0x58: {  	[bflag:$0x3] =	sbarrier.arrive $0xFFFF  }
0x59: {  	_ =	shalt  }

// kernel: kernel.63.cloned.1.call-start
scs
__scs_entry_jumppad:
0x0: {  	(pc) =	sbr.rel $0x88, $3  }
0x1: {  	(tag) =	ssettag $0x0;
	lr =	simm.s32 $0x1  }
0x2: {  	[smem:$0x3F66] =	sst lr;
	_ =	strace $0xD0000000  }
0x3: {  	_ = 	snop  }
0x4: {  	_ = 	snop  }
0x5: {  	_ = 	snop  }
0x6: {  	_ = 	snop  }
0x7: {  	_ = 	snop  }
__scs_overlays_trampoline_lowered:
0x8: {  	[smem:$0x3F75] =	sst s0  }
0x9: {  	[smem:$0x3F76] =	sst s1  }
0xa: {  	[smem:$0x3F77] =	sst s2  }
0xb: {  	[smem:$0x3F78] =	sst s3  }
0xc: {  	[smem:$0x3F79] =	sst s4  }
0xd: {  	[smem:$0x3F7A] =	sst s5  }
0xe: {  	[smem:$0x3F7B] =	sst s6  }
0xf: {  	[smem:$0x3F7C] =	sst s7  }
0x10: {  	[smem:$0x3F7D] =	sst s8  }
0x11: {  	[smem:$0x3F7E] =	sst s9;
	s0 =	simm.s32 @!p0 $0x0  }
0x12: {  	s1 =	sld [smem:$0x3F64];
	s0 =	simm.s32 @p0 $0x1  }
0x13: {  	[smem:$0x3F7F] =	sst s0;
	s0 =	simm.s32 @!p1 $0x0  }
0x14: {  	s2 =	sld [smem:$0x3F63];
	s0 =	simm.s32 @p1 $0x1  }
0x15: {  	[smem:$0x3F80] =	sst s0;
	s0 =	simm.s32 @!p2 $0x0  }
0x16: {  	s3 =	sld [smem:$0x3FDB];
	s0 =	simm.s32 @p2 $0x1  }
0x17: {  	s4 =	simm.s32 $0x1BF5;
	[smem:$0x3F82] =	sst s0  }
0x18: {  	s0 =	sld [smem:$0x3F65];
	_ =	swait.ge [sflag:s4], $0x0  }
0x19: {  	s7 =	sld [smem:$0x3F66]  }
0x1a: {  	s8 =	sadd.s32 $0xFFFFE003, lr  }
0x1b: {  	s9 =	sadd.s32 $0xFFFFFEF7, lr;
	s5 =	simm.s32 $0xFFFFFFFF;
	p2 =	slt.u32 s8, $0xFFFFF086  }
0x1c: {  	p1 =	slt.u32 s9, $0xF7A;
	s5 =	simm.s32 @!p2 $0x0  }
0x1d: {  	s5 =	simm.s32 @p1 $0x1;
	p0 =	seq.s32 s7, s2  }
0x1e: {  	s7 =	smul.u32 @!p0 $0xF7A, s2;
	p2 =	seq.s32 @!p0 s5, $0x0  }
0x1f: {  	s9 =	smul.u32 $0xF7A, s1;
	s8 =	simm.s32 @!p0 $0x1BF5;
	p2 =	por !p2, p0  }
0x20: {  	[sflag:s8] =	ssyncset.s32 @!p0 $0xFFFFF086;
	s6 =	sadd.s32 @!p0 s3, s7;
	s7 =	simm.s32 @!p0 $0x108  }
0x21: {  	s3 =	sadd.s32 s3, s9;
	s6 =	sadd.s32 @!p0 $0x88, s6;
	s7 =	simm.s32 @p2 $0x1082  }
0x22: {  	[simem:s7], [sflag:s8] =	dma.local @!p0 [hbm:s6], $0xF7A  }
0x23: {  	s9 =	sor.u32 $0xD0000000, s2;
	s6 =	simm.s32 $0x108;
	_ =	swait.ge @!p0 [sflag:s8], $0x0  }
0x24: {  	s3 =	sadd.s32 $0x88, s3;
	s6 =	simm.s32 @!p1 $0x1082;
	[sflag:s4] =	ssyncset.s32 $0xFFFFF086  }
0x25: {  	[simem:s6], [sflag:s4] =	dma.local [hbm:s3], $0xF7A  }
0x26: {  	[smem:$0x3F66] =	sst s1;
	(tag) =	ssettag s2;
	_ =	strace s9  }
0x27: {  	s1 =	sld [smem:$0x3F76]  }
0x28: {  	s2 =	sld [smem:$0x3F77]  }
0x29: {  	s4 =	sld [smem:$0x3F79]  }
0x2a: {  	p0 =	seq.s32 s5, $0x0;
	s5 =	sld [smem:$0x3F7A]  }
0x2b: {  	s6 =	sld [smem:$0x3F7B]  }
0x2c: {  	s7 =	sld [smem:$0x3F7C]  }
0x2d: {  	s3 =	simm.s32 $0x108;
	s8 =	sld [smem:$0x3F7D]  }
0x2e: {  	s3 =	simm.s32 @!p0 $0x1082;
	s9 =	sld [smem:$0x3F7E]  }
0x2f: {  	lr =	sadd.s32 s0, s3;
	s0 =	sld [smem:$0x3F75]  }
0x30: {  	s3 =	sld [smem:$0x3F78]  }
0x31: {  	[smem:$0x3F81] =	sst s10  }
0x32: {  	s10 =	sld [smem:$0x3F7F];
	_ =	sdelay $0x3  }
0x33: {  	p0 =	seq.s32 s10, $0x1;
	s10 =	sld [smem:$0x3F81];
	_ =	sdelay $0x3  }
0x34: {  	[smem:$0x3F81] =	sst s10  }
0x35: {  	s10 =	sld [smem:$0x3F80];
	_ =	sdelay $0x3  }
0x36: {  	p1 =	seq.s32 s10, $0x1;
	s10 =	sld [smem:$0x3F81];
	_ =	sdelay $0x3  }
0x37: {  	[smem:$0x3F81] =	sst s10  }
0x38: {  	s10 =	sld [smem:$0x3F82]  }
0x39: {  	_ = 	snop;
	(pc) =	sbr.ind lr, $3  }
0x3a: {  	_ = 	snop  }
0x3b: {  	_ = 	snop  }
0x3c: {  	p2 =	seq.s32 s10, $0x1;
	s10 =	sld [smem:$0x3F81]  }
0x3d: {  	_ =	shalt  }
0x3e: {  	_ =	shalt  }
0x3f: {  	_ =	shalt  }
0x40: {  	_ =	shalt  }
0x41: {  	_ =	shalt  }
0x42: {  	_ =	shalt  }
0x43: {  	_ =	shalt  }
0x44: {  	_ =	shalt  }
0x45: {  	_ =	shalt  }
0x46: {  	_ =	shalt  }
0x47: {  	_ =	shalt  }
0x48: {  	_ =	shalt  }
0x49: {  	_ =	shalt  }
0x4a: {  	_ =	shalt  }
0x4b: {  	_ =	shalt  }
0x4c: {  	_ =	shalt  }
0x4d: {  	_ =	shalt  }
0x4e: {  	_ =	shalt  }
0x4f: {  	_ =	shalt  }
0x50: {  	_ =	shalt  }
0x51: {  	_ =	shalt  }
0x52: {  	_ =	shalt  }
0x53: {  	_ =	shalt  }
0x54: {  	_ =	shalt  }
0x55: {  	_ =	shalt  }
0x56: {  	_ =	shalt  }
0x57: {  	_ =	shalt  }
0x58: {  	_ =	shalt  }
0x59: {  	_ =	shalt  }
0x5a: {  	_ =	shalt  }
0x5b: {  	_ =	shalt  }
0x5c: {  	_ =	shalt  }
0x5d: {  	_ =	shalt  }
0x5e: {  	_ =	shalt  }
0x5f: {  	_ =	shalt  }
0x60: {  	_ =	shalt  }
0x61: {  	_ =	shalt  }
0x62: {  	_ =	shalt  }
0x63: {  	_ =	shalt  }
0x64: {  	_ =	shalt  }
0x65: {  	_ =	shalt  }
0x66: {  	_ =	shalt  }
0x67: {  	_ =	shalt  }
0x68: {  	_ =	shalt  }
0x69: {  	_ =	shalt  }
0x6a: {  	_ =	shalt  }
0x6b: {  	_ =	shalt  }
0x6c: {  	_ =	shalt  }
0x6d: {  	_ =	shalt  }
0x6e: {  	_ =	shalt  }
0x6f: {  	_ =	shalt  }
0x70: {  	_ =	shalt  }
0x71: {  	_ =	shalt  }
0x72: {  	_ =	shalt  }
0x73: {  	_ =	shalt  }
0x74: {  	_ =	shalt  }
0x75: {  	_ =	shalt  }
0x76: {  	_ =	shalt  }
0x77: {  	_ =	shalt  }
0x78: {  	_ =	shalt  }
0x79: {  	_ =	shalt  }
0x7a: {  	_ =	shalt  }
0x7b: {  	_ =	shalt  }
0x7c: {  	_ =	shalt  }
0x7d: {  	_ =	shalt  }
0x7e: {  	_ =	shalt  }
0x7f: {  	_ =	shalt  }
0x80: {  	_ =	shalt  }
0x81: {  	_ =	shalt  }
0x82: {  	_ =	shalt  }
0x83: {  	_ =	shalt  }
0x84: {  	_ =	shalt  }
0x85: {  	_ =	shalt  }
0x86: {  	_ =	shalt  }
0x87: {  	_ =	shalt  }
.Lfunc_end0:
.L_simem_size_0:
called_computation.7_lowered:
.L_overlay_start_0:
0x88: {  	s2 =	sld [smem:$0x3FD9]  }
0x89: {  	s3 =	sld [smem:$0x3FFE];
	_ =	sdelay $0x1  }
0x8a: {  	s1 =	srdreg.scid  }
0x8b: {  	s0 =	sand.u32 $0x1, s1  }
0x8c: {  	s17 =	sshll.u32 s0, $0xA;
	s2 =	sadd.s32 s3, s2  }
0x8d: {  	s2 =	sadd.s32 s2, s17  }
0x8e: {  	[smem:$0x3F8D] =	sst s2  }
0x8f: {  	_ = 	snop  }
0x90: {  	(tm) =	ssettm $0x1  }
0x91: {  	s18 =	sld [smem:$0x3FFB];
	_ =	sdelay $0x3  }
0x92: {  	_ =	strace s18  }
0x93: {  	s2 =	sld [smem:$0x3FFC];
	_ =	sdelay $0x3  }
0x94: {  	_ =	strace s2  }
0x95: {  	s2 =	sld [smem:$0x3FFD];
	_ =	sdelay $0x3  }
0x96: {  	_ =	strace s2  }
0x97: {  	_ =	strace $0x8FFFFFFF  }
0x98: {  	s19 =	sld [smem:$0x3FDB];
	_ =	sdelay $0x1  }
0x99: {  	s20 =	simm.s32 $_scs_section_size  }
0x9a: {  	s4 =	simm.s32 $_size__tile_overlayer_lowered;
	s5 =	simm.s32 $_tile_overlayer_lowered  }
0x9b: {  	s6 =	simm.s32 $0x1BFF;
	s21 =	sshll.u32 s5, $0x1;
	s3 =	sadd.s32 s20, s19  }
0x9c: {  	s22 =	simm.s32 $0x0;
	s4 =	sshll.u32 s4, $0x1;
	s5 =	sadd.s32 s21, s3  }
0x9d: {  	[timem:s22], [sflag:s6] =	dma.local [hbm:s5], s4  }
0x9e: {  	_ =	swait.ge [sflag:s6], s4  }
0x9f: {  	s4 =	ssub.s32 $0x0, s4;
	[sflag:s6] =	ssyncset.done $0x0  }
0xa0: {  	[sflag:s6] =	ssyncadd.s32 s4;
	_ =	sdelay $0x1  }
0xa1: {  	s23 =	simm.s32 $0x1B8B  }
0xa2: {  	_ =	swait.ge [sflag:s23], $0x1  }
0xa3: {  	[sflag:s23] =	ssyncset.done $0x0  }
0xa4: {  	[sflag:s23] =	ssyncadd.s32 $0xFFFFFFFF  }
0xa5: {  	s4 =	sld [smem:$0x0]  }
0xa6: {  	s5 =	sand.u32 $0xFFFFFFFE, s1  }
0xa7: {  	p0 =	sne.s32 s1, s5  }
0xa8: {  	s5 =	sshll.u32 @p0 s5, $0xE  }
0xa9: {  	s5 =	sadd.s32 @p0 $0x11B8D, s5;
	s6 =	sshll.u32 @p0 s4, $0x11  }
0xaa: {  	s5 =	sor.u32 @p0 s6, s5  }
0xab: {  	[sflag:s5] =	ssyncadd.remote.s32 @p0 $0x1;
	_ =	sdelay $0x1  }
0xac: {  	s5 =	simm.s32 @p0 $0x1B8D  }
0xad: {  	_ =	swait.eq @p0 [sflag:s5], $0x1  }
0xae: {  	[sflag:s5] =	ssyncadd.s32 @p0 $0xFFFFFFFF  }
0xaf: {  	s6 =	sshll.u32 @!p0 s1, $0xE  }
0xb0: {  	s6 =	sor.u32 @!p0 $0x4000, s6;
	s5 =	simm.s32 @!p0 $0x1B8D  }
0xb1: {  	s4 =	sshll.u32 @!p0 s4, $0x11;
	s6 =	sadd.s32 @!p0 $0x11B8D, s6;
	_ =	swait.eq @!p0 [sflag:s5], $0x1  }
0xb2: {  	s4 =	sor.u32 @!p0 s4, s6;
	[sflag:s5] =	ssyncadd.s32 @!p0 $0xFFFFFFFF  }
0xb3: {  	s25 =	simm.s32 $0x1B8E;
	s24 =	sld [smem:$0x3FFE];
	[sflag:s4] =	ssyncadd.remote.s32 @!p0 $0x1  }
0xb4: {  	s26 =	simm.s32 $execute0_lowered;
	[smem:$0x3FD2] =	sst s25  }
0xb5: {  	s5 =	sshll.u32 s26, $0x1;
	_ =	strace $0x8000005B;
	[dreg:$0x1] =	wrdreg $0xFFFFFFFF  }
0xb6: {  	s28 =	simm.s32 $_size_execute0_lowered;
	s3 =	sadd.s32 s3, s5;
	[dreg:$0x0] =	wrdreg $0x0  }
0xb7: {  	s5 =	sshll.u32 s28, $0x1;
	[dreg:$0x2] =	wrdreg s3  }
0xb8: {  	[dreg:$0x3] =	wrdreg s5  }
0xb9: {  	[dreg:$0x4] =	wrdreg $0xC0  }
0xba: {  	_ =	task [dreg:s22], $0x5FFFF  }
0xbb: {  	[dreg:$0x1] =	wrdreg $0xFFFFFFFF  }
0xbc: {  	[dreg:$0x0] =	wrdreg $0x60  }
0xbd: {  	[dreg:$0x2] =	wrdreg s24  }
0xbe: {  	[dreg:$0x3] =	wrdreg $0xA  }
0xbf: {  	_ =	task.clear_ibuf [dreg:s22], $0x4FFFF;
	_ =	strace $0x9000005B  }
0xc0: {  	s29 =	simm.s32 $0xA;
	_ =	strace $0x8000005D  }
0xc1: {  	_ =	swait.ge [sflag:s29], $0x1  }
0xc2: {  	[sflag:s29] =	ssyncadd.s32 $0xFFFFFFFF  }
0xc3: {  	_ =	strace $0x9000005D  }
0xc4: {  	_ =	sfence  }
0xc5: {  	s30 =	sld [smem:$0x0];
	_ =	sdelay $0x2  }
0xc6: {  	s31 =	sshll.u32 s1, $0xD;
	s1 =	sshrl.u32 s1, $0x2  }
0xc7: {  	s4 =	sand.u32 $0x4000, s31;
	s1 =	sadd.s32 s1, s30  }
0xc8: {  	s0 =	sor.u32 s4, s0;
	s1 =	sshll.u32 s1, $0x11  }
0xc9: {  	s0 =	sor.u32 s1, s0  }
0xca: {  	s0 =	sadd.s32 $0x8F2B, s0  }
0xcb: {  	[sflag:s0] =	ssyncadd.remote.s32 $0x1  }
0xcc: {  	_ =	sfence.sel $0xFFFF  }
0xcd: {  	[dreg:$0x0] =	wrdreg $0xFFFFFFFF;
	(pc) =	sbr.abs _section_cstart, $3  }
0xce: {  	[dreg:$0x1] =	wrdreg $0xFFFFFFFF  }
0xcf: {  	_ =	task.clear_ibuf [dreg:s22], $0x2FFFF;
	_ =	strace $0x9FFFFFFF  }
0xd0: {  	(tm) =	ssettm $0x7FFFFFFF  }
0xd1: {  	_ =	shalt  }
tec
execute0_lowered:
.L_overlay_start_1:
0x0: {  	(tag) =	ssettag $0x1  }
0x1: {  	s1 =	srdreg.scid  }
0x2: {  	s0 =	stileid.u32;
	s4 =	rddreg [dreg:$0x0];
	s2 =	simm.s32 $0x0  }
0x3: {  	s13 =	simm.s32 $0x5400;
	s14 =	simm.s32 $0x1;
	s15 =	simm.s32 $0x2  }
0x4: {  	s16 =	simm.s32 $0x3;
	s17 =	simm.s32 $0x4;
	s11 =	smul.u32 $0x140000, s0  }
0x5: {  	s6 =	sand.u32 $0x1, s1;
	s3 =	sshll.u32 s0, $0x1;
	s26 =	smul.u32 $0x28000, s0  }
0x6: {  	s18 =	simm.s32 $0x0;
	s5 =	sor.u32 s6, s3;
	s25 =	smul.u32 $0xA0000, s6  }
0x7: {  	[smem:$0x7FF] =	sst s2;
	s12 =	sadd.s32 $0x343600, s4;
	s7 =	smul.u32 $0x1400, s5  }
0x8: {  	s1 =	rddreg [dreg:$0x1];
	_ =	strace $0x8000005C;
	s8 =	smul.u32 $0xA0000, s5  }
0x9: {  	s3 =	sadd.s32 $0x6E600, s4;
	s9 =	ssub.s32 $0x2, s6;
	s10 =	smul.u32 $0x14000, s5  }
0xa: {  	s28 =	smul.u32 $0x14000, s6;
	s24 =	sshrl.u32 s9, $0x1;
	s7 =	sshrl.u32 s7, $0x3  }
0xb: {  	s8 =	sshrl.u32 s8, $0x3;
	s30 =	sadd.s32 s10, s12;
	s10 =	simm.s32 $0x5  }
0xc: {  	s23 =	sadd.s32 s7, s4;
	s7 =	ssub.s32 s9, s24;
	s9 =	sadd.s32 s25, s11  }
0xd: {  	s6 =	sadd.s32 s12, s8;
	s11 =	simm.s32 $0x80;
	s4 =	sadd.s32 $0x33E600, s23  }
0xe: {  	s5 =	smax.u32 s7, $0x1;
	s29 =	sor.u32 $0x8000, s9;
	s7 =	sadd.s32 s26, s12  }
0xf: {  	s8 =	sshrl.u32 s29, $0x3;
	s31 =	sadd.s32 s28, s7;
	s7 =	sadd.s32 $0x800, s30  }
0x10: {  	s8 =	sadd.s32 s8, s12;
	s9 =	sadd.s32 $0x1800, s31;
	s12 =	simm.s32 $0x1400  }
.LBB2_1:
0x11: {  	[tilespmem:s2], [sflag:$0x5] =	stream.linear.gather [hbm4b:s4+s2], $0x1400, $0x38;
	[tilespmem:$0x9400] =	vst v63  }
0x12: {  	_ =	swait.ge [sflag:s10], $0x1400  }
0x13: {  	[sflag:s10] =	ssyncset.done $0x0  }
0x14: {  	[sflag:s10] =	ssyncadd.s32 $0xFFFFEC00  }
0x15: {  	[tilespmem:s12], [sflag:$0x1] =	stream.indirect.gather [hbm4b:s3+s11], $0x80, s2, s11, $0xb8;
	[tilespmem:$0x9400] =	vst v63  }
0x16: {  	_ = 	snop  }
0x17: {  	[tilespmem:s13], [sflag:$0x2] =	stream.indirect.gather [hbm4b:s3+s11], $0x80, s11, s11, $0xb8;
	[tilespmem:$0x9400] =	vst v63  }
0x18: {  	_ =	swait.ge [sflag:s14], $0x4000  }
0x19: {  	[sflag:s14] =	ssyncset.done $0x0  }
0x1a: {  	[sflag:s14] =	ssyncadd.s32 $0xFFFFC000  }
0x1b: {  	[hbm4b:s6+s2] =	stream.linear.scatter [tilespmem:s12], [sflag:$0x3], $0x4000, $0x38;
	[tilespmem:$0x9400] =	vst v63  }
0x1c: {  	_ =	swait.ge [sflag:s15], $0x4000  }
0x1d: {  	[sflag:s15] =	ssyncset.done $0x0  }
0x1e: {  	[sflag:s15] =	ssyncadd.s32 $0xFFFFC000  }
0x1f: {  	[hbm4b:s7+s2] =	stream.linear.scatter [tilespmem:s13], [sflag:$0x4], $0x4000, $0x38;
	[tilespmem:$0x9400] =	vst v63  }
0x20: {  	_ =	swait.ge [sflag:s16], $0x4000  }
0x21: {  	[sflag:s16] =	ssyncset.done $0x0  }
0x22: {  	[sflag:s16] =	ssyncadd.s32 $0xFFFFC000  }
0x23: {  	_ =	swait.ge [sflag:s17], $0x4000  }
0x24: {  	[sflag:s17] =	ssyncset.done $0x0  }
0x25: {  	s19 =	simm.s32 $0x100;
	[sflag:s17] =	ssyncadd.s32 $0xFFFFC000  }
0x26: {  	[tilespmem:s12], [sflag:$0x1] =	stream.indirect.gather [hbm4b:s3+s11], $0x80, s19, s11, $0xb8;
	[tilespmem:$0x9400] =	vst v63  }
0x27: {  	s30 =	simm.s32 $0x180  }
0x28: {  	[tilespmem:s13], [sflag:$0x2] =	stream.indirect.gather [hbm4b:s3+s11], $0x80, s30, s11, $0xb8;
	[tilespmem:$0x9400] =	vst v63  }
0x29: {  	_ =	swait.ge [sflag:s14], $0x4000  }
0x2a: {  	[sflag:s14] =	ssyncset.done $0x0  }
0x2b: {  	s31 =	sadd.s32 $0x0, s8;
	[sflag:s14] =	ssyncadd.s32 $0xFFFFC000  }
0x2c: {  	[hbm4b:s31+s2] =	stream.linear.scatter [tilespmem:s12], [sflag:$0x3], $0x4000, $0x38;
	[tilespmem:$0x9400] =	vst v63  }
0x2d: {  	_ =	swait.ge [sflag:s15], $0x4000  }
0x2e: {  	s21 =	sadd.s32 $0x0, s9;
	[sflag:s15] =	ssyncset.done $0x0  }
0x2f: {  	s20 =	simm.s32 $0x200;
	s19 =	simm.s32 $0x1000;
	[sflag:s15] =	ssyncadd.s32 $0xFFFFC000  }
.LBB2_2:
0x30: {  	[hbm4b:s21+s2] =	stream.linear.scatter [tilespmem:s13], [sflag:$0x4], $0x4000, $0x38;
	[tilespmem:$0x9400] =	vst v63  }
0x31: {  	s21 =	smov.u32 s19  }
0x32: {  	p0 =	sne.s32 s19, $0x12000;
	s19 =	sadd.s32 $0x1000, s19;
	_ =	swait.ge [sflag:s16], $0x4000  }
0x33: {  	[sflag:s16] =	ssyncset.done $0x0  }
0x34: {  	[sflag:s16] =	ssyncadd.s32 $0xFFFFC000  }
0x35: {  	_ =	swait.ge [sflag:s17], $0x4000  }
0x36: {  	[sflag:s17] =	ssyncset.done $0x0  }
0x37: {  	[sflag:s17] =	ssyncadd.s32 $0xFFFFC000  }
0x38: {  	[tilespmem:s12], [sflag:$0x1] =	stream.indirect.gather [hbm4b:s3+s11], $0x80, s20, s11, $0xb8;
	[tilespmem:$0x9400] =	vst v63  }
0x39: {  	s22 =	sadd.s32 $0x80, s20  }
0x3a: {  	[tilespmem:s13], [sflag:$0x2] =	stream.indirect.gather [hbm4b:s3+s11], $0x80, s22, s11, $0xb8;
	[tilespmem:$0x9400] =	vst v63  }
0x3b: {  	_ =	swait.ge [sflag:s14], $0x4000  }
0x3c: {  	[sflag:s14] =	ssyncset.done $0x0  }
.Ltmp0:
0x3d: {  	s22 =	sadd.s32 s21, s8;
	[sflag:s14] =	ssyncadd.s32 $0xFFFFC000;
	(pc) =	sbr.rel @p0 .LBB2_2-.Ltmp0, $4  }
0x3e: {  	[hbm4b:s22+s2] =	stream.linear.scatter [tilespmem:s12], [sflag:$0x3], $0x4000, $0x38;
	[tilespmem:$0x9400] =	vst v63  }
0x3f: {  	_ =	swait.ge [sflag:s15], $0x4000  }
0x40: {  	[sflag:s15] =	ssyncset.done $0x0  }
0x41: {  	s20 =	sadd.s32 $0x100, s20;
	s21 =	sadd.s32 s21, s9;
	[sflag:s15] =	ssyncadd.s32 $0xFFFFC000  }
0x42: {  	[hbm4b:s21+s2] =	stream.linear.scatter [tilespmem:s13], [sflag:$0x4], $0x4000, $0x38;
	[tilespmem:$0x9400] =	vst v63  }
0x43: {  	s18 =	sadd.s32 $0x1, s18  }
0x44: {  	_ =	swait.ge [sflag:s16], $0x4000;
	p0 =	sne.s32 s18, s5  }
.Ltmp1:
0x45: {  	[sflag:s16] =	ssyncset.done $0x0;
	(pc) =	sbr.rel @p0 .LBB2_1-.Ltmp1, $4  }
0x46: {  	[sflag:s16] =	ssyncadd.s32 $0xFFFFC000  }
0x47: {  	_ =	swait.ge [sflag:s17], $0x4000  }
0x48: {  	[sflag:s17] =	ssyncset.done $0x0  }
0x49: {  	[sflag:s17] =	ssyncadd.s32 $0xFFFFC000  }
0x4a: {  	_ =	sfence.sel $0x180000  }
0x4b: {  	[bflag:$0x0] =	sbarrier.arrive $0xFFFF  }
0x4c: {  	p0 =	sne.s32 s0, $0x0;
	_ =	strace $0x9000005C  }
0x4d: {  	s0 =	sadd.s32 @!p0 $0x100000, s1;
	[bflag:$0x2] =	sbarrier.arrive $0xFFFF  }
0x4e: {  	[sflag:s0] =	ssyncadd.tile.s32 @!p0 $0x1;
	_ =	shalt  }
.Lfunc_end2:
_tile_overlayer_lowered:
.L_overlay_start_2:
0x4f: {  	(tag) =	ssettag $0x2  }
0x50: {  	s0 =	rddreg [dreg:$0x0];
	s2 =	stileid.u32  }
0x51: {  	s1 =	rddreg [dreg:$0x1];
	p0 =	sne.s32 s2, $0x0  }
0x52: {  	s3 =	rddreg [dreg:$0x2];
	[bflag:$0x3] =	sbarrier.arrive $0xFFFF;
	s2 =	simm.s32 @!p0 $0x1C05  }
0x53: {  	[timem:s3], [sflag:s2] =	dma.local @!p0 [hbm:s0], s1  }
0x54: {  	s0 =	simm.s32 @!p0 $0x5  }
0x55: {  	_ =	swait.ge @!p0 [sflag:s0], s1  }
0x56: {  	s1 =	ssub.s32 @!p0 $0x0, s1;
	[sflag:s0] =	ssyncset.done @!p0 $0x0  }
0x57: {  	[sflag:s0] =	ssyncadd.s32 @!p0 s1  }
0x58: {  	[bflag:$0x3] =	sbarrier.arrive $0xFFFF  }
0x59: {  	_ =	shalt  }

// kernel: kernel.66.cloned.1.call-start
scs
__scs_entry_jumppad:
0x0: {  	(pc) =	sbr.rel $0x88, $3  }
0x1: {  	(tag) =	ssettag $0x0;
	lr =	simm.s32 $0x1  }
0x2: {  	[smem:$0x3F66] =	sst lr;
	_ =	strace $0xD0000000  }
0x3: {  	_ = 	snop  }
0x4: {  	_ = 	snop  }
0x5: {  	_ = 	snop  }
0x6: {  	_ = 	snop  }
0x7: {  	_ = 	snop  }
__scs_overlays_trampoline_lowered:
0x8: {  	[smem:$0x3F75] =	sst s0  }
0x9: {  	[smem:$0x3F76] =	sst s1  }
0xa: {  	[smem:$0x3F77] =	sst s2  }
0xb: {  	[smem:$0x3F78] =	sst s3  }
0xc: {  	[smem:$0x3F79] =	sst s4  }
0xd: {  	[smem:$0x3F7A] =	sst s5  }
0xe: {  	[smem:$0x3F7B] =	sst s6  }
0xf: {  	[smem:$0x3F7C] =	sst s7  }
0x10: {  	[smem:$0x3F7D] =	sst s8  }
0x11: {  	[smem:$0x3F7E] =	sst s9;
	s0 =	simm.s32 @!p0 $0x0  }
0x12: {  	s1 =	sld [smem:$0x3F64];
	s0 =	simm.s32 @p0 $0x1  }
0x13: {  	[smem:$0x3F7F] =	sst s0;
	s0 =	simm.s32 @!p1 $0x0  }
0x14: {  	s2 =	sld [smem:$0x3F63];
	s0 =	simm.s32 @p1 $0x1  }
0x15: {  	[smem:$0x3F80] =	sst s0;
	s0 =	simm.s32 @!p2 $0x0  }
0x16: {  	s3 =	sld [smem:$0x3FDB];
	s0 =	simm.s32 @p2 $0x1  }
0x17: {  	s4 =	simm.s32 $0x1BF5;
	[smem:$0x3F82] =	sst s0  }
0x18: {  	s0 =	sld [smem:$0x3F65];
	_ =	swait.ge [sflag:s4], $0x0  }
0x19: {  	s7 =	sld [smem:$0x3F66]  }
0x1a: {  	s8 =	sadd.s32 $0xFFFFE003, lr  }
0x1b: {  	s9 =	sadd.s32 $0xFFFFFEF7, lr;
	s5 =	simm.s32 $0xFFFFFFFF;
	p2 =	slt.u32 s8, $0xFFFFF086  }
0x1c: {  	p1 =	slt.u32 s9, $0xF7A;
	s5 =	simm.s32 @!p2 $0x0  }
0x1d: {  	s5 =	simm.s32 @p1 $0x1;
	p0 =	seq.s32 s7, s2  }
0x1e: {  	s7 =	smul.u32 @!p0 $0xF7A, s2;
	p2 =	seq.s32 @!p0 s5, $0x0  }
0x1f: {  	s9 =	smul.u32 $0xF7A, s1;
	s8 =	simm.s32 @!p0 $0x1BF5;
	p2 =	por !p2, p0  }
0x20: {  	[sflag:s8] =	ssyncset.s32 @!p0 $0xFFFFF086;
	s6 =	sadd.s32 @!p0 s3, s7;
	s7 =	simm.s32 @!p0 $0x108  }
0x21: {  	s3 =	sadd.s32 s3, s9;
	s6 =	sadd.s32 @!p0 $0x88, s6;
	s7 =	simm.s32 @p2 $0x1082  }
0x22: {  	[simem:s7], [sflag:s8] =	dma.local @!p0 [hbm:s6], $0xF7A  }
0x23: {  	s9 =	sor.u32 $0xD0000000, s2;
	s6 =	simm.s32 $0x108;
	_ =	swait.ge @!p0 [sflag:s8], $0x0  }
0x24: {  	s3 =	sadd.s32 $0x88, s3;
	s6 =	simm.s32 @!p1 $0x1082;
	[sflag:s4] =	ssyncset.s32 $0xFFFFF086  }
0x25: {  	[simem:s6], [sflag:s4] =	dma.local [hbm:s3], $0xF7A  }
0x26: {  	[smem:$0x3F66] =	sst s1;
	(tag) =	ssettag s2;
	_ =	strace s9  }
0x27: {  	s1 =	sld [smem:$0x3F76]  }
0x28: {  	s2 =	sld [smem:$0x3F77]  }
0x29: {  	s4 =	sld [smem:$0x3F79]  }
0x2a: {  	p0 =	seq.s32 s5, $0x0;
	s5 =	sld [smem:$0x3F7A]  }
0x2b: {  	s6 =	sld [smem:$0x3F7B]  }
0x2c: {  	s7 =	sld [smem:$0x3F7C]  }
0x2d: {  	s3 =	simm.s32 $0x108;
	s8 =	sld [smem:$0x3F7D]  }
0x2e: {  	s3 =	simm.s32 @!p0 $0x1082;
	s9 =	sld [smem:$0x3F7E]  }
0x2f: {  	lr =	sadd.s32 s0, s3;
	s0 =	sld [smem:$0x3F75]  }
0x30: {  	s3 =	sld [smem:$0x3F78]  }
0x31: {  	[smem:$0x3F81] =	sst s10  }
0x32: {  	s10 =	sld [smem:$0x3F7F];
	_ =	sdelay $0x3  }
0x33: {  	p0 =	seq.s32 s10, $0x1;
	s10 =	sld [smem:$0x3F81];
	_ =	sdelay $0x3  }
0x34: {  	[smem:$0x3F81] =	sst s10  }
0x35: {  	s10 =	sld [smem:$0x3F80];
	_ =	sdelay $0x3  }
0x36: {  	p1 =	seq.s32 s10, $0x1;
	s10 =	sld [smem:$0x3F81];
	_ =	sdelay $0x3  }
0x37: {  	[smem:$0x3F81] =	sst s10  }
0x38: {  	s10 =	sld [smem:$0x3F82]  }
0x39: {  	_ = 	snop;
	(pc) =	sbr.ind lr, $3  }
0x3a: {  	_ = 	snop  }
0x3b: {  	_ = 	snop  }
0x3c: {  	p2 =	seq.s32 s10, $0x1;
	s10 =	sld [smem:$0x3F81]  }
0x3d: {  	_ =	shalt  }
0x3e: {  	_ =	shalt  }
0x3f: {  	_ =	shalt  }
0x40: {  	_ =	shalt  }
0x41: {  	_ =	shalt  }
0x42: {  	_ =	shalt  }
0x43: {  	_ =	shalt  }
0x44: {  	_ =	shalt  }
0x45: {  	_ =	shalt  }
0x46: {  	_ =	shalt  }
0x47: {  	_ =	shalt  }
0x48: {  	_ =	shalt  }
0x49: {  	_ =	shalt  }
0x4a: {  	_ =	shalt  }
0x4b: {  	_ =	shalt  }
0x4c: {  	_ =	shalt  }
0x4d: {  	_ =	shalt  }
0x4e: {  	_ =	shalt  }
0x4f: {  	_ =	shalt  }
0x50: {  	_ =	shalt  }
0x51: {  	_ =	shalt  }
0x52: {  	_ =	shalt  }
0x53: {  	_ =	shalt  }
0x54: {  	_ =	shalt  }
0x55: {  	_ =	shalt  }
0x56: {  	_ =	shalt  }
0x57: {  	_ =	shalt  }
0x58: {  	_ =	shalt  }
0x59: {  	_ =	shalt  }
0x5a: {  	_ =	shalt  }
0x5b: {  	_ =	shalt  }
0x5c: {  	_ =	shalt  }
0x5d: {  	_ =	shalt  }
0x5e: {  	_ =	shalt  }
0x5f: {  	_ =	shalt  }
0x60: {  	_ =	shalt  }
0x61: {  	_ =	shalt  }
0x62: {  	_ =	shalt  }
0x63: {  	_ =	shalt  }
0x64: {  	_ =	shalt  }
0x65: {  	_ =	shalt  }
0x66: {  	_ =	shalt  }
0x67: {  	_ =	shalt  }
0x68: {  	_ =	shalt  }
0x69: {  	_ =	shalt  }
0x6a: {  	_ =	shalt  }
0x6b: {  	_ =	shalt  }
0x6c: {  	_ =	shalt  }
0x6d: {  	_ =	shalt  }
0x6e: {  	_ =	shalt  }
0x6f: {  	_ =	shalt  }
0x70: {  	_ =	shalt  }
0x71: {  	_ =	shalt  }
0x72: {  	_ =	shalt  }
0x73: {  	_ =	shalt  }
0x74: {  	_ =	shalt  }
0x75: {  	_ =	shalt  }
0x76: {  	_ =	shalt  }
0x77: {  	_ =	shalt  }
0x78: {  	_ =	shalt  }
0x79: {  	_ =	shalt  }
0x7a: {  	_ =	shalt  }
0x7b: {  	_ =	shalt  }
0x7c: {  	_ =	shalt  }
0x7d: {  	_ =	shalt  }
0x7e: {  	_ =	shalt  }
0x7f: {  	_ =	shalt  }
0x80: {  	_ =	shalt  }
0x81: {  	_ =	shalt  }
0x82: {  	_ =	shalt  }
0x83: {  	_ =	shalt  }
0x84: {  	_ =	shalt  }
0x85: {  	_ =	shalt  }
0x86: {  	_ =	shalt  }
0x87: {  	_ =	shalt  }
.Lfunc_end0:
.L_simem_size_0:
called_computation.8_lowered:
.L_overlay_start_0:
0x88: {  	s2 =	sld [smem:$0x3FD9]  }
0x89: {  	s3 =	sld [smem:$0x3FFE];
	_ =	sdelay $0x1  }
0x8a: {  	s1 =	srdreg.scid  }
0x8b: {  	s0 =	sand.u32 $0x1, s1  }
0x8c: {  	s16 =	sshll.u32 s0, $0xA;
	s2 =	sadd.s32 s3, s2  }
0x8d: {  	s2 =	sadd.s32 s2, s16  }
0x8e: {  	[smem:$0x3F8D] =	sst s2  }
0x8f: {  	_ = 	snop  }
0x90: {  	(tm) =	ssettm $0x1  }
0x91: {  	s17 =	sld [smem:$0x3FFB];
	_ =	sdelay $0x3  }
0x92: {  	_ =	strace s17  }
0x93: {  	s2 =	sld [smem:$0x3FFC];
	_ =	sdelay $0x3  }
0x94: {  	_ =	strace s2  }
0x95: {  	s2 =	sld [smem:$0x3FFD];
	_ =	sdelay $0x3  }
0x96: {  	_ =	strace s2  }
0x97: {  	_ =	strace $0x8FFFFFFF  }
0x98: {  	s18 =	sld [smem:$0x3FDB];
	_ =	sdelay $0x1  }
0x99: {  	s19 =	simm.s32 $_scs_section_size  }
0x9a: {  	s4 =	simm.s32 $_size__tile_overlayer_lowered;
	s5 =	simm.s32 $_tile_overlayer_lowered  }
0x9b: {  	s22 =	simm.s32 $0x1BFF;
	s21 =	sshll.u32 s5, $0x1;
	s2 =	sadd.s32 s19, s18  }
0x9c: {  	s6 =	simm.s32 $0x0;
	s20 =	sshll.u32 s4, $0x1;
	s4 =	sadd.s32 s21, s2  }
0x9d: {  	[timem:s6], [sflag:s22] =	dma.local [hbm:s4], s20  }
0x9e: {  	_ =	swait.ge [sflag:s22], s20  }
0x9f: {  	s3 =	ssub.s32 $0x0, s20;
	[sflag:s22] =	ssyncset.done $0x0  }
0xa0: {  	[sflag:s22] =	ssyncadd.s32 s3;
	_ =	sdelay $0x1  }
0xa1: {  	s23 =	simm.s32 $0x1B8B  }
0xa2: {  	_ =	swait.ge [sflag:s23], $0x1  }
0xa3: {  	[sflag:s23] =	ssyncset.done $0x0  }
0xa4: {  	s25 =	simm.s32 $0x1B8E;
	s24 =	sld [smem:$0x3FFE];
	[sflag:s23] =	ssyncadd.s32 $0xFFFFFFFF  }
0xa5: {  	s26 =	simm.s32 $execute0_lowered;
	[smem:$0x3FD2] =	sst s25  }
0xa6: {  	s4 =	sshll.u32 s26, $0x1;
	_ =	strace $0x8000005E;
	[dreg:$0x1] =	wrdreg $0xFFFFFFFF  }
0xa7: {  	s28 =	simm.s32 $_size_execute0_lowered;
	s2 =	sadd.s32 s2, s4;
	[dreg:$0x0] =	wrdreg $0x0  }
0xa8: {  	s4 =	sshll.u32 s28, $0x1;
	[dreg:$0x2] =	wrdreg s2  }
0xa9: {  	[dreg:$0x3] =	wrdreg s4  }
0xaa: {  	[dreg:$0x4] =	wrdreg $0xC0  }
0xab: {  	_ =	task [dreg:s6], $0x5FFFF  }
0xac: {  	[dreg:$0x1] =	wrdreg $0xFFFFFFFF  }
0xad: {  	[dreg:$0x0] =	wrdreg $0x60  }
0xae: {  	[dreg:$0x2] =	wrdreg s24  }
0xaf: {  	[dreg:$0x3] =	wrdreg $0x9  }
0xb0: {  	_ =	task.clear_ibuf [dreg:s6], $0x4FFFF;
	_ =	strace $0x9000005E  }
0xb1: {  	s29 =	simm.s32 $0x9;
	_ =	strace $0x80000060  }
0xb2: {  	_ =	swait.ge [sflag:s29], $0x1  }
0xb3: {  	[sflag:s29] =	ssyncadd.s32 $0xFFFFFFFF  }
0xb4: {  	_ =	strace $0x90000060  }
0xb5: {  	_ =	sfence  }
0xb6: {  	s30 =	sld [smem:$0x0];
	_ =	sdelay $0x2  }
0xb7: {  	s31 =	sshll.u32 s1, $0xD;
	s1 =	sshrl.u32 s1, $0x2  }
0xb8: {  	s3 =	sand.u32 $0x4000, s31;
	s1 =	sadd.s32 s1, s30  }
0xb9: {  	s0 =	sor.u32 s3, s0;
	s1 =	sshll.u32 s1, $0x11  }
0xba: {  	s0 =	sor.u32 s1, s0  }
0xbb: {  	s0 =	sadd.s32 $0x8F2B, s0  }
0xbc: {  	[sflag:s0] =	ssyncadd.remote.s32 $0x1  }
0xbd: {  	_ =	sfence.sel $0xFFFF  }
0xbe: {  	[dreg:$0x0] =	wrdreg $0xFFFFFFFF;
	(pc) =	sbr.abs _section_cstart, $3  }
0xbf: {  	[dreg:$0x1] =	wrdreg $0xFFFFFFFF  }
0xc0: {  	_ =	task.clear_ibuf [dreg:s6], $0x2FFFF;
	_ =	strace $0x9FFFFFFF  }
0xc1: {  	(tm) =	ssettm $0x7FFFFFFF  }
tec
execute0_lowered:
.L_overlay_start_1:
0x0: {  	(tag) =	ssettag $0x1  }
0x1: {  	s1 =	srdreg.scid  }
0x2: {  	s0 =	stileid.u32;
	s4 =	rddreg [dreg:$0x0];
	s2 =	simm.s32 $0x0  }
0x3: {  	s13 =	simm.s32 $0x5400;
	s14 =	simm.s32 $0x1;
	s15 =	simm.s32 $0x2  }
0x4: {  	s16 =	simm.s32 $0x3;
	s17 =	simm.s32 $0x4;
	s11 =	smul.u32 $0x140000, s0  }
0x5: {  	s6 =	sand.u32 $0x1, s1;
	s3 =	sshll.u32 s0, $0x1;
	s26 =	smul.u32 $0x28000, s0  }
0x6: {  	s1 =	rddreg [dreg:$0x1];
	s5 =	sor.u32 s6, s3;
	s25 =	smul.u32 $0xA0000, s6  }
0x7: {  	s18 =	simm.s32 $0x0;
	[smem:$0x7FF] =	sst s2;
	s7 =	smul.u32 $0x1400, s5  }
0x8: {  	s12 =	sadd.s32 $0xBE600, s4;
	_ =	strace $0x8000005F;
	s8 =	smul.u32 $0xA0000, s5  }
0x9: {  	s3 =	sadd.s32 $0x6E600, s4;
	s9 =	ssub.s32 $0x2, s6;
	s10 =	smul.u32 $0x14000, s5  }
0xa: {  	s28 =	smul.u32 $0x14000, s6;
	s24 =	sshrl.u32 s9, $0x1;
	s7 =	sshrl.u32 s7, $0x3  }
0xb: {  	s8 =	sshrl.u32 s8, $0x3;
	s30 =	sadd.s32 s10, s12;
	s10 =	simm.s32 $0x5  }
0xc: {  	s23 =	sadd.s32 s7, s4;
	s7 =	ssub.s32 s9, s24;
	s9 =	sadd.s32 s25, s11  }
0xd: {  	s6 =	sadd.s32 s12, s8;
	s11 =	simm.s32 $0x80;
	s4 =	sadd.s32 $0x41600, s23  }
0xe: {  	s5 =	smax.u32 s7, $0x1;
	s29 =	sor.u32 $0x8000, s9;
	s7 =	sadd.s32 s26, s12  }
0xf: {  	s8 =	sshrl.u32 s29, $0x3;
	s31 =	sadd.s32 s28, s7;
	s7 =	sadd.s32 $0x800, s30  }
0x10: {  	s8 =	sadd.s32 s8, s12;
	s9 =	sadd.s32 $0x1800, s31;
	s12 =	simm.s32 $0x1400  }
.LBB2_1:
0x11: {  	[tilespmem:s2], [sflag:$0x5] =	stream.linear.gather [hbm4b:s4+s2], $0x1400, $0x38;
	[tilespmem:$0x9400] =	vst v63  }
0x12: {  	_ =	swait.ge [sflag:s10], $0x1400  }
0x13: {  	[sflag:s10] =	ssyncset.done $0x0  }
0x14: {  	[sflag:s10] =	ssyncadd.s32 $0xFFFFEC00  }
0x15: {  	[tilespmem:s12], [sflag:$0x1] =	stream.indirect.gather [hbm4b:s3+s11], $0x80, s2, s11, $0xb8;
	[tilespmem:$0x9400] =	vst v63  }
0x16: {  	_ = 	snop  }
0x17: {  	[tilespmem:s13], [sflag:$0x2] =	stream.indirect.gather [hbm4b:s3+s11], $0x80, s11, s11, $0xb8;
	[tilespmem:$0x9400] =	vst v63  }
0x18: {  	_ =	swait.ge [sflag:s14], $0x4000  }
0x19: {  	[sflag:s14] =	ssyncset.done $0x0  }
0x1a: {  	[sflag:s14] =	ssyncadd.s32 $0xFFFFC000  }
0x1b: {  	[hbm4b:s6+s2] =	stream.linear.scatter [tilespmem:s12], [sflag:$0x3], $0x4000, $0x38;
	[tilespmem:$0x9400] =	vst v63  }
0x1c: {  	_ =	swait.ge [sflag:s15], $0x4000  }
0x1d: {  	[sflag:s15] =	ssyncset.done $0x0  }
0x1e: {  	[sflag:s15] =	ssyncadd.s32 $0xFFFFC000  }
0x1f: {  	[hbm4b:s7+s2] =	stream.linear.scatter [tilespmem:s13], [sflag:$0x4], $0x4000, $0x38;
	[tilespmem:$0x9400] =	vst v63  }
0x20: {  	_ =	swait.ge [sflag:s16], $0x4000  }
0x21: {  	[sflag:s16] =	ssyncset.done $0x0  }
0x22: {  	[sflag:s16] =	ssyncadd.s32 $0xFFFFC000  }
0x23: {  	_ =	swait.ge [sflag:s17], $0x4000  }
0x24: {  	[sflag:s17] =	ssyncset.done $0x0  }
0x25: {  	s19 =	simm.s32 $0x100;
	[sflag:s17] =	ssyncadd.s32 $0xFFFFC000  }
0x26: {  	[tilespmem:s12], [sflag:$0x1] =	stream.indirect.gather [hbm4b:s3+s11], $0x80, s19, s11, $0xb8;
	[tilespmem:$0x9400] =	vst v63  }
0x27: {  	s30 =	simm.s32 $0x180  }
0x28: {  	[tilespmem:s13], [sflag:$0x2] =	stream.indirect.gather [hbm4b:s3+s11], $0x80, s30, s11, $0xb8;
	[tilespmem:$0x9400] =	vst v63  }
0x29: {  	_ =	swait.ge [sflag:s14], $0x4000  }
0x2a: {  	[sflag:s14] =	ssyncset.done $0x0  }
0x2b: {  	s31 =	sadd.s32 $0x0, s8;
	[sflag:s14] =	ssyncadd.s32 $0xFFFFC000  }
0x2c: {  	[hbm4b:s31+s2] =	stream.linear.scatter [tilespmem:s12], [sflag:$0x3], $0x4000, $0x38;
	[tilespmem:$0x9400] =	vst v63  }
0x2d: {  	_ =	swait.ge [sflag:s15], $0x4000  }
0x2e: {  	s21 =	sadd.s32 $0x0, s9;
	[sflag:s15] =	ssyncset.done $0x0  }
0x2f: {  	s20 =	simm.s32 $0x200;
	s19 =	simm.s32 $0x1000;
	[sflag:s15] =	ssyncadd.s32 $0xFFFFC000  }
.LBB2_2:
0x30: {  	[hbm4b:s21+s2] =	stream.linear.scatter [tilespmem:s13], [sflag:$0x4], $0x4000, $0x38;
	[tilespmem:$0x9400] =	vst v63  }
0x31: {  	s21 =	smov.u32 s19  }
0x32: {  	p0 =	sne.s32 s19, $0x12000;
	s19 =	sadd.s32 $0x1000, s19;
	_ =	swait.ge [sflag:s16], $0x4000  }
0x33: {  	[sflag:s16] =	ssyncset.done $0x0  }
0x34: {  	[sflag:s16] =	ssyncadd.s32 $0xFFFFC000  }
0x35: {  	_ =	swait.ge [sflag:s17], $0x4000  }
0x36: {  	[sflag:s17] =	ssyncset.done $0x0  }
0x37: {  	[sflag:s17] =	ssyncadd.s32 $0xFFFFC000  }
0x38: {  	[tilespmem:s12], [sflag:$0x1] =	stream.indirect.gather [hbm4b:s3+s11], $0x80, s20, s11, $0xb8;
	[tilespmem:$0x9400] =	vst v63  }
0x39: {  	s22 =	sadd.s32 $0x80, s20  }
0x3a: {  	[tilespmem:s13], [sflag:$0x2] =	stream.indirect.gather [hbm4b:s3+s11], $0x80, s22, s11, $0xb8;
	[tilespmem:$0x9400] =	vst v63  }
0x3b: {  	_ =	swait.ge [sflag:s14], $0x4000  }
0x3c: {  	[sflag:s14] =	ssyncset.done $0x0  }
.Ltmp0:
0x3d: {  	s22 =	sadd.s32 s21, s8;
	[sflag:s14] =	ssyncadd.s32 $0xFFFFC000;
	(pc) =	sbr.rel @p0 .LBB2_2-.Ltmp0, $4  }
0x3e: {  	[hbm4b:s22+s2] =	stream.linear.scatter [tilespmem:s12], [sflag:$0x3], $0x4000, $0x38;
	[tilespmem:$0x9400] =	vst v63  }
0x3f: {  	_ =	swait.ge [sflag:s15], $0x4000  }
0x40: {  	[sflag:s15] =	ssyncset.done $0x0  }
0x41: {  	s20 =	sadd.s32 $0x100, s20;
	s21 =	sadd.s32 s21, s9;
	[sflag:s15] =	ssyncadd.s32 $0xFFFFC000  }
0x42: {  	[hbm4b:s21+s2] =	stream.linear.scatter [tilespmem:s13], [sflag:$0x4], $0x4000, $0x38;
	[tilespmem:$0x9400] =	vst v63  }
0x43: {  	s18 =	sadd.s32 $0x1, s18  }
0x44: {  	_ =	swait.ge [sflag:s16], $0x4000;
	p0 =	sne.s32 s18, s5  }
.Ltmp1:
0x45: {  	[sflag:s16] =	ssyncset.done $0x0;
	(pc) =	sbr.rel @p0 .LBB2_1-.Ltmp1, $4  }
0x46: {  	[sflag:s16] =	ssyncadd.s32 $0xFFFFC000  }
0x47: {  	_ =	swait.ge [sflag:s17], $0x4000  }
0x48: {  	[sflag:s17] =	ssyncset.done $0x0  }
0x49: {  	[sflag:s17] =	ssyncadd.s32 $0xFFFFC000  }
0x4a: {  	_ =	sfence.sel $0x180000  }
0x4b: {  	[bflag:$0x0] =	sbarrier.arrive $0xFFFF  }
0x4c: {  	p0 =	sne.s32 s0, $0x0;
	_ =	strace $0x9000005F  }
0x4d: {  	s0 =	sadd.s32 @!p0 $0x100000, s1;
	[bflag:$0x2] =	sbarrier.arrive $0xFFFF  }
0x4e: {  	[sflag:s0] =	ssyncadd.tile.s32 @!p0 $0x1;
	_ =	shalt  }
.Lfunc_end2:
_tile_overlayer_lowered:
.L_overlay_start_2:
0x4f: {  	(tag) =	ssettag $0x2  }
0x50: {  	s0 =	rddreg [dreg:$0x0];
	s2 =	stileid.u32  }
0x51: {  	s1 =	rddreg [dreg:$0x1];
	p0 =	sne.s32 s2, $0x0  }
0x52: {  	s3 =	rddreg [dreg:$0x2];
	[bflag:$0x3] =	sbarrier.arrive $0xFFFF;
	s2 =	simm.s32 @!p0 $0x1C05  }
0x53: {  	[timem:s3], [sflag:s2] =	dma.local @!p0 [hbm:s0], s1  }
0x54: {  	s0 =	simm.s32 @!p0 $0x5  }
0x55: {  	_ =	swait.ge @!p0 [sflag:s0], s1  }
0x56: {  	s1 =	ssub.s32 @!p0 $0x0, s1;
	[sflag:s0] =	ssyncset.done @!p0 $0x0  }
0x57: {  	[sflag:s0] =	ssyncadd.s32 @!p0 s1  }
0x58: {  	[bflag:$0x3] =	sbarrier.arrive $0xFFFF  }
0x59: {  	_ =	shalt  }

// kernel: kernel.69.cloned.1.call-start
scs
__scs_entry_jumppad:
0x0: {  	(pc) =	sbr.rel $0x88, $3  }
0x1: {  	(tag) =	ssettag $0x0;
	lr =	simm.s32 $0x1  }
0x2: {  	[smem:$0x3F66] =	sst lr;
	_ =	strace $0xD0000000  }
0x3: {  	_ = 	snop  }
0x4: {  	_ = 	snop  }
0x5: {  	_ = 	snop  }
0x6: {  	_ = 	snop  }
0x7: {  	_ = 	snop  }
__scs_overlays_trampoline_lowered:
0x8: {  	[smem:$0x3F75] =	sst s0  }
0x9: {  	[smem:$0x3F76] =	sst s1  }
0xa: {  	[smem:$0x3F77] =	sst s2  }
0xb: {  	[smem:$0x3F78] =	sst s3  }
0xc: {  	[smem:$0x3F79] =	sst s4  }
0xd: {  	[smem:$0x3F7A] =	sst s5  }
0xe: {  	[smem:$0x3F7B] =	sst s6  }
0xf: {  	[smem:$0x3F7C] =	sst s7  }
0x10: {  	[smem:$0x3F7D] =	sst s8  }
0x11: {  	[smem:$0x3F7E] =	sst s9;
	s0 =	simm.s32 @!p0 $0x0  }
0x12: {  	s1 =	sld [smem:$0x3F64];
	s0 =	simm.s32 @p0 $0x1  }
0x13: {  	[smem:$0x3F7F] =	sst s0;
	s0 =	simm.s32 @!p1 $0x0  }
0x14: {  	s2 =	sld [smem:$0x3F63];
	s0 =	simm.s32 @p1 $0x1  }
0x15: {  	[smem:$0x3F80] =	sst s0;
	s0 =	simm.s32 @!p2 $0x0  }
0x16: {  	s3 =	sld [smem:$0x3FDB];
	s0 =	simm.s32 @p2 $0x1  }
0x17: {  	s4 =	simm.s32 $0x1BF5;
	[smem:$0x3F82] =	sst s0  }
0x18: {  	s0 =	sld [smem:$0x3F65];
	_ =	swait.ge [sflag:s4], $0x0  }
0x19: {  	s7 =	sld [smem:$0x3F66]  }
0x1a: {  	s8 =	sadd.s32 $0xFFFFE003, lr  }
0x1b: {  	s9 =	sadd.s32 $0xFFFFFEF7, lr;
	s5 =	simm.s32 $0xFFFFFFFF;
	p2 =	slt.u32 s8, $0xFFFFF086  }
0x1c: {  	p1 =	slt.u32 s9, $0xF7A;
	s5 =	simm.s32 @!p2 $0x0  }
0x1d: {  	s5 =	simm.s32 @p1 $0x1;
	p0 =	seq.s32 s7, s2  }
0x1e: {  	s7 =	smul.u32 @!p0 $0xF7A, s2;
	p2 =	seq.s32 @!p0 s5, $0x0  }
0x1f: {  	s9 =	smul.u32 $0xF7A, s1;
	s8 =	simm.s32 @!p0 $0x1BF5;
	p2 =	por !p2, p0  }
0x20: {  	[sflag:s8] =	ssyncset.s32 @!p0 $0xFFFFF086;
	s6 =	sadd.s32 @!p0 s3, s7;
	s7 =	simm.s32 @!p0 $0x108  }
0x21: {  	s3 =	sadd.s32 s3, s9;
	s6 =	sadd.s32 @!p0 $0x88, s6;
	s7 =	simm.s32 @p2 $0x1082  }
0x22: {  	[simem:s7], [sflag:s8] =	dma.local @!p0 [hbm:s6], $0xF7A  }
0x23: {  	s9 =	sor.u32 $0xD0000000, s2;
	s6 =	simm.s32 $0x108;
	_ =	swait.ge @!p0 [sflag:s8], $0x0  }
0x24: {  	s3 =	sadd.s32 $0x88, s3;
	s6 =	simm.s32 @!p1 $0x1082;
	[sflag:s4] =	ssyncset.s32 $0xFFFFF086  }
0x25: {  	[simem:s6], [sflag:s4] =	dma.local [hbm:s3], $0xF7A  }
0x26: {  	[smem:$0x3F66] =	sst s1;
	(tag) =	ssettag s2;
	_ =	strace s9  }
0x27: {  	s1 =	sld [smem:$0x3F76]  }
0x28: {  	s2 =	sld [smem:$0x3F77]  }
0x29: {  	s4 =	sld [smem:$0x3F79]  }
0x2a: {  	p0 =	seq.s32 s5, $0x0;
	s5 =	sld [smem:$0x3F7A]  }
0x2b: {  	s6 =	sld [smem:$0x3F7B]  }
0x2c: {  	s7 =	sld [smem:$0x3F7C]  }
0x2d: {  	s3 =	simm.s32 $0x108;
	s8 =	sld [smem:$0x3F7D]  }
0x2e: {  	s3 =	simm.s32 @!p0 $0x1082;
	s9 =	sld [smem:$0x3F7E]  }
0x2f: {  	lr =	sadd.s32 s0, s3;
	s0 =	sld [smem:$0x3F75]  }
0x30: {  	s3 =	sld [smem:$0x3F78]  }
0x31: {  	[smem:$0x3F81] =	sst s10  }
0x32: {  	s10 =	sld [smem:$0x3F7F];
	_ =	sdelay $0x3  }
0x33: {  	p0 =	seq.s32 s10, $0x1;
	s10 =	sld [smem:$0x3F81];
	_ =	sdelay $0x3  }
0x34: {  	[smem:$0x3F81] =	sst s10  }
0x35: {  	s10 =	sld [smem:$0x3F80];
	_ =	sdelay $0x3  }
0x36: {  	p1 =	seq.s32 s10, $0x1;
	s10 =	sld [smem:$0x3F81];
	_ =	sdelay $0x3  }
0x37: {  	[smem:$0x3F81] =	sst s10  }
0x38: {  	s10 =	sld [smem:$0x3F82]  }
0x39: {  	_ = 	snop;
	(pc) =	sbr.ind lr, $3  }
0x3a: {  	_ = 	snop  }
0x3b: {  	_ = 	snop  }
0x3c: {  	p2 =	seq.s32 s10, $0x1;
	s10 =	sld [smem:$0x3F81]  }
0x3d: {  	_ =	shalt  }
0x3e: {  	_ =	shalt  }
0x3f: {  	_ =	shalt  }
0x40: {  	_ =	shalt  }
0x41: {  	_ =	shalt  }
0x42: {  	_ =	shalt  }
0x43: {  	_ =	shalt  }
0x44: {  	_ =	shalt  }
0x45: {  	_ =	shalt  }
0x46: {  	_ =	shalt  }
0x47: {  	_ =	shalt  }
0x48: {  	_ =	shalt  }
0x49: {  	_ =	shalt  }
0x4a: {  	_ =	shalt  }
0x4b: {  	_ =	shalt  }
0x4c: {  	_ =	shalt  }
0x4d: {  	_ =	shalt  }
0x4e: {  	_ =	shalt  }
0x4f: {  	_ =	shalt  }
0x50: {  	_ =	shalt  }
0x51: {  	_ =	shalt  }
0x52: {  	_ =	shalt  }
0x53: {  	_ =	shalt  }
0x54: {  	_ =	shalt  }
0x55: {  	_ =	shalt  }
0x56: {  	_ =	shalt  }
0x57: {  	_ =	shalt  }
0x58: {  	_ =	shalt  }
0x59: {  	_ =	shalt  }
0x5a: {  	_ =	shalt  }
0x5b: {  	_ =	shalt  }
0x5c: {  	_ =	shalt  }
0x5d: {  	_ =	shalt  }
0x5e: {  	_ =	shalt  }
0x5f: {  	_ =	shalt  }
0x60: {  	_ =	shalt  }
0x61: {  	_ =	shalt  }
0x62: {  	_ =	shalt  }
0x63: {  	_ =	shalt  }
0x64: {  	_ =	shalt  }
0x65: {  	_ =	shalt  }
0x66: {  	_ =	shalt  }
0x67: {  	_ =	shalt  }
0x68: {  	_ =	shalt  }
0x69: {  	_ =	shalt  }
0x6a: {  	_ =	shalt  }
0x6b: {  	_ =	shalt  }
0x6c: {  	_ =	shalt  }
0x6d: {  	_ =	shalt  }
0x6e: {  	_ =	shalt  }
0x6f: {  	_ =	shalt  }
0x70: {  	_ =	shalt  }
0x71: {  	_ =	shalt  }
0x72: {  	_ =	shalt  }
0x73: {  	_ =	shalt  }
0x74: {  	_ =	shalt  }
0x75: {  	_ =	shalt  }
0x76: {  	_ =	shalt  }
0x77: {  	_ =	shalt  }
0x78: {  	_ =	shalt  }
0x79: {  	_ =	shalt  }
0x7a: {  	_ =	shalt  }
0x7b: {  	_ =	shalt  }
0x7c: {  	_ =	shalt  }
0x7d: {  	_ =	shalt  }
0x7e: {  	_ =	shalt  }
0x7f: {  	_ =	shalt  }
0x80: {  	_ =	shalt  }
0x81: {  	_ =	shalt  }
0x82: {  	_ =	shalt  }
0x83: {  	_ =	shalt  }
0x84: {  	_ =	shalt  }
0x85: {  	_ =	shalt  }
0x86: {  	_ =	shalt  }
0x87: {  	_ =	shalt  }
.Lfunc_end0:
.L_simem_size_0:
called_computation.9_lowered:
.L_overlay_start_0:
0x88: {  	s2 =	sld [smem:$0x3FD9]  }
0x89: {  	s3 =	sld [smem:$0x3FFE];
	_ =	sdelay $0x1  }
0x8a: {  	s1 =	srdreg.scid  }
0x8b: {  	s0 =	sand.u32 $0x1, s1  }
0x8c: {  	s17 =	sshll.u32 s0, $0xA;
	s2 =	sadd.s32 s3, s2  }
0x8d: {  	s2 =	sadd.s32 s2, s17  }
0x8e: {  	[smem:$0x3F8D] =	sst s2  }
0x8f: {  	_ = 	snop  }
0x90: {  	(tm) =	ssettm $0x1  }
0x91: {  	s18 =	sld [smem:$0x3FFB];
	_ =	sdelay $0x3  }
0x92: {  	_ =	strace s18  }
0x93: {  	s2 =	sld [smem:$0x3FFC];
	_ =	sdelay $0x3  }
0x94: {  	_ =	strace s2  }
0x95: {  	s2 =	sld [smem:$0x3FFD];
	_ =	sdelay $0x3  }
0x96: {  	_ =	strace s2  }
0x97: {  	_ =	strace $0x8FFFFFFF  }
0x98: {  	s19 =	sld [smem:$0x3FDB];
	_ =	sdelay $0x1  }
0x99: {  	s20 =	simm.s32 $_scs_section_size  }
0x9a: {  	s4 =	simm.s32 $_size__tile_overlayer_lowered;
	s5 =	simm.s32 $_tile_overlayer_lowered  }
0x9b: {  	s6 =	simm.s32 $0x1BFF;
	s21 =	sshll.u32 s5, $0x1;
	s3 =	sadd.s32 s20, s19  }
0x9c: {  	s22 =	simm.s32 $0x0;
	s4 =	sshll.u32 s4, $0x1;
	s5 =	sadd.s32 s21, s3  }
0x9d: {  	[timem:s22], [sflag:s6] =	dma.local [hbm:s5], s4  }
0x9e: {  	_ =	swait.ge [sflag:s6], s4  }
0x9f: {  	s4 =	ssub.s32 $0x0, s4;
	[sflag:s6] =	ssyncset.done $0x0  }
0xa0: {  	[sflag:s6] =	ssyncadd.s32 s4;
	_ =	sdelay $0x1  }
0xa1: {  	s23 =	simm.s32 $0x1B8B  }
0xa2: {  	_ =	swait.ge [sflag:s23], $0x1  }
0xa3: {  	[sflag:s23] =	ssyncset.done $0x0  }
0xa4: {  	[sflag:s23] =	ssyncadd.s32 $0xFFFFFFFF  }
0xa5: {  	s4 =	sld [smem:$0x0]  }
0xa6: {  	s5 =	sand.u32 $0xFFFFFFFE, s1  }
0xa7: {  	p0 =	sne.s32 s1, s5  }
0xa8: {  	s5 =	sshll.u32 @p0 s5, $0xE  }
0xa9: {  	s5 =	sadd.s32 @p0 $0x11B8D, s5;
	s6 =	sshll.u32 @p0 s4, $0x11  }
0xaa: {  	s5 =	sor.u32 @p0 s6, s5  }
0xab: {  	[sflag:s5] =	ssyncadd.remote.s32 @p0 $0x1;
	_ =	sdelay $0x1  }
0xac: {  	s5 =	simm.s32 @p0 $0x1B8D  }
0xad: {  	_ =	swait.eq @p0 [sflag:s5], $0x1  }
0xae: {  	[sflag:s5] =	ssyncadd.s32 @p0 $0xFFFFFFFF  }
0xaf: {  	s6 =	sshll.u32 @!p0 s1, $0xE  }
0xb0: {  	s6 =	sor.u32 @!p0 $0x4000, s6;
	s5 =	simm.s32 @!p0 $0x1B8D  }
0xb1: {  	s4 =	sshll.u32 @!p0 s4, $0x11;
	s6 =	sadd.s32 @!p0 $0x11B8D, s6;
	_ =	swait.eq @!p0 [sflag:s5], $0x1  }
0xb2: {  	s4 =	sor.u32 @!p0 s4, s6;
	[sflag:s5] =	ssyncadd.s32 @!p0 $0xFFFFFFFF  }
0xb3: {  	s25 =	simm.s32 $0x1B8E;
	s24 =	sld [smem:$0x3FFE];
	[sflag:s4] =	ssyncadd.remote.s32 @!p0 $0x1  }
0xb4: {  	s26 =	simm.s32 $execute0_lowered;
	[smem:$0x3FD2] =	sst s25  }
0xb5: {  	s5 =	sshll.u32 s26, $0x1;
	_ =	strace $0x80000061;
	[dreg:$0x1] =	wrdreg $0xFFFFFFFF  }
0xb6: {  	s28 =	simm.s32 $_size_execute0_lowered;
	s3 =	sadd.s32 s3, s5;
	[dreg:$0x0] =	wrdreg $0x0  }
0xb7: {  	s5 =	sshll.u32 s28, $0x1;
	[dreg:$0x2] =	wrdreg s3  }
0xb8: {  	[dreg:$0x3] =	wrdreg s5  }
0xb9: {  	[dreg:$0x4] =	wrdreg $0xC0  }
0xba: {  	_ =	task [dreg:s22], $0x5FFFF  }
0xbb: {  	[dreg:$0x1] =	wrdreg $0xFFFFFFFF  }
0xbc: {  	[dreg:$0x0] =	wrdreg $0x60  }
0xbd: {  	[dreg:$0x2] =	wrdreg s24  }
0xbe: {  	[dreg:$0x3] =	wrdreg $0xA  }
0xbf: {  	_ =	task.clear_ibuf [dreg:s22], $0x4FFFF;
	_ =	strace $0x90000061  }
0xc0: {  	s29 =	simm.s32 $0xA;
	_ =	strace $0x80000063  }
0xc1: {  	_ =	swait.ge [sflag:s29], $0x1  }
0xc2: {  	[sflag:s29] =	ssyncadd.s32 $0xFFFFFFFF  }
0xc3: {  	_ =	strace $0x90000063  }
0xc4: {  	_ =	sfence  }
0xc5: {  	s30 =	sld [smem:$0x0];
	_ =	sdelay $0x2  }
0xc6: {  	s31 =	sshll.u32 s1, $0xD;
	s1 =	sshrl.u32 s1, $0x2  }
0xc7: {  	s4 =	sand.u32 $0x4000, s31;
	s1 =	sadd.s32 s1, s30  }
0xc8: {  	s0 =	sor.u32 s4, s0;
	s1 =	sshll.u32 s1, $0x11  }
0xc9: {  	s0 =	sor.u32 s1, s0  }
0xca: {  	s0 =	sadd.s32 $0x8F2B, s0  }
0xcb: {  	[sflag:s0] =	ssyncadd.remote.s32 $0x1  }
0xcc: {  	_ =	sfence.sel $0xFFFF  }
0xcd: {  	[dreg:$0x0] =	wrdreg $0xFFFFFFFF;
	(pc) =	sbr.abs _section_cstart, $3  }
0xce: {  	[dreg:$0x1] =	wrdreg $0xFFFFFFFF  }
0xcf: {  	_ =	task.clear_ibuf [dreg:s22], $0x2FFFF;
	_ =	strace $0x9FFFFFFF  }
0xd0: {  	(tm) =	ssettm $0x7FFFFFFF  }
0xd1: {  	_ =	shalt  }
tec
execute0_lowered:
.L_overlay_start_1:
0x0: {  	(tag) =	ssettag $0x1  }
0x1: {  	s1 =	srdreg.scid  }
0x2: {  	s0 =	stileid.u32;
	s4 =	rddreg [dreg:$0x0];
	s2 =	simm.s32 $0x0  }
0x3: {  	s13 =	simm.s32 $0x5400;
	s14 =	simm.s32 $0x1;
	s15 =	simm.s32 $0x2  }
0x4: {  	s16 =	simm.s32 $0x3;
	s17 =	simm.s32 $0x4;
	s11 =	smul.u32 $0x140000, s0  }
0x5: {  	s6 =	sand.u32 $0x1, s1;
	s3 =	sshll.u32 s0, $0x1;
	s26 =	smul.u32 $0x28000, s0  }
0x6: {  	s18 =	simm.s32 $0x0;
	s5 =	sor.u32 s6, s3;
	s25 =	smul.u32 $0xA0000, s6  }
0x7: {  	[smem:$0x7FF] =	sst s2;
	s12 =	sadd.s32 $0x343600, s4;
	s7 =	smul.u32 $0x1400, s5  }
0x8: {  	s1 =	rddreg [dreg:$0x1];
	_ =	strace $0x80000062;
	s8 =	smul.u32 $0xA0000, s5  }
0x9: {  	s3 =	sadd.s32 $0x6E600, s4;
	s9 =	ssub.s32 $0x2, s6;
	s10 =	smul.u32 $0x14000, s5  }
0xa: {  	s28 =	smul.u32 $0x14000, s6;
	s24 =	sshrl.u32 s9, $0x1;
	s7 =	sshrl.u32 s7, $0x3  }
0xb: {  	s8 =	sshrl.u32 s8, $0x3;
	s30 =	sadd.s32 s10, s12;
	s10 =	simm.s32 $0x5  }
0xc: {  	s23 =	sadd.s32 s7, s4;
	s7 =	ssub.s32 s9, s24;
	s9 =	sadd.s32 s25, s11  }
0xd: {  	s6 =	sadd.s32 s12, s8;
	s11 =	simm.s32 $0x80;
	s4 =	sadd.s32 $0x33E600, s23  }
0xe: {  	s5 =	smax.u32 s7, $0x1;
	s29 =	sor.u32 $0x8000, s9;
	s7 =	sadd.s32 s26, s12  }
0xf: {  	s8 =	sshrl.u32 s29, $0x3;
	s31 =	sadd.s32 s28, s7;
	s7 =	sadd.s32 $0x800, s30  }
0x10: {  	s8 =	sadd.s32 s8, s12;
	s9 =	sadd.s32 $0x1800, s31;
	s12 =	simm.s32 $0x1400  }
.LBB2_1:
0x11: {  	[tilespmem:s2], [sflag:$0x5] =	stream.linear.gather [hbm4b:s4+s2], $0x1400, $0x38;
	[tilespmem:$0x9400] =	vst v63  }
0x12: {  	_ =	swait.ge [sflag:s10], $0x1400  }
0x13: {  	[sflag:s10] =	ssyncset.done $0x0  }
0x14: {  	[sflag:s10] =	ssyncadd.s32 $0xFFFFEC00  }
0x15: {  	[tilespmem:s12], [sflag:$0x1] =	stream.indirect.gather [hbm4b:s3+s11], $0x80, s2, s11, $0xb8;
	[tilespmem:$0x9400] =	vst v63  }
0x16: {  	_ = 	snop  }
0x17: {  	[tilespmem:s13], [sflag:$0x2] =	stream.indirect.gather [hbm4b:s3+s11], $0x80, s11, s11, $0xb8;
	[tilespmem:$0x9400] =	vst v63  }
0x18: {  	_ =	swait.ge [sflag:s14], $0x4000  }
0x19: {  	[sflag:s14] =	ssyncset.done $0x0  }
0x1a: {  	[sflag:s14] =	ssyncadd.s32 $0xFFFFC000  }
0x1b: {  	[hbm4b:s6+s2] =	stream.linear.scatter [tilespmem:s12], [sflag:$0x3], $0x4000, $0x38;
	[tilespmem:$0x9400] =	vst v63  }
0x1c: {  	_ =	swait.ge [sflag:s15], $0x4000  }
0x1d: {  	[sflag:s15] =	ssyncset.done $0x0  }
0x1e: {  	[sflag:s15] =	ssyncadd.s32 $0xFFFFC000  }
0x1f: {  	[hbm4b:s7+s2] =	stream.linear.scatter [tilespmem:s13], [sflag:$0x4], $0x4000, $0x38;
	[tilespmem:$0x9400] =	vst v63  }
0x20: {  	_ =	swait.ge [sflag:s16], $0x4000  }
0x21: {  	[sflag:s16] =	ssyncset.done $0x0  }
0x22: {  	[sflag:s16] =	ssyncadd.s32 $0xFFFFC000  }
0x23: {  	_ =	swait.ge [sflag:s17], $0x4000  }
0x24: {  	[sflag:s17] =	ssyncset.done $0x0  }
0x25: {  	s19 =	simm.s32 $0x100;
	[sflag:s17] =	ssyncadd.s32 $0xFFFFC000  }
0x26: {  	[tilespmem:s12], [sflag:$0x1] =	stream.indirect.gather [hbm4b:s3+s11], $0x80, s19, s11, $0xb8;
	[tilespmem:$0x9400] =	vst v63  }
0x27: {  	s30 =	simm.s32 $0x180  }
0x28: {  	[tilespmem:s13], [sflag:$0x2] =	stream.indirect.gather [hbm4b:s3+s11], $0x80, s30, s11, $0xb8;
	[tilespmem:$0x9400] =	vst v63  }
0x29: {  	_ =	swait.ge [sflag:s14], $0x4000  }
0x2a: {  	[sflag:s14] =	ssyncset.done $0x0  }
0x2b: {  	s31 =	sadd.s32 $0x0, s8;
	[sflag:s14] =	ssyncadd.s32 $0xFFFFC000  }
0x2c: {  	[hbm4b:s31+s2] =	stream.linear.scatter [tilespmem:s12], [sflag:$0x3], $0x4000, $0x38;
	[tilespmem:$0x9400] =	vst v63  }
0x2d: {  	_ =	swait.ge [sflag:s15], $0x4000  }
0x2e: {  	s21 =	sadd.s32 $0x0, s9;
	[sflag:s15] =	ssyncset.done $0x0  }
0x2f: {  	s20 =	simm.s32 $0x200;
	s19 =	simm.s32 $0x1000;
	[sflag:s15] =	ssyncadd.s32 $0xFFFFC000  }
.LBB2_2:
0x30: {  	[hbm4b:s21+s2] =	stream.linear.scatter [tilespmem:s13], [sflag:$0x4], $0x4000, $0x38;
	[tilespmem:$0x9400] =	vst v63  }
0x31: {  	s21 =	smov.u32 s19  }
0x32: {  	p0 =	sne.s32 s19, $0x12000;
	s19 =	sadd.s32 $0x1000, s19;
	_ =	swait.ge [sflag:s16], $0x4000  }
0x33: {  	[sflag:s16] =	ssyncset.done $0x0  }
0x34: {  	[sflag:s16] =	ssyncadd.s32 $0xFFFFC000  }
0x35: {  	_ =	swait.ge [sflag:s17], $0x4000  }
0x36: {  	[sflag:s17] =	ssyncset.done $0x0  }
0x37: {  	[sflag:s17] =	ssyncadd.s32 $0xFFFFC000  }
0x38: {  	[tilespmem:s12], [sflag:$0x1] =	stream.indirect.gather [hbm4b:s3+s11], $0x80, s20, s11, $0xb8;
	[tilespmem:$0x9400] =	vst v63  }
0x39: {  	s22 =	sadd.s32 $0x80, s20  }
0x3a: {  	[tilespmem:s13], [sflag:$0x2] =	stream.indirect.gather [hbm4b:s3+s11], $0x80, s22, s11, $0xb8;
	[tilespmem:$0x9400] =	vst v63  }
0x3b: {  	_ =	swait.ge [sflag:s14], $0x4000  }
0x3c: {  	[sflag:s14] =	ssyncset.done $0x0  }
.Ltmp0:
0x3d: {  	s22 =	sadd.s32 s21, s8;
	[sflag:s14] =	ssyncadd.s32 $0xFFFFC000;
	(pc) =	sbr.rel @p0 .LBB2_2-.Ltmp0, $4  }
0x3e: {  	[hbm4b:s22+s2] =	stream.linear.scatter [tilespmem:s12], [sflag:$0x3], $0x4000, $0x38;
	[tilespmem:$0x9400] =	vst v63  }
0x3f: {  	_ =	swait.ge [sflag:s15], $0x4000  }
0x40: {  	[sflag:s15] =	ssyncset.done $0x0  }
0x41: {  	s20 =	sadd.s32 $0x100, s20;
	s21 =	sadd.s32 s21, s9;
	[sflag:s15] =	ssyncadd.s32 $0xFFFFC000  }
0x42: {  	[hbm4b:s21+s2] =	stream.linear.scatter [tilespmem:s13], [sflag:$0x4], $0x4000, $0x38;
	[tilespmem:$0x9400] =	vst v63  }
0x43: {  	s18 =	sadd.s32 $0x1, s18  }
0x44: {  	_ =	swait.ge [sflag:s16], $0x4000;
	p0 =	sne.s32 s18, s5  }
.Ltmp1:
0x45: {  	[sflag:s16] =	ssyncset.done $0x0;
	(pc) =	sbr.rel @p0 .LBB2_1-.Ltmp1, $4  }
0x46: {  	[sflag:s16] =	ssyncadd.s32 $0xFFFFC000  }
0x47: {  	_ =	swait.ge [sflag:s17], $0x4000  }
0x48: {  	[sflag:s17] =	ssyncset.done $0x0  }
0x49: {  	[sflag:s17] =	ssyncadd.s32 $0xFFFFC000  }
0x4a: {  	_ =	sfence.sel $0x180000  }
0x4b: {  	[bflag:$0x0] =	sbarrier.arrive $0xFFFF  }
0x4c: {  	p0 =	sne.s32 s0, $0x0;
	_ =	strace $0x90000062  }
0x4d: {  	s0 =	sadd.s32 @!p0 $0x100000, s1;
	[bflag:$0x2] =	sbarrier.arrive $0xFFFF  }
0x4e: {  	[sflag:s0] =	ssyncadd.tile.s32 @!p0 $0x1;
	_ =	shalt  }
.Lfunc_end2:
_tile_overlayer_lowered:
.L_overlay_start_2:
0x4f: {  	(tag) =	ssettag $0x2  }
0x50: {  	s0 =	rddreg [dreg:$0x0];
	s2 =	stileid.u32  }
0x51: {  	s1 =	rddreg [dreg:$0x1];
	p0 =	sne.s32 s2, $0x0  }
0x52: {  	s3 =	rddreg [dreg:$0x2];
	[bflag:$0x3] =	sbarrier.arrive $0xFFFF;
	s2 =	simm.s32 @!p0 $0x1C05  }
0x53: {  	[timem:s3], [sflag:s2] =	dma.local @!p0 [hbm:s0], s1  }
0x54: {  	s0 =	simm.s32 @!p0 $0x5  }
0x55: {  	_ =	swait.ge @!p0 [sflag:s0], s1  }
0x56: {  	s1 =	ssub.s32 @!p0 $0x0, s1;
	[sflag:s0] =	ssyncset.done @!p0 $0x0  }
0x57: {  	[sflag:s0] =	ssyncadd.s32 @!p0 s1  }
0x58: {  	[bflag:$0x3] =	sbarrier.arrive $0xFFFF  }
0x59: {  	_ =	shalt  }

// kernel: kernel.72.cloned.1.call-start
scs
__scs_entry_jumppad:
0x0: {  	(pc) =	sbr.rel $0x88, $3  }
0x1: {  	(tag) =	ssettag $0x0;
	lr =	simm.s32 $0x1  }
0x2: {  	[smem:$0x3F66] =	sst lr;
	_ =	strace $0xD0000000  }
0x3: {  	_ = 	snop  }
0x4: {  	_ = 	snop  }
0x5: {  	_ = 	snop  }
0x6: {  	_ = 	snop  }
0x7: {  	_ = 	snop  }
__scs_overlays_trampoline_lowered:
0x8: {  	[smem:$0x3F75] =	sst s0  }
0x9: {  	[smem:$0x3F76] =	sst s1  }
0xa: {  	[smem:$0x3F77] =	sst s2  }
0xb: {  	[smem:$0x3F78] =	sst s3  }
0xc: {  	[smem:$0x3F79] =	sst s4  }
0xd: {  	[smem:$0x3F7A] =	sst s5  }
0xe: {  	[smem:$0x3F7B] =	sst s6  }
0xf: {  	[smem:$0x3F7C] =	sst s7  }
0x10: {  	[smem:$0x3F7D] =	sst s8  }
0x11: {  	[smem:$0x3F7E] =	sst s9;
	s0 =	simm.s32 @!p0 $0x0  }
0x12: {  	s1 =	sld [smem:$0x3F64];
	s0 =	simm.s32 @p0 $0x1  }
0x13: {  	[smem:$0x3F7F] =	sst s0;
	s0 =	simm.s32 @!p1 $0x0  }
0x14: {  	s2 =	sld [smem:$0x3F63];
	s0 =	simm.s32 @p1 $0x1  }
0x15: {  	[smem:$0x3F80] =	sst s0;
	s0 =	simm.s32 @!p2 $0x0  }
0x16: {  	s3 =	sld [smem:$0x3FDB];
	s0 =	simm.s32 @p2 $0x1  }
0x17: {  	s4 =	simm.s32 $0x1BF5;
	[smem:$0x3F82] =	sst s0  }
0x18: {  	s0 =	sld [smem:$0x3F65];
	_ =	swait.ge [sflag:s4], $0x0  }
0x19: {  	s7 =	sld [smem:$0x3F66]  }
0x1a: {  	s8 =	sadd.s32 $0xFFFFE003, lr  }
0x1b: {  	s9 =	sadd.s32 $0xFFFFFEF7, lr;
	s5 =	simm.s32 $0xFFFFFFFF;
	p2 =	slt.u32 s8, $0xFFFFF086  }
0x1c: {  	p1 =	slt.u32 s9, $0xF7A;
	s5 =	simm.s32 @!p2 $0x0  }
0x1d: {  	s5 =	simm.s32 @p1 $0x1;
	p0 =	seq.s32 s7, s2  }
0x1e: {  	s7 =	smul.u32 @!p0 $0xF7A, s2;
	p2 =	seq.s32 @!p0 s5, $0x0  }
0x1f: {  	s9 =	smul.u32 $0xF7A, s1;
	s8 =	simm.s32 @!p0 $0x1BF5;
	p2 =	por !p2, p0  }
0x20: {  	[sflag:s8] =	ssyncset.s32 @!p0 $0xFFFFF086;
	s6 =	sadd.s32 @!p0 s3, s7;
	s7 =	simm.s32 @!p0 $0x108  }
0x21: {  	s3 =	sadd.s32 s3, s9;
	s6 =	sadd.s32 @!p0 $0x88, s6;
	s7 =	simm.s32 @p2 $0x1082  }
0x22: {  	[simem:s7], [sflag:s8] =	dma.local @!p0 [hbm:s6], $0xF7A  }
0x23: {  	s9 =	sor.u32 $0xD0000000, s2;
	s6 =	simm.s32 $0x108;
	_ =	swait.ge @!p0 [sflag:s8], $0x0  }
0x24: {  	s3 =	sadd.s32 $0x88, s3;
	s6 =	simm.s32 @!p1 $0x1082;
	[sflag:s4] =	ssyncset.s32 $0xFFFFF086  }
0x25: {  	[simem:s6], [sflag:s4] =	dma.local [hbm:s3], $0xF7A  }
0x26: {  	[smem:$0x3F66] =	sst s1;
	(tag) =	ssettag s2;
	_ =	strace s9  }
0x27: {  	s1 =	sld [smem:$0x3F76]  }
0x28: {  	s2 =	sld [smem:$0x3F77]  }
0x29: {  	s4 =	sld [smem:$0x3F79]  }
0x2a: {  	p0 =	seq.s32 s5, $0x0;
	s5 =	sld [smem:$0x3F7A]  }
0x2b: {  	s6 =	sld [smem:$0x3F7B]  }
0x2c: {  	s7 =	sld [smem:$0x3F7C]  }
0x2d: {  	s3 =	simm.s32 $0x108;
	s8 =	sld [smem:$0x3F7D]  }
0x2e: {  	s3 =	simm.s32 @!p0 $0x1082;
	s9 =	sld [smem:$0x3F7E]  }
0x2f: {  	lr =	sadd.s32 s0, s3;
	s0 =	sld [smem:$0x3F75]  }
0x30: {  	s3 =	sld [smem:$0x3F78]  }
0x31: {  	[smem:$0x3F81] =	sst s10  }
0x32: {  	s10 =	sld [smem:$0x3F7F];
	_ =	sdelay $0x3  }
0x33: {  	p0 =	seq.s32 s10, $0x1;
	s10 =	sld [smem:$0x3F81];
	_ =	sdelay $0x3  }
0x34: {  	[smem:$0x3F81] =	sst s10  }
0x35: {  	s10 =	sld [smem:$0x3F80];
	_ =	sdelay $0x3  }
0x36: {  	p1 =	seq.s32 s10, $0x1;
	s10 =	sld [smem:$0x3F81];
	_ =	sdelay $0x3  }
0x37: {  	[smem:$0x3F81] =	sst s10  }
0x38: {  	s10 =	sld [smem:$0x3F82]  }
0x39: {  	_ = 	snop;
	(pc) =	sbr.ind lr, $3  }
0x3a: {  	_ = 	snop  }
0x3b: {  	_ = 	snop  }
0x3c: {  	p2 =	seq.s32 s10, $0x1;
	s10 =	sld [smem:$0x3F81]  }
0x3d: {  	_ =	shalt  }
0x3e: {  	_ =	shalt  }
0x3f: {  	_ =	shalt  }
0x40: {  	_ =	shalt  }
0x41: {  	_ =	shalt  }
0x42: {  	_ =	shalt  }
0x43: {  	_ =	shalt  }
0x44: {  	_ =	shalt  }
0x45: {  	_ =	shalt  }
0x46: {  	_ =	shalt  }
0x47: {  	_ =	shalt  }
0x48: {  	_ =	shalt  }
0x49: {  	_ =	shalt  }
0x4a: {  	_ =	shalt  }
0x4b: {  	_ =	shalt  }
0x4c: {  	_ =	shalt  }
0x4d: {  	_ =	shalt  }
0x4e: {  	_ =	shalt  }
0x4f: {  	_ =	shalt  }
0x50: {  	_ =	shalt  }
0x51: {  	_ =	shalt  }
0x52: {  	_ =	shalt  }
0x53: {  	_ =	shalt  }
0x54: {  	_ =	shalt  }
0x55: {  	_ =	shalt  }
0x56: {  	_ =	shalt  }
0x57: {  	_ =	shalt  }
0x58: {  	_ =	shalt  }
0x59: {  	_ =	shalt  }
0x5a: {  	_ =	shalt  }
0x5b: {  	_ =	shalt  }
0x5c: {  	_ =	shalt  }
0x5d: {  	_ =	shalt  }
0x5e: {  	_ =	shalt  }
0x5f: {  	_ =	shalt  }
0x60: {  	_ =	shalt  }
0x61: {  	_ =	shalt  }
0x62: {  	_ =	shalt  }
0x63: {  	_ =	shalt  }
0x64: {  	_ =	shalt  }
0x65: {  	_ =	shalt  }
0x66: {  	_ =	shalt  }
0x67: {  	_ =	shalt  }
0x68: {  	_ =	shalt  }
0x69: {  	_ =	shalt  }
0x6a: {  	_ =	shalt  }
0x6b: {  	_ =	shalt  }
0x6c: {  	_ =	shalt  }
0x6d: {  	_ =	shalt  }
0x6e: {  	_ =	shalt  }
0x6f: {  	_ =	shalt  }
0x70: {  	_ =	shalt  }
0x71: {  	_ =	shalt  }
0x72: {  	_ =	shalt  }
0x73: {  	_ =	shalt  }
0x74: {  	_ =	shalt  }
0x75: {  	_ =	shalt  }
0x76: {  	_ =	shalt  }
0x77: {  	_ =	shalt  }
0x78: {  	_ =	shalt  }
0x79: {  	_ =	shalt  }
0x7a: {  	_ =	shalt  }
0x7b: {  	_ =	shalt  }
0x7c: {  	_ =	shalt  }
0x7d: {  	_ =	shalt  }
0x7e: {  	_ =	shalt  }
0x7f: {  	_ =	shalt  }
0x80: {  	_ =	shalt  }
0x81: {  	_ =	shalt  }
0x82: {  	_ =	shalt  }
0x83: {  	_ =	shalt  }
0x84: {  	_ =	shalt  }
0x85: {  	_ =	shalt  }
0x86: {  	_ =	shalt  }
0x87: {  	_ =	shalt  }
.Lfunc_end0:
.L_simem_size_0:
called_computation.10_lowered:
.L_overlay_start_0:
0x88: {  	s2 =	sld [smem:$0x3FD9]  }
0x89: {  	s3 =	sld [smem:$0x3FFE];
	_ =	sdelay $0x1  }
0x8a: {  	s1 =	srdreg.scid  }
0x8b: {  	s0 =	sand.u32 $0x1, s1  }
0x8c: {  	s16 =	sshll.u32 s0, $0xA;
	s2 =	sadd.s32 s3, s2  }
0x8d: {  	s2 =	sadd.s32 s2, s16  }
0x8e: {  	[smem:$0x3F8D] =	sst s2  }
0x8f: {  	_ = 	snop  }
0x90: {  	(tm) =	ssettm $0x1  }
0x91: {  	s17 =	sld [smem:$0x3FFB];
	_ =	sdelay $0x3  }
0x92: {  	_ =	strace s17  }
0x93: {  	s2 =	sld [smem:$0x3FFC];
	_ =	sdelay $0x3  }
0x94: {  	_ =	strace s2  }
0x95: {  	s2 =	sld [smem:$0x3FFD];
	_ =	sdelay $0x3  }
0x96: {  	_ =	strace s2  }
0x97: {  	_ =	strace $0x8FFFFFFF  }
0x98: {  	s18 =	sld [smem:$0x3FDB];
	_ =	sdelay $0x1  }
0x99: {  	s19 =	simm.s32 $_scs_section_size  }
0x9a: {  	s4 =	simm.s32 $_size__tile_overlayer_lowered;
	s5 =	simm.s32 $_tile_overlayer_lowered  }
0x9b: {  	s22 =	simm.s32 $0x1BFF;
	s21 =	sshll.u32 s5, $0x1;
	s2 =	sadd.s32 s19, s18  }
0x9c: {  	s6 =	simm.s32 $0x0;
	s20 =	sshll.u32 s4, $0x1;
	s4 =	sadd.s32 s21, s2  }
0x9d: {  	[timem:s6], [sflag:s22] =	dma.local [hbm:s4], s20  }
0x9e: {  	_ =	swait.ge [sflag:s22], s20  }
0x9f: {  	s3 =	ssub.s32 $0x0, s20;
	[sflag:s22] =	ssyncset.done $0x0  }
0xa0: {  	[sflag:s22] =	ssyncadd.s32 s3;
	_ =	sdelay $0x1  }
0xa1: {  	s23 =	simm.s32 $0x1B8B  }
0xa2: {  	_ =	swait.ge [sflag:s23], $0x1  }
0xa3: {  	[sflag:s23] =	ssyncset.done $0x0  }
0xa4: {  	s25 =	simm.s32 $0x1B8E;
	s24 =	sld [smem:$0x3FFE];
	[sflag:s23] =	ssyncadd.s32 $0xFFFFFFFF  }
0xa5: {  	s26 =	simm.s32 $execute0_lowered;
	[smem:$0x3FD2] =	sst s25  }
0xa6: {  	s4 =	sshll.u32 s26, $0x1;
	_ =	strace $0x80000064;
	[dreg:$0x1] =	wrdreg $0xFFFFFFFF  }
0xa7: {  	s28 =	simm.s32 $_size_execute0_lowered;
	s2 =	sadd.s32 s2, s4;
	[dreg:$0x0] =	wrdreg $0x0  }
0xa8: {  	s4 =	sshll.u32 s28, $0x1;
	[dreg:$0x2] =	wrdreg s2  }
0xa9: {  	[dreg:$0x3] =	wrdreg s4  }
0xaa: {  	[dreg:$0x4] =	wrdreg $0xC0  }
0xab: {  	_ =	task [dreg:s6], $0x5FFFF  }
0xac: {  	[dreg:$0x1] =	wrdreg $0xFFFFFFFF  }
0xad: {  	[dreg:$0x0] =	wrdreg $0x60  }
0xae: {  	[dreg:$0x2] =	wrdreg s24  }
0xaf: {  	[dreg:$0x3] =	wrdreg $0x9  }
0xb0: {  	_ =	task.clear_ibuf [dreg:s6], $0x4FFFF;
	_ =	strace $0x90000064  }
0xb1: {  	s29 =	simm.s32 $0x9;
	_ =	strace $0x80000066  }
0xb2: {  	_ =	swait.ge [sflag:s29], $0x1  }
0xb3: {  	[sflag:s29] =	ssyncadd.s32 $0xFFFFFFFF  }
0xb4: {  	_ =	strace $0x90000066  }
0xb5: {  	_ =	sfence  }
0xb6: {  	s30 =	sld [smem:$0x0];
	_ =	sdelay $0x2  }
0xb7: {  	s31 =	sshll.u32 s1, $0xD;
	s1 =	sshrl.u32 s1, $0x2  }
0xb8: {  	s3 =	sand.u32 $0x4000, s31;
	s1 =	sadd.s32 s1, s30  }
0xb9: {  	s0 =	sor.u32 s3, s0;
	s1 =	sshll.u32 s1, $0x11  }
0xba: {  	s0 =	sor.u32 s1, s0  }
0xbb: {  	s0 =	sadd.s32 $0x8F2B, s0  }
0xbc: {  	[sflag:s0] =	ssyncadd.remote.s32 $0x1  }
0xbd: {  	_ =	sfence.sel $0xFFFF  }
0xbe: {  	[dreg:$0x0] =	wrdreg $0xFFFFFFFF;
	(pc) =	sbr.abs _section_cstart, $3  }
0xbf: {  	[dreg:$0x1] =	wrdreg $0xFFFFFFFF  }
0xc0: {  	_ =	task.clear_ibuf [dreg:s6], $0x2FFFF;
	_ =	strace $0x9FFFFFFF  }
0xc1: {  	(tm) =	ssettm $0x7FFFFFFF  }
tec
execute0_lowered:
.L_overlay_start_1:
0x0: {  	(tag) =	ssettag $0x1  }
0x1: {  	s1 =	srdreg.scid  }
0x2: {  	s0 =	stileid.u32;
	s4 =	rddreg [dreg:$0x0];
	s2 =	simm.s32 $0x0  }
0x3: {  	s13 =	simm.s32 $0x5400;
	s14 =	simm.s32 $0x1;
	s15 =	simm.s32 $0x2  }
0x4: {  	s16 =	simm.s32 $0x3;
	s17 =	simm.s32 $0x4;
	s11 =	smul.u32 $0x140000, s0  }
0x5: {  	s6 =	sand.u32 $0x1, s1;
	s3 =	sshll.u32 s0, $0x1;
	s26 =	smul.u32 $0x28000, s0  }
0x6: {  	s1 =	rddreg [dreg:$0x1];
	s5 =	sor.u32 s6, s3;
	s25 =	smul.u32 $0xA0000, s6  }
0x7: {  	s18 =	simm.s32 $0x0;
	[smem:$0x7FF] =	sst s2;
	s7 =	smul.u32 $0x1400, s5  }
0x8: {  	s12 =	sadd.s32 $0xBE600, s4;
	_ =	strace $0x80000065;
	s8 =	smul.u32 $0xA0000, s5  }
0x9: {  	s3 =	sadd.s32 $0x6E600, s4;
	s9 =	ssub.s32 $0x2, s6;
	s10 =	smul.u32 $0x14000, s5  }
0xa: {  	s28 =	smul.u32 $0x14000, s6;
	s24 =	sshrl.u32 s9, $0x1;
	s7 =	sshrl.u32 s7, $0x3  }
0xb: {  	s8 =	sshrl.u32 s8, $0x3;
	s30 =	sadd.s32 s10, s12;
	s10 =	simm.s32 $0x5  }
0xc: {  	s23 =	sadd.s32 s7, s4;
	s7 =	ssub.s32 s9, s24;
	s9 =	sadd.s32 s25, s11  }
0xd: {  	s6 =	sadd.s32 s12, s8;
	s11 =	simm.s32 $0x80;
	s4 =	sadd.s32 $0x41600, s23  }
0xe: {  	s5 =	smax.u32 s7, $0x1;
	s29 =	sor.u32 $0x8000, s9;
	s7 =	sadd.s32 s26, s12  }
0xf: {  	s8 =	sshrl.u32 s29, $0x3;
	s31 =	sadd.s32 s28, s7;
	s7 =	sadd.s32 $0x800, s30  }
0x10: {  	s8 =	sadd.s32 s8, s12;
	s9 =	sadd.s32 $0x1800, s31;
	s12 =	simm.s32 $0x1400  }
.LBB2_1:
0x11: {  	[tilespmem:s2], [sflag:$0x5] =	stream.linear.gather [hbm4b:s4+s2], $0x1400, $0x38;
	[tilespmem:$0x9400] =	vst v63  }
0x12: {  	_ =	swait.ge [sflag:s10], $0x1400  }
0x13: {  	[sflag:s10] =	ssyncset.done $0x0  }
0x14: {  	[sflag:s10] =	ssyncadd.s32 $0xFFFFEC00  }
0x15: {  	[tilespmem:s12], [sflag:$0x1] =	stream.indirect.gather [hbm4b:s3+s11], $0x80, s2, s11, $0xb8;
	[tilespmem:$0x9400] =	vst v63  }
0x16: {  	_ = 	snop  }
0x17: {  	[tilespmem:s13], [sflag:$0x2] =	stream.indirect.gather [hbm4b:s3+s11], $0x80, s11, s11, $0xb8;
	[tilespmem:$0x9400] =	vst v63  }
0x18: {  	_ =	swait.ge [sflag:s14], $0x4000  }
0x19: {  	[sflag:s14] =	ssyncset.done $0x0  }
0x1a: {  	[sflag:s14] =	ssyncadd.s32 $0xFFFFC000  }
0x1b: {  	[hbm4b:s6+s2] =	stream.linear.scatter [tilespmem:s12], [sflag:$0x3], $0x4000, $0x38;
	[tilespmem:$0x9400] =	vst v63  }
0x1c: {  	_ =	swait.ge [sflag:s15], $0x4000  }
0x1d: {  	[sflag:s15] =	ssyncset.done $0x0  }
0x1e: {  	[sflag:s15] =	ssyncadd.s32 $0xFFFFC000  }
0x1f: {  	[hbm4b:s7+s2] =	stream.linear.scatter [tilespmem:s13], [sflag:$0x4], $0x4000, $0x38;
	[tilespmem:$0x9400] =	vst v63  }
0x20: {  	_ =	swait.ge [sflag:s16], $0x4000  }
0x21: {  	[sflag:s16] =	ssyncset.done $0x0  }
0x22: {  	[sflag:s16] =	ssyncadd.s32 $0xFFFFC000  }
0x23: {  	_ =	swait.ge [sflag:s17], $0x4000  }
0x24: {  	[sflag:s17] =	ssyncset.done $0x0  }
0x25: {  	s19 =	simm.s32 $0x100;
	[sflag:s17] =	ssyncadd.s32 $0xFFFFC000  }
0x26: {  	[tilespmem:s12], [sflag:$0x1] =	stream.indirect.gather [hbm4b:s3+s11], $0x80, s19, s11, $0xb8;
	[tilespmem:$0x9400] =	vst v63  }
0x27: {  	s30 =	simm.s32 $0x180  }
0x28: {  	[tilespmem:s13], [sflag:$0x2] =	stream.indirect.gather [hbm4b:s3+s11], $0x80, s30, s11, $0xb8;
	[tilespmem:$0x9400] =	vst v63  }
0x29: {  	_ =	swait.ge [sflag:s14], $0x4000  }
0x2a: {  	[sflag:s14] =	ssyncset.done $0x0  }
0x2b: {  	s31 =	sadd.s32 $0x0, s8;
	[sflag:s14] =	ssyncadd.s32 $0xFFFFC000  }
0x2c: {  	[hbm4b:s31+s2] =	stream.linear.scatter [tilespmem:s12], [sflag:$0x3], $0x4000, $0x38;
	[tilespmem:$0x9400] =	vst v63  }
0x2d: {  	_ =	swait.ge [sflag:s15], $0x4000  }
0x2e: {  	s21 =	sadd.s32 $0x0, s9;
	[sflag:s15] =	ssyncset.done $0x0  }
0x2f: {  	s20 =	simm.s32 $0x200;
	s19 =	simm.s32 $0x1000;
	[sflag:s15] =	ssyncadd.s32 $0xFFFFC000  }
.LBB2_2:
0x30: {  	[hbm4b:s21+s2] =	stream.linear.scatter [tilespmem:s13], [sflag:$0x4], $0x4000, $0x38;
	[tilespmem:$0x9400] =	vst v63  }
0x31: {  	s21 =	smov.u32 s19  }
0x32: {  	p0 =	sne.s32 s19, $0x12000;
	s19 =	sadd.s32 $0x1000, s19;
	_ =	swait.ge [sflag:s16], $0x4000  }
0x33: {  	[sflag:s16] =	ssyncset.done $0x0  }
0x34: {  	[sflag:s16] =	ssyncadd.s32 $0xFFFFC000  }
0x35: {  	_ =	swait.ge [sflag:s17], $0x4000  }
0x36: {  	[sflag:s17] =	ssyncset.done $0x0  }
0x37: {  	[sflag:s17] =	ssyncadd.s32 $0xFFFFC000  }
0x38: {  	[tilespmem:s12], [sflag:$0x1] =	stream.indirect.gather [hbm4b:s3+s11], $0x80, s20, s11, $0xb8;
	[tilespmem:$0x9400] =	vst v63  }
0x39: {  	s22 =	sadd.s32 $0x80, s20  }
0x3a: {  	[tilespmem:s13], [sflag:$0x2] =	stream.indirect.gather [hbm4b:s3+s11], $0x80, s22, s11, $0xb8;
	[tilespmem:$0x9400] =	vst v63  }
0x3b: {  	_ =	swait.ge [sflag:s14], $0x4000  }
0x3c: {  	[sflag:s14] =	ssyncset.done $0x0  }
.Ltmp0:
0x3d: {  	s22 =	sadd.s32 s21, s8;
	[sflag:s14] =	ssyncadd.s32 $0xFFFFC000;
	(pc) =	sbr.rel @p0 .LBB2_2-.Ltmp0, $4  }
0x3e: {  	[hbm4b:s22+s2] =	stream.linear.scatter [tilespmem:s12], [sflag:$0x3], $0x4000, $0x38;
	[tilespmem:$0x9400] =	vst v63  }
0x3f: {  	_ =	swait.ge [sflag:s15], $0x4000  }
0x40: {  	[sflag:s15] =	ssyncset.done $0x0  }
0x41: {  	s20 =	sadd.s32 $0x100, s20;
	s21 =	sadd.s32 s21, s9;
	[sflag:s15] =	ssyncadd.s32 $0xFFFFC000  }
0x42: {  	[hbm4b:s21+s2] =	stream.linear.scatter [tilespmem:s13], [sflag:$0x4], $0x4000, $0x38;
	[tilespmem:$0x9400] =	vst v63  }
0x43: {  	s18 =	sadd.s32 $0x1, s18  }
0x44: {  	_ =	swait.ge [sflag:s16], $0x4000;
	p0 =	sne.s32 s18, s5  }
.Ltmp1:
0x45: {  	[sflag:s16] =	ssyncset.done $0x0;
	(pc) =	sbr.rel @p0 .LBB2_1-.Ltmp1, $4  }
0x46: {  	[sflag:s16] =	ssyncadd.s32 $0xFFFFC000  }
0x47: {  	_ =	swait.ge [sflag:s17], $0x4000  }
0x48: {  	[sflag:s17] =	ssyncset.done $0x0  }
0x49: {  	[sflag:s17] =	ssyncadd.s32 $0xFFFFC000  }
0x4a: {  	_ =	sfence.sel $0x180000  }
0x4b: {  	[bflag:$0x0] =	sbarrier.arrive $0xFFFF  }
0x4c: {  	p0 =	sne.s32 s0, $0x0;
	_ =	strace $0x90000065  }
0x4d: {  	s0 =	sadd.s32 @!p0 $0x100000, s1;
	[bflag:$0x2] =	sbarrier.arrive $0xFFFF  }
0x4e: {  	[sflag:s0] =	ssyncadd.tile.s32 @!p0 $0x1;
	_ =	shalt  }
.Lfunc_end2:
_tile_overlayer_lowered:
.L_overlay_start_2:
0x4f: {  	(tag) =	ssettag $0x2  }
0x50: {  	s0 =	rddreg [dreg:$0x0];
	s2 =	stileid.u32  }
0x51: {  	s1 =	rddreg [dreg:$0x1];
	p0 =	sne.s32 s2, $0x0  }
0x52: {  	s3 =	rddreg [dreg:$0x2];
	[bflag:$0x3] =	sbarrier.arrive $0xFFFF;
	s2 =	simm.s32 @!p0 $0x1C05  }
0x53: {  	[timem:s3], [sflag:s2] =	dma.local @!p0 [hbm:s0], s1  }
0x54: {  	s0 =	simm.s32 @!p0 $0x5  }
0x55: {  	_ =	swait.ge @!p0 [sflag:s0], s1  }
0x56: {  	s1 =	ssub.s32 @!p0 $0x0, s1;
	[sflag:s0] =	ssyncset.done @!p0 $0x0  }
0x57: {  	[sflag:s0] =	ssyncadd.s32 @!p0 s1  }
0x58: {  	[bflag:$0x3] =	sbarrier.arrive $0xFFFF  }
0x59: {  	_ =	shalt  }

// kernel: kernel.75.cloned.1.call-start
scs
__scs_entry_jumppad:
0x0: {  	(pc) =	sbr.rel $0x88, $3  }
0x1: {  	(tag) =	ssettag $0x0;
	lr =	simm.s32 $0x1  }
0x2: {  	[smem:$0x3F66] =	sst lr;
	_ =	strace $0xD0000000  }
0x3: {  	_ = 	snop  }
0x4: {  	_ = 	snop  }
0x5: {  	_ = 	snop  }
0x6: {  	_ = 	snop  }
0x7: {  	_ = 	snop  }
__scs_overlays_trampoline_lowered:
0x8: {  	[smem:$0x3F75] =	sst s0  }
0x9: {  	[smem:$0x3F76] =	sst s1  }
0xa: {  	[smem:$0x3F77] =	sst s2  }
0xb: {  	[smem:$0x3F78] =	sst s3  }
0xc: {  	[smem:$0x3F79] =	sst s4  }
0xd: {  	[smem:$0x3F7A] =	sst s5  }
0xe: {  	[smem:$0x3F7B] =	sst s6  }
0xf: {  	[smem:$0x3F7C] =	sst s7  }
0x10: {  	[smem:$0x3F7D] =	sst s8  }
0x11: {  	[smem:$0x3F7E] =	sst s9;
	s0 =	simm.s32 @!p0 $0x0  }
0x12: {  	s1 =	sld [smem:$0x3F64];
	s0 =	simm.s32 @p0 $0x1  }
0x13: {  	[smem:$0x3F7F] =	sst s0;
	s0 =	simm.s32 @!p1 $0x0  }
0x14: {  	s2 =	sld [smem:$0x3F63];
	s0 =	simm.s32 @p1 $0x1  }
0x15: {  	[smem:$0x3F80] =	sst s0;
	s0 =	simm.s32 @!p2 $0x0  }
0x16: {  	s3 =	sld [smem:$0x3FDB];
	s0 =	simm.s32 @p2 $0x1  }
0x17: {  	s4 =	simm.s32 $0x1BF5;
	[smem:$0x3F82] =	sst s0  }
0x18: {  	s0 =	sld [smem:$0x3F65];
	_ =	swait.ge [sflag:s4], $0x0  }
0x19: {  	s7 =	sld [smem:$0x3F66]  }
0x1a: {  	s8 =	sadd.s32 $0xFFFFE003, lr  }
0x1b: {  	s9 =	sadd.s32 $0xFFFFFEF7, lr;
	s5 =	simm.s32 $0xFFFFFFFF;
	p2 =	slt.u32 s8, $0xFFFFF086  }
0x1c: {  	p1 =	slt.u32 s9, $0xF7A;
	s5 =	simm.s32 @!p2 $0x0  }
0x1d: {  	s5 =	simm.s32 @p1 $0x1;
	p0 =	seq.s32 s7, s2  }
0x1e: {  	s7 =	smul.u32 @!p0 $0xF7A, s2;
	p2 =	seq.s32 @!p0 s5, $0x0  }
0x1f: {  	s9 =	smul.u32 $0xF7A, s1;
	s8 =	simm.s32 @!p0 $0x1BF5;
	p2 =	por !p2, p0  }
0x20: {  	[sflag:s8] =	ssyncset.s32 @!p0 $0xFFFFF086;
	s6 =	sadd.s32 @!p0 s3, s7;
	s7 =	simm.s32 @!p0 $0x108  }
0x21: {  	s3 =	sadd.s32 s3, s9;
	s6 =	sadd.s32 @!p0 $0x88, s6;
	s7 =	simm.s32 @p2 $0x1082  }
0x22: {  	[simem:s7], [sflag:s8] =	dma.local @!p0 [hbm:s6], $0xF7A  }
0x23: {  	s9 =	sor.u32 $0xD0000000, s2;
	s6 =	simm.s32 $0x108;
	_ =	swait.ge @!p0 [sflag:s8], $0x0  }
0x24: {  	s3 =	sadd.s32 $0x88, s3;
	s6 =	simm.s32 @!p1 $0x1082;
	[sflag:s4] =	ssyncset.s32 $0xFFFFF086  }
0x25: {  	[simem:s6], [sflag:s4] =	dma.local [hbm:s3], $0xF7A  }
0x26: {  	[smem:$0x3F66] =	sst s1;
	(tag) =	ssettag s2;
	_ =	strace s9  }
0x27: {  	s1 =	sld [smem:$0x3F76]  }
0x28: {  	s2 =	sld [smem:$0x3F77]  }
0x29: {  	s4 =	sld [smem:$0x3F79]  }
0x2a: {  	p0 =	seq.s32 s5, $0x0;
	s5 =	sld [smem:$0x3F7A]  }
0x2b: {  	s6 =	sld [smem:$0x3F7B]  }
0x2c: {  	s7 =	sld [smem:$0x3F7C]  }
0x2d: {  	s3 =	simm.s32 $0x108;
	s8 =	sld [smem:$0x3F7D]  }
0x2e: {  	s3 =	simm.s32 @!p0 $0x1082;
	s9 =	sld [smem:$0x3F7E]  }
0x2f: {  	lr =	sadd.s32 s0, s3;
	s0 =	sld [smem:$0x3F75]  }
0x30: {  	s3 =	sld [smem:$0x3F78]  }
0x31: {  	[smem:$0x3F81] =	sst s10  }
0x32: {  	s10 =	sld [smem:$0x3F7F];
	_ =	sdelay $0x3  }
0x33: {  	p0 =	seq.s32 s10, $0x1;
	s10 =	sld [smem:$0x3F81];
	_ =	sdelay $0x3  }
0x34: {  	[smem:$0x3F81] =	sst s10  }
0x35: {  	s10 =	sld [smem:$0x3F80];
	_ =	sdelay $0x3  }
0x36: {  	p1 =	seq.s32 s10, $0x1;
	s10 =	sld [smem:$0x3F81];
	_ =	sdelay $0x3  }
0x37: {  	[smem:$0x3F81] =	sst s10  }
0x38: {  	s10 =	sld [smem:$0x3F82]  }
0x39: {  	_ = 	snop;
	(pc) =	sbr.ind lr, $3  }
0x3a: {  	_ = 	snop  }
0x3b: {  	_ = 	snop  }
0x3c: {  	p2 =	seq.s32 s10, $0x1;
	s10 =	sld [smem:$0x3F81]  }
0x3d: {  	_ =	shalt  }
0x3e: {  	_ =	shalt  }
0x3f: {  	_ =	shalt  }
0x40: {  	_ =	shalt  }
0x41: {  	_ =	shalt  }
0x42: {  	_ =	shalt  }
0x43: {  	_ =	shalt  }
0x44: {  	_ =	shalt  }
0x45: {  	_ =	shalt  }
0x46: {  	_ =	shalt  }
0x47: {  	_ =	shalt  }
0x48: {  	_ =	shalt  }
0x49: {  	_ =	shalt  }
0x4a: {  	_ =	shalt  }
0x4b: {  	_ =	shalt  }
0x4c: {  	_ =	shalt  }
0x4d: {  	_ =	shalt  }
0x4e: {  	_ =	shalt  }
0x4f: {  	_ =	shalt  }
0x50: {  	_ =	shalt  }
0x51: {  	_ =	shalt  }
0x52: {  	_ =	shalt  }
0x53: {  	_ =	shalt  }
0x54: {  	_ =	shalt  }
0x55: {  	_ =	shalt  }
0x56: {  	_ =	shalt  }
0x57: {  	_ =	shalt  }
0x58: {  	_ =	shalt  }
0x59: {  	_ =	shalt  }
0x5a: {  	_ =	shalt  }
0x5b: {  	_ =	shalt  }
0x5c: {  	_ =	shalt  }
0x5d: {  	_ =	shalt  }
0x5e: {  	_ =	shalt  }
0x5f: {  	_ =	shalt  }
0x60: {  	_ =	shalt  }
0x61: {  	_ =	shalt  }
0x62: {  	_ =	shalt  }
0x63: {  	_ =	shalt  }
0x64: {  	_ =	shalt  }
0x65: {  	_ =	shalt  }
0x66: {  	_ =	shalt  }
0x67: {  	_ =	shalt  }
0x68: {  	_ =	shalt  }
0x69: {  	_ =	shalt  }
0x6a: {  	_ =	shalt  }
0x6b: {  	_ =	shalt  }
0x6c: {  	_ =	shalt  }
0x6d: {  	_ =	shalt  }
0x6e: {  	_ =	shalt  }
0x6f: {  	_ =	shalt  }
0x70: {  	_ =	shalt  }
0x71: {  	_ =	shalt  }
0x72: {  	_ =	shalt  }
0x73: {  	_ =	shalt  }
0x74: {  	_ =	shalt  }
0x75: {  	_ =	shalt  }
0x76: {  	_ =	shalt  }
0x77: {  	_ =	shalt  }
0x78: {  	_ =	shalt  }
0x79: {  	_ =	shalt  }
0x7a: {  	_ =	shalt  }
0x7b: {  	_ =	shalt  }
0x7c: {  	_ =	shalt  }
0x7d: {  	_ =	shalt  }
0x7e: {  	_ =	shalt  }
0x7f: {  	_ =	shalt  }
0x80: {  	_ =	shalt  }
0x81: {  	_ =	shalt  }
0x82: {  	_ =	shalt  }
0x83: {  	_ =	shalt  }
0x84: {  	_ =	shalt  }
0x85: {  	_ =	shalt  }
0x86: {  	_ =	shalt  }
0x87: {  	_ =	shalt  }
.Lfunc_end0:
.L_simem_size_0:
called_computation.11_lowered:
.L_overlay_start_0:
0x88: {  	s2 =	sld [smem:$0x3FD9]  }
0x89: {  	s3 =	sld [smem:$0x3FFE];
	_ =	sdelay $0x1  }
0x8a: {  	s1 =	srdreg.scid  }
0x8b: {  	s0 =	sand.u32 $0x1, s1  }
0x8c: {  	s17 =	sshll.u32 s0, $0xA;
	s2 =	sadd.s32 s3, s2  }
0x8d: {  	s2 =	sadd.s32 s2, s17  }
0x8e: {  	[smem:$0x3F8D] =	sst s2  }
0x8f: {  	_ = 	snop  }
0x90: {  	(tm) =	ssettm $0x1  }
0x91: {  	s18 =	sld [smem:$0x3FFB];
	_ =	sdelay $0x3  }
0x92: {  	_ =	strace s18  }
0x93: {  	s2 =	sld [smem:$0x3FFC];
	_ =	sdelay $0x3  }
0x94: {  	_ =	strace s2  }
0x95: {  	s2 =	sld [smem:$0x3FFD];
	_ =	sdelay $0x3  }
0x96: {  	_ =	strace s2  }
0x97: {  	_ =	strace $0x8FFFFFFF  }
0x98: {  	s19 =	sld [smem:$0x3FDB];
	_ =	sdelay $0x1  }
0x99: {  	s20 =	simm.s32 $_scs_section_size  }
0x9a: {  	s4 =	simm.s32 $_size__tile_overlayer_lowered;
	s5 =	simm.s32 $_tile_overlayer_lowered  }
0x9b: {  	s6 =	simm.s32 $0x1BFF;
	s21 =	sshll.u32 s5, $0x1;
	s3 =	sadd.s32 s20, s19  }
0x9c: {  	s22 =	simm.s32 $0x0;
	s4 =	sshll.u32 s4, $0x1;
	s5 =	sadd.s32 s21, s3  }
0x9d: {  	[timem:s22], [sflag:s6] =	dma.local [hbm:s5], s4  }
0x9e: {  	_ =	swait.ge [sflag:s6], s4  }
0x9f: {  	s4 =	ssub.s32 $0x0, s4;
	[sflag:s6] =	ssyncset.done $0x0  }
0xa0: {  	[sflag:s6] =	ssyncadd.s32 s4;
	_ =	sdelay $0x1  }
0xa1: {  	s23 =	simm.s32 $0x1B8B  }
0xa2: {  	_ =	swait.ge [sflag:s23], $0x1  }
0xa3: {  	[sflag:s23] =	ssyncset.done $0x0  }
0xa4: {  	[sflag:s23] =	ssyncadd.s32 $0xFFFFFFFF  }
0xa5: {  	s4 =	sld [smem:$0x0]  }
0xa6: {  	s5 =	sand.u32 $0xFFFFFFFE, s1  }
0xa7: {  	p0 =	sne.s32 s1, s5  }
0xa8: {  	s5 =	sshll.u32 @p0 s5, $0xE  }
0xa9: {  	s5 =	sadd.s32 @p0 $0x11B8D, s5;
	s6 =	sshll.u32 @p0 s4, $0x11  }
0xaa: {  	s5 =	sor.u32 @p0 s6, s5  }
0xab: {  	[sflag:s5] =	ssyncadd.remote.s32 @p0 $0x1;
	_ =	sdelay $0x1  }
0xac: {  	s5 =	simm.s32 @p0 $0x1B8D  }
0xad: {  	_ =	swait.eq @p0 [sflag:s5], $0x1  }
0xae: {  	[sflag:s5] =	ssyncadd.s32 @p0 $0xFFFFFFFF  }
0xaf: {  	s6 =	sshll.u32 @!p0 s1, $0xE  }
0xb0: {  	s6 =	sor.u32 @!p0 $0x4000, s6;
	s5 =	simm.s32 @!p0 $0x1B8D  }
0xb1: {  	s4 =	sshll.u32 @!p0 s4, $0x11;
	s6 =	sadd.s32 @!p0 $0x11B8D, s6;
	_ =	swait.eq @!p0 [sflag:s5], $0x1  }
0xb2: {  	s4 =	sor.u32 @!p0 s4, s6;
	[sflag:s5] =	ssyncadd.s32 @!p0 $0xFFFFFFFF  }
0xb3: {  	s25 =	simm.s32 $0x1B8E;
	s24 =	sld [smem:$0x3FFE];
	[sflag:s4] =	ssyncadd.remote.s32 @!p0 $0x1  }
0xb4: {  	s26 =	simm.s32 $execute0_lowered;
	[smem:$0x3FD2] =	sst s25  }
0xb5: {  	s5 =	sshll.u32 s26, $0x1;
	_ =	strace $0x80000067;
	[dreg:$0x1] =	wrdreg $0xFFFFFFFF  }
0xb6: {  	s28 =	simm.s32 $_size_execute0_lowered;
	s3 =	sadd.s32 s3, s5;
	[dreg:$0x0] =	wrdreg $0x0  }
0xb7: {  	s5 =	sshll.u32 s28, $0x1;
	[dreg:$0x2] =	wrdreg s3  }
0xb8: {  	[dreg:$0x3] =	wrdreg s5  }
0xb9: {  	[dreg:$0x4] =	wrdreg $0xC0  }
0xba: {  	_ =	task [dreg:s22], $0x5FFFF  }
0xbb: {  	[dreg:$0x1] =	wrdreg $0xFFFFFFFF  }
0xbc: {  	[dreg:$0x0] =	wrdreg $0x60  }
0xbd: {  	[dreg:$0x2] =	wrdreg s24  }
0xbe: {  	[dreg:$0x3] =	wrdreg $0xA  }
0xbf: {  	_ =	task.clear_ibuf [dreg:s22], $0x4FFFF;
	_ =	strace $0x90000067  }
0xc0: {  	s29 =	simm.s32 $0xA;
	_ =	strace $0x80000069  }
0xc1: {  	_ =	swait.ge [sflag:s29], $0x1  }
0xc2: {  	[sflag:s29] =	ssyncadd.s32 $0xFFFFFFFF  }
0xc3: {  	_ =	strace $0x90000069  }
0xc4: {  	_ =	sfence  }
0xc5: {  	s30 =	sld [smem:$0x0];
	_ =	sdelay $0x2  }
0xc6: {  	s31 =	sshll.u32 s1, $0xD;
	s1 =	sshrl.u32 s1, $0x2  }
0xc7: {  	s4 =	sand.u32 $0x4000, s31;
	s1 =	sadd.s32 s1, s30  }
0xc8: {  	s0 =	sor.u32 s4, s0;
	s1 =	sshll.u32 s1, $0x11  }
0xc9: {  	s0 =	sor.u32 s1, s0  }
0xca: {  	s0 =	sadd.s32 $0x8F2B, s0  }
0xcb: {  	[sflag:s0] =	ssyncadd.remote.s32 $0x1  }
0xcc: {  	_ =	sfence.sel $0xFFFF  }
0xcd: {  	[dreg:$0x0] =	wrdreg $0xFFFFFFFF;
	(pc) =	sbr.abs _section_cstart, $3  }
0xce: {  	[dreg:$0x1] =	wrdreg $0xFFFFFFFF  }
0xcf: {  	_ =	task.clear_ibuf [dreg:s22], $0x2FFFF;
	_ =	strace $0x9FFFFFFF  }
0xd0: {  	(tm) =	ssettm $0x7FFFFFFF  }
0xd1: {  	_ =	shalt  }
tec
execute0_lowered:
.L_overlay_start_1:
0x0: {  	(tag) =	ssettag $0x1  }
0x1: {  	s1 =	srdreg.scid  }
0x2: {  	s0 =	stileid.u32;
	s4 =	rddreg [dreg:$0x0];
	s2 =	simm.s32 $0x0  }
0x3: {  	s13 =	simm.s32 $0x5400;
	s14 =	simm.s32 $0x1;
	s15 =	simm.s32 $0x2  }
0x4: {  	s16 =	simm.s32 $0x3;
	s17 =	simm.s32 $0x4;
	s11 =	smul.u32 $0x140000, s0  }
0x5: {  	s6 =	sand.u32 $0x1, s1;
	s3 =	sshll.u32 s0, $0x1;
	s26 =	smul.u32 $0x28000, s0  }
0x6: {  	s18 =	simm.s32 $0x0;
	s5 =	sor.u32 s6, s3;
	s25 =	smul.u32 $0xA0000, s6  }
0x7: {  	[smem:$0x7FF] =	sst s2;
	s12 =	sadd.s32 $0x343600, s4;
	s7 =	smul.u32 $0x1400, s5  }
0x8: {  	s1 =	rddreg [dreg:$0x1];
	_ =	strace $0x80000068;
	s8 =	smul.u32 $0xA0000, s5  }
0x9: {  	s3 =	sadd.s32 $0x6E600, s4;
	s9 =	ssub.s32 $0x2, s6;
	s10 =	smul.u32 $0x14000, s5  }
0xa: {  	s28 =	smul.u32 $0x14000, s6;
	s24 =	sshrl.u32 s9, $0x1;
	s7 =	sshrl.u32 s7, $0x3  }
0xb: {  	s8 =	sshrl.u32 s8, $0x3;
	s30 =	sadd.s32 s10, s12;
	s10 =	simm.s32 $0x5  }
0xc: {  	s23 =	sadd.s32 s7, s4;
	s7 =	ssub.s32 s9, s24;
	s9 =	sadd.s32 s25, s11  }
0xd: {  	s6 =	sadd.s32 s12, s8;
	s11 =	simm.s32 $0x80;
	s4 =	sadd.s32 $0x33E600, s23  }
0xe: {  	s5 =	smax.u32 s7, $0x1;
	s29 =	sor.u32 $0x8000, s9;
	s7 =	sadd.s32 s26, s12  }
0xf: {  	s8 =	sshrl.u32 s29, $0x3;
	s31 =	sadd.s32 s28, s7;
	s7 =	sadd.s32 $0x800, s30  }
0x10: {  	s8 =	sadd.s32 s8, s12;
	s9 =	sadd.s32 $0x1800, s31;
	s12 =	simm.s32 $0x1400  }
.LBB2_1:
0x11: {  	[tilespmem:s2], [sflag:$0x5] =	stream.linear.gather [hbm4b:s4+s2], $0x1400, $0x38;
	[tilespmem:$0x9400] =	vst v63  }
0x12: {  	_ =	swait.ge [sflag:s10], $0x1400  }
0x13: {  	[sflag:s10] =	ssyncset.done $0x0  }
0x14: {  	[sflag:s10] =	ssyncadd.s32 $0xFFFFEC00  }
0x15: {  	[tilespmem:s12], [sflag:$0x1] =	stream.indirect.gather [hbm4b:s3+s11], $0x80, s2, s11, $0xb8;
	[tilespmem:$0x9400] =	vst v63  }
0x16: {  	_ = 	snop  }
0x17: {  	[tilespmem:s13], [sflag:$0x2] =	stream.indirect.gather [hbm4b:s3+s11], $0x80, s11, s11, $0xb8;
	[tilespmem:$0x9400] =	vst v63  }
0x18: {  	_ =	swait.ge [sflag:s14], $0x4000  }
0x19: {  	[sflag:s14] =	ssyncset.done $0x0  }
0x1a: {  	[sflag:s14] =	ssyncadd.s32 $0xFFFFC000  }
0x1b: {  	[hbm4b:s6+s2] =	stream.linear.scatter [tilespmem:s12], [sflag:$0x3], $0x4000, $0x38;
	[tilespmem:$0x9400] =	vst v63  }
0x1c: {  	_ =	swait.ge [sflag:s15], $0x4000  }
0x1d: {  	[sflag:s15] =	ssyncset.done $0x0  }
0x1e: {  	[sflag:s15] =	ssyncadd.s32 $0xFFFFC000  }
0x1f: {  	[hbm4b:s7+s2] =	stream.linear.scatter [tilespmem:s13], [sflag:$0x4], $0x4000, $0x38;
	[tilespmem:$0x9400] =	vst v63  }
0x20: {  	_ =	swait.ge [sflag:s16], $0x4000  }
0x21: {  	[sflag:s16] =	ssyncset.done $0x0  }
0x22: {  	[sflag:s16] =	ssyncadd.s32 $0xFFFFC000  }
0x23: {  	_ =	swait.ge [sflag:s17], $0x4000  }
0x24: {  	[sflag:s17] =	ssyncset.done $0x0  }
0x25: {  	s19 =	simm.s32 $0x100;
	[sflag:s17] =	ssyncadd.s32 $0xFFFFC000  }
0x26: {  	[tilespmem:s12], [sflag:$0x1] =	stream.indirect.gather [hbm4b:s3+s11], $0x80, s19, s11, $0xb8;
	[tilespmem:$0x9400] =	vst v63  }
0x27: {  	s30 =	simm.s32 $0x180  }
0x28: {  	[tilespmem:s13], [sflag:$0x2] =	stream.indirect.gather [hbm4b:s3+s11], $0x80, s30, s11, $0xb8;
	[tilespmem:$0x9400] =	vst v63  }
0x29: {  	_ =	swait.ge [sflag:s14], $0x4000  }
0x2a: {  	[sflag:s14] =	ssyncset.done $0x0  }
0x2b: {  	s31 =	sadd.s32 $0x0, s8;
	[sflag:s14] =	ssyncadd.s32 $0xFFFFC000  }
0x2c: {  	[hbm4b:s31+s2] =	stream.linear.scatter [tilespmem:s12], [sflag:$0x3], $0x4000, $0x38;
	[tilespmem:$0x9400] =	vst v63  }
0x2d: {  	_ =	swait.ge [sflag:s15], $0x4000  }
0x2e: {  	s21 =	sadd.s32 $0x0, s9;
	[sflag:s15] =	ssyncset.done $0x0  }
0x2f: {  	s20 =	simm.s32 $0x200;
	s19 =	simm.s32 $0x1000;
	[sflag:s15] =	ssyncadd.s32 $0xFFFFC000  }
.LBB2_2:
0x30: {  	[hbm4b:s21+s2] =	stream.linear.scatter [tilespmem:s13], [sflag:$0x4], $0x4000, $0x38;
	[tilespmem:$0x9400] =	vst v63  }
0x31: {  	s21 =	smov.u32 s19  }
0x32: {  	p0 =	sne.s32 s19, $0x12000;
	s19 =	sadd.s32 $0x1000, s19;
	_ =	swait.ge [sflag:s16], $0x4000  }
0x33: {  	[sflag:s16] =	ssyncset.done $0x0  }
0x34: {  	[sflag:s16] =	ssyncadd.s32 $0xFFFFC000  }
0x35: {  	_ =	swait.ge [sflag:s17], $0x4000  }
0x36: {  	[sflag:s17] =	ssyncset.done $0x0  }
0x37: {  	[sflag:s17] =	ssyncadd.s32 $0xFFFFC000  }
0x38: {  	[tilespmem:s12], [sflag:$0x1] =	stream.indirect.gather [hbm4b:s3+s11], $0x80, s20, s11, $0xb8;
	[tilespmem:$0x9400] =	vst v63  }
0x39: {  	s22 =	sadd.s32 $0x80, s20  }
0x3a: {  	[tilespmem:s13], [sflag:$0x2] =	stream.indirect.gather [hbm4b:s3+s11], $0x80, s22, s11, $0xb8;
	[tilespmem:$0x9400] =	vst v63  }
0x3b: {  	_ =	swait.ge [sflag:s14], $0x4000  }
0x3c: {  	[sflag:s14] =	ssyncset.done $0x0  }
.Ltmp0:
0x3d: {  	s22 =	sadd.s32 s21, s8;
	[sflag:s14] =	ssyncadd.s32 $0xFFFFC000;
	(pc) =	sbr.rel @p0 .LBB2_2-.Ltmp0, $4  }
0x3e: {  	[hbm4b:s22+s2] =	stream.linear.scatter [tilespmem:s12], [sflag:$0x3], $0x4000, $0x38;
	[tilespmem:$0x9400] =	vst v63  }
0x3f: {  	_ =	swait.ge [sflag:s15], $0x4000  }
0x40: {  	[sflag:s15] =	ssyncset.done $0x0  }
0x41: {  	s20 =	sadd.s32 $0x100, s20;
	s21 =	sadd.s32 s21, s9;
	[sflag:s15] =	ssyncadd.s32 $0xFFFFC000  }
0x42: {  	[hbm4b:s21+s2] =	stream.linear.scatter [tilespmem:s13], [sflag:$0x4], $0x4000, $0x38;
	[tilespmem:$0x9400] =	vst v63  }
0x43: {  	s18 =	sadd.s32 $0x1, s18  }
0x44: {  	_ =	swait.ge [sflag:s16], $0x4000;
	p0 =	sne.s32 s18, s5  }
.Ltmp1:
0x45: {  	[sflag:s16] =	ssyncset.done $0x0;
	(pc) =	sbr.rel @p0 .LBB2_1-.Ltmp1, $4  }
0x46: {  	[sflag:s16] =	ssyncadd.s32 $0xFFFFC000  }
0x47: {  	_ =	swait.ge [sflag:s17], $0x4000  }
0x48: {  	[sflag:s17] =	ssyncset.done $0x0  }
0x49: {  	[sflag:s17] =	ssyncadd.s32 $0xFFFFC000  }
0x4a: {  	_ =	sfence.sel $0x180000  }
0x4b: {  	[bflag:$0x0] =	sbarrier.arrive $0xFFFF  }
0x4c: {  	p0 =	sne.s32 s0, $0x0;
	_ =	strace $0x90000068  }
0x4d: {  	s0 =	sadd.s32 @!p0 $0x100000, s1;
	[bflag:$0x2] =	sbarrier.arrive $0xFFFF  }
0x4e: {  	[sflag:s0] =	ssyncadd.tile.s32 @!p0 $0x1;
	_ =	shalt  }
.Lfunc_end2:
_tile_overlayer_lowered:
.L_overlay_start_2:
0x4f: {  	(tag) =	ssettag $0x2  }
0x50: {  	s0 =	rddreg [dreg:$0x0];
	s2 =	stileid.u32  }
0x51: {  	s1 =	rddreg [dreg:$0x1];
	p0 =	sne.s32 s2, $0x0  }
0x52: {  	s3 =	rddreg [dreg:$0x2];
	[bflag:$0x3] =	sbarrier.arrive $0xFFFF;
	s2 =	simm.s32 @!p0 $0x1C05  }
0x53: {  	[timem:s3], [sflag:s2] =	dma.local @!p0 [hbm:s0], s1  }
0x54: {  	s0 =	simm.s32 @!p0 $0x5  }
0x55: {  	_ =	swait.ge @!p0 [sflag:s0], s1  }
0x56: {  	s1 =	ssub.s32 @!p0 $0x0, s1;
	[sflag:s0] =	ssyncset.done @!p0 $0x0  }
0x57: {  	[sflag:s0] =	ssyncadd.s32 @!p0 s1  }
0x58: {  	[bflag:$0x3] =	sbarrier.arrive $0xFFFF  }
0x59: {  	_ =	shalt  }

</sc_bundles>
